<compile_context>
chip_gen: v7x
topology: tpu7x:2x2x1
jax: 0.10.2.dev20260603
libtpu: 0.0.44.dev20260713+nightly
codegen_flags: <defaults>
</compile_context>

<pallas_src>
import functools

import jax
import jax.numpy as jnp
import numpy as np
from jax import lax
from jax.experimental import pallas as pl
from jax.experimental.pallas import tpu as pltpu
from jax.experimental.pallas import tpu_sc as plsc

NUM_SAMPLES = 4096
_B, _N, _C = 16, 16384, 64
_S = NUM_SAMPLES
_NBUF = 4
_ROWS = _C // 2

_M32 = np.uint64(0xFFFFFFFF)


def _threefry2x32(k1, k2, x0, x1):
    k1 = np.uint64(k1)
    k2 = np.uint64(k2)
    ks = [k1, k2, (k1 ^ k2 ^ np.uint64(0x1BD11BDA)) & _M32]

    def rounds(x0, x1, rots):
        for r in rots:
            x0 = (x0 + x1) & _M32
            rr = np.uint64(r)
            x1 = x0 ^ (((x1 << rr) | (x1 >> (np.uint64(32) - rr))) & _M32)
        return x0, x1

    rot_a, rot_b = (13, 15, 26, 6), (17, 29, 16, 24)
    x0 = (x0 + ks[0]) & _M32
    x1 = (x1 + ks[1]) & _M32
    for i, rots in enumerate((rot_a, rot_b, rot_a, rot_b, rot_a)):
        x0, x1 = rounds(x0, x1, rots)
        x0 = (x0 + ks[(i + 1) % 3]) & _M32
        x1 = (x1 + ks[(i + 2) % 3] + np.uint64(i + 1)) & _M32
    return x0, x1


def _sample_indices():
    b1, b2 = _threefry2x32(0, 42, np.zeros(2, np.uint64),
                           np.arange(2, dtype=np.uint64))
    n = _B * NUM_SAMPLES
    lb1, lb2 = _threefry2x32(b1[1], b2[1], np.zeros(n, np.uint64),
                             np.arange(n, dtype=np.uint64))
    lower = (lb1 ^ lb2) & _M32
    return (lower % np.uint64(_N)).astype(np.int32).reshape(_B, NUM_SAMPLES)


_IDX = _sample_indices()
_IDXP = _IDX.reshape(2, 8, 32, 128).transpose(0, 2, 1, 3).copy()


def _sc_downsample(p5, x4, idxp):
    mesh = plsc.VectorSubcoreMesh(core_axis_name="c", subcore_axis_name="s")

    @functools.partial(
        pl.kernel,
        mesh=mesh,
        compiler_params=pltpu.CompilerParams(needs_layout_passes=False,
                                             use_tc_tiling_on_sc=False),
        out_type=(
            jax.ShapeDtypeStruct((3, _B // 8, _S // 128, 8, 128),
                                 jnp.float32),
            jax.ShapeDtypeStruct((_B * _C // 8, _S // 128, 8, 128),
                                 jnp.float32),
        ),
        scratch_types=[
            pltpu.VMEM((_NBUF, 128, 128), jnp.float32),
            pltpu.VMEM((_NBUF, 32, 128), jnp.float32),
            pltpu.VMEM((32, 128), jnp.int32),
            pltpu.VMEM((3, 16, 128), jnp.float32),
            pltpu.SemaphoreType.DMA((_NBUF,)),
            pltpu.SemaphoreType.DMA((_NBUF,)),
            pltpu.SemaphoreType.DMA,
        ],
    )
    def k(p_hbm, x_hbm, c_hbm, outp_hbm, outx_hbm,
          xbufs, oxbufs, civ, opbuf,
          insem, outsem, ssem):
        info = plsc.get_sparse_core_info()
        wid = lax.axis_index("s") * info.num_cores + lax.axis_index("c")
        b = wid // 2
        half = wid % 2
        base = b * _C + half * _ROWS
        brg = b // 8
        bri = b % 8

        pltpu.sync_copy(c_hbm.at[brg, :, bri, :], civ)

        for kslot in range(_NBUF):
            r = base + kslot
            pltpu.async_copy(x_hbm.at[r // 8, :, r % 8, :], xbufs.at[kslot],
                             insem.at[kslot])

        def outer(i, carry):
            for pair in range(_NBUF // 2):
                s0, s1 = 2 * pair, 2 * pair + 1
                r0 = base + i * _NBUF + 2 * pair
                r1 = r0 + 1
                pltpu.make_async_copy(x_hbm.at[r0 // 8, :, r0 % 8, :],
                                      xbufs.at[s0], insem.at[s0]).wait()
                pltpu.make_async_copy(x_hbm.at[r1 // 8, :, r1 % 8, :],
                                      xbufs.at[s1], insem.at[s1]).wait()

                @pl.when(i > 0)
                def _wait_out():
                    q0, q1 = r0 - _NBUF, r1 - _NBUF
                    pltpu.make_async_copy(oxbufs.at[s0],
                                          outx_hbm.at[q0 // 8, :, q0 % 8, :],
                                          outsem.at[s0]).wait()
                    pltpu.make_async_copy(oxbufs.at[s1],
                                          outx_hbm.at[q1 // 8, :, q1 % 8, :],
                                          outsem.at[s1]).wait()

                @plsc.parallel_loop(0, _S // 128, step=1, unroll=4)
                def _chunk(orow):
                    for u in range(8):
                        cv = civ[orow, pl.ds(u * 16, 16)]
                        hi = jnp.right_shift(cv, 7)
                        lo = jnp.bitwise_and(cv, 127)
                        oxbufs[s0, orow, pl.ds(u * 16, 16)] = (
                            plsc.load_gather(xbufs.at[s0], [hi, lo]))
                        oxbufs[s1, orow, pl.ds(u * 16, 16)] = (
                            plsc.load_gather(xbufs.at[s1], [hi, lo]))

                pltpu.async_copy(oxbufs.at[s0],
                                 outx_hbm.at[r0 // 8, :, r0 % 8, :],
                                 outsem.at[s0])
                pltpu.async_copy(oxbufs.at[s1],
                                 outx_hbm.at[r1 // 8, :, r1 % 8, :],
                                 outsem.at[s1])

                @pl.when(i < _ROWS // _NBUF - 1)
                def _prefetch():
                    n0, n1 = r0 + _NBUF, r1 + _NBUF
                    pltpu.async_copy(x_hbm.at[n0 // 8, :, n0 % 8, :],
                                     xbufs.at[s0], insem.at[s0])
                    pltpu.async_copy(x_hbm.at[n1 // 8, :, n1 % 8, :],
                                     xbufs.at[s1], insem.at[s1])

                @pl.when(i == _ROWS // _NBUF - 1)
                def _prefetch_p():
                    if pair == 0:
                        pltpu.async_copy(p_hbm.at[0, brg, :, bri, :],
                                         xbufs.at[s0], insem.at[s0])
                        pltpu.async_copy(p_hbm.at[1, brg, :, bri, :],
                                         xbufs.at[s1], insem.at[s1])
                    else:
                        pltpu.async_copy(p_hbm.at[2, brg, :, bri, :],
                                         xbufs.at[s0], insem.at[s0])
            return carry

        lax.fori_loop(0, _ROWS // _NBUF, outer, 0)

        for kslot in range(_NBUF):
            r = base + _ROWS - _NBUF + kslot
            pltpu.make_async_copy(oxbufs.at[kslot],
                                  outx_hbm.at[r // 8, :, r % 8, :],
                                  outsem.at[kslot]).wait()

        for d in range(3):
            pltpu.make_async_copy(p_hbm.at[d, brg, :, bri, :], xbufs.at[d],
                                  insem.at[d]).wait()

        for d in range(3):
            @plsc.parallel_loop(0, 16, step=1, unroll=2)
            def _pchunk(t):
                for u in range(8):
                    cv = civ[half * 16 + t, pl.ds(u * 16, 16)]
                    vals = plsc.load_gather(
                        xbufs.at[d],
                        [jnp.right_shift(cv, 7), jnp.bitwise_and(cv, 127)])
                    opbuf[d, t, pl.ds(u * 16, 16)] = vals

        for d in range(3):
            pltpu.async_copy(
                opbuf.at[d],
                outp_hbm.at[d, brg, pl.ds(half * 16, 16), bri, :], ssem)
        for d in range(3):
            pltpu.make_async_copy(
                opbuf.at[d],
                outp_hbm.at[d, brg, pl.ds(half * 16, 16), bri, :],
                ssem).wait()

    return k(p5, x4, idxp)


def kernel(p, x):
    B, N, _ = p.shape
    C = x.shape[1]
    x4 = x.reshape(B * C // 8, 8, N // 128, 128).transpose(0, 2, 1, 3)
    p5 = p.transpose(2, 0, 1).reshape(3, B // 8, 8, N // 128, 128)
    p5 = p5.transpose(0, 1, 3, 2, 4)
    outp5, outx4 = _sc_downsample(p5, x4, jnp.asarray(_IDXP))
    x_s = outx4.transpose(0, 2, 1, 3).reshape(B, C, NUM_SAMPLES)
    p_s = outp5.transpose(1, 3, 2, 4, 0).reshape(B, NUM_SAMPLES, 3)
    return p_s, x_s

# --- scband reference (transcript-rebuilt; emitter-appended) ---
"""Pipeline reference for scband-downsample-54503134986338 (READ-ONLY COPY).

The authoritative reference and input builder live on the scoring server;
editing this copy changes nothing except your own understanding.
"""

import jax, jax.numpy as jnp
import numpy as np

NUM_SAMPLES = 4096


def setup_inputs(seed: int = 0) -> dict:
    key = jax.random.key(seed)
    k1, k2 = jax.random.split(key)
    p = jax.random.normal(k1, (16, 16384, 3), dtype=jnp.float32)
    x = jax.random.normal(k2, (16, 64, 16384), dtype=jnp.float32)
    return {"p": p, "x": x}


def reference(p, x):
    # F.random_sample(p, x, num_samples): draw num_samples random point indices
    # per batch element, then gather coordinates p [B, N, 3] along axis 1 and
    # features x [B, C, N] along axis 2.
    B, N, _ = p.shape
    idx = jax.random.randint(jax.random.key(42), (B, NUM_SAMPLES), 0, N)
    p_sampled = jnp.take_along_axis(p, idx[:, :, None], axis=1)   # [B, num_samples, 3]
    x_sampled = jnp.take_along_axis(x, idx[:, None, :], axis=2)   # [B, C, num_samples]
    return (p_sampled, x_sampled)

if __name__ == "__main__":
    import jax
    _d = setup_inputs()
    print(jax.jit(kernel)(*tuple(_d.values())))

</pallas_src>

<mosaic_0001>
#map = affine_map<(d0, d1) -> (0, 0, 0, 0, 0)>
#map1 = affine_map<(d0, d1) -> (0, 0, 0, 0)>
module attributes {stable_mosaic.version = 14 : i64} {
  func.func @k(%arg0: i32, %arg1: i32, %arg2: memref<3x2x128x8x128xf32, #tpu.memory_space<hbm>>, %arg3: memref<128x128x8x128xf32, #tpu.memory_space<hbm>>, %arg4: memref<2x32x8x128xi32, #tpu.memory_space<hbm>>, %arg5: memref<3x2x32x8x128xf32, #tpu.memory_space<hbm>>, %arg6: memref<128x32x8x128xf32, #tpu.memory_space<hbm>>, %arg7: memref<4x128x128xf32, #tpu.memory_space<vmem>>, %arg8: memref<4x32x128xf32, #tpu.memory_space<vmem>>, %arg9: memref<32x128xi32, #tpu.memory_space<vmem>>, %arg10: memref<3x16x128xf32, #tpu.memory_space<vmem>>, %arg11: memref<4x!tpu.dma_semaphore, #tpu.memory_space<semaphore_mem>>, %arg12: memref<4x!tpu.dma_semaphore, #tpu.memory_space<semaphore_mem>>, %arg13: memref<!tpu.dma_semaphore, #tpu.memory_space<semaphore_mem>>) attributes {dimension_semantics = [#tpu.dimension_semantics<core_parallel>, #tpu.dimension_semantics<subcore_parallel>], iteration_bounds = array<i64: 2, 16>, scalar_prefetch = 0 : i64, scratch_operands = 7 : i64, tpu.core_type = #tpu.core_type<sc_vector_subcore>, window_params = [{transform_indices = #map}, {transform_indices = #map1}, {transform_indices = #map1}, {transform_indices = #map}, {transform_indices = #map1}]} {
    %mul3A = arith.constant 2 : i32
    %mul3A_0 = arith.muli %arg1, %mul3A : i32
    %add3A = arith.addi %mul3A_0, %arg0 : i32
    %jit3A = arith.constant 2 : i32
    %div3A = arith.divsi %add3A, %jit3A : i32
    %sign3A = arith.constant 0 : i32
    %sign3A_1 = arith.cmpi sgt, %add3A, %sign3A : i32
    %sign3A_2 = arith.extui %sign3A_1 : i1 to i32
    %sign3A_3 = arith.constant 0 : i32
    %sign3A_4 = arith.cmpi slt, %add3A, %sign3A_3 : i32
    %sign3A_5 = arith.extui %sign3A_4 : i1 to i32
    %sign3A_6 = arith.subi %sign3A_2, %sign3A_5 : i32
    %sign3A_7 = arith.constant 0 : i32
    %sign3A_8 = arith.cmpi sgt, %jit3A, %sign3A_7 : i32
    %sign3A_9 = arith.extui %sign3A_8 : i1 to i32
    %sign3A_10 = arith.constant 0 : i32
    %sign3A_11 = arith.cmpi slt, %jit3A, %sign3A_10 : i32
    %sign3A_12 = arith.extui %sign3A_11 : i1 to i32
    %sign3A_13 = arith.subi %sign3A_9, %sign3A_12 : i32
    %ne3A = arith.cmpi ne, %sign3A_6, %sign3A_13 : i32
    %rem3A = arith.remsi %add3A, %jit3A : i32
    %ne3A_14 = arith.constant 0 : i32
    %ne3A_15 = arith.cmpi ne, %rem3A, %ne3A_14 : i32
    %and3A = arith.andi %ne3A, %ne3A_15 : i1
    %sub3A = arith.constant 1 : i32
    %sub3A_16 = arith.subi %div3A, %sub3A : i32
    %select_n3A = arith.select %and3A, %sub3A_16, %div3A : i32
    %jit3A_17 = arith.constant 2 : i32
    %eq3A = arith.constant 0 : i32
    %eq3A_18 = arith.cmpi eq, %jit3A_17, %eq3A : i32
    %jit3A_19 = arith.constant 1 : i32
    %select_n3A_20 = arith.select %eq3A_18, %jit3A_19, %jit3A_17 : i32
    %rem3A_21 = arith.remsi %add3A, %select_n3A_20 : i32
    %ne3A_22 = arith.constant 0 : i32
    %ne3A_23 = arith.cmpi ne, %rem3A_21, %ne3A_22 : i32
    %lt3A = arith.constant 0 : i32
    %lt3A_24 = arith.cmpi slt, %rem3A_21, %lt3A : i32
    %lt3A_25 = arith.constant 0 : i32
    %lt3A_26 = arith.cmpi slt, %select_n3A_20, %lt3A_25 : i32
    %ne3A_27 = arith.xori %lt3A_24, %lt3A_26 : i1
    %and3A_28 = arith.andi %ne3A_27, %ne3A_23 : i1
    %add3A_29 = arith.addi %rem3A_21, %select_n3A_20 : i32
    %select_n3A_30 = arith.select %and3A_28, %add3A_29, %rem3A_21 : i32
    %mul3A_31 = arith.constant 64 : i32
    %mul3A_32 = arith.muli %select_n3A, %mul3A_31 : i32
    %mul3A_33 = arith.constant 32 : i32
    %mul3A_34 = arith.muli %select_n3A_30, %mul3A_33 : i32
    %add3A_35 = arith.addi %mul3A_32, %mul3A_34 : i32
    %jit3A_36 = arith.constant 8 : i32
    %div3A_37 = arith.divsi %select_n3A, %jit3A_36 : i32
    %sign3A_38 = arith.constant 0 : i32
    %sign3A_39 = arith.cmpi sgt, %select_n3A, %sign3A_38 : i32
    %sign3A_40 = arith.extui %sign3A_39 : i1 to i32
    %sign3A_41 = arith.constant 0 : i32
    %sign3A_42 = arith.cmpi slt, %select_n3A, %sign3A_41 : i32
    %sign3A_43 = arith.extui %sign3A_42 : i1 to i32
    %sign3A_44 = arith.subi %sign3A_40, %sign3A_43 : i32
    %sign3A_45 = arith.constant 0 : i32
    %sign3A_46 = arith.cmpi sgt, %jit3A_36, %sign3A_45 : i32
    %sign3A_47 = arith.extui %sign3A_46 : i1 to i32
    %sign3A_48 = arith.constant 0 : i32
    %sign3A_49 = arith.cmpi slt, %jit3A_36, %sign3A_48 : i32
    %sign3A_50 = arith.extui %sign3A_49 : i1 to i32
    %sign3A_51 = arith.subi %sign3A_47, %sign3A_50 : i32
    %ne3A_52 = arith.cmpi ne, %sign3A_44, %sign3A_51 : i32
    %rem3A_53 = arith.remsi %select_n3A, %jit3A_36 : i32
    %ne3A_54 = arith.constant 0 : i32
    %ne3A_55 = arith.cmpi ne, %rem3A_53, %ne3A_54 : i32
    %and3A_56 = arith.andi %ne3A_52, %ne3A_55 : i1
    %sub3A_57 = arith.constant 1 : i32
    %sub3A_58 = arith.subi %div3A_37, %sub3A_57 : i32
    %select_n3A_59 = arith.select %and3A_56, %sub3A_58, %div3A_37 : i32
    %jit3A_60 = arith.constant 8 : i32
    %eq3A_61 = arith.constant 0 : i32
    %eq3A_62 = arith.cmpi eq, %jit3A_60, %eq3A_61 : i32
    %jit3A_63 = arith.constant 1 : i32
    %select_n3A_64 = arith.select %eq3A_62, %jit3A_63, %jit3A_60 : i32
    %rem3A_65 = arith.remsi %select_n3A, %select_n3A_64 : i32
    %ne3A_66 = arith.constant 0 : i32
    %ne3A_67 = arith.cmpi ne, %rem3A_65, %ne3A_66 : i32
    %lt3A_68 = arith.constant 0 : i32
    %lt3A_69 = arith.cmpi slt, %rem3A_65, %lt3A_68 : i32
    %lt3A_70 = arith.constant 0 : i32
    %lt3A_71 = arith.cmpi slt, %select_n3A_64, %lt3A_70 : i32
    %ne3A_72 = arith.xori %lt3A_69, %lt3A_71 : i1
    %and3A_73 = arith.andi %ne3A_72, %ne3A_67 : i1
    %add3A_74 = arith.addi %rem3A_65, %select_n3A_64 : i32
    %select_n3A_75 = arith.select %and3A_73, %add3A_74, %rem3A_65 : i32
    "tpu.region"() ({
      %run_scoped3A = tpu.sem_alloc : memref<!tpu.dma_semaphore, #tpu.memory_space<semaphore_mem>>
      %dma_start3A_770 = arith.constant 0 : i32
      %dma_start3A_771 = arith.constant 0 : i32
      %dma_start3A_772 = tpu.memref_slice %arg4[%select_n3A_59, %dma_start3A_770, %select_n3A_75, %dma_start3A_771] : memref<2x32x8x128xi32, #tpu.memory_space<hbm>> -> memref<1x32x1x128xi32, #tpu.memory_space<hbm>>
      %dma_start3A_773 = tpu.memref_squeeze %dma_start3A_772 : memref<1x32x1x128xi32, #tpu.memory_space<hbm>> -> memref<32x128xi32, #tpu.memory_space<hbm>>
      %dma_start3A_774 = arith.constant 0 : i32
      %dma_start3A_775 = arith.constant 0 : i32
      %dma_start3A_776 = tpu.memref_slice %arg4[%select_n3A_59, %dma_start3A_774, %select_n3A_75, %dma_start3A_775] : memref<2x32x8x128xi32, #tpu.memory_space<hbm>> -> memref<1x32x1x128xi32, #tpu.memory_space<hbm>>
      %dma_start3A_777 = tpu.memref_squeeze %dma_start3A_776 : memref<1x32x1x128xi32, #tpu.memory_space<hbm>> -> memref<32x128xi32, #tpu.memory_space<hbm>>
      tpu.enqueue_dma source(%dma_start3A_777 : memref<32x128xi32, #tpu.memory_space<hbm>>) target(%arg9 : memref<32x128xi32, #tpu.memory_space<vmem>>) target_semaphore(%run_scoped3A : memref<!tpu.dma_semaphore, #tpu.memory_space<semaphore_mem>>)
      %dma_wait3A_778 = arith.constant 0 : i32
      %dma_wait3A_779 = arith.constant 0 : i32
      %dma_wait3A_780 = tpu.memref_slice %arg4[%select_n3A_59, %dma_wait3A_778, %select_n3A_75, %dma_wait3A_779] : memref<2x32x8x128xi32, #tpu.memory_space<hbm>> -> memref<1x32x1x128xi32, #tpu.memory_space<hbm>>
      %dma_wait3A_781 = tpu.memref_squeeze %dma_wait3A_780 : memref<1x32x1x128xi32, #tpu.memory_space<hbm>> -> memref<32x128xi32, #tpu.memory_space<hbm>>
      %dma_wait3A_782 = arith.constant 0 : i32
      %dma_wait3A_783 = arith.constant 0 : i32
      %dma_wait3A_784 = tpu.memref_slice %arg4[%select_n3A_59, %dma_wait3A_782, %select_n3A_75, %dma_wait3A_783] : memref<2x32x8x128xi32, #tpu.memory_space<hbm>> -> memref<1x32x1x128xi32, #tpu.memory_space<hbm>>
      %dma_wait3A_785 = tpu.memref_squeeze %dma_wait3A_784 : memref<1x32x1x128xi32, #tpu.memory_space<hbm>> -> memref<32x128xi32, #tpu.memory_space<hbm>>
      tpu.wait_dma2 semaphore(%run_scoped3A : memref<!tpu.dma_semaphore, #tpu.memory_space<semaphore_mem>>) src(%dma_wait3A_785 : memref<32x128xi32, #tpu.memory_space<hbm>>) dst(%arg9 : memref<32x128xi32, #tpu.memory_space<vmem>>)
      tpu.yield
    }) : () -> ()
    %add3A_76 = arith.constant 0 : i32
    %add3A_77 = arith.addi %add3A_35, %add3A_76 : i32
    %jit3A_78 = arith.constant 8 : i32
    %div3A_79 = arith.divsi %add3A_77, %jit3A_78 : i32
    %sign3A_80 = arith.constant 0 : i32
    %sign3A_81 = arith.cmpi sgt, %add3A_77, %sign3A_80 : i32
    %sign3A_82 = arith.extui %sign3A_81 : i1 to i32
    %sign3A_83 = arith.constant 0 : i32
    %sign3A_84 = arith.cmpi slt, %add3A_77, %sign3A_83 : i32
    %sign3A_85 = arith.extui %sign3A_84 : i1 to i32
    %sign3A_86 = arith.subi %sign3A_82, %sign3A_85 : i32
    %sign3A_87 = arith.constant 0 : i32
    %sign3A_88 = arith.cmpi sgt, %jit3A_78, %sign3A_87 : i32
    %sign3A_89 = arith.extui %sign3A_88 : i1 to i32
    %sign3A_90 = arith.constant 0 : i32
    %sign3A_91 = arith.cmpi slt, %jit3A_78, %sign3A_90 : i32
    %sign3A_92 = arith.extui %sign3A_91 : i1 to i32
    %sign3A_93 = arith.subi %sign3A_89, %sign3A_92 : i32
    %ne3A_94 = arith.cmpi ne, %sign3A_86, %sign3A_93 : i32
    %rem3A_95 = arith.remsi %add3A_77, %jit3A_78 : i32
    %ne3A_96 = arith.constant 0 : i32
    %ne3A_97 = arith.cmpi ne, %rem3A_95, %ne3A_96 : i32
    %and3A_98 = arith.andi %ne3A_94, %ne3A_97 : i1
    %sub3A_99 = arith.constant 1 : i32
    %sub3A_100 = arith.subi %div3A_79, %sub3A_99 : i32
    %select_n3A_101 = arith.select %and3A_98, %sub3A_100, %div3A_79 : i32
    %jit3A_102 = arith.constant 8 : i32
    %eq3A_103 = arith.constant 0 : i32
    %eq3A_104 = arith.cmpi eq, %jit3A_102, %eq3A_103 : i32
    %jit3A_105 = arith.constant 1 : i32
    %select_n3A_106 = arith.select %eq3A_104, %jit3A_105, %jit3A_102 : i32
    %rem3A_107 = arith.remsi %add3A_77, %select_n3A_106 : i32
    %ne3A_108 = arith.constant 0 : i32
    %ne3A_109 = arith.cmpi ne, %rem3A_107, %ne3A_108 : i32
    %lt3A_110 = arith.constant 0 : i32
    %lt3A_111 = arith.cmpi slt, %rem3A_107, %lt3A_110 : i32
    %lt3A_112 = arith.constant 0 : i32
    %lt3A_113 = arith.cmpi slt, %select_n3A_106, %lt3A_112 : i32
    %ne3A_114 = arith.xori %lt3A_111, %lt3A_113 : i1
    %and3A_115 = arith.andi %ne3A_114, %ne3A_109 : i1
    %add3A_116 = arith.addi %rem3A_107, %select_n3A_106 : i32
    %select_n3A_117 = arith.select %and3A_115, %add3A_116, %rem3A_107 : i32
    %dma_start3A = arith.constant 0 : i32
    %dma_start3A_118 = arith.constant 0 : i32
    %dma_start3A_119 = arith.constant 0 : i32
    %dma_start3A_120 = arith.constant 0 : i32
    %dma_start3A_121 = tpu.memref_slice %arg7[%dma_start3A, %dma_start3A_119, %dma_start3A_120] : memref<4x128x128xf32, #tpu.memory_space<vmem>> -> memref<1x128x128xf32, #tpu.memory_space<vmem>>
    %dma_start3A_122 = tpu.memref_squeeze %dma_start3A_121 : memref<1x128x128xf32, #tpu.memory_space<vmem>> -> memref<128x128xf32, #tpu.memory_space<vmem>>
    %dma_start3A_123 = arith.constant 0 : i32
    %dma_start3A_124 = arith.constant 0 : i32
    %dma_start3A_125 = tpu.memref_slice %arg3[%select_n3A_101, %dma_start3A_123, %select_n3A_117, %dma_start3A_124] : memref<128x128x8x128xf32, #tpu.memory_space<hbm>> -> memref<1x128x1x128xf32, #tpu.memory_space<hbm>>
    %dma_start3A_126 = tpu.memref_squeeze %dma_start3A_125 : memref<1x128x1x128xf32, #tpu.memory_space<hbm>> -> memref<128x128xf32, #tpu.memory_space<hbm>>
    %dma_start3A_127 = tpu.memref_slice %arg11[%dma_start3A_118] : memref<4x!tpu.dma_semaphore, #tpu.memory_space<semaphore_mem>> -> memref<1x!tpu.dma_semaphore, #tpu.memory_space<semaphore_mem>>
    %dma_start3A_128 = tpu.memref_squeeze %dma_start3A_127 : memref<1x!tpu.dma_semaphore, #tpu.memory_space<semaphore_mem>> -> memref<!tpu.dma_semaphore, #tpu.memory_space<semaphore_mem>>
    %dma_start3A_129 = arith.constant 0 : i32
    %dma_start3A_130 = arith.constant 0 : i32
    %dma_start3A_131 = tpu.memref_slice %arg7[%dma_start3A, %dma_start3A_129, %dma_start3A_130] : memref<4x128x128xf32, #tpu.memory_space<vmem>> -> memref<1x128x128xf32, #tpu.memory_space<vmem>>
    %dma_start3A_132 = tpu.memref_squeeze %dma_start3A_131 : memref<1x128x128xf32, #tpu.memory_space<vmem>> -> memref<128x128xf32, #tpu.memory_space<vmem>>
    %dma_start3A_133 = arith.constant 0 : i32
    %dma_start3A_134 = arith.constant 0 : i32
    %dma_start3A_135 = tpu.memref_slice %arg3[%select_n3A_101, %dma_start3A_133, %select_n3A_117, %dma_start3A_134] : memref<128x128x8x128xf32, #tpu.memory_space<hbm>> -> memref<1x128x1x128xf32, #tpu.memory_space<hbm>>
    %dma_start3A_136 = tpu.memref_squeeze %dma_start3A_135 : memref<1x128x1x128xf32, #tpu.memory_space<hbm>> -> memref<128x128xf32, #tpu.memory_space<hbm>>
    tpu.enqueue_dma source(%dma_start3A_136 : memref<128x128xf32, #tpu.memory_space<hbm>>) target(%dma_start3A_132 : memref<128x128xf32, #tpu.memory_space<vmem>>) target_semaphore(%dma_start3A_128 : memref<!tpu.dma_semaphore, #tpu.memory_space<semaphore_mem>>)
    %add3A_137 = arith.constant 1 : i32
    %add3A_138 = arith.addi %add3A_35, %add3A_137 : i32
    %jit3A_139 = arith.constant 8 : i32
    %div3A_140 = arith.divsi %add3A_138, %jit3A_139 : i32
    %sign3A_141 = arith.constant 0 : i32
    %sign3A_142 = arith.cmpi sgt, %add3A_138, %sign3A_141 : i32
    %sign3A_143 = arith.extui %sign3A_142 : i1 to i32
    %sign3A_144 = arith.constant 0 : i32
    %sign3A_145 = arith.cmpi slt, %add3A_138, %sign3A_144 : i32
    %sign3A_146 = arith.extui %sign3A_145 : i1 to i32
    %sign3A_147 = arith.subi %sign3A_143, %sign3A_146 : i32
    %sign3A_148 = arith.constant 0 : i32
    %sign3A_149 = arith.cmpi sgt, %jit3A_139, %sign3A_148 : i32
    %sign3A_150 = arith.extui %sign3A_149 : i1 to i32
    %sign3A_151 = arith.constant 0 : i32
    %sign3A_152 = arith.cmpi slt, %jit3A_139, %sign3A_151 : i32
    %sign3A_153 = arith.extui %sign3A_152 : i1 to i32
    %sign3A_154 = arith.subi %sign3A_150, %sign3A_153 : i32
    %ne3A_155 = arith.cmpi ne, %sign3A_147, %sign3A_154 : i32
    %rem3A_156 = arith.remsi %add3A_138, %jit3A_139 : i32
    %ne3A_157 = arith.constant 0 : i32
    %ne3A_158 = arith.cmpi ne, %rem3A_156, %ne3A_157 : i32
    %and3A_159 = arith.andi %ne3A_155, %ne3A_158 : i1
    %sub3A_160 = arith.constant 1 : i32
    %sub3A_161 = arith.subi %div3A_140, %sub3A_160 : i32
    %select_n3A_162 = arith.select %and3A_159, %sub3A_161, %div3A_140 : i32
    %jit3A_163 = arith.constant 8 : i32
    %eq3A_164 = arith.constant 0 : i32
    %eq3A_165 = arith.cmpi eq, %jit3A_163, %eq3A_164 : i32
    %jit3A_166 = arith.constant 1 : i32
    %select_n3A_167 = arith.select %eq3A_165, %jit3A_166, %jit3A_163 : i32
    %rem3A_168 = arith.remsi %add3A_138, %select_n3A_167 : i32
    %ne3A_169 = arith.constant 0 : i32
    %ne3A_170 = arith.cmpi ne, %rem3A_168, %ne3A_169 : i32
    %lt3A_171 = arith.constant 0 : i32
    %lt3A_172 = arith.cmpi slt, %rem3A_168, %lt3A_171 : i32
    %lt3A_173 = arith.constant 0 : i32
    %lt3A_174 = arith.cmpi slt, %select_n3A_167, %lt3A_173 : i32
    %ne3A_175 = arith.xori %lt3A_172, %lt3A_174 : i1
    %and3A_176 = arith.andi %ne3A_175, %ne3A_170 : i1
    %add3A_177 = arith.addi %rem3A_168, %select_n3A_167 : i32
    %select_n3A_178 = arith.select %and3A_176, %add3A_177, %rem3A_168 : i32
    %dma_start3A_179 = arith.constant 1 : i32
    %dma_start3A_180 = arith.constant 1 : i32
    %dma_start3A_181 = arith.constant 0 : i32
    %dma_start3A_182 = arith.constant 0 : i32
    %dma_start3A_183 = tpu.memref_slice %arg7[%dma_start3A_179, %dma_start3A_181, %dma_start3A_182] : memref<4x128x128xf32, #tpu.memory_space<vmem>> -> memref<1x128x128xf32, #tpu.memory_space<vmem>>
    %dma_start3A_184 = tpu.memref_squeeze %dma_start3A_183 : memref<1x128x128xf32, #tpu.memory_space<vmem>> -> memref<128x128xf32, #tpu.memory_space<vmem>>
    %dma_start3A_185 = arith.constant 0 : i32
    %dma_start3A_186 = arith.constant 0 : i32
    %dma_start3A_187 = tpu.memref_slice %arg3[%select_n3A_162, %dma_start3A_185, %select_n3A_178, %dma_start3A_186] : memref<128x128x8x128xf32, #tpu.memory_space<hbm>> -> memref<1x128x1x128xf32, #tpu.memory_space<hbm>>
    %dma_start3A_188 = tpu.memref_squeeze %dma_start3A_187 : memref<1x128x1x128xf32, #tpu.memory_space<hbm>> -> memref<128x128xf32, #tpu.memory_space<hbm>>
    %dma_start3A_189 = tpu.memref_slice %arg11[%dma_start3A_180] : memref<4x!tpu.dma_semaphore, #tpu.memory_space<semaphore_mem>> -> memref<1x!tpu.dma_semaphore, #tpu.memory_space<semaphore_mem>>
    %dma_start3A_190 = tpu.memref_squeeze %dma_start3A_189 : memref<1x!tpu.dma_semaphore, #tpu.memory_space<semaphore_mem>> -> memref<!tpu.dma_semaphore, #tpu.memory_space<semaphore_mem>>
    %dma_start3A_191 = arith.constant 0 : i32
    %dma_start3A_192 = arith.constant 0 : i32
    %dma_start3A_193 = tpu.memref_slice %arg7[%dma_start3A_179, %dma_start3A_191, %dma_start3A_192] : memref<4x128x128xf32, #tpu.memory_space<vmem>> -> memref<1x128x128xf32, #tpu.memory_space<vmem>>
    %dma_start3A_194 = tpu.memref_squeeze %dma_start3A_193 : memref<1x128x128xf32, #tpu.memory_space<vmem>> -> memref<128x128xf32, #tpu.memory_space<vmem>>
    %dma_start3A_195 = arith.constant 0 : i32
    %dma_start3A_196 = arith.constant 0 : i32
    %dma_start3A_197 = tpu.memref_slice %arg3[%select_n3A_162, %dma_start3A_195, %select_n3A_178, %dma_start3A_196] : memref<128x128x8x128xf32, #tpu.memory_space<hbm>> -> memref<1x128x1x128xf32, #tpu.memory_space<hbm>>
    %dma_start3A_198 = tpu.memref_squeeze %dma_start3A_197 : memref<1x128x1x128xf32, #tpu.memory_space<hbm>> -> memref<128x128xf32, #tpu.memory_space<hbm>>
    tpu.enqueue_dma source(%dma_start3A_198 : memref<128x128xf32, #tpu.memory_space<hbm>>) target(%dma_start3A_194 : memref<128x128xf32, #tpu.memory_space<vmem>>) target_semaphore(%dma_start3A_190 : memref<!tpu.dma_semaphore, #tpu.memory_space<semaphore_mem>>)
    %add3A_199 = arith.constant 2 : i32
    %add3A_200 = arith.addi %add3A_35, %add3A_199 : i32
    %jit3A_201 = arith.constant 8 : i32
    %div3A_202 = arith.divsi %add3A_200, %jit3A_201 : i32
    %sign3A_203 = arith.constant 0 : i32
    %sign3A_204 = arith.cmpi sgt, %add3A_200, %sign3A_203 : i32
    %sign3A_205 = arith.extui %sign3A_204 : i1 to i32
    %sign3A_206 = arith.constant 0 : i32
    %sign3A_207 = arith.cmpi slt, %add3A_200, %sign3A_206 : i32
    %sign3A_208 = arith.extui %sign3A_207 : i1 to i32
    %sign3A_209 = arith.subi %sign3A_205, %sign3A_208 : i32
    %sign3A_210 = arith.constant 0 : i32
    %sign3A_211 = arith.cmpi sgt, %jit3A_201, %sign3A_210 : i32
    %sign3A_212 = arith.extui %sign3A_211 : i1 to i32
    %sign3A_213 = arith.constant 0 : i32
    %sign3A_214 = arith.cmpi slt, %jit3A_201, %sign3A_213 : i32
    %sign3A_215 = arith.extui %sign3A_214 : i1 to i32
    %sign3A_216 = arith.subi %sign3A_212, %sign3A_215 : i32
    %ne3A_217 = arith.cmpi ne, %sign3A_209, %sign3A_216 : i32
    %rem3A_218 = arith.remsi %add3A_200, %jit3A_201 : i32
    %ne3A_219 = arith.constant 0 : i32
    %ne3A_220 = arith.cmpi ne, %rem3A_218, %ne3A_219 : i32
    %and3A_221 = arith.andi %ne3A_217, %ne3A_220 : i1
    %sub3A_222 = arith.constant 1 : i32
    %sub3A_223 = arith.subi %div3A_202, %sub3A_222 : i32
    %select_n3A_224 = arith.select %and3A_221, %sub3A_223, %div3A_202 : i32
    %jit3A_225 = arith.constant 8 : i32
    %eq3A_226 = arith.constant 0 : i32
    %eq3A_227 = arith.cmpi eq, %jit3A_225, %eq3A_226 : i32
    %jit3A_228 = arith.constant 1 : i32
    %select_n3A_229 = arith.select %eq3A_227, %jit3A_228, %jit3A_225 : i32
    %rem3A_230 = arith.remsi %add3A_200, %select_n3A_229 : i32
    %ne3A_231 = arith.constant 0 : i32
    %ne3A_232 = arith.cmpi ne, %rem3A_230, %ne3A_231 : i32
    %lt3A_233 = arith.constant 0 : i32
    %lt3A_234 = arith.cmpi slt, %rem3A_230, %lt3A_233 : i32
    %lt3A_235 = arith.constant 0 : i32
    %lt3A_236 = arith.cmpi slt, %select_n3A_229, %lt3A_235 : i32
    %ne3A_237 = arith.xori %lt3A_234, %lt3A_236 : i1
    %and3A_238 = arith.andi %ne3A_237, %ne3A_232 : i1
    %add3A_239 = arith.addi %rem3A_230, %select_n3A_229 : i32
    %select_n3A_240 = arith.select %and3A_238, %add3A_239, %rem3A_230 : i32
    %dma_start3A_241 = arith.constant 2 : i32
    %dma_start3A_242 = arith.constant 2 : i32
    %dma_start3A_243 = arith.constant 0 : i32
    %dma_start3A_244 = arith.constant 0 : i32
    %dma_start3A_245 = tpu.memref_slice %arg7[%dma_start3A_241, %dma_start3A_243, %dma_start3A_244] : memref<4x128x128xf32, #tpu.memory_space<vmem>> -> memref<1x128x128xf32, #tpu.memory_space<vmem>>
    %dma_start3A_246 = tpu.memref_squeeze %dma_start3A_245 : memref<1x128x128xf32, #tpu.memory_space<vmem>> -> memref<128x128xf32, #tpu.memory_space<vmem>>
    %dma_start3A_247 = arith.constant 0 : i32
    %dma_start3A_248 = arith.constant 0 : i32
    %dma_start3A_249 = tpu.memref_slice %arg3[%select_n3A_224, %dma_start3A_247, %select_n3A_240, %dma_start3A_248] : memref<128x128x8x128xf32, #tpu.memory_space<hbm>> -> memref<1x128x1x128xf32, #tpu.memory_space<hbm>>
    %dma_start3A_250 = tpu.memref_squeeze %dma_start3A_249 : memref<1x128x1x128xf32, #tpu.memory_space<hbm>> -> memref<128x128xf32, #tpu.memory_space<hbm>>
    %dma_start3A_251 = tpu.memref_slice %arg11[%dma_start3A_242] : memref<4x!tpu.dma_semaphore, #tpu.memory_space<semaphore_mem>> -> memref<1x!tpu.dma_semaphore, #tpu.memory_space<semaphore_mem>>
    %dma_start3A_252 = tpu.memref_squeeze %dma_start3A_251 : memref<1x!tpu.dma_semaphore, #tpu.memory_space<semaphore_mem>> -> memref<!tpu.dma_semaphore, #tpu.memory_space<semaphore_mem>>
    %dma_start3A_253 = arith.constant 0 : i32
    %dma_start3A_254 = arith.constant 0 : i32
    %dma_start3A_255 = tpu.memref_slice %arg7[%dma_start3A_241, %dma_start3A_253, %dma_start3A_254] : memref<4x128x128xf32, #tpu.memory_space<vmem>> -> memref<1x128x128xf32, #tpu.memory_space<vmem>>
    %dma_start3A_256 = tpu.memref_squeeze %dma_start3A_255 : memref<1x128x128xf32, #tpu.memory_space<vmem>> -> memref<128x128xf32, #tpu.memory_space<vmem>>
    %dma_start3A_257 = arith.constant 0 : i32
    %dma_start3A_258 = arith.constant 0 : i32
    %dma_start3A_259 = tpu.memref_slice %arg3[%select_n3A_224, %dma_start3A_257, %select_n3A_240, %dma_start3A_258] : memref<128x128x8x128xf32, #tpu.memory_space<hbm>> -> memref<1x128x1x128xf32, #tpu.memory_space<hbm>>
    %dma_start3A_260 = tpu.memref_squeeze %dma_start3A_259 : memref<1x128x1x128xf32, #tpu.memory_space<hbm>> -> memref<128x128xf32, #tpu.memory_space<hbm>>
    tpu.enqueue_dma source(%dma_start3A_260 : memref<128x128xf32, #tpu.memory_space<hbm>>) target(%dma_start3A_256 : memref<128x128xf32, #tpu.memory_space<vmem>>) target_semaphore(%dma_start3A_252 : memref<!tpu.dma_semaphore, #tpu.memory_space<semaphore_mem>>)
    %add3A_261 = arith.constant 3 : i32
    %add3A_262 = arith.addi %add3A_35, %add3A_261 : i32
    %jit3A_263 = arith.constant 8 : i32
    %div3A_264 = arith.divsi %add3A_262, %jit3A_263 : i32
    %sign3A_265 = arith.constant 0 : i32
    %sign3A_266 = arith.cmpi sgt, %add3A_262, %sign3A_265 : i32
    %sign3A_267 = arith.extui %sign3A_266 : i1 to i32
    %sign3A_268 = arith.constant 0 : i32
    %sign3A_269 = arith.cmpi slt, %add3A_262, %sign3A_268 : i32
    %sign3A_270 = arith.extui %sign3A_269 : i1 to i32
    %sign3A_271 = arith.subi %sign3A_267, %sign3A_270 : i32
    %sign3A_272 = arith.constant 0 : i32
    %sign3A_273 = arith.cmpi sgt, %jit3A_263, %sign3A_272 : i32
    %sign3A_274 = arith.extui %sign3A_273 : i1 to i32
    %sign3A_275 = arith.constant 0 : i32
    %sign3A_276 = arith.cmpi slt, %jit3A_263, %sign3A_275 : i32
    %sign3A_277 = arith.extui %sign3A_276 : i1 to i32
    %sign3A_278 = arith.subi %sign3A_274, %sign3A_277 : i32
    %ne3A_279 = arith.cmpi ne, %sign3A_271, %sign3A_278 : i32
    %rem3A_280 = arith.remsi %add3A_262, %jit3A_263 : i32
    %ne3A_281 = arith.constant 0 : i32
    %ne3A_282 = arith.cmpi ne, %rem3A_280, %ne3A_281 : i32
    %and3A_283 = arith.andi %ne3A_279, %ne3A_282 : i1
    %sub3A_284 = arith.constant 1 : i32
    %sub3A_285 = arith.subi %div3A_264, %sub3A_284 : i32
    %select_n3A_286 = arith.select %and3A_283, %sub3A_285, %div3A_264 : i32
    %jit3A_287 = arith.constant 8 : i32
    %eq3A_288 = arith.constant 0 : i32
    %eq3A_289 = arith.cmpi eq, %jit3A_287, %eq3A_288 : i32
    %jit3A_290 = arith.constant 1 : i32
    %select_n3A_291 = arith.select %eq3A_289, %jit3A_290, %jit3A_287 : i32
    %rem3A_292 = arith.remsi %add3A_262, %select_n3A_291 : i32
    %ne3A_293 = arith.constant 0 : i32
    %ne3A_294 = arith.cmpi ne, %rem3A_292, %ne3A_293 : i32
    %lt3A_295 = arith.constant 0 : i32
    %lt3A_296 = arith.cmpi slt, %rem3A_292, %lt3A_295 : i32
    %lt3A_297 = arith.constant 0 : i32
    %lt3A_298 = arith.cmpi slt, %select_n3A_291, %lt3A_297 : i32
    %ne3A_299 = arith.xori %lt3A_296, %lt3A_298 : i1
    %and3A_300 = arith.andi %ne3A_299, %ne3A_294 : i1
    %add3A_301 = arith.addi %rem3A_292, %select_n3A_291 : i32
    %select_n3A_302 = arith.select %and3A_300, %add3A_301, %rem3A_292 : i32
    %dma_start3A_303 = arith.constant 3 : i32
    %dma_start3A_304 = arith.constant 3 : i32
    %dma_start3A_305 = arith.constant 0 : i32
    %dma_start3A_306 = arith.constant 0 : i32
    %dma_start3A_307 = tpu.memref_slice %arg7[%dma_start3A_303, %dma_start3A_305, %dma_start3A_306] : memref<4x128x128xf32, #tpu.memory_space<vmem>> -> memref<1x128x128xf32, #tpu.memory_space<vmem>>
    %dma_start3A_308 = tpu.memref_squeeze %dma_start3A_307 : memref<1x128x128xf32, #tpu.memory_space<vmem>> -> memref<128x128xf32, #tpu.memory_space<vmem>>
    %dma_start3A_309 = arith.constant 0 : i32
    %dma_start3A_310 = arith.constant 0 : i32
    %dma_start3A_311 = tpu.memref_slice %arg3[%select_n3A_286, %dma_start3A_309, %select_n3A_302, %dma_start3A_310] : memref<128x128x8x128xf32, #tpu.memory_space<hbm>> -> memref<1x128x1x128xf32, #tpu.memory_space<hbm>>
    %dma_start3A_312 = tpu.memref_squeeze %dma_start3A_311 : memref<1x128x1x128xf32, #tpu.memory_space<hbm>> -> memref<128x128xf32, #tpu.memory_space<hbm>>
    %dma_start3A_313 = tpu.memref_slice %arg11[%dma_start3A_304] : memref<4x!tpu.dma_semaphore, #tpu.memory_space<semaphore_mem>> -> memref<1x!tpu.dma_semaphore, #tpu.memory_space<semaphore_mem>>
    %dma_start3A_314 = tpu.memref_squeeze %dma_start3A_313 : memref<1x!tpu.dma_semaphore, #tpu.memory_space<semaphore_mem>> -> memref<!tpu.dma_semaphore, #tpu.memory_space<semaphore_mem>>
    %dma_start3A_315 = arith.constant 0 : i32
    %dma_start3A_316 = arith.constant 0 : i32
    %dma_start3A_317 = tpu.memref_slice %arg7[%dma_start3A_303, %dma_start3A_315, %dma_start3A_316] : memref<4x128x128xf32, #tpu.memory_space<vmem>> -> memref<1x128x128xf32, #tpu.memory_space<vmem>>
    %dma_start3A_318 = tpu.memref_squeeze %dma_start3A_317 : memref<1x128x128xf32, #tpu.memory_space<vmem>> -> memref<128x128xf32, #tpu.memory_space<vmem>>
    %dma_start3A_319 = arith.constant 0 : i32
    %dma_start3A_320 = arith.constant 0 : i32
    %dma_start3A_321 = tpu.memref_slice %arg3[%select_n3A_286, %dma_start3A_319, %select_n3A_302, %dma_start3A_320] : memref<128x128x8x128xf32, #tpu.memory_space<hbm>> -> memref<1x128x1x128xf32, #tpu.memory_space<hbm>>
    %dma_start3A_322 = tpu.memref_squeeze %dma_start3A_321 : memref<1x128x1x128xf32, #tpu.memory_space<hbm>> -> memref<128x128xf32, #tpu.memory_space<hbm>>
    tpu.enqueue_dma source(%dma_start3A_322 : memref<128x128xf32, #tpu.memory_space<hbm>>) target(%dma_start3A_318 : memref<128x128xf32, #tpu.memory_space<vmem>>) target_semaphore(%dma_start3A_314 : memref<!tpu.dma_semaphore, #tpu.memory_space<semaphore_mem>>)
    %scan3A = arith.constant 0 : i32
    %scan3A_323 = arith.constant 0 : i32
    %scan3A_324 = arith.constant 8 : i32
    %scan3A_325 = arith.addi %scan3A_323, %scan3A_324 : i32
    %scan3A_326 = arith.constant 1 : i32
    scf.for %scan3A_770 = %scan3A_323 to %scan3A_325 step %scan3A_326  : i32 {
      %mul3A_771 = arith.constant 4 : i32
      %mul3A_772 = arith.muli %scan3A_770, %mul3A_771 : i32
      %add3A_773 = arith.addi %add3A_35, %mul3A_772 : i32
      %add3A_774 = arith.constant 0 : i32
      %add3A_775 = arith.addi %add3A_773, %add3A_774 : i32
      %add3A_776 = arith.constant 1 : i32
      %add3A_777 = arith.addi %add3A_775, %add3A_776 : i32
      %jit3A_778 = arith.constant 8 : i32
      %div3A_779 = arith.divsi %add3A_775, %jit3A_778 : i32
      %sign3A_780 = arith.constant 0 : i32
      %sign3A_781 = arith.cmpi sgt, %add3A_775, %sign3A_780 : i32
      %sign3A_782 = arith.extui %sign3A_781 : i1 to i32
      %sign3A_783 = arith.constant 0 : i32
      %sign3A_784 = arith.cmpi slt, %add3A_775, %sign3A_783 : i32
      %sign3A_785 = arith.extui %sign3A_784 : i1 to i32
      %sign3A_786 = arith.subi %sign3A_782, %sign3A_785 : i32
      %sign3A_787 = arith.constant 0 : i32
      %sign3A_788 = arith.cmpi sgt, %jit3A_778, %sign3A_787 : i32
      %sign3A_789 = arith.extui %sign3A_788 : i1 to i32
      %sign3A_790 = arith.constant 0 : i32
      %sign3A_791 = arith.cmpi slt, %jit3A_778, %sign3A_790 : i32
      %sign3A_792 = arith.extui %sign3A_791 : i1 to i32
      %sign3A_793 = arith.subi %sign3A_789, %sign3A_792 : i32
      %ne3A_794 = arith.cmpi ne, %sign3A_786, %sign3A_793 : i32
      %rem3A_795 = arith.remsi %add3A_775, %jit3A_778 : i32
      %ne3A_796 = arith.constant 0 : i32
      %ne3A_797 = arith.cmpi ne, %rem3A_795, %ne3A_796 : i32
      %and3A_798 = arith.andi %ne3A_794, %ne3A_797 : i1
      %sub3A_799 = arith.constant 1 : i32
      %sub3A_800 = arith.subi %div3A_779, %sub3A_799 : i32
      %select_n3A_801 = arith.select %and3A_798, %sub3A_800, %div3A_779 : i32
      %jit3A_802 = arith.constant 8 : i32
      %eq3A_803 = arith.constant 0 : i32
      %eq3A_804 = arith.cmpi eq, %jit3A_802, %eq3A_803 : i32
      %jit3A_805 = arith.constant 1 : i32
      %select_n3A_806 = arith.select %eq3A_804, %jit3A_805, %jit3A_802 : i32
      %rem3A_807 = arith.remsi %add3A_775, %select_n3A_806 : i32
      %ne3A_808 = arith.constant 0 : i32
      %ne3A_809 = arith.cmpi ne, %rem3A_807, %ne3A_808 : i32
      %lt3A_810 = arith.constant 0 : i32
      %lt3A_811 = arith.cmpi slt, %rem3A_807, %lt3A_810 : i32
      %lt3A_812 = arith.constant 0 : i32
      %lt3A_813 = arith.cmpi slt, %select_n3A_806, %lt3A_812 : i32
      %ne3A_814 = arith.xori %lt3A_811, %lt3A_813 : i1
      %and3A_815 = arith.andi %ne3A_814, %ne3A_809 : i1
      %add3A_816 = arith.addi %rem3A_807, %select_n3A_806 : i32
      %select_n3A_817 = arith.select %and3A_815, %add3A_816, %rem3A_807 : i32
      %dma_wait3A_818 = arith.constant 0 : i32
      %dma_wait3A_819 = arith.constant 0 : i32
      %dma_wait3A_820 = arith.constant 0 : i32
      %dma_wait3A_821 = arith.constant 0 : i32
      %dma_wait3A_822 = tpu.memref_slice %arg7[%dma_wait3A_818, %dma_wait3A_820, %dma_wait3A_821] : memref<4x128x128xf32, #tpu.memory_space<vmem>> -> memref<1x128x128xf32, #tpu.memory_space<vmem>>
      %dma_wait3A_823 = tpu.memref_squeeze %dma_wait3A_822 : memref<1x128x128xf32, #tpu.memory_space<vmem>> -> memref<128x128xf32, #tpu.memory_space<vmem>>
      %dma_wait3A_824 = arith.constant 0 : i32
      %dma_wait3A_825 = arith.constant 0 : i32
      %dma_wait3A_826 = tpu.memref_slice %arg3[%select_n3A_801, %dma_wait3A_824, %select_n3A_817, %dma_wait3A_825] : memref<128x128x8x128xf32, #tpu.memory_space<hbm>> -> memref<1x128x1x128xf32, #tpu.memory_space<hbm>>
      %dma_wait3A_827 = tpu.memref_squeeze %dma_wait3A_826 : memref<1x128x1x128xf32, #tpu.memory_space<hbm>> -> memref<128x128xf32, #tpu.memory_space<hbm>>
      %dma_wait3A_828 = tpu.memref_slice %arg11[%dma_wait3A_819] : memref<4x!tpu.dma_semaphore, #tpu.memory_space<semaphore_mem>> -> memref<1x!tpu.dma_semaphore, #tpu.memory_space<semaphore_mem>>
      %dma_wait3A_829 = tpu.memref_squeeze %dma_wait3A_828 : memref<1x!tpu.dma_semaphore, #tpu.memory_space<semaphore_mem>> -> memref<!tpu.dma_semaphore, #tpu.memory_space<semaphore_mem>>
      %dma_wait3A_830 = arith.constant 0 : i32
      %dma_wait3A_831 = arith.constant 0 : i32
      %dma_wait3A_832 = tpu.memref_slice %arg7[%dma_wait3A_818, %dma_wait3A_830, %dma_wait3A_831] : memref<4x128x128xf32, #tpu.memory_space<vmem>> -> memref<1x128x128xf32, #tpu.memory_space<vmem>>
      %dma_wait3A_833 = tpu.memref_squeeze %dma_wait3A_832 : memref<1x128x128xf32, #tpu.memory_space<vmem>> -> memref<128x128xf32, #tpu.memory_space<vmem>>
      %dma_wait3A_834 = arith.constant 0 : i32
      %dma_wait3A_835 = arith.constant 0 : i32
      %dma_wait3A_836 = tpu.memref_slice %arg3[%select_n3A_801, %dma_wait3A_834, %select_n3A_817, %dma_wait3A_835] : memref<128x128x8x128xf32, #tpu.memory_space<hbm>> -> memref<1x128x1x128xf32, #tpu.memory_space<hbm>>
      %dma_wait3A_837 = tpu.memref_squeeze %dma_wait3A_836 : memref<1x128x1x128xf32, #tpu.memory_space<hbm>> -> memref<128x128xf32, #tpu.memory_space<hbm>>
      tpu.wait_dma2 semaphore(%dma_wait3A_829 : memref<!tpu.dma_semaphore, #tpu.memory_space<semaphore_mem>>) src(%dma_wait3A_837 : memref<128x128xf32, #tpu.memory_space<hbm>>) dst(%dma_wait3A_833 : memref<128x128xf32, #tpu.memory_space<vmem>>)
      %jit3A_838 = arith.constant 8 : i32
      %div3A_839 = arith.divsi %add3A_777, %jit3A_838 : i32
      %sign3A_840 = arith.constant 0 : i32
      %sign3A_841 = arith.cmpi sgt, %add3A_777, %sign3A_840 : i32
      %sign3A_842 = arith.extui %sign3A_841 : i1 to i32
      %sign3A_843 = arith.constant 0 : i32
      %sign3A_844 = arith.cmpi slt, %add3A_777, %sign3A_843 : i32
      %sign3A_845 = arith.extui %sign3A_844 : i1 to i32
      %sign3A_846 = arith.subi %sign3A_842, %sign3A_845 : i32
      %sign3A_847 = arith.constant 0 : i32
      %sign3A_848 = arith.cmpi sgt, %jit3A_838, %sign3A_847 : i32
      %sign3A_849 = arith.extui %sign3A_848 : i1 to i32
      %sign3A_850 = arith.constant 0 : i32
      %sign3A_851 = arith.cmpi slt, %jit3A_838, %sign3A_850 : i32
      %sign3A_852 = arith.extui %sign3A_851 : i1 to i32
      %sign3A_853 = arith.subi %sign3A_849, %sign3A_852 : i32
      %ne3A_854 = arith.cmpi ne, %sign3A_846, %sign3A_853 : i32
      %rem3A_855 = arith.remsi %add3A_777, %jit3A_838 : i32
      %ne3A_856 = arith.constant 0 : i32
      %ne3A_857 = arith.cmpi ne, %rem3A_855, %ne3A_856 : i32
      %and3A_858 = arith.andi %ne3A_854, %ne3A_857 : i1
      %sub3A_859 = arith.constant 1 : i32
      %sub3A_860 = arith.subi %div3A_839, %sub3A_859 : i32
      %select_n3A_861 = arith.select %and3A_858, %sub3A_860, %div3A_839 : i32
      %jit3A_862 = arith.constant 8 : i32
      %eq3A_863 = arith.constant 0 : i32
      %eq3A_864 = arith.cmpi eq, %jit3A_862, %eq3A_863 : i32
      %jit3A_865 = arith.constant 1 : i32
      %select_n3A_866 = arith.select %eq3A_864, %jit3A_865, %jit3A_862 : i32
      %rem3A_867 = arith.remsi %add3A_777, %select_n3A_866 : i32
      %ne3A_868 = arith.constant 0 : i32
      %ne3A_869 = arith.cmpi ne, %rem3A_867, %ne3A_868 : i32
      %lt3A_870 = arith.constant 0 : i32
      %lt3A_871 = arith.cmpi slt, %rem3A_867, %lt3A_870 : i32
      %lt3A_872 = arith.constant 0 : i32
      %lt3A_873 = arith.cmpi slt, %select_n3A_866, %lt3A_872 : i32
      %ne3A_874 = arith.xori %lt3A_871, %lt3A_873 : i1
      %and3A_875 = arith.andi %ne3A_874, %ne3A_869 : i1
      %add3A_876 = arith.addi %rem3A_867, %select_n3A_866 : i32
      %select_n3A_877 = arith.select %and3A_875, %add3A_876, %rem3A_867 : i32
      %dma_wait3A_878 = arith.constant 1 : i32
      %dma_wait3A_879 = arith.constant 1 : i32
      %dma_wait3A_880 = arith.constant 0 : i32
      %dma_wait3A_881 = arith.constant 0 : i32
      %dma_wait3A_882 = tpu.memref_slice %arg7[%dma_wait3A_878, %dma_wait3A_880, %dma_wait3A_881] : memref<4x128x128xf32, #tpu.memory_space<vmem>> -> memref<1x128x128xf32, #tpu.memory_space<vmem>>
      %dma_wait3A_883 = tpu.memref_squeeze %dma_wait3A_882 : memref<1x128x128xf32, #tpu.memory_space<vmem>> -> memref<128x128xf32, #tpu.memory_space<vmem>>
      %dma_wait3A_884 = arith.constant 0 : i32
      %dma_wait3A_885 = arith.constant 0 : i32
      %dma_wait3A_886 = tpu.memref_slice %arg3[%select_n3A_861, %dma_wait3A_884, %select_n3A_877, %dma_wait3A_885] : memref<128x128x8x128xf32, #tpu.memory_space<hbm>> -> memref<1x128x1x128xf32, #tpu.memory_space<hbm>>
      %dma_wait3A_887 = tpu.memref_squeeze %dma_wait3A_886 : memref<1x128x1x128xf32, #tpu.memory_space<hbm>> -> memref<128x128xf32, #tpu.memory_space<hbm>>
      %dma_wait3A_888 = tpu.memref_slice %arg11[%dma_wait3A_879] : memref<4x!tpu.dma_semaphore, #tpu.memory_space<semaphore_mem>> -> memref<1x!tpu.dma_semaphore, #tpu.memory_space<semaphore_mem>>
      %dma_wait3A_889 = tpu.memref_squeeze %dma_wait3A_888 : memref<1x!tpu.dma_semaphore, #tpu.memory_space<semaphore_mem>> -> memref<!tpu.dma_semaphore, #tpu.memory_space<semaphore_mem>>
      %dma_wait3A_890 = arith.constant 0 : i32
      %dma_wait3A_891 = arith.constant 0 : i32
      %dma_wait3A_892 = tpu.memref_slice %arg7[%dma_wait3A_878, %dma_wait3A_890, %dma_wait3A_891] : memref<4x128x128xf32, #tpu.memory_space<vmem>> -> memref<1x128x128xf32, #tpu.memory_space<vmem>>
      %dma_wait3A_893 = tpu.memref_squeeze %dma_wait3A_892 : memref<1x128x128xf32, #tpu.memory_space<vmem>> -> memref<128x128xf32, #tpu.memory_space<vmem>>
      %dma_wait3A_894 = arith.constant 0 : i32
      %dma_wait3A_895 = arith.constant 0 : i32
      %dma_wait3A_896 = tpu.memref_slice %arg3[%select_n3A_861, %dma_wait3A_894, %select_n3A_877, %dma_wait3A_895] : memref<128x128x8x128xf32, #tpu.memory_space<hbm>> -> memref<1x128x1x128xf32, #tpu.memory_space<hbm>>
      %dma_wait3A_897 = tpu.memref_squeeze %dma_wait3A_896 : memref<1x128x1x128xf32, #tpu.memory_space<hbm>> -> memref<128x128xf32, #tpu.memory_space<hbm>>
      tpu.wait_dma2 semaphore(%dma_wait3A_889 : memref<!tpu.dma_semaphore, #tpu.memory_space<semaphore_mem>>) src(%dma_wait3A_897 : memref<128x128xf32, #tpu.memory_space<hbm>>) dst(%dma_wait3A_893 : memref<128x128xf32, #tpu.memory_space<vmem>>)
      %gt3A = arith.constant 0 : i32
      %gt3A_898 = arith.cmpi sgt, %scan3A_770, %gt3A : i32
      %convert_element_type3A = arith.extui %gt3A_898 : i1 to i32
      %cond3A = arith.constant 0 : i32
      %cond3A_899 = arith.cmpi ne, %convert_element_type3A, %cond3A : i32
      scf.if %cond3A_899 {
        %sub3A_1298 = arith.constant 4 : i32
        %sub3A_1299 = arith.subi %add3A_775, %sub3A_1298 : i32
        %sub3A_1300 = arith.constant 4 : i32
        %sub3A_1301 = arith.subi %add3A_777, %sub3A_1300 : i32
        %jit3A_1302 = arith.constant 8 : i32
        %div3A_1303 = arith.divsi %sub3A_1299, %jit3A_1302 : i32
        %sign3A_1304 = arith.constant 0 : i32
        %sign3A_1305 = arith.cmpi sgt, %sub3A_1299, %sign3A_1304 : i32
        %sign3A_1306 = arith.extui %sign3A_1305 : i1 to i32
        %sign3A_1307 = arith.constant 0 : i32
        %sign3A_1308 = arith.cmpi slt, %sub3A_1299, %sign3A_1307 : i32
        %sign3A_1309 = arith.extui %sign3A_1308 : i1 to i32
        %sign3A_1310 = arith.subi %sign3A_1306, %sign3A_1309 : i32
        %sign3A_1311 = arith.constant 0 : i32
        %sign3A_1312 = arith.cmpi sgt, %jit3A_1302, %sign3A_1311 : i32
        %sign3A_1313 = arith.extui %sign3A_1312 : i1 to i32
        %sign3A_1314 = arith.constant 0 : i32
        %sign3A_1315 = arith.cmpi slt, %jit3A_1302, %sign3A_1314 : i32
        %sign3A_1316 = arith.extui %sign3A_1315 : i1 to i32
        %sign3A_1317 = arith.subi %sign3A_1313, %sign3A_1316 : i32
        %ne3A_1318 = arith.cmpi ne, %sign3A_1310, %sign3A_1317 : i32
        %rem3A_1319 = arith.remsi %sub3A_1299, %jit3A_1302 : i32
        %ne3A_1320 = arith.constant 0 : i32
        %ne3A_1321 = arith.cmpi ne, %rem3A_1319, %ne3A_1320 : i32
        %and3A_1322 = arith.andi %ne3A_1318, %ne3A_1321 : i1
        %sub3A_1323 = arith.constant 1 : i32
        %sub3A_1324 = arith.subi %div3A_1303, %sub3A_1323 : i32
        %select_n3A_1325 = arith.select %and3A_1322, %sub3A_1324, %div3A_1303 : i32
        %jit3A_1326 = arith.constant 8 : i32
        %eq3A_1327 = arith.constant 0 : i32
        %eq3A_1328 = arith.cmpi eq, %jit3A_1326, %eq3A_1327 : i32
        %jit3A_1329 = arith.constant 1 : i32
        %select_n3A_1330 = arith.select %eq3A_1328, %jit3A_1329, %jit3A_1326 : i32
        %rem3A_1331 = arith.remsi %sub3A_1299, %select_n3A_1330 : i32
        %ne3A_1332 = arith.constant 0 : i32
        %ne3A_1333 = arith.cmpi ne, %rem3A_1331, %ne3A_1332 : i32
        %lt3A_1334 = arith.constant 0 : i32
        %lt3A_1335 = arith.cmpi slt, %rem3A_1331, %lt3A_1334 : i32
        %lt3A_1336 = arith.constant 0 : i32
        %lt3A_1337 = arith.cmpi slt, %select_n3A_1330, %lt3A_1336 : i32
        %ne3A_1338 = arith.xori %lt3A_1335, %lt3A_1337 : i1
        %and3A_1339 = arith.andi %ne3A_1338, %ne3A_1333 : i1
        %add3A_1340 = arith.addi %rem3A_1331, %select_n3A_1330 : i32
        %select_n3A_1341 = arith.select %and3A_1339, %add3A_1340, %rem3A_1331 : i32
        %dma_wait3A_1342 = arith.constant 0 : i32
        %dma_wait3A_1343 = arith.constant 0 : i32
        %dma_wait3A_1344 = arith.constant 0 : i32
        %dma_wait3A_1345 = arith.constant 0 : i32
        %dma_wait3A_1346 = tpu.memref_slice %arg8[%dma_wait3A_1342, %dma_wait3A_1344, %dma_wait3A_1345] : memref<4x32x128xf32, #tpu.memory_space<vmem>> -> memref<1x32x128xf32, #tpu.memory_space<vmem>>
        %dma_wait3A_1347 = tpu.memref_squeeze %dma_wait3A_1346 : memref<1x32x128xf32, #tpu.memory_space<vmem>> -> memref<32x128xf32, #tpu.memory_space<vmem>>
        %dma_wait3A_1348 = arith.constant 0 : i32
        %dma_wait3A_1349 = arith.constant 0 : i32
        %dma_wait3A_1350 = tpu.memref_slice %arg6[%select_n3A_1325, %dma_wait3A_1348, %select_n3A_1341, %dma_wait3A_1349] : memref<128x32x8x128xf32, #tpu.memory_space<hbm>> -> memref<1x32x1x128xf32, #tpu.memory_space<hbm>>
        %dma_wait3A_1351 = tpu.memref_squeeze %dma_wait3A_1350 : memref<1x32x1x128xf32, #tpu.memory_space<hbm>> -> memref<32x128xf32, #tpu.memory_space<hbm>>
        %dma_wait3A_1352 = tpu.memref_slice %arg12[%dma_wait3A_1343] : memref<4x!tpu.dma_semaphore, #tpu.memory_space<semaphore_mem>> -> memref<1x!tpu.dma_semaphore, #tpu.memory_space<semaphore_mem>>
        %dma_wait3A_1353 = tpu.memref_squeeze %dma_wait3A_1352 : memref<1x!tpu.dma_semaphore, #tpu.memory_space<semaphore_mem>> -> memref<!tpu.dma_semaphore, #tpu.memory_space<semaphore_mem>>
        %dma_wait3A_1354 = arith.constant 0 : i32
        %dma_wait3A_1355 = arith.constant 0 : i32
        %dma_wait3A_1356 = tpu.memref_slice %arg6[%select_n3A_1325, %dma_wait3A_1354, %select_n3A_1341, %dma_wait3A_1355] : memref<128x32x8x128xf32, #tpu.memory_space<hbm>> -> memref<1x32x1x128xf32, #tpu.memory_space<hbm>>
        %dma_wait3A_1357 = tpu.memref_squeeze %dma_wait3A_1356 : memref<1x32x1x128xf32, #tpu.memory_space<hbm>> -> memref<32x128xf32, #tpu.memory_space<hbm>>
        %dma_wait3A_1358 = arith.constant 0 : i32
        %dma_wait3A_1359 = arith.constant 0 : i32
        %dma_wait3A_1360 = tpu.memref_slice %arg8[%dma_wait3A_1342, %dma_wait3A_1358, %dma_wait3A_1359] : memref<4x32x128xf32, #tpu.memory_space<vmem>> -> memref<1x32x128xf32, #tpu.memory_space<vmem>>
        %dma_wait3A_1361 = tpu.memref_squeeze %dma_wait3A_1360 : memref<1x32x128xf32, #tpu.memory_space<vmem>> -> memref<32x128xf32, #tpu.memory_space<vmem>>
        tpu.wait_dma2 semaphore(%dma_wait3A_1353 : memref<!tpu.dma_semaphore, #tpu.memory_space<semaphore_mem>>) src(%dma_wait3A_1361 : memref<32x128xf32, #tpu.memory_space<vmem>>) dst(%dma_wait3A_1357 : memref<32x128xf32, #tpu.memory_space<hbm>>)
        %jit3A_1362 = arith.constant 8 : i32
        %div3A_1363 = arith.divsi %sub3A_1301, %jit3A_1362 : i32
        %sign3A_1364 = arith.constant 0 : i32
        %sign3A_1365 = arith.cmpi sgt, %sub3A_1301, %sign3A_1364 : i32
        %sign3A_1366 = arith.extui %sign3A_1365 : i1 to i32
        %sign3A_1367 = arith.constant 0 : i32
        %sign3A_1368 = arith.cmpi slt, %sub3A_1301, %sign3A_1367 : i32
        %sign3A_1369 = arith.extui %sign3A_1368 : i1 to i32
        %sign3A_1370 = arith.subi %sign3A_1366, %sign3A_1369 : i32
        %sign3A_1371 = arith.constant 0 : i32
        %sign3A_1372 = arith.cmpi sgt, %jit3A_1362, %sign3A_1371 : i32
        %sign3A_1373 = arith.extui %sign3A_1372 : i1 to i32
        %sign3A_1374 = arith.constant 0 : i32
        %sign3A_1375 = arith.cmpi slt, %jit3A_1362, %sign3A_1374 : i32
        %sign3A_1376 = arith.extui %sign3A_1375 : i1 to i32
        %sign3A_1377 = arith.subi %sign3A_1373, %sign3A_1376 : i32
        %ne3A_1378 = arith.cmpi ne, %sign3A_1370, %sign3A_1377 : i32
        %rem3A_1379 = arith.remsi %sub3A_1301, %jit3A_1362 : i32
        %ne3A_1380 = arith.constant 0 : i32
        %ne3A_1381 = arith.cmpi ne, %rem3A_1379, %ne3A_1380 : i32
        %and3A_1382 = arith.andi %ne3A_1378, %ne3A_1381 : i1
        %sub3A_1383 = arith.constant 1 : i32
        %sub3A_1384 = arith.subi %div3A_1363, %sub3A_1383 : i32
        %select_n3A_1385 = arith.select %and3A_1382, %sub3A_1384, %div3A_1363 : i32
        %jit3A_1386 = arith.constant 8 : i32
        %eq3A_1387 = arith.constant 0 : i32
        %eq3A_1388 = arith.cmpi eq, %jit3A_1386, %eq3A_1387 : i32
        %jit3A_1389 = arith.constant 1 : i32
        %select_n3A_1390 = arith.select %eq3A_1388, %jit3A_1389, %jit3A_1386 : i32
        %rem3A_1391 = arith.remsi %sub3A_1301, %select_n3A_1390 : i32
        %ne3A_1392 = arith.constant 0 : i32
        %ne3A_1393 = arith.cmpi ne, %rem3A_1391, %ne3A_1392 : i32
        %lt3A_1394 = arith.constant 0 : i32
        %lt3A_1395 = arith.cmpi slt, %rem3A_1391, %lt3A_1394 : i32
        %lt3A_1396 = arith.constant 0 : i32
        %lt3A_1397 = arith.cmpi slt, %select_n3A_1390, %lt3A_1396 : i32
        %ne3A_1398 = arith.xori %lt3A_1395, %lt3A_1397 : i1
        %and3A_1399 = arith.andi %ne3A_1398, %ne3A_1393 : i1
        %add3A_1400 = arith.addi %rem3A_1391, %select_n3A_1390 : i32
        %select_n3A_1401 = arith.select %and3A_1399, %add3A_1400, %rem3A_1391 : i32
        %dma_wait3A_1402 = arith.constant 1 : i32
        %dma_wait3A_1403 = arith.constant 1 : i32
        %dma_wait3A_1404 = arith.constant 0 : i32
        %dma_wait3A_1405 = arith.constant 0 : i32
        %dma_wait3A_1406 = tpu.memref_slice %arg8[%dma_wait3A_1402, %dma_wait3A_1404, %dma_wait3A_1405] : memref<4x32x128xf32, #tpu.memory_space<vmem>> -> memref<1x32x128xf32, #tpu.memory_space<vmem>>
        %dma_wait3A_1407 = tpu.memref_squeeze %dma_wait3A_1406 : memref<1x32x128xf32, #tpu.memory_space<vmem>> -> memref<32x128xf32, #tpu.memory_space<vmem>>
        %dma_wait3A_1408 = arith.constant 0 : i32
        %dma_wait3A_1409 = arith.constant 0 : i32
        %dma_wait3A_1410 = tpu.memref_slice %arg6[%select_n3A_1385, %dma_wait3A_1408, %select_n3A_1401, %dma_wait3A_1409] : memref<128x32x8x128xf32, #tpu.memory_space<hbm>> -> memref<1x32x1x128xf32, #tpu.memory_space<hbm>>
        %dma_wait3A_1411 = tpu.memref_squeeze %dma_wait3A_1410 : memref<1x32x1x128xf32, #tpu.memory_space<hbm>> -> memref<32x128xf32, #tpu.memory_space<hbm>>
        %dma_wait3A_1412 = tpu.memref_slice %arg12[%dma_wait3A_1403] : memref<4x!tpu.dma_semaphore, #tpu.memory_space<semaphore_mem>> -> memref<1x!tpu.dma_semaphore, #tpu.memory_space<semaphore_mem>>
        %dma_wait3A_1413 = tpu.memref_squeeze %dma_wait3A_1412 : memref<1x!tpu.dma_semaphore, #tpu.memory_space<semaphore_mem>> -> memref<!tpu.dma_semaphore, #tpu.memory_space<semaphore_mem>>
        %dma_wait3A_1414 = arith.constant 0 : i32
        %dma_wait3A_1415 = arith.constant 0 : i32
        %dma_wait3A_1416 = tpu.memref_slice %arg6[%select_n3A_1385, %dma_wait3A_1414, %select_n3A_1401, %dma_wait3A_1415] : memref<128x32x8x128xf32, #tpu.memory_space<hbm>> -> memref<1x32x1x128xf32, #tpu.memory_space<hbm>>
        %dma_wait3A_1417 = tpu.memref_squeeze %dma_wait3A_1416 : memref<1x32x1x128xf32, #tpu.memory_space<hbm>> -> memref<32x128xf32, #tpu.memory_space<hbm>>
        %dma_wait3A_1418 = arith.constant 0 : i32
        %dma_wait3A_1419 = arith.constant 0 : i32
        %dma_wait3A_1420 = tpu.memref_slice %arg8[%dma_wait3A_1402, %dma_wait3A_1418, %dma_wait3A_1419] : memref<4x32x128xf32, #tpu.memory_space<vmem>> -> memref<1x32x128xf32, #tpu.memory_space<vmem>>
        %dma_wait3A_1421 = tpu.memref_squeeze %dma_wait3A_1420 : memref<1x32x128xf32, #tpu.memory_space<vmem>> -> memref<32x128xf32, #tpu.memory_space<vmem>>
        tpu.wait_dma2 semaphore(%dma_wait3A_1413 : memref<!tpu.dma_semaphore, #tpu.memory_space<semaphore_mem>>) src(%dma_wait3A_1421 : memref<32x128xf32, #tpu.memory_space<vmem>>) dst(%dma_wait3A_1417 : memref<32x128xf32, #tpu.memory_space<hbm>>)
      } else {
      }
      %parallel_loop3A_900 = arith.constant 0 : i32
      %parallel_loop3A_901 = arith.constant 32 : i32
      %parallel_loop3A_902 = arith.constant 1 : i32
      scf.for %parallel_loop3A_1298 = %parallel_loop3A_900 to %parallel_loop3A_901 step %parallel_loop3A_902  : i32 {
        %parallel_loop3A_1299 = arith.index_cast %parallel_loop3A_1298 : i32 to index
        %parallel_loop3A_1300 = arith.constant 0 : index
        %parallel_loop3A_1301 = tpu.vector_load %arg9[%parallel_loop3A_1299, %parallel_loop3A_1300] {strides = array<i32>} : memref<32x128xi32, #tpu.memory_space<vmem>>, vector<16xi32>,
        %parallel_loop3A_1302 = arith.constant 7 : i32
        %parallel_loop3A_1303 = vector.broadcast %parallel_loop3A_1302 : i32 to vector<16xi32>
        %parallel_loop3A_1304 = arith.shrsi %parallel_loop3A_1301, %parallel_loop3A_1303 : vector<16xi32>
        %parallel_loop3A_1305 = arith.constant 127 : i32
        %parallel_loop3A_1306 = vector.broadcast %parallel_loop3A_1305 : i32 to vector<16xi32>
        %parallel_loop3A_1307 = arith.andi %parallel_loop3A_1301, %parallel_loop3A_1306 : vector<16xi32>
        %parallel_loop3A_1308 = arith.constant 0 : i32
        %parallel_loop3A_1309 = arith.constant 0 : i32
        %parallel_loop3A_1310 = arith.constant 0 : i32
        %parallel_loop3A_1311 = tpu.memref_slice %arg7[%parallel_loop3A_1308, %parallel_loop3A_1309, %parallel_loop3A_1310] : memref<4x128x128xf32, #tpu.memory_space<vmem>> -> memref<1x128x128xf32, #tpu.memory_space<vmem>>
        %parallel_loop3A_1312 = tpu.memref_squeeze %parallel_loop3A_1311 : memref<1x128x128xf32, #tpu.memory_space<vmem>> -> memref<128x128xf32, #tpu.memory_space<vmem>>
        %parallel_loop3A_1313 = tpu.vector_load_idx %parallel_loop3A_1312[%parallel_loop3A_1304, %parallel_loop3A_1307] : memref<128x128xf32, #tpu.memory_space<vmem>>[vector<16xi32>, vector<16xi32>], vector<16xf32>,
        %parallel_loop3A_1314 = arith.constant 0 : i32
        %parallel_loop3A_1315 = arith.index_cast %parallel_loop3A_1314 : i32 to index
        %parallel_loop3A_1316 = arith.index_cast %parallel_loop3A_1298 : i32 to index
        %parallel_loop3A_1317 = arith.constant 0 : index
        %parallel_loop3A_1318 = tpu.vector_load %arg8[%parallel_loop3A_1315, %parallel_loop3A_1316, %parallel_loop3A_1317] {strides = array<i32>} : memref<4x32x128xf32, #tpu.memory_space<vmem>>, vector<16xf32>,
        tpu.vector_store %arg8[%parallel_loop3A_1315, %parallel_loop3A_1316, %parallel_loop3A_1317], %parallel_loop3A_1313 {strides = array<i32>} : memref<4x32x128xf32, #tpu.memory_space<vmem>>, vector<16xf32>,
        %parallel_loop3A_1319 = arith.constant 1 : i32
        %parallel_loop3A_1320 = arith.constant 0 : i32
        %parallel_loop3A_1321 = arith.constant 0 : i32
        %parallel_loop3A_1322 = tpu.memref_slice %arg7[%parallel_loop3A_1319, %parallel_loop3A_1320, %parallel_loop3A_1321] : memref<4x128x128xf32, #tpu.memory_space<vmem>> -> memref<1x128x128xf32, #tpu.memory_space<vmem>>
        %parallel_loop3A_1323 = tpu.memref_squeeze %parallel_loop3A_1322 : memref<1x128x128xf32, #tpu.memory_space<vmem>> -> memref<128x128xf32, #tpu.memory_space<vmem>>
        %parallel_loop3A_1324 = tpu.vector_load_idx %parallel_loop3A_1323[%parallel_loop3A_1304, %parallel_loop3A_1307] : memref<128x128xf32, #tpu.memory_space<vmem>>[vector<16xi32>, vector<16xi32>], vector<16xf32>,
        %parallel_loop3A_1325 = arith.constant 1 : i32
        %parallel_loop3A_1326 = arith.index_cast %parallel_loop3A_1325 : i32 to index
        %parallel_loop3A_1327 = arith.index_cast %parallel_loop3A_1298 : i32 to index
        %parallel_loop3A_1328 = arith.constant 0 : index
        %parallel_loop3A_1329 = tpu.vector_load %arg8[%parallel_loop3A_1326, %parallel_loop3A_1327, %parallel_loop3A_1328] {strides = array<i32>} : memref<4x32x128xf32, #tpu.memory_space<vmem>>, vector<16xf32>,
        tpu.vector_store %arg8[%parallel_loop3A_1326, %parallel_loop3A_1327, %parallel_loop3A_1328], %parallel_loop3A_1324 {strides = array<i32>} : memref<4x32x128xf32, #tpu.memory_space<vmem>>, vector<16xf32>,
        %parallel_loop3A_1330 = arith.index_cast %parallel_loop3A_1298 : i32 to index
        %parallel_loop3A_1331 = arith.constant 16 : index
        %parallel_loop3A_1332 = tpu.vector_load %arg9[%parallel_loop3A_1330, %parallel_loop3A_1331] {strides = array<i32>} : memref<32x128xi32, #tpu.memory_space<vmem>>, vector<16xi32>,
        %parallel_loop3A_1333 = arith.constant 7 : i32
        %parallel_loop3A_1334 = vector.broadcast %parallel_loop3A_1333 : i32 to vector<16xi32>
        %parallel_loop3A_1335 = arith.shrsi %parallel_loop3A_1332, %parallel_loop3A_1334 : vector<16xi32>
        %parallel_loop3A_1336 = arith.constant 127 : i32
        %parallel_loop3A_1337 = vector.broadcast %parallel_loop3A_1336 : i32 to vector<16xi32>
        %parallel_loop3A_1338 = arith.andi %parallel_loop3A_1332, %parallel_loop3A_1337 : vector<16xi32>
        %parallel_loop3A_1339 = arith.constant 0 : i32
        %parallel_loop3A_1340 = arith.constant 0 : i32
        %parallel_loop3A_1341 = arith.constant 0 : i32
        %parallel_loop3A_1342 = tpu.memref_slice %arg7[%parallel_loop3A_1339, %parallel_loop3A_1340, %parallel_loop3A_1341] : memref<4x128x128xf32, #tpu.memory_space<vmem>> -> memref<1x128x128xf32, #tpu.memory_space<vmem>>
        %parallel_loop3A_1343 = tpu.memref_squeeze %parallel_loop3A_1342 : memref<1x128x128xf32, #tpu.memory_space<vmem>> -> memref<128x128xf32, #tpu.memory_space<vmem>>
        %parallel_loop3A_1344 = tpu.vector_load_idx %parallel_loop3A_1343[%parallel_loop3A_1335, %parallel_loop3A_1338] : memref<128x128xf32, #tpu.memory_space<vmem>>[vector<16xi32>, vector<16xi32>], vector<16xf32>,
        %parallel_loop3A_1345 = arith.constant 0 : i32
        %parallel_loop3A_1346 = arith.index_cast %parallel_loop3A_1345 : i32 to index
        %parallel_loop3A_1347 = arith.index_cast %parallel_loop3A_1298 : i32 to index
        %parallel_loop3A_1348 = arith.constant 16 : index
        %parallel_loop3A_1349 = tpu.vector_load %arg8[%parallel_loop3A_1346, %parallel_loop3A_1347, %parallel_loop3A_1348] {strides = array<i32>} : memref<4x32x128xf32, #tpu.memory_space<vmem>>, vector<16xf32>,
        tpu.vector_store %arg8[%parallel_loop3A_1346, %parallel_loop3A_1347, %parallel_loop3A_1348], %parallel_loop3A_1344 {strides = array<i32>} : memref<4x32x128xf32, #tpu.memory_space<vmem>>, vector<16xf32>,
        %parallel_loop3A_1350 = arith.constant 1 : i32
        %parallel_loop3A_1351 = arith.constant 0 : i32
        %parallel_loop3A_1352 = arith.constant 0 : i32
        %parallel_loop3A_1353 = tpu.memref_slice %arg7[%parallel_loop3A_1350, %parallel_loop3A_1351, %parallel_loop3A_1352] : memref<4x128x128xf32, #tpu.memory_space<vmem>> -> memref<1x128x128xf32, #tpu.memory_space<vmem>>
        %parallel_loop3A_1354 = tpu.memref_squeeze %parallel_loop3A_1353 : memref<1x128x128xf32, #tpu.memory_space<vmem>> -> memref<128x128xf32, #tpu.memory_space<vmem>>
        %parallel_loop3A_1355 = tpu.vector_load_idx %parallel_loop3A_1354[%parallel_loop3A_1335, %parallel_loop3A_1338] : memref<128x128xf32, #tpu.memory_space<vmem>>[vector<16xi32>, vector<16xi32>], vector<16xf32>,
        %parallel_loop3A_1356 = arith.constant 1 : i32
        %parallel_loop3A_1357 = arith.index_cast %parallel_loop3A_1356 : i32 to index
        %parallel_loop3A_1358 = arith.index_cast %parallel_loop3A_1298 : i32 to index
        %parallel_loop3A_1359 = arith.constant 16 : index
        %parallel_loop3A_1360 = tpu.vector_load %arg8[%parallel_loop3A_1357, %parallel_loop3A_1358, %parallel_loop3A_1359] {strides = array<i32>} : memref<4x32x128xf32, #tpu.memory_space<vmem>>, vector<16xf32>,
        tpu.vector_store %arg8[%parallel_loop3A_1357, %parallel_loop3A_1358, %parallel_loop3A_1359], %parallel_loop3A_1355 {strides = array<i32>} : memref<4x32x128xf32, #tpu.memory_space<vmem>>, vector<16xf32>,
        %parallel_loop3A_1361 = arith.index_cast %parallel_loop3A_1298 : i32 to index
        %parallel_loop3A_1362 = arith.constant 32 : index
        %parallel_loop3A_1363 = tpu.vector_load %arg9[%parallel_loop3A_1361, %parallel_loop3A_1362] {strides = array<i32>} : memref<32x128xi32, #tpu.memory_space<vmem>>, vector<16xi32>,
        %parallel_loop3A_1364 = arith.constant 7 : i32
        %parallel_loop3A_1365 = vector.broadcast %parallel_loop3A_1364 : i32 to vector<16xi32>
        %parallel_loop3A_1366 = arith.shrsi %parallel_loop3A_1363, %parallel_loop3A_1365 : vector<16xi32>
        %parallel_loop3A_1367 = arith.constant 127 : i32
        %parallel_loop3A_1368 = vector.broadcast %parallel_loop3A_1367 : i32 to vector<16xi32>
        %parallel_loop3A_1369 = arith.andi %parallel_loop3A_1363, %parallel_loop3A_1368 : vector<16xi32>
        %parallel_loop3A_1370 = arith.constant 0 : i32
        %parallel_loop3A_1371 = arith.constant 0 : i32
        %parallel_loop3A_1372 = arith.constant 0 : i32
        %parallel_loop3A_1373 = tpu.memref_slice %arg7[%parallel_loop3A_1370, %parallel_loop3A_1371, %parallel_loop3A_1372] : memref<4x128x128xf32, #tpu.memory_space<vmem>> -> memref<1x128x128xf32, #tpu.memory_space<vmem>>
        %parallel_loop3A_1374 = tpu.memref_squeeze %parallel_loop3A_1373 : memref<1x128x128xf32, #tpu.memory_space<vmem>> -> memref<128x128xf32, #tpu.memory_space<vmem>>
        %parallel_loop3A_1375 = tpu.vector_load_idx %parallel_loop3A_1374[%parallel_loop3A_1366, %parallel_loop3A_1369] : memref<128x128xf32, #tpu.memory_space<vmem>>[vector<16xi32>, vector<16xi32>], vector<16xf32>,
        %parallel_loop3A_1376 = arith.constant 0 : i32
        %parallel_loop3A_1377 = arith.index_cast %parallel_loop3A_1376 : i32 to index
        %parallel_loop3A_1378 = arith.index_cast %parallel_loop3A_1298 : i32 to index
        %parallel_loop3A_1379 = arith.constant 32 : index
        %parallel_loop3A_1380 = tpu.vector_load %arg8[%parallel_loop3A_1377, %parallel_loop3A_1378, %parallel_loop3A_1379] {strides = array<i32>} : memref<4x32x128xf32, #tpu.memory_space<vmem>>, vector<16xf32>,
        tpu.vector_store %arg8[%parallel_loop3A_1377, %parallel_loop3A_1378, %parallel_loop3A_1379], %parallel_loop3A_1375 {strides = array<i32>} : memref<4x32x128xf32, #tpu.memory_space<vmem>>, vector<16xf32>,
        %parallel_loop3A_1381 = arith.constant 1 : i32
        %parallel_loop3A_1382 = arith.constant 0 : i32
        %parallel_loop3A_1383 = arith.constant 0 : i32
        %parallel_loop3A_1384 = tpu.memref_slice %arg7[%parallel_loop3A_1381, %parallel_loop3A_1382, %parallel_loop3A_1383] : memref<4x128x128xf32, #tpu.memory_space<vmem>> -> memref<1x128x128xf32, #tpu.memory_space<vmem>>
        %parallel_loop3A_1385 = tpu.memref_squeeze %parallel_loop3A_1384 : memref<1x128x128xf32, #tpu.memory_space<vmem>> -> memref<128x128xf32, #tpu.memory_space<vmem>>
        %parallel_loop3A_1386 = tpu.vector_load_idx %parallel_loop3A_1385[%parallel_loop3A_1366, %parallel_loop3A_1369] : memref<128x128xf32, #tpu.memory_space<vmem>>[vector<16xi32>, vector<16xi32>], vector<16xf32>,
        %parallel_loop3A_1387 = arith.constant 1 : i32
        %parallel_loop3A_1388 = arith.index_cast %parallel_loop3A_1387 : i32 to index
        %parallel_loop3A_1389 = arith.index_cast %parallel_loop3A_1298 : i32 to index
        %parallel_loop3A_1390 = arith.constant 32 : index
        %parallel_loop3A_1391 = tpu.vector_load %arg8[%parallel_loop3A_1388, %parallel_loop3A_1389, %parallel_loop3A_1390] {strides = array<i32>} : memref<4x32x128xf32, #tpu.memory_space<vmem>>, vector<16xf32>,
        tpu.vector_store %arg8[%parallel_loop3A_1388, %parallel_loop3A_1389, %parallel_loop3A_1390], %parallel_loop3A_1386 {strides = array<i32>} : memref<4x32x128xf32, #tpu.memory_space<vmem>>, vector<16xf32>,
        %parallel_loop3A_1392 = arith.index_cast %parallel_loop3A_1298 : i32 to index
        %parallel_loop3A_1393 = arith.constant 48 : index
        %parallel_loop3A_1394 = tpu.vector_load %arg9[%parallel_loop3A_1392, %parallel_loop3A_1393] {strides = array<i32>} : memref<32x128xi32, #tpu.memory_space<vmem>>, vector<16xi32>,
        %parallel_loop3A_1395 = arith.constant 7 : i32
        %parallel_loop3A_1396 = vector.broadcast %parallel_loop3A_1395 : i32 to vector<16xi32>
        %parallel_loop3A_1397 = arith.shrsi %parallel_loop3A_1394, %parallel_loop3A_1396 : vector<16xi32>
        %parallel_loop3A_1398 = arith.constant 127 : i32
        %parallel_loop3A_1399 = vector.broadcast %parallel_loop3A_1398 : i32 to vector<16xi32>
        %parallel_loop3A_1400 = arith.andi %parallel_loop3A_1394, %parallel_loop3A_1399 : vector<16xi32>
        %parallel_loop3A_1401 = arith.constant 0 : i32
        %parallel_loop3A_1402 = arith.constant 0 : i32
        %parallel_loop3A_1403 = arith.constant 0 : i32
        %parallel_loop3A_1404 = tpu.memref_slice %arg7[%parallel_loop3A_1401, %parallel_loop3A_1402, %parallel_loop3A_1403] : memref<4x128x128xf32, #tpu.memory_space<vmem>> -> memref<1x128x128xf32, #tpu.memory_space<vmem>>
        %parallel_loop3A_1405 = tpu.memref_squeeze %parallel_loop3A_1404 : memref<1x128x128xf32, #tpu.memory_space<vmem>> -> memref<128x128xf32, #tpu.memory_space<vmem>>
        %parallel_loop3A_1406 = tpu.vector_load_idx %parallel_loop3A_1405[%parallel_loop3A_1397, %parallel_loop3A_1400] : memref<128x128xf32, #tpu.memory_space<vmem>>[vector<16xi32>, vector<16xi32>], vector<16xf32>,
        %parallel_loop3A_1407 = arith.constant 0 : i32
        %parallel_loop3A_1408 = arith.index_cast %parallel_loop3A_1407 : i32 to index
        %parallel_loop3A_1409 = arith.index_cast %parallel_loop3A_1298 : i32 to index
        %parallel_loop3A_1410 = arith.constant 48 : index
        %parallel_loop3A_1411 = tpu.vector_load %arg8[%parallel_loop3A_1408, %parallel_loop3A_1409, %parallel_loop3A_1410] {strides = array<i32>} : memref<4x32x128xf32, #tpu.memory_space<vmem>>, vector<16xf32>,
        tpu.vector_store %arg8[%parallel_loop3A_1408, %parallel_loop3A_1409, %parallel_loop3A_1410], %parallel_loop3A_1406 {strides = array<i32>} : memref<4x32x128xf32, #tpu.memory_space<vmem>>, vector<16xf32>,
        %parallel_loop3A_1412 = arith.constant 1 : i32
        %parallel_loop3A_1413 = arith.constant 0 : i32
        %parallel_loop3A_1414 = arith.constant 0 : i32
        %parallel_loop3A_1415 = tpu.memref_slice %arg7[%parallel_loop3A_1412, %parallel_loop3A_1413, %parallel_loop3A_1414] : memref<4x128x128xf32, #tpu.memory_space<vmem>> -> memref<1x128x128xf32, #tpu.memory_space<vmem>>
        %parallel_loop3A_1416 = tpu.memref_squeeze %parallel_loop3A_1415 : memref<1x128x128xf32, #tpu.memory_space<vmem>> -> memref<128x128xf32, #tpu.memory_space<vmem>>
        %parallel_loop3A_1417 = tpu.vector_load_idx %parallel_loop3A_1416[%parallel_loop3A_1397, %parallel_loop3A_1400] : memref<128x128xf32, #tpu.memory_space<vmem>>[vector<16xi32>, vector<16xi32>], vector<16xf32>,
        %parallel_loop3A_1418 = arith.constant 1 : i32
        %parallel_loop3A_1419 = arith.index_cast %parallel_loop3A_1418 : i32 to index
        %parallel_loop3A_1420 = arith.index_cast %parallel_loop3A_1298 : i32 to index
        %parallel_loop3A_1421 = arith.constant 48 : index
        %parallel_loop3A_1422 = tpu.vector_load %arg8[%parallel_loop3A_1419, %parallel_loop3A_1420, %parallel_loop3A_1421] {strides = array<i32>} : memref<4x32x128xf32, #tpu.memory_space<vmem>>, vector<16xf32>,
        tpu.vector_store %arg8[%parallel_loop3A_1419, %parallel_loop3A_1420, %parallel_loop3A_1421], %parallel_loop3A_1417 {strides = array<i32>} : memref<4x32x128xf32, #tpu.memory_space<vmem>>, vector<16xf32>,
        %parallel_loop3A_1423 = arith.index_cast %parallel_loop3A_1298 : i32 to index
        %parallel_loop3A_1424 = arith.constant 64 : index
        %parallel_loop3A_1425 = tpu.vector_load %arg9[%parallel_loop3A_1423, %parallel_loop3A_1424] {strides = array<i32>} : memref<32x128xi32, #tpu.memory_space<vmem>>, vector<16xi32>,
        %parallel_loop3A_1426 = arith.constant 7 : i32
        %parallel_loop3A_1427 = vector.broadcast %parallel_loop3A_1426 : i32 to vector<16xi32>
        %parallel_loop3A_1428 = arith.shrsi %parallel_loop3A_1425, %parallel_loop3A_1427 : vector<16xi32>
        %parallel_loop3A_1429 = arith.constant 127 : i32
        %parallel_loop3A_1430 = vector.broadcast %parallel_loop3A_1429 : i32 to vector<16xi32>
        %parallel_loop3A_1431 = arith.andi %parallel_loop3A_1425, %parallel_loop3A_1430 : vector<16xi32>
        %parallel_loop3A_1432 = arith.constant 0 : i32
        %parallel_loop3A_1433 = arith.constant 0 : i32
        %parallel_loop3A_1434 = arith.constant 0 : i32
        %parallel_loop3A_1435 = tpu.memref_slice %arg7[%parallel_loop3A_1432, %parallel_loop3A_1433, %parallel_loop3A_1434] : memref<4x128x128xf32, #tpu.memory_space<vmem>> -> memref<1x128x128xf32, #tpu.memory_space<vmem>>
        %parallel_loop3A_1436 = tpu.memref_squeeze %parallel_loop3A_1435 : memref<1x128x128xf32, #tpu.memory_space<vmem>> -> memref<128x128xf32, #tpu.memory_space<vmem>>
        %parallel_loop3A_1437 = tpu.vector_load_idx %parallel_loop3A_1436[%parallel_loop3A_1428, %parallel_loop3A_1431] : memref<128x128xf32, #tpu.memory_space<vmem>>[vector<16xi32>, vector<16xi32>], vector<16xf32>,
        %parallel_loop3A_1438 = arith.constant 0 : i32
        %parallel_loop3A_1439 = arith.index_cast %parallel_loop3A_1438 : i32 to index
        %parallel_loop3A_1440 = arith.index_cast %parallel_loop3A_1298 : i32 to index
        %parallel_loop3A_1441 = arith.constant 64 : index
        %parallel_loop3A_1442 = tpu.vector_load %arg8[%parallel_loop3A_1439, %parallel_loop3A_1440, %parallel_loop3A_1441] {strides = array<i32>} : memref<4x32x128xf32, #tpu.memory_space<vmem>>, vector<16xf32>,
        tpu.vector_store %arg8[%parallel_loop3A_1439, %parallel_loop3A_1440, %parallel_loop3A_1441], %parallel_loop3A_1437 {strides = array<i32>} : memref<4x32x128xf32, #tpu.memory_space<vmem>>, vector<16xf32>,
        %parallel_loop3A_1443 = arith.constant 1 : i32
        %parallel_loop3A_1444 = arith.constant 0 : i32
        %parallel_loop3A_1445 = arith.constant 0 : i32
        %parallel_loop3A_1446 = tpu.memref_slice %arg7[%parallel_loop3A_1443, %parallel_loop3A_1444, %parallel_loop3A_1445] : memref<4x128x128xf32, #tpu.memory_space<vmem>> -> memref<1x128x128xf32, #tpu.memory_space<vmem>>
        %parallel_loop3A_1447 = tpu.memref_squeeze %parallel_loop3A_1446 : memref<1x128x128xf32, #tpu.memory_space<vmem>> -> memref<128x128xf32, #tpu.memory_space<vmem>>
        %parallel_loop3A_1448 = tpu.vector_load_idx %parallel_loop3A_1447[%parallel_loop3A_1428, %parallel_loop3A_1431] : memref<128x128xf32, #tpu.memory_space<vmem>>[vector<16xi32>, vector<16xi32>], vector<16xf32>,
        %parallel_loop3A_1449 = arith.constant 1 : i32
        %parallel_loop3A_1450 = arith.index_cast %parallel_loop3A_1449 : i32 to index
        %parallel_loop3A_1451 = arith.index_cast %parallel_loop3A_1298 : i32 to index
        %parallel_loop3A_1452 = arith.constant 64 : index
        %parallel_loop3A_1453 = tpu.vector_load %arg8[%parallel_loop3A_1450, %parallel_loop3A_1451, %parallel_loop3A_1452] {strides = array<i32>} : memref<4x32x128xf32, #tpu.memory_space<vmem>>, vector<16xf32>,
        tpu.vector_store %arg8[%parallel_loop3A_1450, %parallel_loop3A_1451, %parallel_loop3A_1452], %parallel_loop3A_1448 {strides = array<i32>} : memref<4x32x128xf32, #tpu.memory_space<vmem>>, vector<16xf32>,
        %parallel_loop3A_1454 = arith.index_cast %parallel_loop3A_1298 : i32 to index
        %parallel_loop3A_1455 = arith.constant 80 : index
        %parallel_loop3A_1456 = tpu.vector_load %arg9[%parallel_loop3A_1454, %parallel_loop3A_1455] {strides = array<i32>} : memref<32x128xi32, #tpu.memory_space<vmem>>, vector<16xi32>,
        %parallel_loop3A_1457 = arith.constant 7 : i32
        %parallel_loop3A_1458 = vector.broadcast %parallel_loop3A_1457 : i32 to vector<16xi32>
        %parallel_loop3A_1459 = arith.shrsi %parallel_loop3A_1456, %parallel_loop3A_1458 : vector<16xi32>
        %parallel_loop3A_1460 = arith.constant 127 : i32
        %parallel_loop3A_1461 = vector.broadcast %parallel_loop3A_1460 : i32 to vector<16xi32>
        %parallel_loop3A_1462 = arith.andi %parallel_loop3A_1456, %parallel_loop3A_1461 : vector<16xi32>
        %parallel_loop3A_1463 = arith.constant 0 : i32
        %parallel_loop3A_1464 = arith.constant 0 : i32
        %parallel_loop3A_1465 = arith.constant 0 : i32
        %parallel_loop3A_1466 = tpu.memref_slice %arg7[%parallel_loop3A_1463, %parallel_loop3A_1464, %parallel_loop3A_1465] : memref<4x128x128xf32, #tpu.memory_space<vmem>> -> memref<1x128x128xf32, #tpu.memory_space<vmem>>
        %parallel_loop3A_1467 = tpu.memref_squeeze %parallel_loop3A_1466 : memref<1x128x128xf32, #tpu.memory_space<vmem>> -> memref<128x128xf32, #tpu.memory_space<vmem>>
        %parallel_loop3A_1468 = tpu.vector_load_idx %parallel_loop3A_1467[%parallel_loop3A_1459, %parallel_loop3A_1462] : memref<128x128xf32, #tpu.memory_space<vmem>>[vector<16xi32>, vector<16xi32>], vector<16xf32>,
        %parallel_loop3A_1469 = arith.constant 0 : i32
        %parallel_loop3A_1470 = arith.index_cast %parallel_loop3A_1469 : i32 to index
        %parallel_loop3A_1471 = arith.index_cast %parallel_loop3A_1298 : i32 to index
        %parallel_loop3A_1472 = arith.constant 80 : index
        %parallel_loop3A_1473 = tpu.vector_load %arg8[%parallel_loop3A_1470, %parallel_loop3A_1471, %parallel_loop3A_1472] {strides = array<i32>} : memref<4x32x128xf32, #tpu.memory_space<vmem>>, vector<16xf32>,
        tpu.vector_store %arg8[%parallel_loop3A_1470, %parallel_loop3A_1471, %parallel_loop3A_1472], %parallel_loop3A_1468 {strides = array<i32>} : memref<4x32x128xf32, #tpu.memory_space<vmem>>, vector<16xf32>,
        %parallel_loop3A_1474 = arith.constant 1 : i32
        %parallel_loop3A_1475 = arith.constant 0 : i32
        %parallel_loop3A_1476 = arith.constant 0 : i32
        %parallel_loop3A_1477 = tpu.memref_slice %arg7[%parallel_loop3A_1474, %parallel_loop3A_1475, %parallel_loop3A_1476] : memref<4x128x128xf32, #tpu.memory_space<vmem>> -> memref<1x128x128xf32, #tpu.memory_space<vmem>>
        %parallel_loop3A_1478 = tpu.memref_squeeze %parallel_loop3A_1477 : memref<1x128x128xf32, #tpu.memory_space<vmem>> -> memref<128x128xf32, #tpu.memory_space<vmem>>
        %parallel_loop3A_1479 = tpu.vector_load_idx %parallel_loop3A_1478[%parallel_loop3A_1459, %parallel_loop3A_1462] : memref<128x128xf32, #tpu.memory_space<vmem>>[vector<16xi32>, vector<16xi32>], vector<16xf32>,
        %parallel_loop3A_1480 = arith.constant 1 : i32
        %parallel_loop3A_1481 = arith.index_cast %parallel_loop3A_1480 : i32 to index
        %parallel_loop3A_1482 = arith.index_cast %parallel_loop3A_1298 : i32 to index
        %parallel_loop3A_1483 = arith.constant 80 : index
        %parallel_loop3A_1484 = tpu.vector_load %arg8[%parallel_loop3A_1481, %parallel_loop3A_1482, %parallel_loop3A_1483] {strides = array<i32>} : memref<4x32x128xf32, #tpu.memory_space<vmem>>, vector<16xf32>,
        tpu.vector_store %arg8[%parallel_loop3A_1481, %parallel_loop3A_1482, %parallel_loop3A_1483], %parallel_loop3A_1479 {strides = array<i32>} : memref<4x32x128xf32, #tpu.memory_space<vmem>>, vector<16xf32>,
        %parallel_loop3A_1485 = arith.index_cast %parallel_loop3A_1298 : i32 to index
        %parallel_loop3A_1486 = arith.constant 96 : index
        %parallel_loop3A_1487 = tpu.vector_load %arg9[%parallel_loop3A_1485, %parallel_loop3A_1486] {strides = array<i32>} : memref<32x128xi32, #tpu.memory_space<vmem>>, vector<16xi32>,
        %parallel_loop3A_1488 = arith.constant 7 : i32
        %parallel_loop3A_1489 = vector.broadcast %parallel_loop3A_1488 : i32 to vector<16xi32>
        %parallel_loop3A_1490 = arith.shrsi %parallel_loop3A_1487, %parallel_loop3A_1489 : vector<16xi32>
        %parallel_loop3A_1491 = arith.constant 127 : i32
        %parallel_loop3A_1492 = vector.broadcast %parallel_loop3A_1491 : i32 to vector<16xi32>
        %parallel_loop3A_1493 = arith.andi %parallel_loop3A_1487, %parallel_loop3A_1492 : vector<16xi32>
        %parallel_loop3A_1494 = arith.constant 0 : i32
        %parallel_loop3A_1495 = arith.constant 0 : i32
        %parallel_loop3A_1496 = arith.constant 0 : i32
        %parallel_loop3A_1497 = tpu.memref_slice %arg7[%parallel_loop3A_1494, %parallel_loop3A_1495, %parallel_loop3A_1496] : memref<4x128x128xf32, #tpu.memory_space<vmem>> -> memref<1x128x128xf32, #tpu.memory_space<vmem>>
        %parallel_loop3A_1498 = tpu.memref_squeeze %parallel_loop3A_1497 : memref<1x128x128xf32, #tpu.memory_space<vmem>> -> memref<128x128xf32, #tpu.memory_space<vmem>>
        %parallel_loop3A_1499 = tpu.vector_load_idx %parallel_loop3A_1498[%parallel_loop3A_1490, %parallel_loop3A_1493] : memref<128x128xf32, #tpu.memory_space<vmem>>[vector<16xi32>, vector<16xi32>], vector<16xf32>,
        %parallel_loop3A_1500 = arith.constant 0 : i32
        %parallel_loop3A_1501 = arith.index_cast %parallel_loop3A_1500 : i32 to index
        %parallel_loop3A_1502 = arith.index_cast %parallel_loop3A_1298 : i32 to index
        %parallel_loop3A_1503 = arith.constant 96 : index
        %parallel_loop3A_1504 = tpu.vector_load %arg8[%parallel_loop3A_1501, %parallel_loop3A_1502, %parallel_loop3A_1503] {strides = array<i32>} : memref<4x32x128xf32, #tpu.memory_space<vmem>>, vector<16xf32>,
        tpu.vector_store %arg8[%parallel_loop3A_1501, %parallel_loop3A_1502, %parallel_loop3A_1503], %parallel_loop3A_1499 {strides = array<i32>} : memref<4x32x128xf32, #tpu.memory_space<vmem>>, vector<16xf32>,
        %parallel_loop3A_1505 = arith.constant 1 : i32
        %parallel_loop3A_1506 = arith.constant 0 : i32
        %parallel_loop3A_1507 = arith.constant 0 : i32
        %parallel_loop3A_1508 = tpu.memref_slice %arg7[%parallel_loop3A_1505, %parallel_loop3A_1506, %parallel_loop3A_1507] : memref<4x128x128xf32, #tpu.memory_space<vmem>> -> memref<1x128x128xf32, #tpu.memory_space<vmem>>
        %parallel_loop3A_1509 = tpu.memref_squeeze %parallel_loop3A_1508 : memref<1x128x128xf32, #tpu.memory_space<vmem>> -> memref<128x128xf32, #tpu.memory_space<vmem>>
        %parallel_loop3A_1510 = tpu.vector_load_idx %parallel_loop3A_1509[%parallel_loop3A_1490, %parallel_loop3A_1493] : memref<128x128xf32, #tpu.memory_space<vmem>>[vector<16xi32>, vector<16xi32>], vector<16xf32>,
        %parallel_loop3A_1511 = arith.constant 1 : i32
        %parallel_loop3A_1512 = arith.index_cast %parallel_loop3A_1511 : i32 to index
        %parallel_loop3A_1513 = arith.index_cast %parallel_loop3A_1298 : i32 to index
        %parallel_loop3A_1514 = arith.constant 96 : index
        %parallel_loop3A_1515 = tpu.vector_load %arg8[%parallel_loop3A_1512, %parallel_loop3A_1513, %parallel_loop3A_1514] {strides = array<i32>} : memref<4x32x128xf32, #tpu.memory_space<vmem>>, vector<16xf32>,
        tpu.vector_store %arg8[%parallel_loop3A_1512, %parallel_loop3A_1513, %parallel_loop3A_1514], %parallel_loop3A_1510 {strides = array<i32>} : memref<4x32x128xf32, #tpu.memory_space<vmem>>, vector<16xf32>,
        %parallel_loop3A_1516 = arith.index_cast %parallel_loop3A_1298 : i32 to index
        %parallel_loop3A_1517 = arith.constant 112 : index
        %parallel_loop3A_1518 = tpu.vector_load %arg9[%parallel_loop3A_1516, %parallel_loop3A_1517] {strides = array<i32>} : memref<32x128xi32, #tpu.memory_space<vmem>>, vector<16xi32>,
        %parallel_loop3A_1519 = arith.constant 7 : i32
        %parallel_loop3A_1520 = vector.broadcast %parallel_loop3A_1519 : i32 to vector<16xi32>
        %parallel_loop3A_1521 = arith.shrsi %parallel_loop3A_1518, %parallel_loop3A_1520 : vector<16xi32>
        %parallel_loop3A_1522 = arith.constant 127 : i32
        %parallel_loop3A_1523 = vector.broadcast %parallel_loop3A_1522 : i32 to vector<16xi32>
        %parallel_loop3A_1524 = arith.andi %parallel_loop3A_1518, %parallel_loop3A_1523 : vector<16xi32>
        %parallel_loop3A_1525 = arith.constant 0 : i32
        %parallel_loop3A_1526 = arith.constant 0 : i32
        %parallel_loop3A_1527 = arith.constant 0 : i32
        %parallel_loop3A_1528 = tpu.memref_slice %arg7[%parallel_loop3A_1525, %parallel_loop3A_1526, %parallel_loop3A_1527] : memref<4x128x128xf32, #tpu.memory_space<vmem>> -> memref<1x128x128xf32, #tpu.memory_space<vmem>>
        %parallel_loop3A_1529 = tpu.memref_squeeze %parallel_loop3A_1528 : memref<1x128x128xf32, #tpu.memory_space<vmem>> -> memref<128x128xf32, #tpu.memory_space<vmem>>
        %parallel_loop3A_1530 = tpu.vector_load_idx %parallel_loop3A_1529[%parallel_loop3A_1521, %parallel_loop3A_1524] : memref<128x128xf32, #tpu.memory_space<vmem>>[vector<16xi32>, vector<16xi32>], vector<16xf32>,
        %parallel_loop3A_1531 = arith.constant 0 : i32
        %parallel_loop3A_1532 = arith.index_cast %parallel_loop3A_1531 : i32 to index
        %parallel_loop3A_1533 = arith.index_cast %parallel_loop3A_1298 : i32 to index
        %parallel_loop3A_1534 = arith.constant 112 : index
        %parallel_loop3A_1535 = tpu.vector_load %arg8[%parallel_loop3A_1532, %parallel_loop3A_1533, %parallel_loop3A_1534] {strides = array<i32>} : memref<4x32x128xf32, #tpu.memory_space<vmem>>, vector<16xf32>,
        tpu.vector_store %arg8[%parallel_loop3A_1532, %parallel_loop3A_1533, %parallel_loop3A_1534], %parallel_loop3A_1530 {strides = array<i32>} : memref<4x32x128xf32, #tpu.memory_space<vmem>>, vector<16xf32>,
        %parallel_loop3A_1536 = arith.constant 1 : i32
        %parallel_loop3A_1537 = arith.constant 0 : i32
        %parallel_loop3A_1538 = arith.constant 0 : i32
        %parallel_loop3A_1539 = tpu.memref_slice %arg7[%parallel_loop3A_1536, %parallel_loop3A_1537, %parallel_loop3A_1538] : memref<4x128x128xf32, #tpu.memory_space<vmem>> -> memref<1x128x128xf32, #tpu.memory_space<vmem>>
        %parallel_loop3A_1540 = tpu.memref_squeeze %parallel_loop3A_1539 : memref<1x128x128xf32, #tpu.memory_space<vmem>> -> memref<128x128xf32, #tpu.memory_space<vmem>>
        %parallel_loop3A_1541 = tpu.vector_load_idx %parallel_loop3A_1540[%parallel_loop3A_1521, %parallel_loop3A_1524] : memref<128x128xf32, #tpu.memory_space<vmem>>[vector<16xi32>, vector<16xi32>], vector<16xf32>,
        %parallel_loop3A_1542 = arith.constant 1 : i32
        %parallel_loop3A_1543 = arith.index_cast %parallel_loop3A_1542 : i32 to index
        %parallel_loop3A_1544 = arith.index_cast %parallel_loop3A_1298 : i32 to index
        %parallel_loop3A_1545 = arith.constant 112 : index
        %parallel_loop3A_1546 = tpu.vector_load %arg8[%parallel_loop3A_1543, %parallel_loop3A_1544, %parallel_loop3A_1545] {strides = array<i32>} : memref<4x32x128xf32, #tpu.memory_space<vmem>>, vector<16xf32>,
        tpu.vector_store %arg8[%parallel_loop3A_1543, %parallel_loop3A_1544, %parallel_loop3A_1545], %parallel_loop3A_1541 {strides = array<i32>} : memref<4x32x128xf32, #tpu.memory_space<vmem>>, vector<16xf32>,
      } {sc.loop_unroll_factor = 4 : i64, sc.parallel_access}
      %jit3A_903 = arith.constant 8 : i32
      %div3A_904 = arith.divsi %add3A_775, %jit3A_903 : i32
      %sign3A_905 = arith.constant 0 : i32
      %sign3A_906 = arith.cmpi sgt, %add3A_775, %sign3A_905 : i32
      %sign3A_907 = arith.extui %sign3A_906 : i1 to i32
      %sign3A_908 = arith.constant 0 : i32
      %sign3A_909 = arith.cmpi slt, %add3A_775, %sign3A_908 : i32
      %sign3A_910 = arith.extui %sign3A_909 : i1 to i32
      %sign3A_911 = arith.subi %sign3A_907, %sign3A_910 : i32
      %sign3A_912 = arith.constant 0 : i32
      %sign3A_913 = arith.cmpi sgt, %jit3A_903, %sign3A_912 : i32
      %sign3A_914 = arith.extui %sign3A_913 : i1 to i32
      %sign3A_915 = arith.constant 0 : i32
      %sign3A_916 = arith.cmpi slt, %jit3A_903, %sign3A_915 : i32
      %sign3A_917 = arith.extui %sign3A_916 : i1 to i32
      %sign3A_918 = arith.subi %sign3A_914, %sign3A_917 : i32
      %ne3A_919 = arith.cmpi ne, %sign3A_911, %sign3A_918 : i32
      %rem3A_920 = arith.remsi %add3A_775, %jit3A_903 : i32
      %ne3A_921 = arith.constant 0 : i32
      %ne3A_922 = arith.cmpi ne, %rem3A_920, %ne3A_921 : i32
      %and3A_923 = arith.andi %ne3A_919, %ne3A_922 : i1
      %sub3A_924 = arith.constant 1 : i32
      %sub3A_925 = arith.subi %div3A_904, %sub3A_924 : i32
      %select_n3A_926 = arith.select %and3A_923, %sub3A_925, %div3A_904 : i32
      %jit3A_927 = arith.constant 8 : i32
      %eq3A_928 = arith.constant 0 : i32
      %eq3A_929 = arith.cmpi eq, %jit3A_927, %eq3A_928 : i32
      %jit3A_930 = arith.constant 1 : i32
      %select_n3A_931 = arith.select %eq3A_929, %jit3A_930, %jit3A_927 : i32
      %rem3A_932 = arith.remsi %add3A_775, %select_n3A_931 : i32
      %ne3A_933 = arith.constant 0 : i32
      %ne3A_934 = arith.cmpi ne, %rem3A_932, %ne3A_933 : i32
      %lt3A_935 = arith.constant 0 : i32
      %lt3A_936 = arith.cmpi slt, %rem3A_932, %lt3A_935 : i32
      %lt3A_937 = arith.constant 0 : i32
      %lt3A_938 = arith.cmpi slt, %select_n3A_931, %lt3A_937 : i32
      %ne3A_939 = arith.xori %lt3A_936, %lt3A_938 : i1
      %and3A_940 = arith.andi %ne3A_939, %ne3A_934 : i1
      %add3A_941 = arith.addi %rem3A_932, %select_n3A_931 : i32
      %select_n3A_942 = arith.select %and3A_940, %add3A_941, %rem3A_932 : i32
      %dma_start3A_943 = arith.constant 0 : i32
      %dma_start3A_944 = arith.constant 0 : i32
      %dma_start3A_945 = arith.constant 0 : i32
      %dma_start3A_946 = arith.constant 0 : i32
      %dma_start3A_947 = tpu.memref_slice %arg8[%dma_start3A_943, %dma_start3A_945, %dma_start3A_946] : memref<4x32x128xf32, #tpu.memory_space<vmem>> -> memref<1x32x128xf32, #tpu.memory_space<vmem>>
      %dma_start3A_948 = tpu.memref_squeeze %dma_start3A_947 : memref<1x32x128xf32, #tpu.memory_space<vmem>> -> memref<32x128xf32, #tpu.memory_space<vmem>>
      %dma_start3A_949 = arith.constant 0 : i32
      %dma_start3A_950 = arith.constant 0 : i32
      %dma_start3A_951 = tpu.memref_slice %arg6[%select_n3A_926, %dma_start3A_949, %select_n3A_942, %dma_start3A_950] : memref<128x32x8x128xf32, #tpu.memory_space<hbm>> -> memref<1x32x1x128xf32, #tpu.memory_space<hbm>>
      %dma_start3A_952 = tpu.memref_squeeze %dma_start3A_951 : memref<1x32x1x128xf32, #tpu.memory_space<hbm>> -> memref<32x128xf32, #tpu.memory_space<hbm>>
      %dma_start3A_953 = tpu.memref_slice %arg12[%dma_start3A_944] : memref<4x!tpu.dma_semaphore, #tpu.memory_space<semaphore_mem>> -> memref<1x!tpu.dma_semaphore, #tpu.memory_space<semaphore_mem>>
      %dma_start3A_954 = tpu.memref_squeeze %dma_start3A_953 : memref<1x!tpu.dma_semaphore, #tpu.memory_space<semaphore_mem>> -> memref<!tpu.dma_semaphore, #tpu.memory_space<semaphore_mem>>
      %dma_start3A_955 = arith.constant 0 : i32
      %dma_start3A_956 = arith.constant 0 : i32
      %dma_start3A_957 = tpu.memref_slice %arg6[%select_n3A_926, %dma_start3A_955, %select_n3A_942, %dma_start3A_956] : memref<128x32x8x128xf32, #tpu.memory_space<hbm>> -> memref<1x32x1x128xf32, #tpu.memory_space<hbm>>
      %dma_start3A_958 = tpu.memref_squeeze %dma_start3A_957 : memref<1x32x1x128xf32, #tpu.memory_space<hbm>> -> memref<32x128xf32, #tpu.memory_space<hbm>>
      %dma_start3A_959 = arith.constant 0 : i32
      %dma_start3A_960 = arith.constant 0 : i32
      %dma_start3A_961 = tpu.memref_slice %arg8[%dma_start3A_943, %dma_start3A_959, %dma_start3A_960] : memref<4x32x128xf32, #tpu.memory_space<vmem>> -> memref<1x32x128xf32, #tpu.memory_space<vmem>>
      %dma_start3A_962 = tpu.memref_squeeze %dma_start3A_961 : memref<1x32x128xf32, #tpu.memory_space<vmem>> -> memref<32x128xf32, #tpu.memory_space<vmem>>
      tpu.enqueue_dma source(%dma_start3A_962 : memref<32x128xf32, #tpu.memory_space<vmem>>) target(%dma_start3A_958 : memref<32x128xf32, #tpu.memory_space<hbm>>) target_semaphore(%dma_start3A_954 : memref<!tpu.dma_semaphore, #tpu.memory_space<semaphore_mem>>)
      %jit3A_963 = arith.constant 8 : i32
      %div3A_964 = arith.divsi %add3A_777, %jit3A_963 : i32
      %sign3A_965 = arith.constant 0 : i32
      %sign3A_966 = arith.cmpi sgt, %add3A_777, %sign3A_965 : i32
      %sign3A_967 = arith.extui %sign3A_966 : i1 to i32
      %sign3A_968 = arith.constant 0 : i32
      %sign3A_969 = arith.cmpi slt, %add3A_777, %sign3A_968 : i32
      %sign3A_970 = arith.extui %sign3A_969 : i1 to i32
      %sign3A_971 = arith.subi %sign3A_967, %sign3A_970 : i32
      %sign3A_972 = arith.constant 0 : i32
      %sign3A_973 = arith.cmpi sgt, %jit3A_963, %sign3A_972 : i32
      %sign3A_974 = arith.extui %sign3A_973 : i1 to i32
      %sign3A_975 = arith.constant 0 : i32
      %sign3A_976 = arith.cmpi slt, %jit3A_963, %sign3A_975 : i32
      %sign3A_977 = arith.extui %sign3A_976 : i1 to i32
      %sign3A_978 = arith.subi %sign3A_974, %sign3A_977 : i32
      %ne3A_979 = arith.cmpi ne, %sign3A_971, %sign3A_978 : i32
      %rem3A_980 = arith.remsi %add3A_777, %jit3A_963 : i32
      %ne3A_981 = arith.constant 0 : i32
      %ne3A_982 = arith.cmpi ne, %rem3A_980, %ne3A_981 : i32
      %and3A_983 = arith.andi %ne3A_979, %ne3A_982 : i1
      %sub3A_984 = arith.constant 1 : i32
      %sub3A_985 = arith.subi %div3A_964, %sub3A_984 : i32
      %select_n3A_986 = arith.select %and3A_983, %sub3A_985, %div3A_964 : i32
      %jit3A_987 = arith.constant 8 : i32
      %eq3A_988 = arith.constant 0 : i32
      %eq3A_989 = arith.cmpi eq, %jit3A_987, %eq3A_988 : i32
      %jit3A_990 = arith.constant 1 : i32
      %select_n3A_991 = arith.select %eq3A_989, %jit3A_990, %jit3A_987 : i32
      %rem3A_992 = arith.remsi %add3A_777, %select_n3A_991 : i32
      %ne3A_993 = arith.constant 0 : i32
      %ne3A_994 = arith.cmpi ne, %rem3A_992, %ne3A_993 : i32
      %lt3A_995 = arith.constant 0 : i32
      %lt3A_996 = arith.cmpi slt, %rem3A_992, %lt3A_995 : i32
      %lt3A_997 = arith.constant 0 : i32
      %lt3A_998 = arith.cmpi slt, %select_n3A_991, %lt3A_997 : i32
      %ne3A_999 = arith.xori %lt3A_996, %lt3A_998 : i1
      %and3A_1000 = arith.andi %ne3A_999, %ne3A_994 : i1
      %add3A_1001 = arith.addi %rem3A_992, %select_n3A_991 : i32
      %select_n3A_1002 = arith.select %and3A_1000, %add3A_1001, %rem3A_992 : i32
      %dma_start3A_1003 = arith.constant 1 : i32
      %dma_start3A_1004 = arith.constant 1 : i32
      %dma_start3A_1005 = arith.constant 0 : i32
      %dma_start3A_1006 = arith.constant 0 : i32
      %dma_start3A_1007 = tpu.memref_slice %arg8[%dma_start3A_1003, %dma_start3A_1005, %dma_start3A_1006] : memref<4x32x128xf32, #tpu.memory_space<vmem>> -> memref<1x32x128xf32, #tpu.memory_space<vmem>>
      %dma_start3A_1008 = tpu.memref_squeeze %dma_start3A_1007 : memref<1x32x128xf32, #tpu.memory_space<vmem>> -> memref<32x128xf32, #tpu.memory_space<vmem>>
      %dma_start3A_1009 = arith.constant 0 : i32
      %dma_start3A_1010 = arith.constant 0 : i32
      %dma_start3A_1011 = tpu.memref_slice %arg6[%select_n3A_986, %dma_start3A_1009, %select_n3A_1002, %dma_start3A_1010] : memref<128x32x8x128xf32, #tpu.memory_space<hbm>> -> memref<1x32x1x128xf32, #tpu.memory_space<hbm>>
      %dma_start3A_1012 = tpu.memref_squeeze %dma_start3A_1011 : memref<1x32x1x128xf32, #tpu.memory_space<hbm>> -> memref<32x128xf32, #tpu.memory_space<hbm>>
      %dma_start3A_1013 = tpu.memref_slice %arg12[%dma_start3A_1004] : memref<4x!tpu.dma_semaphore, #tpu.memory_space<semaphore_mem>> -> memref<1x!tpu.dma_semaphore, #tpu.memory_space<semaphore_mem>>
      %dma_start3A_1014 = tpu.memref_squeeze %dma_start3A_1013 : memref<1x!tpu.dma_semaphore, #tpu.memory_space<semaphore_mem>> -> memref<!tpu.dma_semaphore, #tpu.memory_space<semaphore_mem>>
      %dma_start3A_1015 = arith.constant 0 : i32
      %dma_start3A_1016 = arith.constant 0 : i32
      %dma_start3A_1017 = tpu.memref_slice %arg6[%select_n3A_986, %dma_start3A_1015, %select_n3A_1002, %dma_start3A_1016] : memref<128x32x8x128xf32, #tpu.memory_space<hbm>> -> memref<1x32x1x128xf32, #tpu.memory_space<hbm>>
      %dma_start3A_1018 = tpu.memref_squeeze %dma_start3A_1017 : memref<1x32x1x128xf32, #tpu.memory_space<hbm>> -> memref<32x128xf32, #tpu.memory_space<hbm>>
      %dma_start3A_1019 = arith.constant 0 : i32
      %dma_start3A_1020 = arith.constant 0 : i32
      %dma_start3A_1021 = tpu.memref_slice %arg8[%dma_start3A_1003, %dma_start3A_1019, %dma_start3A_1020] : memref<4x32x128xf32, #tpu.memory_space<vmem>> -> memref<1x32x128xf32, #tpu.memory_space<vmem>>
      %dma_start3A_1022 = tpu.memref_squeeze %dma_start3A_1021 : memref<1x32x128xf32, #tpu.memory_space<vmem>> -> memref<32x128xf32, #tpu.memory_space<vmem>>
      tpu.enqueue_dma source(%dma_start3A_1022 : memref<32x128xf32, #tpu.memory_space<vmem>>) target(%dma_start3A_1018 : memref<32x128xf32, #tpu.memory_space<hbm>>) target_semaphore(%dma_start3A_1014 : memref<!tpu.dma_semaphore, #tpu.memory_space<semaphore_mem>>)
      %lt3A_1023 = arith.constant 7 : i32
      %lt3A_1024 = arith.cmpi slt, %scan3A_770, %lt3A_1023 : i32
      %convert_element_type3A_1025 = arith.extui %lt3A_1024 : i1 to i32
      %cond3A_1026 = arith.constant 0 : i32
      %cond3A_1027 = arith.cmpi ne, %convert_element_type3A_1025, %cond3A_1026 : i32
      scf.if %cond3A_1027 {
        %add3A_1298 = arith.constant 4 : i32
        %add3A_1299 = arith.addi %add3A_775, %add3A_1298 : i32
        %add3A_1300 = arith.constant 4 : i32
        %add3A_1301 = arith.addi %add3A_777, %add3A_1300 : i32
        %jit3A_1302 = arith.constant 8 : i32
        %div3A_1303 = arith.divsi %add3A_1299, %jit3A_1302 : i32
        %sign3A_1304 = arith.constant 0 : i32
        %sign3A_1305 = arith.cmpi sgt, %add3A_1299, %sign3A_1304 : i32
        %sign3A_1306 = arith.extui %sign3A_1305 : i1 to i32
        %sign3A_1307 = arith.constant 0 : i32
        %sign3A_1308 = arith.cmpi slt, %add3A_1299, %sign3A_1307 : i32
        %sign3A_1309 = arith.extui %sign3A_1308 : i1 to i32
        %sign3A_1310 = arith.subi %sign3A_1306, %sign3A_1309 : i32
        %sign3A_1311 = arith.constant 0 : i32
        %sign3A_1312 = arith.cmpi sgt, %jit3A_1302, %sign3A_1311 : i32
        %sign3A_1313 = arith.extui %sign3A_1312 : i1 to i32
        %sign3A_1314 = arith.constant 0 : i32
        %sign3A_1315 = arith.cmpi slt, %jit3A_1302, %sign3A_1314 : i32
        %sign3A_1316 = arith.extui %sign3A_1315 : i1 to i32
        %sign3A_1317 = arith.subi %sign3A_1313, %sign3A_1316 : i32
        %ne3A_1318 = arith.cmpi ne, %sign3A_1310, %sign3A_1317 : i32
        %rem3A_1319 = arith.remsi %add3A_1299, %jit3A_1302 : i32
        %ne3A_1320 = arith.constant 0 : i32
        %ne3A_1321 = arith.cmpi ne, %rem3A_1319, %ne3A_1320 : i32
        %and3A_1322 = arith.andi %ne3A_1318, %ne3A_1321 : i1
        %sub3A_1323 = arith.constant 1 : i32
        %sub3A_1324 = arith.subi %div3A_1303, %sub3A_1323 : i32
        %select_n3A_1325 = arith.select %and3A_1322, %sub3A_1324, %div3A_1303 : i32
        %jit3A_1326 = arith.constant 8 : i32
        %eq3A_1327 = arith.constant 0 : i32
        %eq3A_1328 = arith.cmpi eq, %jit3A_1326, %eq3A_1327 : i32
        %jit3A_1329 = arith.constant 1 : i32
        %select_n3A_1330 = arith.select %eq3A_1328, %jit3A_1329, %jit3A_1326 : i32
        %rem3A_1331 = arith.remsi %add3A_1299, %select_n3A_1330 : i32
        %ne3A_1332 = arith.constant 0 : i32
        %ne3A_1333 = arith.cmpi ne, %rem3A_1331, %ne3A_1332 : i32
        %lt3A_1334 = arith.constant 0 : i32
        %lt3A_1335 = arith.cmpi slt, %rem3A_1331, %lt3A_1334 : i32
        %lt3A_1336 = arith.constant 0 : i32
        %lt3A_1337 = arith.cmpi slt, %select_n3A_1330, %lt3A_1336 : i32
        %ne3A_1338 = arith.xori %lt3A_1335, %lt3A_1337 : i1
        %and3A_1339 = arith.andi %ne3A_1338, %ne3A_1333 : i1
        %add3A_1340 = arith.addi %rem3A_1331, %select_n3A_1330 : i32
        %select_n3A_1341 = arith.select %and3A_1339, %add3A_1340, %rem3A_1331 : i32
        %dma_start3A_1342 = arith.constant 0 : i32
        %dma_start3A_1343 = arith.constant 0 : i32
        %dma_start3A_1344 = arith.constant 0 : i32
        %dma_start3A_1345 = arith.constant 0 : i32
        %dma_start3A_1346 = tpu.memref_slice %arg7[%dma_start3A_1342, %dma_start3A_1344, %dma_start3A_1345] : memref<4x128x128xf32, #tpu.memory_space<vmem>> -> memref<1x128x128xf32, #tpu.memory_space<vmem>>
        %dma_start3A_1347 = tpu.memref_squeeze %dma_start3A_1346 : memref<1x128x128xf32, #tpu.memory_space<vmem>> -> memref<128x128xf32, #tpu.memory_space<vmem>>
        %dma_start3A_1348 = arith.constant 0 : i32
        %dma_start3A_1349 = arith.constant 0 : i32
        %dma_start3A_1350 = tpu.memref_slice %arg3[%select_n3A_1325, %dma_start3A_1348, %select_n3A_1341, %dma_start3A_1349] : memref<128x128x8x128xf32, #tpu.memory_space<hbm>> -> memref<1x128x1x128xf32, #tpu.memory_space<hbm>>
        %dma_start3A_1351 = tpu.memref_squeeze %dma_start3A_1350 : memref<1x128x1x128xf32, #tpu.memory_space<hbm>> -> memref<128x128xf32, #tpu.memory_space<hbm>>
        %dma_start3A_1352 = tpu.memref_slice %arg11[%dma_start3A_1343] : memref<4x!tpu.dma_semaphore, #tpu.memory_space<semaphore_mem>> -> memref<1x!tpu.dma_semaphore, #tpu.memory_space<semaphore_mem>>
        %dma_start3A_1353 = tpu.memref_squeeze %dma_start3A_1352 : memref<1x!tpu.dma_semaphore, #tpu.memory_space<semaphore_mem>> -> memref<!tpu.dma_semaphore, #tpu.memory_space<semaphore_mem>>
        %dma_start3A_1354 = arith.constant 0 : i32
        %dma_start3A_1355 = arith.constant 0 : i32
        %dma_start3A_1356 = tpu.memref_slice %arg7[%dma_start3A_1342, %dma_start3A_1354, %dma_start3A_1355] : memref<4x128x128xf32, #tpu.memory_space<vmem>> -> memref<1x128x128xf32, #tpu.memory_space<vmem>>
        %dma_start3A_1357 = tpu.memref_squeeze %dma_start3A_1356 : memref<1x128x128xf32, #tpu.memory_space<vmem>> -> memref<128x128xf32, #tpu.memory_space<vmem>>
        %dma_start3A_1358 = arith.constant 0 : i32
        %dma_start3A_1359 = arith.constant 0 : i32
        %dma_start3A_1360 = tpu.memref_slice %arg3[%select_n3A_1325, %dma_start3A_1358, %select_n3A_1341, %dma_start3A_1359] : memref<128x128x8x128xf32, #tpu.memory_space<hbm>> -> memref<1x128x1x128xf32, #tpu.memory_space<hbm>>
        %dma_start3A_1361 = tpu.memref_squeeze %dma_start3A_1360 : memref<1x128x1x128xf32, #tpu.memory_space<hbm>> -> memref<128x128xf32, #tpu.memory_space<hbm>>
        tpu.enqueue_dma source(%dma_start3A_1361 : memref<128x128xf32, #tpu.memory_space<hbm>>) target(%dma_start3A_1357 : memref<128x128xf32, #tpu.memory_space<vmem>>) target_semaphore(%dma_start3A_1353 : memref<!tpu.dma_semaphore, #tpu.memory_space<semaphore_mem>>)
        %jit3A_1362 = arith.constant 8 : i32
        %div3A_1363 = arith.divsi %add3A_1301, %jit3A_1362 : i32
        %sign3A_1364 = arith.constant 0 : i32
        %sign3A_1365 = arith.cmpi sgt, %add3A_1301, %sign3A_1364 : i32
        %sign3A_1366 = arith.extui %sign3A_1365 : i1 to i32
        %sign3A_1367 = arith.constant 0 : i32
        %sign3A_1368 = arith.cmpi slt, %add3A_1301, %sign3A_1367 : i32
        %sign3A_1369 = arith.extui %sign3A_1368 : i1 to i32
        %sign3A_1370 = arith.subi %sign3A_1366, %sign3A_1369 : i32
        %sign3A_1371 = arith.constant 0 : i32
        %sign3A_1372 = arith.cmpi sgt, %jit3A_1362, %sign3A_1371 : i32
        %sign3A_1373 = arith.extui %sign3A_1372 : i1 to i32
        %sign3A_1374 = arith.constant 0 : i32
        %sign3A_1375 = arith.cmpi slt, %jit3A_1362, %sign3A_1374 : i32
        %sign3A_1376 = arith.extui %sign3A_1375 : i1 to i32
        %sign3A_1377 = arith.subi %sign3A_1373, %sign3A_1376 : i32
        %ne3A_1378 = arith.cmpi ne, %sign3A_1370, %sign3A_1377 : i32
        %rem3A_1379 = arith.remsi %add3A_1301, %jit3A_1362 : i32
        %ne3A_1380 = arith.constant 0 : i32
        %ne3A_1381 = arith.cmpi ne, %rem3A_1379, %ne3A_1380 : i32
        %and3A_1382 = arith.andi %ne3A_1378, %ne3A_1381 : i1
        %sub3A_1383 = arith.constant 1 : i32
        %sub3A_1384 = arith.subi %div3A_1363, %sub3A_1383 : i32
        %select_n3A_1385 = arith.select %and3A_1382, %sub3A_1384, %div3A_1363 : i32
        %jit3A_1386 = arith.constant 8 : i32
        %eq3A_1387 = arith.constant 0 : i32
        %eq3A_1388 = arith.cmpi eq, %jit3A_1386, %eq3A_1387 : i32
        %jit3A_1389 = arith.constant 1 : i32
        %select_n3A_1390 = arith.select %eq3A_1388, %jit3A_1389, %jit3A_1386 : i32
        %rem3A_1391 = arith.remsi %add3A_1301, %select_n3A_1390 : i32
        %ne3A_1392 = arith.constant 0 : i32
        %ne3A_1393 = arith.cmpi ne, %rem3A_1391, %ne3A_1392 : i32
        %lt3A_1394 = arith.constant 0 : i32
        %lt3A_1395 = arith.cmpi slt, %rem3A_1391, %lt3A_1394 : i32
        %lt3A_1396 = arith.constant 0 : i32
        %lt3A_1397 = arith.cmpi slt, %select_n3A_1390, %lt3A_1396 : i32
        %ne3A_1398 = arith.xori %lt3A_1395, %lt3A_1397 : i1
        %and3A_1399 = arith.andi %ne3A_1398, %ne3A_1393 : i1
        %add3A_1400 = arith.addi %rem3A_1391, %select_n3A_1390 : i32
        %select_n3A_1401 = arith.select %and3A_1399, %add3A_1400, %rem3A_1391 : i32
        %dma_start3A_1402 = arith.constant 1 : i32
        %dma_start3A_1403 = arith.constant 1 : i32
        %dma_start3A_1404 = arith.constant 0 : i32
        %dma_start3A_1405 = arith.constant 0 : i32
        %dma_start3A_1406 = tpu.memref_slice %arg7[%dma_start3A_1402, %dma_start3A_1404, %dma_start3A_1405] : memref<4x128x128xf32, #tpu.memory_space<vmem>> -> memref<1x128x128xf32, #tpu.memory_space<vmem>>
        %dma_start3A_1407 = tpu.memref_squeeze %dma_start3A_1406 : memref<1x128x128xf32, #tpu.memory_space<vmem>> -> memref<128x128xf32, #tpu.memory_space<vmem>>
        %dma_start3A_1408 = arith.constant 0 : i32
        %dma_start3A_1409 = arith.constant 0 : i32
        %dma_start3A_1410 = tpu.memref_slice %arg3[%select_n3A_1385, %dma_start3A_1408, %select_n3A_1401, %dma_start3A_1409] : memref<128x128x8x128xf32, #tpu.memory_space<hbm>> -> memref<1x128x1x128xf32, #tpu.memory_space<hbm>>
        %dma_start3A_1411 = tpu.memref_squeeze %dma_start3A_1410 : memref<1x128x1x128xf32, #tpu.memory_space<hbm>> -> memref<128x128xf32, #tpu.memory_space<hbm>>
        %dma_start3A_1412 = tpu.memref_slice %arg11[%dma_start3A_1403] : memref<4x!tpu.dma_semaphore, #tpu.memory_space<semaphore_mem>> -> memref<1x!tpu.dma_semaphore, #tpu.memory_space<semaphore_mem>>
        %dma_start3A_1413 = tpu.memref_squeeze %dma_start3A_1412 : memref<1x!tpu.dma_semaphore, #tpu.memory_space<semaphore_mem>> -> memref<!tpu.dma_semaphore, #tpu.memory_space<semaphore_mem>>
        %dma_start3A_1414 = arith.constant 0 : i32
        %dma_start3A_1415 = arith.constant 0 : i32
        %dma_start3A_1416 = tpu.memref_slice %arg7[%dma_start3A_1402, %dma_start3A_1414, %dma_start3A_1415] : memref<4x128x128xf32, #tpu.memory_space<vmem>> -> memref<1x128x128xf32, #tpu.memory_space<vmem>>
        %dma_start3A_1417 = tpu.memref_squeeze %dma_start3A_1416 : memref<1x128x128xf32, #tpu.memory_space<vmem>> -> memref<128x128xf32, #tpu.memory_space<vmem>>
        %dma_start3A_1418 = arith.constant 0 : i32
        %dma_start3A_1419 = arith.constant 0 : i32
        %dma_start3A_1420 = tpu.memref_slice %arg3[%select_n3A_1385, %dma_start3A_1418, %select_n3A_1401, %dma_start3A_1419] : memref<128x128x8x128xf32, #tpu.memory_space<hbm>> -> memref<1x128x1x128xf32, #tpu.memory_space<hbm>>
        %dma_start3A_1421 = tpu.memref_squeeze %dma_start3A_1420 : memref<1x128x1x128xf32, #tpu.memory_space<hbm>> -> memref<128x128xf32, #tpu.memory_space<hbm>>
        tpu.enqueue_dma source(%dma_start3A_1421 : memref<128x128xf32, #tpu.memory_space<hbm>>) target(%dma_start3A_1417 : memref<128x128xf32, #tpu.memory_space<vmem>>) target_semaphore(%dma_start3A_1413 : memref<!tpu.dma_semaphore, #tpu.memory_space<semaphore_mem>>)
      } else {
      }
      %eq3A_1028 = arith.constant 7 : i32
      %eq3A_1029 = arith.cmpi eq, %scan3A_770, %eq3A_1028 : i32
      %convert_element_type3A_1030 = arith.extui %eq3A_1029 : i1 to i32
      %cond3A_1031 = arith.constant 0 : i32
      %cond3A_1032 = arith.cmpi ne, %convert_element_type3A_1030, %cond3A_1031 : i32
      scf.if %cond3A_1032 {
        %dma_start3A_1298 = arith.constant 0 : i32
        %dma_start3A_1299 = arith.constant 0 : i32
        %dma_start3A_1300 = arith.constant 0 : i32
        %dma_start3A_1301 = arith.constant 0 : i32
        %dma_start3A_1302 = arith.constant 0 : i32
        %dma_start3A_1303 = tpu.memref_slice %arg7[%dma_start3A_1299, %dma_start3A_1301, %dma_start3A_1302] : memref<4x128x128xf32, #tpu.memory_space<vmem>> -> memref<1x128x128xf32, #tpu.memory_space<vmem>>
        %dma_start3A_1304 = tpu.memref_squeeze %dma_start3A_1303 : memref<1x128x128xf32, #tpu.memory_space<vmem>> -> memref<128x128xf32, #tpu.memory_space<vmem>>
        %dma_start3A_1305 = arith.constant 0 : i32
        %dma_start3A_1306 = arith.constant 0 : i32
        %dma_start3A_1307 = tpu.memref_slice %arg2[%dma_start3A_1298, %select_n3A_59, %dma_start3A_1305, %select_n3A_75, %dma_start3A_1306] : memref<3x2x128x8x128xf32, #tpu.memory_space<hbm>> -> memref<1x1x128x1x128xf32, #tpu.memory_space<hbm>>
        %dma_start3A_1308 = tpu.memref_squeeze %dma_start3A_1307 : memref<1x1x128x1x128xf32, #tpu.memory_space<hbm>> -> memref<128x128xf32, #tpu.memory_space<hbm>>
        %dma_start3A_1309 = tpu.memref_slice %arg11[%dma_start3A_1300] : memref<4x!tpu.dma_semaphore, #tpu.memory_space<semaphore_mem>> -> memref<1x!tpu.dma_semaphore, #tpu.memory_space<semaphore_mem>>
        %dma_start3A_1310 = tpu.memref_squeeze %dma_start3A_1309 : memref<1x!tpu.dma_semaphore, #tpu.memory_space<semaphore_mem>> -> memref<!tpu.dma_semaphore, #tpu.memory_space<semaphore_mem>>
        %dma_start3A_1311 = arith.constant 0 : i32
        %dma_start3A_1312 = arith.constant 0 : i32
        %dma_start3A_1313 = tpu.memref_slice %arg7[%dma_start3A_1299, %dma_start3A_1311, %dma_start3A_1312] : memref<4x128x128xf32, #tpu.memory_space<vmem>> -> memref<1x128x128xf32, #tpu.memory_space<vmem>>
        %dma_start3A_1314 = tpu.memref_squeeze %dma_start3A_1313 : memref<1x128x128xf32, #tpu.memory_space<vmem>> -> memref<128x128xf32, #tpu.memory_space<vmem>>
        %dma_start3A_1315 = arith.constant 0 : i32
        %dma_start3A_1316 = arith.constant 0 : i32
        %dma_start3A_1317 = tpu.memref_slice %arg2[%dma_start3A_1298, %select_n3A_59, %dma_start3A_1315, %select_n3A_75, %dma_start3A_1316] : memref<3x2x128x8x128xf32, #tpu.memory_space<hbm>> -> memref<1x1x128x1x128xf32, #tpu.memory_space<hbm>>
        %dma_start3A_1318 = tpu.memref_squeeze %dma_start3A_1317 : memref<1x1x128x1x128xf32, #tpu.memory_space<hbm>> -> memref<128x128xf32, #tpu.memory_space<hbm>>
        tpu.enqueue_dma source(%dma_start3A_1318 : memref<128x128xf32, #tpu.memory_space<hbm>>) target(%dma_start3A_1314 : memref<128x128xf32, #tpu.memory_space<vmem>>) target_semaphore(%dma_start3A_1310 : memref<!tpu.dma_semaphore, #tpu.memory_space<semaphore_mem>>)
        %dma_start3A_1319 = arith.constant 1 : i32
        %dma_start3A_1320 = arith.constant 1 : i32
        %dma_start3A_1321 = arith.constant 1 : i32
        %dma_start3A_1322 = arith.constant 0 : i32
        %dma_start3A_1323 = arith.constant 0 : i32
        %dma_start3A_1324 = tpu.memref_slice %arg7[%dma_start3A_1320, %dma_start3A_1322, %dma_start3A_1323] : memref<4x128x128xf32, #tpu.memory_space<vmem>> -> memref<1x128x128xf32, #tpu.memory_space<vmem>>
        %dma_start3A_1325 = tpu.memref_squeeze %dma_start3A_1324 : memref<1x128x128xf32, #tpu.memory_space<vmem>> -> memref<128x128xf32, #tpu.memory_space<vmem>>
        %dma_start3A_1326 = arith.constant 0 : i32
        %dma_start3A_1327 = arith.constant 0 : i32
        %dma_start3A_1328 = tpu.memref_slice %arg2[%dma_start3A_1319, %select_n3A_59, %dma_start3A_1326, %select_n3A_75, %dma_start3A_1327] : memref<3x2x128x8x128xf32, #tpu.memory_space<hbm>> -> memref<1x1x128x1x128xf32, #tpu.memory_space<hbm>>
        %dma_start3A_1329 = tpu.memref_squeeze %dma_start3A_1328 : memref<1x1x128x1x128xf32, #tpu.memory_space<hbm>> -> memref<128x128xf32, #tpu.memory_space<hbm>>
        %dma_start3A_1330 = tpu.memref_slice %arg11[%dma_start3A_1321] : memref<4x!tpu.dma_semaphore, #tpu.memory_space<semaphore_mem>> -> memref<1x!tpu.dma_semaphore, #tpu.memory_space<semaphore_mem>>
        %dma_start3A_1331 = tpu.memref_squeeze %dma_start3A_1330 : memref<1x!tpu.dma_semaphore, #tpu.memory_space<semaphore_mem>> -> memref<!tpu.dma_semaphore, #tpu.memory_space<semaphore_mem>>
        %dma_start3A_1332 = arith.constant 0 : i32
        %dma_start3A_1333 = arith.constant 0 : i32
        %dma_start3A_1334 = tpu.memref_slice %arg7[%dma_start3A_1320, %dma_start3A_1332, %dma_start3A_1333] : memref<4x128x128xf32, #tpu.memory_space<vmem>> -> memref<1x128x128xf32, #tpu.memory_space<vmem>>
        %dma_start3A_1335 = tpu.memref_squeeze %dma_start3A_1334 : memref<1x128x128xf32, #tpu.memory_space<vmem>> -> memref<128x128xf32, #tpu.memory_space<vmem>>
        %dma_start3A_1336 = arith.constant 0 : i32
        %dma_start3A_1337 = arith.constant 0 : i32
        %dma_start3A_1338 = tpu.memref_slice %arg2[%dma_start3A_1319, %select_n3A_59, %dma_start3A_1336, %select_n3A_75, %dma_start3A_1337] : memref<3x2x128x8x128xf32, #tpu.memory_space<hbm>> -> memref<1x1x128x1x128xf32, #tpu.memory_space<hbm>>
        %dma_start3A_1339 = tpu.memref_squeeze %dma_start3A_1338 : memref<1x1x128x1x128xf32, #tpu.memory_space<hbm>> -> memref<128x128xf32, #tpu.memory_space<hbm>>
        tpu.enqueue_dma source(%dma_start3A_1339 : memref<128x128xf32, #tpu.memory_space<hbm>>) target(%dma_start3A_1335 : memref<128x128xf32, #tpu.memory_space<vmem>>) target_semaphore(%dma_start3A_1331 : memref<!tpu.dma_semaphore, #tpu.memory_space<semaphore_mem>>)
      } else {
      }
      %mul3A_1033 = arith.constant 4 : i32
      %mul3A_1034 = arith.muli %scan3A_770, %mul3A_1033 : i32
      %add3A_1035 = arith.addi %add3A_35, %mul3A_1034 : i32
      %add3A_1036 = arith.constant 2 : i32
      %add3A_1037 = arith.addi %add3A_1035, %add3A_1036 : i32
      %add3A_1038 = arith.constant 1 : i32
      %add3A_1039 = arith.addi %add3A_1037, %add3A_1038 : i32
      %jit3A_1040 = arith.constant 8 : i32
      %div3A_1041 = arith.divsi %add3A_1037, %jit3A_1040 : i32
      %sign3A_1042 = arith.constant 0 : i32
      %sign3A_1043 = arith.cmpi sgt, %add3A_1037, %sign3A_1042 : i32
      %sign3A_1044 = arith.extui %sign3A_1043 : i1 to i32
      %sign3A_1045 = arith.constant 0 : i32
      %sign3A_1046 = arith.cmpi slt, %add3A_1037, %sign3A_1045 : i32
      %sign3A_1047 = arith.extui %sign3A_1046 : i1 to i32
      %sign3A_1048 = arith.subi %sign3A_1044, %sign3A_1047 : i32
      %sign3A_1049 = arith.constant 0 : i32
      %sign3A_1050 = arith.cmpi sgt, %jit3A_1040, %sign3A_1049 : i32
      %sign3A_1051 = arith.extui %sign3A_1050 : i1 to i32
      %sign3A_1052 = arith.constant 0 : i32
      %sign3A_1053 = arith.cmpi slt, %jit3A_1040, %sign3A_1052 : i32
      %sign3A_1054 = arith.extui %sign3A_1053 : i1 to i32
      %sign3A_1055 = arith.subi %sign3A_1051, %sign3A_1054 : i32
      %ne3A_1056 = arith.cmpi ne, %sign3A_1048, %sign3A_1055 : i32
      %rem3A_1057 = arith.remsi %add3A_1037, %jit3A_1040 : i32
      %ne3A_1058 = arith.constant 0 : i32
      %ne3A_1059 = arith.cmpi ne, %rem3A_1057, %ne3A_1058 : i32
      %and3A_1060 = arith.andi %ne3A_1056, %ne3A_1059 : i1
      %sub3A_1061 = arith.constant 1 : i32
      %sub3A_1062 = arith.subi %div3A_1041, %sub3A_1061 : i32
      %select_n3A_1063 = arith.select %and3A_1060, %sub3A_1062, %div3A_1041 : i32
      %jit3A_1064 = arith.constant 8 : i32
      %eq3A_1065 = arith.constant 0 : i32
      %eq3A_1066 = arith.cmpi eq, %jit3A_1064, %eq3A_1065 : i32
      %jit3A_1067 = arith.constant 1 : i32
      %select_n3A_1068 = arith.select %eq3A_1066, %jit3A_1067, %jit3A_1064 : i32
      %rem3A_1069 = arith.remsi %add3A_1037, %select_n3A_1068 : i32
      %ne3A_1070 = arith.constant 0 : i32
      %ne3A_1071 = arith.cmpi ne, %rem3A_1069, %ne3A_1070 : i32
      %lt3A_1072 = arith.constant 0 : i32
      %lt3A_1073 = arith.cmpi slt, %rem3A_1069, %lt3A_1072 : i32
      %lt3A_1074 = arith.constant 0 : i32
      %lt3A_1075 = arith.cmpi slt, %select_n3A_1068, %lt3A_1074 : i32
      %ne3A_1076 = arith.xori %lt3A_1073, %lt3A_1075 : i1
      %and3A_1077 = arith.andi %ne3A_1076, %ne3A_1071 : i1
      %add3A_1078 = arith.addi %rem3A_1069, %select_n3A_1068 : i32
      %select_n3A_1079 = arith.select %and3A_1077, %add3A_1078, %rem3A_1069 : i32
      %dma_wait3A_1080 = arith.constant 2 : i32
      %dma_wait3A_1081 = arith.constant 2 : i32
      %dma_wait3A_1082 = arith.constant 0 : i32
      %dma_wait3A_1083 = arith.constant 0 : i32
      %dma_wait3A_1084 = tpu.memref_slice %arg7[%dma_wait3A_1080, %dma_wait3A_1082, %dma_wait3A_1083] : memref<4x128x128xf32, #tpu.memory_space<vmem>> -> memref<1x128x128xf32, #tpu.memory_space<vmem>>
      %dma_wait3A_1085 = tpu.memref_squeeze %dma_wait3A_1084 : memref<1x128x128xf32, #tpu.memory_space<vmem>> -> memref<128x128xf32, #tpu.memory_space<vmem>>
      %dma_wait3A_1086 = arith.constant 0 : i32
      %dma_wait3A_1087 = arith.constant 0 : i32
      %dma_wait3A_1088 = tpu.memref_slice %arg3[%select_n3A_1063, %dma_wait3A_1086, %select_n3A_1079, %dma_wait3A_1087] : memref<128x128x8x128xf32, #tpu.memory_space<hbm>> -> memref<1x128x1x128xf32, #tpu.memory_space<hbm>>
      %dma_wait3A_1089 = tpu.memref_squeeze %dma_wait3A_1088 : memref<1x128x1x128xf32, #tpu.memory_space<hbm>> -> memref<128x128xf32, #tpu.memory_space<hbm>>
      %dma_wait3A_1090 = tpu.memref_slice %arg11[%dma_wait3A_1081] : memref<4x!tpu.dma_semaphore, #tpu.memory_space<semaphore_mem>> -> memref<1x!tpu.dma_semaphore, #tpu.memory_space<semaphore_mem>>
      %dma_wait3A_1091 = tpu.memref_squeeze %dma_wait3A_1090 : memref<1x!tpu.dma_semaphore, #tpu.memory_space<semaphore_mem>> -> memref<!tpu.dma_semaphore, #tpu.memory_space<semaphore_mem>>
      %dma_wait3A_1092 = arith.constant 0 : i32
      %dma_wait3A_1093 = arith.constant 0 : i32
      %dma_wait3A_1094 = tpu.memref_slice %arg7[%dma_wait3A_1080, %dma_wait3A_1092, %dma_wait3A_1093] : memref<4x128x128xf32, #tpu.memory_space<vmem>> -> memref<1x128x128xf32, #tpu.memory_space<vmem>>
      %dma_wait3A_1095 = tpu.memref_squeeze %dma_wait3A_1094 : memref<1x128x128xf32, #tpu.memory_space<vmem>> -> memref<128x128xf32, #tpu.memory_space<vmem>>
      %dma_wait3A_1096 = arith.constant 0 : i32
      %dma_wait3A_1097 = arith.constant 0 : i32
      %dma_wait3A_1098 = tpu.memref_slice %arg3[%select_n3A_1063, %dma_wait3A_1096, %select_n3A_1079, %dma_wait3A_1097] : memref<128x128x8x128xf32, #tpu.memory_space<hbm>> -> memref<1x128x1x128xf32, #tpu.memory_space<hbm>>
      %dma_wait3A_1099 = tpu.memref_squeeze %dma_wait3A_1098 : memref<1x128x1x128xf32, #tpu.memory_space<hbm>> -> memref<128x128xf32, #tpu.memory_space<hbm>>
      tpu.wait_dma2 semaphore(%dma_wait3A_1091 : memref<!tpu.dma_semaphore, #tpu.memory_space<semaphore_mem>>) src(%dma_wait3A_1099 : memref<128x128xf32, #tpu.memory_space<hbm>>) dst(%dma_wait3A_1095 : memref<128x128xf32, #tpu.memory_space<vmem>>)
      %jit3A_1100 = arith.constant 8 : i32
      %div3A_1101 = arith.divsi %add3A_1039, %jit3A_1100 : i32
      %sign3A_1102 = arith.constant 0 : i32
      %sign3A_1103 = arith.cmpi sgt, %add3A_1039, %sign3A_1102 : i32
      %sign3A_1104 = arith.extui %sign3A_1103 : i1 to i32
      %sign3A_1105 = arith.constant 0 : i32
      %sign3A_1106 = arith.cmpi slt, %add3A_1039, %sign3A_1105 : i32
      %sign3A_1107 = arith.extui %sign3A_1106 : i1 to i32
      %sign3A_1108 = arith.subi %sign3A_1104, %sign3A_1107 : i32
      %sign3A_1109 = arith.constant 0 : i32
      %sign3A_1110 = arith.cmpi sgt, %jit3A_1100, %sign3A_1109 : i32
      %sign3A_1111 = arith.extui %sign3A_1110 : i1 to i32
      %sign3A_1112 = arith.constant 0 : i32
      %sign3A_1113 = arith.cmpi slt, %jit3A_1100, %sign3A_1112 : i32
      %sign3A_1114 = arith.extui %sign3A_1113 : i1 to i32
      %sign3A_1115 = arith.subi %sign3A_1111, %sign3A_1114 : i32
      %ne3A_1116 = arith.cmpi ne, %sign3A_1108, %sign3A_1115 : i32
      %rem3A_1117 = arith.remsi %add3A_1039, %jit3A_1100 : i32
      %ne3A_1118 = arith.constant 0 : i32
      %ne3A_1119 = arith.cmpi ne, %rem3A_1117, %ne3A_1118 : i32
      %and3A_1120 = arith.andi %ne3A_1116, %ne3A_1119 : i1
      %sub3A_1121 = arith.constant 1 : i32
      %sub3A_1122 = arith.subi %div3A_1101, %sub3A_1121 : i32
      %select_n3A_1123 = arith.select %and3A_1120, %sub3A_1122, %div3A_1101 : i32
      %jit3A_1124 = arith.constant 8 : i32
      %eq3A_1125 = arith.constant 0 : i32
      %eq3A_1126 = arith.cmpi eq, %jit3A_1124, %eq3A_1125 : i32
      %jit3A_1127 = arith.constant 1 : i32
      %select_n3A_1128 = arith.select %eq3A_1126, %jit3A_1127, %jit3A_1124 : i32
      %rem3A_1129 = arith.remsi %add3A_1039, %select_n3A_1128 : i32
      %ne3A_1130 = arith.constant 0 : i32
      %ne3A_1131 = arith.cmpi ne, %rem3A_1129, %ne3A_1130 : i32
      %lt3A_1132 = arith.constant 0 : i32
      %lt3A_1133 = arith.cmpi slt, %rem3A_1129, %lt3A_1132 : i32
      %lt3A_1134 = arith.constant 0 : i32
      %lt3A_1135 = arith.cmpi slt, %select_n3A_1128, %lt3A_1134 : i32
      %ne3A_1136 = arith.xori %lt3A_1133, %lt3A_1135 : i1
      %and3A_1137 = arith.andi %ne3A_1136, %ne3A_1131 : i1
      %add3A_1138 = arith.addi %rem3A_1129, %select_n3A_1128 : i32
      %select_n3A_1139 = arith.select %and3A_1137, %add3A_1138, %rem3A_1129 : i32
      %dma_wait3A_1140 = arith.constant 3 : i32
      %dma_wait3A_1141 = arith.constant 3 : i32
      %dma_wait3A_1142 = arith.constant 0 : i32
      %dma_wait3A_1143 = arith.constant 0 : i32
      %dma_wait3A_1144 = tpu.memref_slice %arg7[%dma_wait3A_1140, %dma_wait3A_1142, %dma_wait3A_1143] : memref<4x128x128xf32, #tpu.memory_space<vmem>> -> memref<1x128x128xf32, #tpu.memory_space<vmem>>
      %dma_wait3A_1145 = tpu.memref_squeeze %dma_wait3A_1144 : memref<1x128x128xf32, #tpu.memory_space<vmem>> -> memref<128x128xf32, #tpu.memory_space<vmem>>
      %dma_wait3A_1146 = arith.constant 0 : i32
      %dma_wait3A_1147 = arith.constant 0 : i32
      %dma_wait3A_1148 = tpu.memref_slice %arg3[%select_n3A_1123, %dma_wait3A_1146, %select_n3A_1139, %dma_wait3A_1147] : memref<128x128x8x128xf32, #tpu.memory_space<hbm>> -> memref<1x128x1x128xf32, #tpu.memory_space<hbm>>
      %dma_wait3A_1149 = tpu.memref_squeeze %dma_wait3A_1148 : memref<1x128x1x128xf32, #tpu.memory_space<hbm>> -> memref<128x128xf32, #tpu.memory_space<hbm>>
      %dma_wait3A_1150 = tpu.memref_slice %arg11[%dma_wait3A_1141] : memref<4x!tpu.dma_semaphore, #tpu.memory_space<semaphore_mem>> -> memref<1x!tpu.dma_semaphore, #tpu.memory_space<semaphore_mem>>
      %dma_wait3A_1151 = tpu.memref_squeeze %dma_wait3A_1150 : memref<1x!tpu.dma_semaphore, #tpu.memory_space<semaphore_mem>> -> memref<!tpu.dma_semaphore, #tpu.memory_space<semaphore_mem>>
      %dma_wait3A_1152 = arith.constant 0 : i32
      %dma_wait3A_1153 = arith.constant 0 : i32
      %dma_wait3A_1154 = tpu.memref_slice %arg7[%dma_wait3A_1140, %dma_wait3A_1152, %dma_wait3A_1153] : memref<4x128x128xf32, #tpu.memory_space<vmem>> -> memref<1x128x128xf32, #tpu.memory_space<vmem>>
      %dma_wait3A_1155 = tpu.memref_squeeze %dma_wait3A_1154 : memref<1x128x128xf32, #tpu.memory_space<vmem>> -> memref<128x128xf32, #tpu.memory_space<vmem>>
      %dma_wait3A_1156 = arith.constant 0 : i32
      %dma_wait3A_1157 = arith.constant 0 : i32
      %dma_wait3A_1158 = tpu.memref_slice %arg3[%select_n3A_1123, %dma_wait3A_1156, %select_n3A_1139, %dma_wait3A_1157] : memref<128x128x8x128xf32, #tpu.memory_space<hbm>> -> memref<1x128x1x128xf32, #tpu.memory_space<hbm>>
      %dma_wait3A_1159 = tpu.memref_squeeze %dma_wait3A_1158 : memref<1x128x1x128xf32, #tpu.memory_space<hbm>> -> memref<128x128xf32, #tpu.memory_space<hbm>>
      tpu.wait_dma2 semaphore(%dma_wait3A_1151 : memref<!tpu.dma_semaphore, #tpu.memory_space<semaphore_mem>>) src(%dma_wait3A_1159 : memref<128x128xf32, #tpu.memory_space<hbm>>) dst(%dma_wait3A_1155 : memref<128x128xf32, #tpu.memory_space<vmem>>)
      %gt3A_1160 = arith.constant 0 : i32
      %gt3A_1161 = arith.cmpi sgt, %scan3A_770, %gt3A_1160 : i32
      %convert_element_type3A_1162 = arith.extui %gt3A_1161 : i1 to i32
      %cond3A_1163 = arith.constant 0 : i32
      %cond3A_1164 = arith.cmpi ne, %convert_element_type3A_1162, %cond3A_1163 : i32
      scf.if %cond3A_1164 {
        %sub3A_1298 = arith.constant 4 : i32
        %sub3A_1299 = arith.subi %add3A_1037, %sub3A_1298 : i32
        %sub3A_1300 = arith.constant 4 : i32
        %sub3A_1301 = arith.subi %add3A_1039, %sub3A_1300 : i32
        %jit3A_1302 = arith.constant 8 : i32
        %div3A_1303 = arith.divsi %sub3A_1299, %jit3A_1302 : i32
        %sign3A_1304 = arith.constant 0 : i32
        %sign3A_1305 = arith.cmpi sgt, %sub3A_1299, %sign3A_1304 : i32
        %sign3A_1306 = arith.extui %sign3A_1305 : i1 to i32
        %sign3A_1307 = arith.constant 0 : i32
        %sign3A_1308 = arith.cmpi slt, %sub3A_1299, %sign3A_1307 : i32
        %sign3A_1309 = arith.extui %sign3A_1308 : i1 to i32
        %sign3A_1310 = arith.subi %sign3A_1306, %sign3A_1309 : i32
        %sign3A_1311 = arith.constant 0 : i32
        %sign3A_1312 = arith.cmpi sgt, %jit3A_1302, %sign3A_1311 : i32
        %sign3A_1313 = arith.extui %sign3A_1312 : i1 to i32
        %sign3A_1314 = arith.constant 0 : i32
        %sign3A_1315 = arith.cmpi slt, %jit3A_1302, %sign3A_1314 : i32
        %sign3A_1316 = arith.extui %sign3A_1315 : i1 to i32
        %sign3A_1317 = arith.subi %sign3A_1313, %sign3A_1316 : i32
        %ne3A_1318 = arith.cmpi ne, %sign3A_1310, %sign3A_1317 : i32
        %rem3A_1319 = arith.remsi %sub3A_1299, %jit3A_1302 : i32
        %ne3A_1320 = arith.constant 0 : i32
        %ne3A_1321 = arith.cmpi ne, %rem3A_1319, %ne3A_1320 : i32
        %and3A_1322 = arith.andi %ne3A_1318, %ne3A_1321 : i1
        %sub3A_1323 = arith.constant 1 : i32
        %sub3A_1324 = arith.subi %div3A_1303, %sub3A_1323 : i32
        %select_n3A_1325 = arith.select %and3A_1322, %sub3A_1324, %div3A_1303 : i32
        %jit3A_1326 = arith.constant 8 : i32
        %eq3A_1327 = arith.constant 0 : i32
        %eq3A_1328 = arith.cmpi eq, %jit3A_1326, %eq3A_1327 : i32
        %jit3A_1329 = arith.constant 1 : i32
        %select_n3A_1330 = arith.select %eq3A_1328, %jit3A_1329, %jit3A_1326 : i32
        %rem3A_1331 = arith.remsi %sub3A_1299, %select_n3A_1330 : i32
        %ne3A_1332 = arith.constant 0 : i32
        %ne3A_1333 = arith.cmpi ne, %rem3A_1331, %ne3A_1332 : i32
        %lt3A_1334 = arith.constant 0 : i32
        %lt3A_1335 = arith.cmpi slt, %rem3A_1331, %lt3A_1334 : i32
        %lt3A_1336 = arith.constant 0 : i32
        %lt3A_1337 = arith.cmpi slt, %select_n3A_1330, %lt3A_1336 : i32
        %ne3A_1338 = arith.xori %lt3A_1335, %lt3A_1337 : i1
        %and3A_1339 = arith.andi %ne3A_1338, %ne3A_1333 : i1
        %add3A_1340 = arith.addi %rem3A_1331, %select_n3A_1330 : i32
        %select_n3A_1341 = arith.select %and3A_1339, %add3A_1340, %rem3A_1331 : i32
        %dma_wait3A_1342 = arith.constant 2 : i32
        %dma_wait3A_1343 = arith.constant 2 : i32
        %dma_wait3A_1344 = arith.constant 0 : i32
        %dma_wait3A_1345 = arith.constant 0 : i32
        %dma_wait3A_1346 = tpu.memref_slice %arg8[%dma_wait3A_1342, %dma_wait3A_1344, %dma_wait3A_1345] : memref<4x32x128xf32, #tpu.memory_space<vmem>> -> memref<1x32x128xf32, #tpu.memory_space<vmem>>
        %dma_wait3A_1347 = tpu.memref_squeeze %dma_wait3A_1346 : memref<1x32x128xf32, #tpu.memory_space<vmem>> -> memref<32x128xf32, #tpu.memory_space<vmem>>
        %dma_wait3A_1348 = arith.constant 0 : i32
        %dma_wait3A_1349 = arith.constant 0 : i32
        %dma_wait3A_1350 = tpu.memref_slice %arg6[%select_n3A_1325, %dma_wait3A_1348, %select_n3A_1341, %dma_wait3A_1349] : memref<128x32x8x128xf32, #tpu.memory_space<hbm>> -> memref<1x32x1x128xf32, #tpu.memory_space<hbm>>
        %dma_wait3A_1351 = tpu.memref_squeeze %dma_wait3A_1350 : memref<1x32x1x128xf32, #tpu.memory_space<hbm>> -> memref<32x128xf32, #tpu.memory_space<hbm>>
        %dma_wait3A_1352 = tpu.memref_slice %arg12[%dma_wait3A_1343] : memref<4x!tpu.dma_semaphore, #tpu.memory_space<semaphore_mem>> -> memref<1x!tpu.dma_semaphore, #tpu.memory_space<semaphore_mem>>
        %dma_wait3A_1353 = tpu.memref_squeeze %dma_wait3A_1352 : memref<1x!tpu.dma_semaphore, #tpu.memory_space<semaphore_mem>> -> memref<!tpu.dma_semaphore, #tpu.memory_space<semaphore_mem>>
        %dma_wait3A_1354 = arith.constant 0 : i32
        %dma_wait3A_1355 = arith.constant 0 : i32
        %dma_wait3A_1356 = tpu.memref_slice %arg6[%select_n3A_1325, %dma_wait3A_1354, %select_n3A_1341, %dma_wait3A_1355] : memref<128x32x8x128xf32, #tpu.memory_space<hbm>> -> memref<1x32x1x128xf32, #tpu.memory_space<hbm>>
        %dma_wait3A_1357 = tpu.memref_squeeze %dma_wait3A_1356 : memref<1x32x1x128xf32, #tpu.memory_space<hbm>> -> memref<32x128xf32, #tpu.memory_space<hbm>>
        %dma_wait3A_1358 = arith.constant 0 : i32
        %dma_wait3A_1359 = arith.constant 0 : i32
        %dma_wait3A_1360 = tpu.memref_slice %arg8[%dma_wait3A_1342, %dma_wait3A_1358, %dma_wait3A_1359] : memref<4x32x128xf32, #tpu.memory_space<vmem>> -> memref<1x32x128xf32, #tpu.memory_space<vmem>>
        %dma_wait3A_1361 = tpu.memref_squeeze %dma_wait3A_1360 : memref<1x32x128xf32, #tpu.memory_space<vmem>> -> memref<32x128xf32, #tpu.memory_space<vmem>>
        tpu.wait_dma2 semaphore(%dma_wait3A_1353 : memref<!tpu.dma_semaphore, #tpu.memory_space<semaphore_mem>>) src(%dma_wait3A_1361 : memref<32x128xf32, #tpu.memory_space<vmem>>) dst(%dma_wait3A_1357 : memref<32x128xf32, #tpu.memory_space<hbm>>)
        %jit3A_1362 = arith.constant 8 : i32
        %div3A_1363 = arith.divsi %sub3A_1301, %jit3A_1362 : i32
        %sign3A_1364 = arith.constant 0 : i32
        %sign3A_1365 = arith.cmpi sgt, %sub3A_1301, %sign3A_1364 : i32
        %sign3A_1366 = arith.extui %sign3A_1365 : i1 to i32
        %sign3A_1367 = arith.constant 0 : i32
        %sign3A_1368 = arith.cmpi slt, %sub3A_1301, %sign3A_1367 : i32
        %sign3A_1369 = arith.extui %sign3A_1368 : i1 to i32
        %sign3A_1370 = arith.subi %sign3A_1366, %sign3A_1369 : i32
        %sign3A_1371 = arith.constant 0 : i32
        %sign3A_1372 = arith.cmpi sgt, %jit3A_1362, %sign3A_1371 : i32
        %sign3A_1373 = arith.extui %sign3A_1372 : i1 to i32
        %sign3A_1374 = arith.constant 0 : i32
        %sign3A_1375 = arith.cmpi slt, %jit3A_1362, %sign3A_1374 : i32
        %sign3A_1376 = arith.extui %sign3A_1375 : i1 to i32
        %sign3A_1377 = arith.subi %sign3A_1373, %sign3A_1376 : i32
        %ne3A_1378 = arith.cmpi ne, %sign3A_1370, %sign3A_1377 : i32
        %rem3A_1379 = arith.remsi %sub3A_1301, %jit3A_1362 : i32
        %ne3A_1380 = arith.constant 0 : i32
        %ne3A_1381 = arith.cmpi ne, %rem3A_1379, %ne3A_1380 : i32
        %and3A_1382 = arith.andi %ne3A_1378, %ne3A_1381 : i1
        %sub3A_1383 = arith.constant 1 : i32
        %sub3A_1384 = arith.subi %div3A_1363, %sub3A_1383 : i32
        %select_n3A_1385 = arith.select %and3A_1382, %sub3A_1384, %div3A_1363 : i32
        %jit3A_1386 = arith.constant 8 : i32
        %eq3A_1387 = arith.constant 0 : i32
        %eq3A_1388 = arith.cmpi eq, %jit3A_1386, %eq3A_1387 : i32
        %jit3A_1389 = arith.constant 1 : i32
        %select_n3A_1390 = arith.select %eq3A_1388, %jit3A_1389, %jit3A_1386 : i32
        %rem3A_1391 = arith.remsi %sub3A_1301, %select_n3A_1390 : i32
        %ne3A_1392 = arith.constant 0 : i32
        %ne3A_1393 = arith.cmpi ne, %rem3A_1391, %ne3A_1392 : i32
        %lt3A_1394 = arith.constant 0 : i32
        %lt3A_1395 = arith.cmpi slt, %rem3A_1391, %lt3A_1394 : i32
        %lt3A_1396 = arith.constant 0 : i32
        %lt3A_1397 = arith.cmpi slt, %select_n3A_1390, %lt3A_1396 : i32
        %ne3A_1398 = arith.xori %lt3A_1395, %lt3A_1397 : i1
        %and3A_1399 = arith.andi %ne3A_1398, %ne3A_1393 : i1
        %add3A_1400 = arith.addi %rem3A_1391, %select_n3A_1390 : i32
        %select_n3A_1401 = arith.select %and3A_1399, %add3A_1400, %rem3A_1391 : i32
        %dma_wait3A_1402 = arith.constant 3 : i32
        %dma_wait3A_1403 = arith.constant 3 : i32
        %dma_wait3A_1404 = arith.constant 0 : i32
        %dma_wait3A_1405 = arith.constant 0 : i32
        %dma_wait3A_1406 = tpu.memref_slice %arg8[%dma_wait3A_1402, %dma_wait3A_1404, %dma_wait3A_1405] : memref<4x32x128xf32, #tpu.memory_space<vmem>> -> memref<1x32x128xf32, #tpu.memory_space<vmem>>
        %dma_wait3A_1407 = tpu.memref_squeeze %dma_wait3A_1406 : memref<1x32x128xf32, #tpu.memory_space<vmem>> -> memref<32x128xf32, #tpu.memory_space<vmem>>
        %dma_wait3A_1408 = arith.constant 0 : i32
        %dma_wait3A_1409 = arith.constant 0 : i32
        %dma_wait3A_1410 = tpu.memref_slice %arg6[%select_n3A_1385, %dma_wait3A_1408, %select_n3A_1401, %dma_wait3A_1409] : memref<128x32x8x128xf32, #tpu.memory_space<hbm>> -> memref<1x32x1x128xf32, #tpu.memory_space<hbm>>
        %dma_wait3A_1411 = tpu.memref_squeeze %dma_wait3A_1410 : memref<1x32x1x128xf32, #tpu.memory_space<hbm>> -> memref<32x128xf32, #tpu.memory_space<hbm>>
        %dma_wait3A_1412 = tpu.memref_slice %arg12[%dma_wait3A_1403] : memref<4x!tpu.dma_semaphore, #tpu.memory_space<semaphore_mem>> -> memref<1x!tpu.dma_semaphore, #tpu.memory_space<semaphore_mem>>
        %dma_wait3A_1413 = tpu.memref_squeeze %dma_wait3A_1412 : memref<1x!tpu.dma_semaphore, #tpu.memory_space<semaphore_mem>> -> memref<!tpu.dma_semaphore, #tpu.memory_space<semaphore_mem>>
        %dma_wait3A_1414 = arith.constant 0 : i32
        %dma_wait3A_1415 = arith.constant 0 : i32
        %dma_wait3A_1416 = tpu.memref_slice %arg6[%select_n3A_1385, %dma_wait3A_1414, %select_n3A_1401, %dma_wait3A_1415] : memref<128x32x8x128xf32, #tpu.memory_space<hbm>> -> memref<1x32x1x128xf32, #tpu.memory_space<hbm>>
        %dma_wait3A_1417 = tpu.memref_squeeze %dma_wait3A_1416 : memref<1x32x1x128xf32, #tpu.memory_space<hbm>> -> memref<32x128xf32, #tpu.memory_space<hbm>>
        %dma_wait3A_1418 = arith.constant 0 : i32
        %dma_wait3A_1419 = arith.constant 0 : i32
        %dma_wait3A_1420 = tpu.memref_slice %arg8[%dma_wait3A_1402, %dma_wait3A_1418, %dma_wait3A_1419] : memref<4x32x128xf32, #tpu.memory_space<vmem>> -> memref<1x32x128xf32, #tpu.memory_space<vmem>>
        %dma_wait3A_1421 = tpu.memref_squeeze %dma_wait3A_1420 : memref<1x32x128xf32, #tpu.memory_space<vmem>> -> memref<32x128xf32, #tpu.memory_space<vmem>>
        tpu.wait_dma2 semaphore(%dma_wait3A_1413 : memref<!tpu.dma_semaphore, #tpu.memory_space<semaphore_mem>>) src(%dma_wait3A_1421 : memref<32x128xf32, #tpu.memory_space<vmem>>) dst(%dma_wait3A_1417 : memref<32x128xf32, #tpu.memory_space<hbm>>)
      } else {
      }
      %parallel_loop3A_1165 = arith.constant 0 : i32
      %parallel_loop3A_1166 = arith.constant 32 : i32
      %parallel_loop3A_1167 = arith.constant 1 : i32
      scf.for %parallel_loop3A_1298 = %parallel_loop3A_1165 to %parallel_loop3A_1166 step %parallel_loop3A_1167  : i32 {
        %parallel_loop3A_1299 = arith.index_cast %parallel_loop3A_1298 : i32 to index
        %parallel_loop3A_1300 = arith.constant 0 : index
        %parallel_loop3A_1301 = tpu.vector_load %arg9[%parallel_loop3A_1299, %parallel_loop3A_1300] {strides = array<i32>} : memref<32x128xi32, #tpu.memory_space<vmem>>, vector<16xi32>,
        %parallel_loop3A_1302 = arith.constant 7 : i32
        %parallel_loop3A_1303 = vector.broadcast %parallel_loop3A_1302 : i32 to vector<16xi32>
        %parallel_loop3A_1304 = arith.shrsi %parallel_loop3A_1301, %parallel_loop3A_1303 : vector<16xi32>
        %parallel_loop3A_1305 = arith.constant 127 : i32
        %parallel_loop3A_1306 = vector.broadcast %parallel_loop3A_1305 : i32 to vector<16xi32>
        %parallel_loop3A_1307 = arith.andi %parallel_loop3A_1301, %parallel_loop3A_1306 : vector<16xi32>
        %parallel_loop3A_1308 = arith.constant 2 : i32
        %parallel_loop3A_1309 = arith.constant 0 : i32
        %parallel_loop3A_1310 = arith.constant 0 : i32
        %parallel_loop3A_1311 = tpu.memref_slice %arg7[%parallel_loop3A_1308, %parallel_loop3A_1309, %parallel_loop3A_1310] : memref<4x128x128xf32, #tpu.memory_space<vmem>> -> memref<1x128x128xf32, #tpu.memory_space<vmem>>
        %parallel_loop3A_1312 = tpu.memref_squeeze %parallel_loop3A_1311 : memref<1x128x128xf32, #tpu.memory_space<vmem>> -> memref<128x128xf32, #tpu.memory_space<vmem>>
        %parallel_loop3A_1313 = tpu.vector_load_idx %parallel_loop3A_1312[%parallel_loop3A_1304, %parallel_loop3A_1307] : memref<128x128xf32, #tpu.memory_space<vmem>>[vector<16xi32>, vector<16xi32>], vector<16xf32>,
        %parallel_loop3A_1314 = arith.constant 2 : i32
        %parallel_loop3A_1315 = arith.index_cast %parallel_loop3A_1314 : i32 to index
        %parallel_loop3A_1316 = arith.index_cast %parallel_loop3A_1298 : i32 to index
        %parallel_loop3A_1317 = arith.constant 0 : index
        %parallel_loop3A_1318 = tpu.vector_load %arg8[%parallel_loop3A_1315, %parallel_loop3A_1316, %parallel_loop3A_1317] {strides = array<i32>} : memref<4x32x128xf32, #tpu.memory_space<vmem>>, vector<16xf32>,
        tpu.vector_store %arg8[%parallel_loop3A_1315, %parallel_loop3A_1316, %parallel_loop3A_1317], %parallel_loop3A_1313 {strides = array<i32>} : memref<4x32x128xf32, #tpu.memory_space<vmem>>, vector<16xf32>,
        %parallel_loop3A_1319 = arith.constant 3 : i32
        %parallel_loop3A_1320 = arith.constant 0 : i32
        %parallel_loop3A_1321 = arith.constant 0 : i32
        %parallel_loop3A_1322 = tpu.memref_slice %arg7[%parallel_loop3A_1319, %parallel_loop3A_1320, %parallel_loop3A_1321] : memref<4x128x128xf32, #tpu.memory_space<vmem>> -> memref<1x128x128xf32, #tpu.memory_space<vmem>>
        %parallel_loop3A_1323 = tpu.memref_squeeze %parallel_loop3A_1322 : memref<1x128x128xf32, #tpu.memory_space<vmem>> -> memref<128x128xf32, #tpu.memory_space<vmem>>
        %parallel_loop3A_1324 = tpu.vector_load_idx %parallel_loop3A_1323[%parallel_loop3A_1304, %parallel_loop3A_1307] : memref<128x128xf32, #tpu.memory_space<vmem>>[vector<16xi32>, vector<16xi32>], vector<16xf32>,
        %parallel_loop3A_1325 = arith.constant 3 : i32
        %parallel_loop3A_1326 = arith.index_cast %parallel_loop3A_1325 : i32 to index
        %parallel_loop3A_1327 = arith.index_cast %parallel_loop3A_1298 : i32 to index
        %parallel_loop3A_1328 = arith.constant 0 : index
        %parallel_loop3A_1329 = tpu.vector_load %arg8[%parallel_loop3A_1326, %parallel_loop3A_1327, %parallel_loop3A_1328] {strides = array<i32>} : memref<4x32x128xf32, #tpu.memory_space<vmem>>, vector<16xf32>,
        tpu.vector_store %arg8[%parallel_loop3A_1326, %parallel_loop3A_1327, %parallel_loop3A_1328], %parallel_loop3A_1324 {strides = array<i32>} : memref<4x32x128xf32, #tpu.memory_space<vmem>>, vector<16xf32>,
        %parallel_loop3A_1330 = arith.index_cast %parallel_loop3A_1298 : i32 to index
        %parallel_loop3A_1331 = arith.constant 16 : index
        %parallel_loop3A_1332 = tpu.vector_load %arg9[%parallel_loop3A_1330, %parallel_loop3A_1331] {strides = array<i32>} : memref<32x128xi32, #tpu.memory_space<vmem>>, vector<16xi32>,
        %parallel_loop3A_1333 = arith.constant 7 : i32
        %parallel_loop3A_1334 = vector.broadcast %parallel_loop3A_1333 : i32 to vector<16xi32>
        %parallel_loop3A_1335 = arith.shrsi %parallel_loop3A_1332, %parallel_loop3A_1334 : vector<16xi32>
        %parallel_loop3A_1336 = arith.constant 127 : i32
        %parallel_loop3A_1337 = vector.broadcast %parallel_loop3A_1336 : i32 to vector<16xi32>
        %parallel_loop3A_1338 = arith.andi %parallel_loop3A_1332, %parallel_loop3A_1337 : vector<16xi32>
        %parallel_loop3A_1339 = arith.constant 2 : i32
        %parallel_loop3A_1340 = arith.constant 0 : i32
        %parallel_loop3A_1341 = arith.constant 0 : i32
        %parallel_loop3A_1342 = tpu.memref_slice %arg7[%parallel_loop3A_1339, %parallel_loop3A_1340, %parallel_loop3A_1341] : memref<4x128x128xf32, #tpu.memory_space<vmem>> -> memref<1x128x128xf32, #tpu.memory_space<vmem>>
        %parallel_loop3A_1343 = tpu.memref_squeeze %parallel_loop3A_1342 : memref<1x128x128xf32, #tpu.memory_space<vmem>> -> memref<128x128xf32, #tpu.memory_space<vmem>>
        %parallel_loop3A_1344 = tpu.vector_load_idx %parallel_loop3A_1343[%parallel_loop3A_1335, %parallel_loop3A_1338] : memref<128x128xf32, #tpu.memory_space<vmem>>[vector<16xi32>, vector<16xi32>], vector<16xf32>,
        %parallel_loop3A_1345 = arith.constant 2 : i32
        %parallel_loop3A_1346 = arith.index_cast %parallel_loop3A_1345 : i32 to index
        %parallel_loop3A_1347 = arith.index_cast %parallel_loop3A_1298 : i32 to index
        %parallel_loop3A_1348 = arith.constant 16 : index
        %parallel_loop3A_1349 = tpu.vector_load %arg8[%parallel_loop3A_1346, %parallel_loop3A_1347, %parallel_loop3A_1348] {strides = array<i32>} : memref<4x32x128xf32, #tpu.memory_space<vmem>>, vector<16xf32>,
        tpu.vector_store %arg8[%parallel_loop3A_1346, %parallel_loop3A_1347, %parallel_loop3A_1348], %parallel_loop3A_1344 {strides = array<i32>} : memref<4x32x128xf32, #tpu.memory_space<vmem>>, vector<16xf32>,
        %parallel_loop3A_1350 = arith.constant 3 : i32
        %parallel_loop3A_1351 = arith.constant 0 : i32
        %parallel_loop3A_1352 = arith.constant 0 : i32
        %parallel_loop3A_1353 = tpu.memref_slice %arg7[%parallel_loop3A_1350, %parallel_loop3A_1351, %parallel_loop3A_1352] : memref<4x128x128xf32, #tpu.memory_space<vmem>> -> memref<1x128x128xf32, #tpu.memory_space<vmem>>
        %parallel_loop3A_1354 = tpu.memref_squeeze %parallel_loop3A_1353 : memref<1x128x128xf32, #tpu.memory_space<vmem>> -> memref<128x128xf32, #tpu.memory_space<vmem>>
        %parallel_loop3A_1355 = tpu.vector_load_idx %parallel_loop3A_1354[%parallel_loop3A_1335, %parallel_loop3A_1338] : memref<128x128xf32, #tpu.memory_space<vmem>>[vector<16xi32>, vector<16xi32>], vector<16xf32>,
        %parallel_loop3A_1356 = arith.constant 3 : i32
        %parallel_loop3A_1357 = arith.index_cast %parallel_loop3A_1356 : i32 to index
        %parallel_loop3A_1358 = arith.index_cast %parallel_loop3A_1298 : i32 to index
        %parallel_loop3A_1359 = arith.constant 16 : index
        %parallel_loop3A_1360 = tpu.vector_load %arg8[%parallel_loop3A_1357, %parallel_loop3A_1358, %parallel_loop3A_1359] {strides = array<i32>} : memref<4x32x128xf32, #tpu.memory_space<vmem>>, vector<16xf32>,
        tpu.vector_store %arg8[%parallel_loop3A_1357, %parallel_loop3A_1358, %parallel_loop3A_1359], %parallel_loop3A_1355 {strides = array<i32>} : memref<4x32x128xf32, #tpu.memory_space<vmem>>, vector<16xf32>,
        %parallel_loop3A_1361 = arith.index_cast %parallel_loop3A_1298 : i32 to index
        %parallel_loop3A_1362 = arith.constant 32 : index
        %parallel_loop3A_1363 = tpu.vector_load %arg9[%parallel_loop3A_1361, %parallel_loop3A_1362] {strides = array<i32>} : memref<32x128xi32, #tpu.memory_space<vmem>>, vector<16xi32>,
        %parallel_loop3A_1364 = arith.constant 7 : i32
        %parallel_loop3A_1365 = vector.broadcast %parallel_loop3A_1364 : i32 to vector<16xi32>
        %parallel_loop3A_1366 = arith.shrsi %parallel_loop3A_1363, %parallel_loop3A_1365 : vector<16xi32>
        %parallel_loop3A_1367 = arith.constant 127 : i32
        %parallel_loop3A_1368 = vector.broadcast %parallel_loop3A_1367 : i32 to vector<16xi32>
        %parallel_loop3A_1369 = arith.andi %parallel_loop3A_1363, %parallel_loop3A_1368 : vector<16xi32>
        %parallel_loop3A_1370 = arith.constant 2 : i32
        %parallel_loop3A_1371 = arith.constant 0 : i32
        %parallel_loop3A_1372 = arith.constant 0 : i32
        %parallel_loop3A_1373 = tpu.memref_slice %arg7[%parallel_loop3A_1370, %parallel_loop3A_1371, %parallel_loop3A_1372] : memref<4x128x128xf32, #tpu.memory_space<vmem>> -> memref<1x128x128xf32, #tpu.memory_space<vmem>>
        %parallel_loop3A_1374 = tpu.memref_squeeze %parallel_loop3A_1373 : memref<1x128x128xf32, #tpu.memory_space<vmem>> -> memref<128x128xf32, #tpu.memory_space<vmem>>
        %parallel_loop3A_1375 = tpu.vector_load_idx %parallel_loop3A_1374[%parallel_loop3A_1366, %parallel_loop3A_1369] : memref<128x128xf32, #tpu.memory_space<vmem>>[vector<16xi32>, vector<16xi32>], vector<16xf32>,
        %parallel_loop3A_1376 = arith.constant 2 : i32
        %parallel_loop3A_1377 = arith.index_cast %parallel_loop3A_1376 : i32 to index
        %parallel_loop3A_1378 = arith.index_cast %parallel_loop3A_1298 : i32 to index
        %parallel_loop3A_1379 = arith.constant 32 : index
        %parallel_loop3A_1380 = tpu.vector_load %arg8[%parallel_loop3A_1377, %parallel_loop3A_1378, %parallel_loop3A_1379] {strides = array<i32>} : memref<4x32x128xf32, #tpu.memory_space<vmem>>, vector<16xf32>,
        tpu.vector_store %arg8[%parallel_loop3A_1377, %parallel_loop3A_1378, %parallel_loop3A_1379], %parallel_loop3A_1375 {strides = array<i32>} : memref<4x32x128xf32, #tpu.memory_space<vmem>>, vector<16xf32>,
        %parallel_loop3A_1381 = arith.constant 3 : i32
        %parallel_loop3A_1382 = arith.constant 0 : i32
        %parallel_loop3A_1383 = arith.constant 0 : i32
        %parallel_loop3A_1384 = tpu.memref_slice %arg7[%parallel_loop3A_1381, %parallel_loop3A_1382, %parallel_loop3A_1383] : memref<4x128x128xf32, #tpu.memory_space<vmem>> -> memref<1x128x128xf32, #tpu.memory_space<vmem>>
        %parallel_loop3A_1385 = tpu.memref_squeeze %parallel_loop3A_1384 : memref<1x128x128xf32, #tpu.memory_space<vmem>> -> memref<128x128xf32, #tpu.memory_space<vmem>>
        %parallel_loop3A_1386 = tpu.vector_load_idx %parallel_loop3A_1385[%parallel_loop3A_1366, %parallel_loop3A_1369] : memref<128x128xf32, #tpu.memory_space<vmem>>[vector<16xi32>, vector<16xi32>], vector<16xf32>,
        %parallel_loop3A_1387 = arith.constant 3 : i32
        %parallel_loop3A_1388 = arith.index_cast %parallel_loop3A_1387 : i32 to index
        %parallel_loop3A_1389 = arith.index_cast %parallel_loop3A_1298 : i32 to index
        %parallel_loop3A_1390 = arith.constant 32 : index
        %parallel_loop3A_1391 = tpu.vector_load %arg8[%parallel_loop3A_1388, %parallel_loop3A_1389, %parallel_loop3A_1390] {strides = array<i32>} : memref<4x32x128xf32, #tpu.memory_space<vmem>>, vector<16xf32>,
        tpu.vector_store %arg8[%parallel_loop3A_1388, %parallel_loop3A_1389, %parallel_loop3A_1390], %parallel_loop3A_1386 {strides = array<i32>} : memref<4x32x128xf32, #tpu.memory_space<vmem>>, vector<16xf32>,
        %parallel_loop3A_1392 = arith.index_cast %parallel_loop3A_1298 : i32 to index
        %parallel_loop3A_1393 = arith.constant 48 : index
        %parallel_loop3A_1394 = tpu.vector_load %arg9[%parallel_loop3A_1392, %parallel_loop3A_1393] {strides = array<i32>} : memref<32x128xi32, #tpu.memory_space<vmem>>, vector<16xi32>,
        %parallel_loop3A_1395 = arith.constant 7 : i32
        %parallel_loop3A_1396 = vector.broadcast %parallel_loop3A_1395 : i32 to vector<16xi32>
        %parallel_loop3A_1397 = arith.shrsi %parallel_loop3A_1394, %parallel_loop3A_1396 : vector<16xi32>
        %parallel_loop3A_1398 = arith.constant 127 : i32
        %parallel_loop3A_1399 = vector.broadcast %parallel_loop3A_1398 : i32 to vector<16xi32>
        %parallel_loop3A_1400 = arith.andi %parallel_loop3A_1394, %parallel_loop3A_1399 : vector<16xi32>
        %parallel_loop3A_1401 = arith.constant 2 : i32
        %parallel_loop3A_1402 = arith.constant 0 : i32
        %parallel_loop3A_1403 = arith.constant 0 : i32
        %parallel_loop3A_1404 = tpu.memref_slice %arg7[%parallel_loop3A_1401, %parallel_loop3A_1402, %parallel_loop3A_1403] : memref<4x128x128xf32, #tpu.memory_space<vmem>> -> memref<1x128x128xf32, #tpu.memory_space<vmem>>
        %parallel_loop3A_1405 = tpu.memref_squeeze %parallel_loop3A_1404 : memref<1x128x128xf32, #tpu.memory_space<vmem>> -> memref<128x128xf32, #tpu.memory_space<vmem>>
        %parallel_loop3A_1406 = tpu.vector_load_idx %parallel_loop3A_1405[%parallel_loop3A_1397, %parallel_loop3A_1400] : memref<128x128xf32, #tpu.memory_space<vmem>>[vector<16xi32>, vector<16xi32>], vector<16xf32>,
        %parallel_loop3A_1407 = arith.constant 2 : i32
        %parallel_loop3A_1408 = arith.index_cast %parallel_loop3A_1407 : i32 to index
        %parallel_loop3A_1409 = arith.index_cast %parallel_loop3A_1298 : i32 to index
        %parallel_loop3A_1410 = arith.constant 48 : index
        %parallel_loop3A_1411 = tpu.vector_load %arg8[%parallel_loop3A_1408, %parallel_loop3A_1409, %parallel_loop3A_1410] {strides = array<i32>} : memref<4x32x128xf32, #tpu.memory_space<vmem>>, vector<16xf32>,
        tpu.vector_store %arg8[%parallel_loop3A_1408, %parallel_loop3A_1409, %parallel_loop3A_1410], %parallel_loop3A_1406 {strides = array<i32>} : memref<4x32x128xf32, #tpu.memory_space<vmem>>, vector<16xf32>,
        %parallel_loop3A_1412 = arith.constant 3 : i32
        %parallel_loop3A_1413 = arith.constant 0 : i32
        %parallel_loop3A_1414 = arith.constant 0 : i32
        %parallel_loop3A_1415 = tpu.memref_slice %arg7[%parallel_loop3A_1412, %parallel_loop3A_1413, %parallel_loop3A_1414] : memref<4x128x128xf32, #tpu.memory_space<vmem>> -> memref<1x128x128xf32, #tpu.memory_space<vmem>>
        %parallel_loop3A_1416 = tpu.memref_squeeze %parallel_loop3A_1415 : memref<1x128x128xf32, #tpu.memory_space<vmem>> -> memref<128x128xf32, #tpu.memory_space<vmem>>
        %parallel_loop3A_1417 = tpu.vector_load_idx %parallel_loop3A_1416[%parallel_loop3A_1397, %parallel_loop3A_1400] : memref<128x128xf32, #tpu.memory_space<vmem>>[vector<16xi32>, vector<16xi32>], vector<16xf32>,
        %parallel_loop3A_1418 = arith.constant 3 : i32
        %parallel_loop3A_1419 = arith.index_cast %parallel_loop3A_1418 : i32 to index
        %parallel_loop3A_1420 = arith.index_cast %parallel_loop3A_1298 : i32 to index
        %parallel_loop3A_1421 = arith.constant 48 : index
        %parallel_loop3A_1422 = tpu.vector_load %arg8[%parallel_loop3A_1419, %parallel_loop3A_1420, %parallel_loop3A_1421] {strides = array<i32>} : memref<4x32x128xf32, #tpu.memory_space<vmem>>, vector<16xf32>,
        tpu.vector_store %arg8[%parallel_loop3A_1419, %parallel_loop3A_1420, %parallel_loop3A_1421], %parallel_loop3A_1417 {strides = array<i32>} : memref<4x32x128xf32, #tpu.memory_space<vmem>>, vector<16xf32>,
        %parallel_loop3A_1423 = arith.index_cast %parallel_loop3A_1298 : i32 to index
        %parallel_loop3A_1424 = arith.constant 64 : index
        %parallel_loop3A_1425 = tpu.vector_load %arg9[%parallel_loop3A_1423, %parallel_loop3A_1424] {strides = array<i32>} : memref<32x128xi32, #tpu.memory_space<vmem>>, vector<16xi32>,
        %parallel_loop3A_1426 = arith.constant 7 : i32
        %parallel_loop3A_1427 = vector.broadcast %parallel_loop3A_1426 : i32 to vector<16xi32>
        %parallel_loop3A_1428 = arith.shrsi %parallel_loop3A_1425, %parallel_loop3A_1427 : vector<16xi32>
        %parallel_loop3A_1429 = arith.constant 127 : i32
        %parallel_loop3A_1430 = vector.broadcast %parallel_loop3A_1429 : i32 to vector<16xi32>
        %parallel_loop3A_1431 = arith.andi %parallel_loop3A_1425, %parallel_loop3A_1430 : vector<16xi32>
        %parallel_loop3A_1432 = arith.constant 2 : i32
        %parallel_loop3A_1433 = arith.constant 0 : i32
        %parallel_loop3A_1434 = arith.constant 0 : i32
        %parallel_loop3A_1435 = tpu.memref_slice %arg7[%parallel_loop3A_1432, %parallel_loop3A_1433, %parallel_loop3A_1434] : memref<4x128x128xf32, #tpu.memory_space<vmem>> -> memref<1x128x128xf32, #tpu.memory_space<vmem>>
        %parallel_loop3A_1436 = tpu.memref_squeeze %parallel_loop3A_1435 : memref<1x128x128xf32, #tpu.memory_space<vmem>> -> memref<128x128xf32, #tpu.memory_space<vmem>>
        %parallel_loop3A_1437 = tpu.vector_load_idx %parallel_loop3A_1436[%parallel_loop3A_1428, %parallel_loop3A_1431] : memref<128x128xf32, #tpu.memory_space<vmem>>[vector<16xi32>, vector<16xi32>], vector<16xf32>,
        %parallel_loop3A_1438 = arith.constant 2 : i32
        %parallel_loop3A_1439 = arith.index_cast %parallel_loop3A_1438 : i32 to index
        %parallel_loop3A_1440 = arith.index_cast %parallel_loop3A_1298 : i32 to index
        %parallel_loop3A_1441 = arith.constant 64 : index
        %parallel_loop3A_1442 = tpu.vector_load %arg8[%parallel_loop3A_1439, %parallel_loop3A_1440, %parallel_loop3A_1441] {strides = array<i32>} : memref<4x32x128xf32, #tpu.memory_space<vmem>>, vector<16xf32>,
        tpu.vector_store %arg8[%parallel_loop3A_1439, %parallel_loop3A_1440, %parallel_loop3A_1441], %parallel_loop3A_1437 {strides = array<i32>} : memref<4x32x128xf32, #tpu.memory_space<vmem>>, vector<16xf32>,
        %parallel_loop3A_1443 = arith.constant 3 : i32
        %parallel_loop3A_1444 = arith.constant 0 : i32
        %parallel_loop3A_1445 = arith.constant 0 : i32
        %parallel_loop3A_1446 = tpu.memref_slice %arg7[%parallel_loop3A_1443, %parallel_loop3A_1444, %parallel_loop3A_1445] : memref<4x128x128xf32, #tpu.memory_space<vmem>> -> memref<1x128x128xf32, #tpu.memory_space<vmem>>
        %parallel_loop3A_1447 = tpu.memref_squeeze %parallel_loop3A_1446 : memref<1x128x128xf32, #tpu.memory_space<vmem>> -> memref<128x128xf32, #tpu.memory_space<vmem>>
        %parallel_loop3A_1448 = tpu.vector_load_idx %parallel_loop3A_1447[%parallel_loop3A_1428, %parallel_loop3A_1431] : memref<128x128xf32, #tpu.memory_space<vmem>>[vector<16xi32>, vector<16xi32>], vector<16xf32>,
        %parallel_loop3A_1449 = arith.constant 3 : i32
        %parallel_loop3A_1450 = arith.index_cast %parallel_loop3A_1449 : i32 to index
        %parallel_loop3A_1451 = arith.index_cast %parallel_loop3A_1298 : i32 to index
        %parallel_loop3A_1452 = arith.constant 64 : index
        %parallel_loop3A_1453 = tpu.vector_load %arg8[%parallel_loop3A_1450, %parallel_loop3A_1451, %parallel_loop3A_1452] {strides = array<i32>} : memref<4x32x128xf32, #tpu.memory_space<vmem>>, vector<16xf32>,
        tpu.vector_store %arg8[%parallel_loop3A_1450, %parallel_loop3A_1451, %parallel_loop3A_1452], %parallel_loop3A_1448 {strides = array<i32>} : memref<4x32x128xf32, #tpu.memory_space<vmem>>, vector<16xf32>,
        %parallel_loop3A_1454 = arith.index_cast %parallel_loop3A_1298 : i32 to index
        %parallel_loop3A_1455 = arith.constant 80 : index
        %parallel_loop3A_1456 = tpu.vector_load %arg9[%parallel_loop3A_1454, %parallel_loop3A_1455] {strides = array<i32>} : memref<32x128xi32, #tpu.memory_space<vmem>>, vector<16xi32>,
        %parallel_loop3A_1457 = arith.constant 7 : i32
        %parallel_loop3A_1458 = vector.broadcast %parallel_loop3A_1457 : i32 to vector<16xi32>
        %parallel_loop3A_1459 = arith.shrsi %parallel_loop3A_1456, %parallel_loop3A_1458 : vector<16xi32>
        %parallel_loop3A_1460 = arith.constant 127 : i32
        %parallel_loop3A_1461 = vector.broadcast %parallel_loop3A_1460 : i32 to vector<16xi32>
        %parallel_loop3A_1462 = arith.andi %parallel_loop3A_1456, %parallel_loop3A_1461 : vector<16xi32>
        %parallel_loop3A_1463 = arith.constant 2 : i32
        %parallel_loop3A_1464 = arith.constant 0 : i32
        %parallel_loop3A_1465 = arith.constant 0 : i32
        %parallel_loop3A_1466 = tpu.memref_slice %arg7[%parallel_loop3A_1463, %parallel_loop3A_1464, %parallel_loop3A_1465] : memref<4x128x128xf32, #tpu.memory_space<vmem>> -> memref<1x128x128xf32, #tpu.memory_space<vmem>>
        %parallel_loop3A_1467 = tpu.memref_squeeze %parallel_loop3A_1466 : memref<1x128x128xf32, #tpu.memory_space<vmem>> -> memref<128x128xf32, #tpu.memory_space<vmem>>
        %parallel_loop3A_1468 = tpu.vector_load_idx %parallel_loop3A_1467[%parallel_loop3A_1459, %parallel_loop3A_1462] : memref<128x128xf32, #tpu.memory_space<vmem>>[vector<16xi32>, vector<16xi32>], vector<16xf32>,
        %parallel_loop3A_1469 = arith.constant 2 : i32
        %parallel_loop3A_1470 = arith.index_cast %parallel_loop3A_1469 : i32 to index
        %parallel_loop3A_1471 = arith.index_cast %parallel_loop3A_1298 : i32 to index
        %parallel_loop3A_1472 = arith.constant 80 : index
        %parallel_loop3A_1473 = tpu.vector_load %arg8[%parallel_loop3A_1470, %parallel_loop3A_1471, %parallel_loop3A_1472] {strides = array<i32>} : memref<4x32x128xf32, #tpu.memory_space<vmem>>, vector<16xf32>,
        tpu.vector_store %arg8[%parallel_loop3A_1470, %parallel_loop3A_1471, %parallel_loop3A_1472], %parallel_loop3A_1468 {strides = array<i32>} : memref<4x32x128xf32, #tpu.memory_space<vmem>>, vector<16xf32>,
        %parallel_loop3A_1474 = arith.constant 3 : i32
        %parallel_loop3A_1475 = arith.constant 0 : i32
        %parallel_loop3A_1476 = arith.constant 0 : i32
        %parallel_loop3A_1477 = tpu.memref_slice %arg7[%parallel_loop3A_1474, %parallel_loop3A_1475, %parallel_loop3A_1476] : memref<4x128x128xf32, #tpu.memory_space<vmem>> -> memref<1x128x128xf32, #tpu.memory_space<vmem>>
        %parallel_loop3A_1478 = tpu.memref_squeeze %parallel_loop3A_1477 : memref<1x128x128xf32, #tpu.memory_space<vmem>> -> memref<128x128xf32, #tpu.memory_space<vmem>>
        %parallel_loop3A_1479 = tpu.vector_load_idx %parallel_loop3A_1478[%parallel_loop3A_1459, %parallel_loop3A_1462] : memref<128x128xf32, #tpu.memory_space<vmem>>[vector<16xi32>, vector<16xi32>], vector<16xf32>,
        %parallel_loop3A_1480 = arith.constant 3 : i32
        %parallel_loop3A_1481 = arith.index_cast %parallel_loop3A_1480 : i32 to index
        %parallel_loop3A_1482 = arith.index_cast %parallel_loop3A_1298 : i32 to index
        %parallel_loop3A_1483 = arith.constant 80 : index
        %parallel_loop3A_1484 = tpu.vector_load %arg8[%parallel_loop3A_1481, %parallel_loop3A_1482, %parallel_loop3A_1483] {strides = array<i32>} : memref<4x32x128xf32, #tpu.memory_space<vmem>>, vector<16xf32>,
        tpu.vector_store %arg8[%parallel_loop3A_1481, %parallel_loop3A_1482, %parallel_loop3A_1483], %parallel_loop3A_1479 {strides = array<i32>} : memref<4x32x128xf32, #tpu.memory_space<vmem>>, vector<16xf32>,
        %parallel_loop3A_1485 = arith.index_cast %parallel_loop3A_1298 : i32 to index
        %parallel_loop3A_1486 = arith.constant 96 : index
        %parallel_loop3A_1487 = tpu.vector_load %arg9[%parallel_loop3A_1485, %parallel_loop3A_1486] {strides = array<i32>} : memref<32x128xi32, #tpu.memory_space<vmem>>, vector<16xi32>,
        %parallel_loop3A_1488 = arith.constant 7 : i32
        %parallel_loop3A_1489 = vector.broadcast %parallel_loop3A_1488 : i32 to vector<16xi32>
        %parallel_loop3A_1490 = arith.shrsi %parallel_loop3A_1487, %parallel_loop3A_1489 : vector<16xi32>
        %parallel_loop3A_1491 = arith.constant 127 : i32
        %parallel_loop3A_1492 = vector.broadcast %parallel_loop3A_1491 : i32 to vector<16xi32>
        %parallel_loop3A_1493 = arith.andi %parallel_loop3A_1487, %parallel_loop3A_1492 : vector<16xi32>
        %parallel_loop3A_1494 = arith.constant 2 : i32
        %parallel_loop3A_1495 = arith.constant 0 : i32
        %parallel_loop3A_1496 = arith.constant 0 : i32
        %parallel_loop3A_1497 = tpu.memref_slice %arg7[%parallel_loop3A_1494, %parallel_loop3A_1495, %parallel_loop3A_1496] : memref<4x128x128xf32, #tpu.memory_space<vmem>> -> memref<1x128x128xf32, #tpu.memory_space<vmem>>
        %parallel_loop3A_1498 = tpu.memref_squeeze %parallel_loop3A_1497 : memref<1x128x128xf32, #tpu.memory_space<vmem>> -> memref<128x128xf32, #tpu.memory_space<vmem>>
        %parallel_loop3A_1499 = tpu.vector_load_idx %parallel_loop3A_1498[%parallel_loop3A_1490, %parallel_loop3A_1493] : memref<128x128xf32, #tpu.memory_space<vmem>>[vector<16xi32>, vector<16xi32>], vector<16xf32>,
        %parallel_loop3A_1500 = arith.constant 2 : i32
        %parallel_loop3A_1501 = arith.index_cast %parallel_loop3A_1500 : i32 to index
        %parallel_loop3A_1502 = arith.index_cast %parallel_loop3A_1298 : i32 to index
        %parallel_loop3A_1503 = arith.constant 96 : index
        %parallel_loop3A_1504 = tpu.vector_load %arg8[%parallel_loop3A_1501, %parallel_loop3A_1502, %parallel_loop3A_1503] {strides = array<i32>} : memref<4x32x128xf32, #tpu.memory_space<vmem>>, vector<16xf32>,
        tpu.vector_store %arg8[%parallel_loop3A_1501, %parallel_loop3A_1502, %parallel_loop3A_1503], %parallel_loop3A_1499 {strides = array<i32>} : memref<4x32x128xf32, #tpu.memory_space<vmem>>, vector<16xf32>,
        %parallel_loop3A_1505 = arith.constant 3 : i32
        %parallel_loop3A_1506 = arith.constant 0 : i32
        %parallel_loop3A_1507 = arith.constant 0 : i32
        %parallel_loop3A_1508 = tpu.memref_slice %arg7[%parallel_loop3A_1505, %parallel_loop3A_1506, %parallel_loop3A_1507] : memref<4x128x128xf32, #tpu.memory_space<vmem>> -> memref<1x128x128xf32, #tpu.memory_space<vmem>>
        %parallel_loop3A_1509 = tpu.memref_squeeze %parallel_loop3A_1508 : memref<1x128x128xf32, #tpu.memory_space<vmem>> -> memref<128x128xf32, #tpu.memory_space<vmem>>
        %parallel_loop3A_1510 = tpu.vector_load_idx %parallel_loop3A_1509[%parallel_loop3A_1490, %parallel_loop3A_1493] : memref<128x128xf32, #tpu.memory_space<vmem>>[vector<16xi32>, vector<16xi32>], vector<16xf32>,
        %parallel_loop3A_1511 = arith.constant 3 : i32
        %parallel_loop3A_1512 = arith.index_cast %parallel_loop3A_1511 : i32 to index
        %parallel_loop3A_1513 = arith.index_cast %parallel_loop3A_1298 : i32 to index
        %parallel_loop3A_1514 = arith.constant 96 : index
        %parallel_loop3A_1515 = tpu.vector_load %arg8[%parallel_loop3A_1512, %parallel_loop3A_1513, %parallel_loop3A_1514] {strides = array<i32>} : memref<4x32x128xf32, #tpu.memory_space<vmem>>, vector<16xf32>,
        tpu.vector_store %arg8[%parallel_loop3A_1512, %parallel_loop3A_1513, %parallel_loop3A_1514], %parallel_loop3A_1510 {strides = array<i32>} : memref<4x32x128xf32, #tpu.memory_space<vmem>>, vector<16xf32>,
        %parallel_loop3A_1516 = arith.index_cast %parallel_loop3A_1298 : i32 to index
        %parallel_loop3A_1517 = arith.constant 112 : index
        %parallel_loop3A_1518 = tpu.vector_load %arg9[%parallel_loop3A_1516, %parallel_loop3A_1517] {strides = array<i32>} : memref<32x128xi32, #tpu.memory_space<vmem>>, vector<16xi32>,
        %parallel_loop3A_1519 = arith.constant 7 : i32
        %parallel_loop3A_1520 = vector.broadcast %parallel_loop3A_1519 : i32 to vector<16xi32>
        %parallel_loop3A_1521 = arith.shrsi %parallel_loop3A_1518, %parallel_loop3A_1520 : vector<16xi32>
        %parallel_loop3A_1522 = arith.constant 127 : i32
        %parallel_loop3A_1523 = vector.broadcast %parallel_loop3A_1522 : i32 to vector<16xi32>
        %parallel_loop3A_1524 = arith.andi %parallel_loop3A_1518, %parallel_loop3A_1523 : vector<16xi32>
        %parallel_loop3A_1525 = arith.constant 2 : i32
        %parallel_loop3A_1526 = arith.constant 0 : i32
        %parallel_loop3A_1527 = arith.constant 0 : i32
        %parallel_loop3A_1528 = tpu.memref_slice %arg7[%parallel_loop3A_1525, %parallel_loop3A_1526, %parallel_loop3A_1527] : memref<4x128x128xf32, #tpu.memory_space<vmem>> -> memref<1x128x128xf32, #tpu.memory_space<vmem>>
        %parallel_loop3A_1529 = tpu.memref_squeeze %parallel_loop3A_1528 : memref<1x128x128xf32, #tpu.memory_space<vmem>> -> memref<128x128xf32, #tpu.memory_space<vmem>>
        %parallel_loop3A_1530 = tpu.vector_load_idx %parallel_loop3A_1529[%parallel_loop3A_1521, %parallel_loop3A_1524] : memref<128x128xf32, #tpu.memory_space<vmem>>[vector<16xi32>, vector<16xi32>], vector<16xf32>,
        %parallel_loop3A_1531 = arith.constant 2 : i32
        %parallel_loop3A_1532 = arith.index_cast %parallel_loop3A_1531 : i32 to index
        %parallel_loop3A_1533 = arith.index_cast %parallel_loop3A_1298 : i32 to index
        %parallel_loop3A_1534 = arith.constant 112 : index
        %parallel_loop3A_1535 = tpu.vector_load %arg8[%parallel_loop3A_1532, %parallel_loop3A_1533, %parallel_loop3A_1534] {strides = array<i32>} : memref<4x32x128xf32, #tpu.memory_space<vmem>>, vector<16xf32>,
        tpu.vector_store %arg8[%parallel_loop3A_1532, %parallel_loop3A_1533, %parallel_loop3A_1534], %parallel_loop3A_1530 {strides = array<i32>} : memref<4x32x128xf32, #tpu.memory_space<vmem>>, vector<16xf32>,
        %parallel_loop3A_1536 = arith.constant 3 : i32
        %parallel_loop3A_1537 = arith.constant 0 : i32
        %parallel_loop3A_1538 = arith.constant 0 : i32
        %parallel_loop3A_1539 = tpu.memref_slice %arg7[%parallel_loop3A_1536, %parallel_loop3A_1537, %parallel_loop3A_1538] : memref<4x128x128xf32, #tpu.memory_space<vmem>> -> memref<1x128x128xf32, #tpu.memory_space<vmem>>
        %parallel_loop3A_1540 = tpu.memref_squeeze %parallel_loop3A_1539 : memref<1x128x128xf32, #tpu.memory_space<vmem>> -> memref<128x128xf32, #tpu.memory_space<vmem>>
        %parallel_loop3A_1541 = tpu.vector_load_idx %parallel_loop3A_1540[%parallel_loop3A_1521, %parallel_loop3A_1524] : memref<128x128xf32, #tpu.memory_space<vmem>>[vector<16xi32>, vector<16xi32>], vector<16xf32>,
        %parallel_loop3A_1542 = arith.constant 3 : i32
        %parallel_loop3A_1543 = arith.index_cast %parallel_loop3A_1542 : i32 to index
        %parallel_loop3A_1544 = arith.index_cast %parallel_loop3A_1298 : i32 to index
        %parallel_loop3A_1545 = arith.constant 112 : index
        %parallel_loop3A_1546 = tpu.vector_load %arg8[%parallel_loop3A_1543, %parallel_loop3A_1544, %parallel_loop3A_1545] {strides = array<i32>} : memref<4x32x128xf32, #tpu.memory_space<vmem>>, vector<16xf32>,
        tpu.vector_store %arg8[%parallel_loop3A_1543, %parallel_loop3A_1544, %parallel_loop3A_1545], %parallel_loop3A_1541 {strides = array<i32>} : memref<4x32x128xf32, #tpu.memory_space<vmem>>, vector<16xf32>,
      } {sc.loop_unroll_factor = 4 : i64, sc.parallel_access}
      %jit3A_1168 = arith.constant 8 : i32
      %div3A_1169 = arith.divsi %add3A_1037, %jit3A_1168 : i32
      %sign3A_1170 = arith.constant 0 : i32
      %sign3A_1171 = arith.cmpi sgt, %add3A_1037, %sign3A_1170 : i32
      %sign3A_1172 = arith.extui %sign3A_1171 : i1 to i32
      %sign3A_1173 = arith.constant 0 : i32
      %sign3A_1174 = arith.cmpi slt, %add3A_1037, %sign3A_1173 : i32
      %sign3A_1175 = arith.extui %sign3A_1174 : i1 to i32
      %sign3A_1176 = arith.subi %sign3A_1172, %sign3A_1175 : i32
      %sign3A_1177 = arith.constant 0 : i32
      %sign3A_1178 = arith.cmpi sgt, %jit3A_1168, %sign3A_1177 : i32
      %sign3A_1179 = arith.extui %sign3A_1178 : i1 to i32
      %sign3A_1180 = arith.constant 0 : i32
      %sign3A_1181 = arith.cmpi slt, %jit3A_1168, %sign3A_1180 : i32
      %sign3A_1182 = arith.extui %sign3A_1181 : i1 to i32
      %sign3A_1183 = arith.subi %sign3A_1179, %sign3A_1182 : i32
      %ne3A_1184 = arith.cmpi ne, %sign3A_1176, %sign3A_1183 : i32
      %rem3A_1185 = arith.remsi %add3A_1037, %jit3A_1168 : i32
      %ne3A_1186 = arith.constant 0 : i32
      %ne3A_1187 = arith.cmpi ne, %rem3A_1185, %ne3A_1186 : i32
      %and3A_1188 = arith.andi %ne3A_1184, %ne3A_1187 : i1
      %sub3A_1189 = arith.constant 1 : i32
      %sub3A_1190 = arith.subi %div3A_1169, %sub3A_1189 : i32
      %select_n3A_1191 = arith.select %and3A_1188, %sub3A_1190, %div3A_1169 : i32
      %jit3A_1192 = arith.constant 8 : i32
      %eq3A_1193 = arith.constant 0 : i32
      %eq3A_1194 = arith.cmpi eq, %jit3A_1192, %eq3A_1193 : i32
      %jit3A_1195 = arith.constant 1 : i32
      %select_n3A_1196 = arith.select %eq3A_1194, %jit3A_1195, %jit3A_1192 : i32
      %rem3A_1197 = arith.remsi %add3A_1037, %select_n3A_1196 : i32
      %ne3A_1198 = arith.constant 0 : i32
      %ne3A_1199 = arith.cmpi ne, %rem3A_1197, %ne3A_1198 : i32
      %lt3A_1200 = arith.constant 0 : i32
      %lt3A_1201 = arith.cmpi slt, %rem3A_1197, %lt3A_1200 : i32
      %lt3A_1202 = arith.constant 0 : i32
      %lt3A_1203 = arith.cmpi slt, %select_n3A_1196, %lt3A_1202 : i32
      %ne3A_1204 = arith.xori %lt3A_1201, %lt3A_1203 : i1
      %and3A_1205 = arith.andi %ne3A_1204, %ne3A_1199 : i1
      %add3A_1206 = arith.addi %rem3A_1197, %select_n3A_1196 : i32
      %select_n3A_1207 = arith.select %and3A_1205, %add3A_1206, %rem3A_1197 : i32
      %dma_start3A_1208 = arith.constant 2 : i32
      %dma_start3A_1209 = arith.constant 2 : i32
      %dma_start3A_1210 = arith.constant 0 : i32
      %dma_start3A_1211 = arith.constant 0 : i32
      %dma_start3A_1212 = tpu.memref_slice %arg8[%dma_start3A_1208, %dma_start3A_1210, %dma_start3A_1211] : memref<4x32x128xf32, #tpu.memory_space<vmem>> -> memref<1x32x128xf32, #tpu.memory_space<vmem>>
      %dma_start3A_1213 = tpu.memref_squeeze %dma_start3A_1212 : memref<1x32x128xf32, #tpu.memory_space<vmem>> -> memref<32x128xf32, #tpu.memory_space<vmem>>
      %dma_start3A_1214 = arith.constant 0 : i32
      %dma_start3A_1215 = arith.constant 0 : i32
      %dma_start3A_1216 = tpu.memref_slice %arg6[%select_n3A_1191, %dma_start3A_1214, %select_n3A_1207, %dma_start3A_1215] : memref<128x32x8x128xf32, #tpu.memory_space<hbm>> -> memref<1x32x1x128xf32, #tpu.memory_space<hbm>>
      %dma_start3A_1217 = tpu.memref_squeeze %dma_start3A_1216 : memref<1x32x1x128xf32, #tpu.memory_space<hbm>> -> memref<32x128xf32, #tpu.memory_space<hbm>>
      %dma_start3A_1218 = tpu.memref_slice %arg12[%dma_start3A_1209] : memref<4x!tpu.dma_semaphore, #tpu.memory_space<semaphore_mem>> -> memref<1x!tpu.dma_semaphore, #tpu.memory_space<semaphore_mem>>
      %dma_start3A_1219 = tpu.memref_squeeze %dma_start3A_1218 : memref<1x!tpu.dma_semaphore, #tpu.memory_space<semaphore_mem>> -> memref<!tpu.dma_semaphore, #tpu.memory_space<semaphore_mem>>
      %dma_start3A_1220 = arith.constant 0 : i32
      %dma_start3A_1221 = arith.constant 0 : i32
      %dma_start3A_1222 = tpu.memref_slice %arg6[%select_n3A_1191, %dma_start3A_1220, %select_n3A_1207, %dma_start3A_1221] : memref<128x32x8x128xf32, #tpu.memory_space<hbm>> -> memref<1x32x1x128xf32, #tpu.memory_space<hbm>>
      %dma_start3A_1223 = tpu.memref_squeeze %dma_start3A_1222 : memref<1x32x1x128xf32, #tpu.memory_space<hbm>> -> memref<32x128xf32, #tpu.memory_space<hbm>>
      %dma_start3A_1224 = arith.constant 0 : i32
      %dma_start3A_1225 = arith.constant 0 : i32
      %dma_start3A_1226 = tpu.memref_slice %arg8[%dma_start3A_1208, %dma_start3A_1224, %dma_start3A_1225] : memref<4x32x128xf32, #tpu.memory_space<vmem>> -> memref<1x32x128xf32, #tpu.memory_space<vmem>>
      %dma_start3A_1227 = tpu.memref_squeeze %dma_start3A_1226 : memref<1x32x128xf32, #tpu.memory_space<vmem>> -> memref<32x128xf32, #tpu.memory_space<vmem>>
      tpu.enqueue_dma source(%dma_start3A_1227 : memref<32x128xf32, #tpu.memory_space<vmem>>) target(%dma_start3A_1223 : memref<32x128xf32, #tpu.memory_space<hbm>>) target_semaphore(%dma_start3A_1219 : memref<!tpu.dma_semaphore, #tpu.memory_space<semaphore_mem>>)
      %jit3A_1228 = arith.constant 8 : i32
      %div3A_1229 = arith.divsi %add3A_1039, %jit3A_1228 : i32
      %sign3A_1230 = arith.constant 0 : i32
      %sign3A_1231 = arith.cmpi sgt, %add3A_1039, %sign3A_1230 : i32
      %sign3A_1232 = arith.extui %sign3A_1231 : i1 to i32
      %sign3A_1233 = arith.constant 0 : i32
      %sign3A_1234 = arith.cmpi slt, %add3A_1039, %sign3A_1233 : i32
      %sign3A_1235 = arith.extui %sign3A_1234 : i1 to i32
      %sign3A_1236 = arith.subi %sign3A_1232, %sign3A_1235 : i32
      %sign3A_1237 = arith.constant 0 : i32
      %sign3A_1238 = arith.cmpi sgt, %jit3A_1228, %sign3A_1237 : i32
      %sign3A_1239 = arith.extui %sign3A_1238 : i1 to i32
      %sign3A_1240 = arith.constant 0 : i32
      %sign3A_1241 = arith.cmpi slt, %jit3A_1228, %sign3A_1240 : i32
      %sign3A_1242 = arith.extui %sign3A_1241 : i1 to i32
      %sign3A_1243 = arith.subi %sign3A_1239, %sign3A_1242 : i32
      %ne3A_1244 = arith.cmpi ne, %sign3A_1236, %sign3A_1243 : i32
      %rem3A_1245 = arith.remsi %add3A_1039, %jit3A_1228 : i32
      %ne3A_1246 = arith.constant 0 : i32
      %ne3A_1247 = arith.cmpi ne, %rem3A_1245, %ne3A_1246 : i32
      %and3A_1248 = arith.andi %ne3A_1244, %ne3A_1247 : i1
      %sub3A_1249 = arith.constant 1 : i32
      %sub3A_1250 = arith.subi %div3A_1229, %sub3A_1249 : i32
      %select_n3A_1251 = arith.select %and3A_1248, %sub3A_1250, %div3A_1229 : i32
      %jit3A_1252 = arith.constant 8 : i32
      %eq3A_1253 = arith.constant 0 : i32
      %eq3A_1254 = arith.cmpi eq, %jit3A_1252, %eq3A_1253 : i32
      %jit3A_1255 = arith.constant 1 : i32
      %select_n3A_1256 = arith.select %eq3A_1254, %jit3A_1255, %jit3A_1252 : i32
      %rem3A_1257 = arith.remsi %add3A_1039, %select_n3A_1256 : i32
      %ne3A_1258 = arith.constant 0 : i32
      %ne3A_1259 = arith.cmpi ne, %rem3A_1257, %ne3A_1258 : i32
      %lt3A_1260 = arith.constant 0 : i32
      %lt3A_1261 = arith.cmpi slt, %rem3A_1257, %lt3A_1260 : i32
      %lt3A_1262 = arith.constant 0 : i32
      %lt3A_1263 = arith.cmpi slt, %select_n3A_1256, %lt3A_1262 : i32
      %ne3A_1264 = arith.xori %lt3A_1261, %lt3A_1263 : i1
      %and3A_1265 = arith.andi %ne3A_1264, %ne3A_1259 : i1
      %add3A_1266 = arith.addi %rem3A_1257, %select_n3A_1256 : i32
      %select_n3A_1267 = arith.select %and3A_1265, %add3A_1266, %rem3A_1257 : i32
      %dma_start3A_1268 = arith.constant 3 : i32
      %dma_start3A_1269 = arith.constant 3 : i32
      %dma_start3A_1270 = arith.constant 0 : i32
      %dma_start3A_1271 = arith.constant 0 : i32
      %dma_start3A_1272 = tpu.memref_slice %arg8[%dma_start3A_1268, %dma_start3A_1270, %dma_start3A_1271] : memref<4x32x128xf32, #tpu.memory_space<vmem>> -> memref<1x32x128xf32, #tpu.memory_space<vmem>>
      %dma_start3A_1273 = tpu.memref_squeeze %dma_start3A_1272 : memref<1x32x128xf32, #tpu.memory_space<vmem>> -> memref<32x128xf32, #tpu.memory_space<vmem>>
      %dma_start3A_1274 = arith.constant 0 : i32
      %dma_start3A_1275 = arith.constant 0 : i32
      %dma_start3A_1276 = tpu.memref_slice %arg6[%select_n3A_1251, %dma_start3A_1274, %select_n3A_1267, %dma_start3A_1275] : memref<128x32x8x128xf32, #tpu.memory_space<hbm>> -> memref<1x32x1x128xf32, #tpu.memory_space<hbm>>
      %dma_start3A_1277 = tpu.memref_squeeze %dma_start3A_1276 : memref<1x32x1x128xf32, #tpu.memory_space<hbm>> -> memref<32x128xf32, #tpu.memory_space<hbm>>
      %dma_start3A_1278 = tpu.memref_slice %arg12[%dma_start3A_1269] : memref<4x!tpu.dma_semaphore, #tpu.memory_space<semaphore_mem>> -> memref<1x!tpu.dma_semaphore, #tpu.memory_space<semaphore_mem>>
      %dma_start3A_1279 = tpu.memref_squeeze %dma_start3A_1278 : memref<1x!tpu.dma_semaphore, #tpu.memory_space<semaphore_mem>> -> memref<!tpu.dma_semaphore, #tpu.memory_space<semaphore_mem>>
      %dma_start3A_1280 = arith.constant 0 : i32
      %dma_start3A_1281 = arith.constant 0 : i32
      %dma_start3A_1282 = tpu.memref_slice %arg6[%select_n3A_1251, %dma_start3A_1280, %select_n3A_1267, %dma_start3A_1281] : memref<128x32x8x128xf32, #tpu.memory_space<hbm>> -> memref<1x32x1x128xf32, #tpu.memory_space<hbm>>
      %dma_start3A_1283 = tpu.memref_squeeze %dma_start3A_1282 : memref<1x32x1x128xf32, #tpu.memory_space<hbm>> -> memref<32x128xf32, #tpu.memory_space<hbm>>
      %dma_start3A_1284 = arith.constant 0 : i32
      %dma_start3A_1285 = arith.constant 0 : i32
      %dma_start3A_1286 = tpu.memref_slice %arg8[%dma_start3A_1268, %dma_start3A_1284, %dma_start3A_1285] : memref<4x32x128xf32, #tpu.memory_space<vmem>> -> memref<1x32x128xf32, #tpu.memory_space<vmem>>
      %dma_start3A_1287 = tpu.memref_squeeze %dma_start3A_1286 : memref<1x32x128xf32, #tpu.memory_space<vmem>> -> memref<32x128xf32, #tpu.memory_space<vmem>>
      tpu.enqueue_dma source(%dma_start3A_1287 : memref<32x128xf32, #tpu.memory_space<vmem>>) target(%dma_start3A_1283 : memref<32x128xf32, #tpu.memory_space<hbm>>) target_semaphore(%dma_start3A_1279 : memref<!tpu.dma_semaphore, #tpu.memory_space<semaphore_mem>>)
      %lt3A_1288 = arith.constant 7 : i32
      %lt3A_1289 = arith.cmpi slt, %scan3A_770, %lt3A_1288 : i32
      %convert_element_type3A_1290 = arith.extui %lt3A_1289 : i1 to i32
      %cond3A_1291 = arith.constant 0 : i32
      %cond3A_1292 = arith.cmpi ne, %convert_element_type3A_1290, %cond3A_1291 : i32
      scf.if %cond3A_1292 {
        %add3A_1298 = arith.constant 4 : i32
        %add3A_1299 = arith.addi %add3A_1037, %add3A_1298 : i32
        %add3A_1300 = arith.constant 4 : i32
        %add3A_1301 = arith.addi %add3A_1039, %add3A_1300 : i32
        %jit3A_1302 = arith.constant 8 : i32
        %div3A_1303 = arith.divsi %add3A_1299, %jit3A_1302 : i32
        %sign3A_1304 = arith.constant 0 : i32
        %sign3A_1305 = arith.cmpi sgt, %add3A_1299, %sign3A_1304 : i32
        %sign3A_1306 = arith.extui %sign3A_1305 : i1 to i32
        %sign3A_1307 = arith.constant 0 : i32
        %sign3A_1308 = arith.cmpi slt, %add3A_1299, %sign3A_1307 : i32
        %sign3A_1309 = arith.extui %sign3A_1308 : i1 to i32
        %sign3A_1310 = arith.subi %sign3A_1306, %sign3A_1309 : i32
        %sign3A_1311 = arith.constant 0 : i32
        %sign3A_1312 = arith.cmpi sgt, %jit3A_1302, %sign3A_1311 : i32
        %sign3A_1313 = arith.extui %sign3A_1312 : i1 to i32
        %sign3A_1314 = arith.constant 0 : i32
        %sign3A_1315 = arith.cmpi slt, %jit3A_1302, %sign3A_1314 : i32
        %sign3A_1316 = arith.extui %sign3A_1315 : i1 to i32
        %sign3A_1317 = arith.subi %sign3A_1313, %sign3A_1316 : i32
        %ne3A_1318 = arith.cmpi ne, %sign3A_1310, %sign3A_1317 : i32
        %rem3A_1319 = arith.remsi %add3A_1299, %jit3A_1302 : i32
        %ne3A_1320 = arith.constant 0 : i32
        %ne3A_1321 = arith.cmpi ne, %rem3A_1319, %ne3A_1320 : i32
        %and3A_1322 = arith.andi %ne3A_1318, %ne3A_1321 : i1
        %sub3A_1323 = arith.constant 1 : i32
        %sub3A_1324 = arith.subi %div3A_1303, %sub3A_1323 : i32
        %select_n3A_1325 = arith.select %and3A_1322, %sub3A_1324, %div3A_1303 : i32
        %jit3A_1326 = arith.constant 8 : i32
        %eq3A_1327 = arith.constant 0 : i32
        %eq3A_1328 = arith.cmpi eq, %jit3A_1326, %eq3A_1327 : i32
        %jit3A_1329 = arith.constant 1 : i32
        %select_n3A_1330 = arith.select %eq3A_1328, %jit3A_1329, %jit3A_1326 : i32
        %rem3A_1331 = arith.remsi %add3A_1299, %select_n3A_1330 : i32
        %ne3A_1332 = arith.constant 0 : i32
        %ne3A_1333 = arith.cmpi ne, %rem3A_1331, %ne3A_1332 : i32
        %lt3A_1334 = arith.constant 0 : i32
        %lt3A_1335 = arith.cmpi slt, %rem3A_1331, %lt3A_1334 : i32
        %lt3A_1336 = arith.constant 0 : i32
        %lt3A_1337 = arith.cmpi slt, %select_n3A_1330, %lt3A_1336 : i32
        %ne3A_1338 = arith.xori %lt3A_1335, %lt3A_1337 : i1
        %and3A_1339 = arith.andi %ne3A_1338, %ne3A_1333 : i1
        %add3A_1340 = arith.addi %rem3A_1331, %select_n3A_1330 : i32
        %select_n3A_1341 = arith.select %and3A_1339, %add3A_1340, %rem3A_1331 : i32
        %dma_start3A_1342 = arith.constant 2 : i32
        %dma_start3A_1343 = arith.constant 2 : i32
        %dma_start3A_1344 = arith.constant 0 : i32
        %dma_start3A_1345 = arith.constant 0 : i32
        %dma_start3A_1346 = tpu.memref_slice %arg7[%dma_start3A_1342, %dma_start3A_1344, %dma_start3A_1345] : memref<4x128x128xf32, #tpu.memory_space<vmem>> -> memref<1x128x128xf32, #tpu.memory_space<vmem>>
        %dma_start3A_1347 = tpu.memref_squeeze %dma_start3A_1346 : memref<1x128x128xf32, #tpu.memory_space<vmem>> -> memref<128x128xf32, #tpu.memory_space<vmem>>
        %dma_start3A_1348 = arith.constant 0 : i32
        %dma_start3A_1349 = arith.constant 0 : i32
        %dma_start3A_1350 = tpu.memref_slice %arg3[%select_n3A_1325, %dma_start3A_1348, %select_n3A_1341, %dma_start3A_1349] : memref<128x128x8x128xf32, #tpu.memory_space<hbm>> -> memref<1x128x1x128xf32, #tpu.memory_space<hbm>>
        %dma_start3A_1351 = tpu.memref_squeeze %dma_start3A_1350 : memref<1x128x1x128xf32, #tpu.memory_space<hbm>> -> memref<128x128xf32, #tpu.memory_space<hbm>>
        %dma_start3A_1352 = tpu.memref_slice %arg11[%dma_start3A_1343] : memref<4x!tpu.dma_semaphore, #tpu.memory_space<semaphore_mem>> -> memref<1x!tpu.dma_semaphore, #tpu.memory_space<semaphore_mem>>
        %dma_start3A_1353 = tpu.memref_squeeze %dma_start3A_1352 : memref<1x!tpu.dma_semaphore, #tpu.memory_space<semaphore_mem>> -> memref<!tpu.dma_semaphore, #tpu.memory_space<semaphore_mem>>
        %dma_start3A_1354 = arith.constant 0 : i32
        %dma_start3A_1355 = arith.constant 0 : i32
        %dma_start3A_1356 = tpu.memref_slice %arg7[%dma_start3A_1342, %dma_start3A_1354, %dma_start3A_1355] : memref<4x128x128xf32, #tpu.memory_space<vmem>> -> memref<1x128x128xf32, #tpu.memory_space<vmem>>
        %dma_start3A_1357 = tpu.memref_squeeze %dma_start3A_1356 : memref<1x128x128xf32, #tpu.memory_space<vmem>> -> memref<128x128xf32, #tpu.memory_space<vmem>>
        %dma_start3A_1358 = arith.constant 0 : i32
        %dma_start3A_1359 = arith.constant 0 : i32
        %dma_start3A_1360 = tpu.memref_slice %arg3[%select_n3A_1325, %dma_start3A_1358, %select_n3A_1341, %dma_start3A_1359] : memref<128x128x8x128xf32, #tpu.memory_space<hbm>> -> memref<1x128x1x128xf32, #tpu.memory_space<hbm>>
        %dma_start3A_1361 = tpu.memref_squeeze %dma_start3A_1360 : memref<1x128x1x128xf32, #tpu.memory_space<hbm>> -> memref<128x128xf32, #tpu.memory_space<hbm>>
        tpu.enqueue_dma source(%dma_start3A_1361 : memref<128x128xf32, #tpu.memory_space<hbm>>) target(%dma_start3A_1357 : memref<128x128xf32, #tpu.memory_space<vmem>>) target_semaphore(%dma_start3A_1353 : memref<!tpu.dma_semaphore, #tpu.memory_space<semaphore_mem>>)
        %jit3A_1362 = arith.constant 8 : i32
        %div3A_1363 = arith.divsi %add3A_1301, %jit3A_1362 : i32
        %sign3A_1364 = arith.constant 0 : i32
        %sign3A_1365 = arith.cmpi sgt, %add3A_1301, %sign3A_1364 : i32
        %sign3A_1366 = arith.extui %sign3A_1365 : i1 to i32
        %sign3A_1367 = arith.constant 0 : i32
        %sign3A_1368 = arith.cmpi slt, %add3A_1301, %sign3A_1367 : i32
        %sign3A_1369 = arith.extui %sign3A_1368 : i1 to i32
        %sign3A_1370 = arith.subi %sign3A_1366, %sign3A_1369 : i32
        %sign3A_1371 = arith.constant 0 : i32
        %sign3A_1372 = arith.cmpi sgt, %jit3A_1362, %sign3A_1371 : i32
        %sign3A_1373 = arith.extui %sign3A_1372 : i1 to i32
        %sign3A_1374 = arith.constant 0 : i32
        %sign3A_1375 = arith.cmpi slt, %jit3A_1362, %sign3A_1374 : i32
        %sign3A_1376 = arith.extui %sign3A_1375 : i1 to i32
        %sign3A_1377 = arith.subi %sign3A_1373, %sign3A_1376 : i32
        %ne3A_1378 = arith.cmpi ne, %sign3A_1370, %sign3A_1377 : i32
        %rem3A_1379 = arith.remsi %add3A_1301, %jit3A_1362 : i32
        %ne3A_1380 = arith.constant 0 : i32
        %ne3A_1381 = arith.cmpi ne, %rem3A_1379, %ne3A_1380 : i32
        %and3A_1382 = arith.andi %ne3A_1378, %ne3A_1381 : i1
        %sub3A_1383 = arith.constant 1 : i32
        %sub3A_1384 = arith.subi %div3A_1363, %sub3A_1383 : i32
        %select_n3A_1385 = arith.select %and3A_1382, %sub3A_1384, %div3A_1363 : i32
        %jit3A_1386 = arith.constant 8 : i32
        %eq3A_1387 = arith.constant 0 : i32
        %eq3A_1388 = arith.cmpi eq, %jit3A_1386, %eq3A_1387 : i32
        %jit3A_1389 = arith.constant 1 : i32
        %select_n3A_1390 = arith.select %eq3A_1388, %jit3A_1389, %jit3A_1386 : i32
        %rem3A_1391 = arith.remsi %add3A_1301, %select_n3A_1390 : i32
        %ne3A_1392 = arith.constant 0 : i32
        %ne3A_1393 = arith.cmpi ne, %rem3A_1391, %ne3A_1392 : i32
        %lt3A_1394 = arith.constant 0 : i32
        %lt3A_1395 = arith.cmpi slt, %rem3A_1391, %lt3A_1394 : i32
        %lt3A_1396 = arith.constant 0 : i32
        %lt3A_1397 = arith.cmpi slt, %select_n3A_1390, %lt3A_1396 : i32
        %ne3A_1398 = arith.xori %lt3A_1395, %lt3A_1397 : i1
        %and3A_1399 = arith.andi %ne3A_1398, %ne3A_1393 : i1
        %add3A_1400 = arith.addi %rem3A_1391, %select_n3A_1390 : i32
        %select_n3A_1401 = arith.select %and3A_1399, %add3A_1400, %rem3A_1391 : i32
        %dma_start3A_1402 = arith.constant 3 : i32
        %dma_start3A_1403 = arith.constant 3 : i32
        %dma_start3A_1404 = arith.constant 0 : i32
        %dma_start3A_1405 = arith.constant 0 : i32
        %dma_start3A_1406 = tpu.memref_slice %arg7[%dma_start3A_1402, %dma_start3A_1404, %dma_start3A_1405] : memref<4x128x128xf32, #tpu.memory_space<vmem>> -> memref<1x128x128xf32, #tpu.memory_space<vmem>>
        %dma_start3A_1407 = tpu.memref_squeeze %dma_start3A_1406 : memref<1x128x128xf32, #tpu.memory_space<vmem>> -> memref<128x128xf32, #tpu.memory_space<vmem>>
        %dma_start3A_1408 = arith.constant 0 : i32
        %dma_start3A_1409 = arith.constant 0 : i32
        %dma_start3A_1410 = tpu.memref_slice %arg3[%select_n3A_1385, %dma_start3A_1408, %select_n3A_1401, %dma_start3A_1409] : memref<128x128x8x128xf32, #tpu.memory_space<hbm>> -> memref<1x128x1x128xf32, #tpu.memory_space<hbm>>
        %dma_start3A_1411 = tpu.memref_squeeze %dma_start3A_1410 : memref<1x128x1x128xf32, #tpu.memory_space<hbm>> -> memref<128x128xf32, #tpu.memory_space<hbm>>
        %dma_start3A_1412 = tpu.memref_slice %arg11[%dma_start3A_1403] : memref<4x!tpu.dma_semaphore, #tpu.memory_space<semaphore_mem>> -> memref<1x!tpu.dma_semaphore, #tpu.memory_space<semaphore_mem>>
        %dma_start3A_1413 = tpu.memref_squeeze %dma_start3A_1412 : memref<1x!tpu.dma_semaphore, #tpu.memory_space<semaphore_mem>> -> memref<!tpu.dma_semaphore, #tpu.memory_space<semaphore_mem>>
        %dma_start3A_1414 = arith.constant 0 : i32
        %dma_start3A_1415 = arith.constant 0 : i32
        %dma_start3A_1416 = tpu.memref_slice %arg7[%dma_start3A_1402, %dma_start3A_1414, %dma_start3A_1415] : memref<4x128x128xf32, #tpu.memory_space<vmem>> -> memref<1x128x128xf32, #tpu.memory_space<vmem>>
        %dma_start3A_1417 = tpu.memref_squeeze %dma_start3A_1416 : memref<1x128x128xf32, #tpu.memory_space<vmem>> -> memref<128x128xf32, #tpu.memory_space<vmem>>
        %dma_start3A_1418 = arith.constant 0 : i32
        %dma_start3A_1419 = arith.constant 0 : i32
        %dma_start3A_1420 = tpu.memref_slice %arg3[%select_n3A_1385, %dma_start3A_1418, %select_n3A_1401, %dma_start3A_1419] : memref<128x128x8x128xf32, #tpu.memory_space<hbm>> -> memref<1x128x1x128xf32, #tpu.memory_space<hbm>>
        %dma_start3A_1421 = tpu.memref_squeeze %dma_start3A_1420 : memref<1x128x1x128xf32, #tpu.memory_space<hbm>> -> memref<128x128xf32, #tpu.memory_space<hbm>>
        tpu.enqueue_dma source(%dma_start3A_1421 : memref<128x128xf32, #tpu.memory_space<hbm>>) target(%dma_start3A_1417 : memref<128x128xf32, #tpu.memory_space<vmem>>) target_semaphore(%dma_start3A_1413 : memref<!tpu.dma_semaphore, #tpu.memory_space<semaphore_mem>>)
      } else {
      }
      %eq3A_1293 = arith.constant 7 : i32
      %eq3A_1294 = arith.cmpi eq, %scan3A_770, %eq3A_1293 : i32
      %convert_element_type3A_1295 = arith.extui %eq3A_1294 : i1 to i32
      %cond3A_1296 = arith.constant 0 : i32
      %cond3A_1297 = arith.cmpi ne, %convert_element_type3A_1295, %cond3A_1296 : i32
      scf.if %cond3A_1297 {
        %dma_start3A_1298 = arith.constant 2 : i32
        %dma_start3A_1299 = arith.constant 2 : i32
        %dma_start3A_1300 = arith.constant 2 : i32
        %dma_start3A_1301 = arith.constant 0 : i32
        %dma_start3A_1302 = arith.constant 0 : i32
        %dma_start3A_1303 = tpu.memref_slice %arg7[%dma_start3A_1299, %dma_start3A_1301, %dma_start3A_1302] : memref<4x128x128xf32, #tpu.memory_space<vmem>> -> memref<1x128x128xf32, #tpu.memory_space<vmem>>
        %dma_start3A_1304 = tpu.memref_squeeze %dma_start3A_1303 : memref<1x128x128xf32, #tpu.memory_space<vmem>> -> memref<128x128xf32, #tpu.memory_space<vmem>>
        %dma_start3A_1305 = arith.constant 0 : i32
        %dma_start3A_1306 = arith.constant 0 : i32
        %dma_start3A_1307 = tpu.memref_slice %arg2[%dma_start3A_1298, %select_n3A_59, %dma_start3A_1305, %select_n3A_75, %dma_start3A_1306] : memref<3x2x128x8x128xf32, #tpu.memory_space<hbm>> -> memref<1x1x128x1x128xf32, #tpu.memory_space<hbm>>
        %dma_start3A_1308 = tpu.memref_squeeze %dma_start3A_1307 : memref<1x1x128x1x128xf32, #tpu.memory_space<hbm>> -> memref<128x128xf32, #tpu.memory_space<hbm>>
        %dma_start3A_1309 = tpu.memref_slice %arg11[%dma_start3A_1300] : memref<4x!tpu.dma_semaphore, #tpu.memory_space<semaphore_mem>> -> memref<1x!tpu.dma_semaphore, #tpu.memory_space<semaphore_mem>>
        %dma_start3A_1310 = tpu.memref_squeeze %dma_start3A_1309 : memref<1x!tpu.dma_semaphore, #tpu.memory_space<semaphore_mem>> -> memref<!tpu.dma_semaphore, #tpu.memory_space<semaphore_mem>>
        %dma_start3A_1311 = arith.constant 0 : i32
        %dma_start3A_1312 = arith.constant 0 : i32
        %dma_start3A_1313 = tpu.memref_slice %arg7[%dma_start3A_1299, %dma_start3A_1311, %dma_start3A_1312] : memref<4x128x128xf32, #tpu.memory_space<vmem>> -> memref<1x128x128xf32, #tpu.memory_space<vmem>>
        %dma_start3A_1314 = tpu.memref_squeeze %dma_start3A_1313 : memref<1x128x128xf32, #tpu.memory_space<vmem>> -> memref<128x128xf32, #tpu.memory_space<vmem>>
        %dma_start3A_1315 = arith.constant 0 : i32
        %dma_start3A_1316 = arith.constant 0 : i32
        %dma_start3A_1317 = tpu.memref_slice %arg2[%dma_start3A_1298, %select_n3A_59, %dma_start3A_1315, %select_n3A_75, %dma_start3A_1316] : memref<3x2x128x8x128xf32, #tpu.memory_space<hbm>> -> memref<1x1x128x1x128xf32, #tpu.memory_space<hbm>>
        %dma_start3A_1318 = tpu.memref_squeeze %dma_start3A_1317 : memref<1x1x128x1x128xf32, #tpu.memory_space<hbm>> -> memref<128x128xf32, #tpu.memory_space<hbm>>
        tpu.enqueue_dma source(%dma_start3A_1318 : memref<128x128xf32, #tpu.memory_space<hbm>>) target(%dma_start3A_1314 : memref<128x128xf32, #tpu.memory_space<vmem>>) target_semaphore(%dma_start3A_1310 : memref<!tpu.dma_semaphore, #tpu.memory_space<semaphore_mem>>)
      } else {
      }
    }
    %scan3A_327 = arith.constant 8 : i32
    %add3A_328 = arith.constant 32 : i32
    %add3A_329 = arith.addi %add3A_35, %add3A_328 : i32
    %sub3A_330 = arith.constant 4 : i32
    %sub3A_331 = arith.subi %add3A_329, %sub3A_330 : i32
    %add3A_332 = arith.constant 0 : i32
    %add3A_333 = arith.addi %sub3A_331, %add3A_332 : i32
    %jit3A_334 = arith.constant 8 : i32
    %div3A_335 = arith.divsi %add3A_333, %jit3A_334 : i32
    %sign3A_336 = arith.constant 0 : i32
    %sign3A_337 = arith.cmpi sgt, %add3A_333, %sign3A_336 : i32
    %sign3A_338 = arith.extui %sign3A_337 : i1 to i32
    %sign3A_339 = arith.constant 0 : i32
    %sign3A_340 = arith.cmpi slt, %add3A_333, %sign3A_339 : i32
    %sign3A_341 = arith.extui %sign3A_340 : i1 to i32
    %sign3A_342 = arith.subi %sign3A_338, %sign3A_341 : i32
    %sign3A_343 = arith.constant 0 : i32
    %sign3A_344 = arith.cmpi sgt, %jit3A_334, %sign3A_343 : i32
    %sign3A_345 = arith.extui %sign3A_344 : i1 to i32
    %sign3A_346 = arith.constant 0 : i32
    %sign3A_347 = arith.cmpi slt, %jit3A_334, %sign3A_346 : i32
    %sign3A_348 = arith.extui %sign3A_347 : i1 to i32
    %sign3A_349 = arith.subi %sign3A_345, %sign3A_348 : i32
    %ne3A_350 = arith.cmpi ne, %sign3A_342, %sign3A_349 : i32
    %rem3A_351 = arith.remsi %add3A_333, %jit3A_334 : i32
    %ne3A_352 = arith.constant 0 : i32
    %ne3A_353 = arith.cmpi ne, %rem3A_351, %ne3A_352 : i32
    %and3A_354 = arith.andi %ne3A_350, %ne3A_353 : i1
    %sub3A_355 = arith.constant 1 : i32
    %sub3A_356 = arith.subi %div3A_335, %sub3A_355 : i32
    %select_n3A_357 = arith.select %and3A_354, %sub3A_356, %div3A_335 : i32
    %jit3A_358 = arith.constant 8 : i32
    %eq3A_359 = arith.constant 0 : i32
    %eq3A_360 = arith.cmpi eq, %jit3A_358, %eq3A_359 : i32
    %jit3A_361 = arith.constant 1 : i32
    %select_n3A_362 = arith.select %eq3A_360, %jit3A_361, %jit3A_358 : i32
    %rem3A_363 = arith.remsi %add3A_333, %select_n3A_362 : i32
    %ne3A_364 = arith.constant 0 : i32
    %ne3A_365 = arith.cmpi ne, %rem3A_363, %ne3A_364 : i32
    %lt3A_366 = arith.constant 0 : i32
    %lt3A_367 = arith.cmpi slt, %rem3A_363, %lt3A_366 : i32
    %lt3A_368 = arith.constant 0 : i32
    %lt3A_369 = arith.cmpi slt, %select_n3A_362, %lt3A_368 : i32
    %ne3A_370 = arith.xori %lt3A_367, %lt3A_369 : i1
    %and3A_371 = arith.andi %ne3A_370, %ne3A_365 : i1
    %add3A_372 = arith.addi %rem3A_363, %select_n3A_362 : i32
    %select_n3A_373 = arith.select %and3A_371, %add3A_372, %rem3A_363 : i32
    %dma_wait3A = arith.constant 0 : i32
    %dma_wait3A_374 = arith.constant 0 : i32
    %dma_wait3A_375 = arith.constant 0 : i32
    %dma_wait3A_376 = arith.constant 0 : i32
    %dma_wait3A_377 = tpu.memref_slice %arg8[%dma_wait3A, %dma_wait3A_375, %dma_wait3A_376] : memref<4x32x128xf32, #tpu.memory_space<vmem>> -> memref<1x32x128xf32, #tpu.memory_space<vmem>>
    %dma_wait3A_378 = tpu.memref_squeeze %dma_wait3A_377 : memref<1x32x128xf32, #tpu.memory_space<vmem>> -> memref<32x128xf32, #tpu.memory_space<vmem>>
    %dma_wait3A_379 = arith.constant 0 : i32
    %dma_wait3A_380 = arith.constant 0 : i32
    %dma_wait3A_381 = tpu.memref_slice %arg6[%select_n3A_357, %dma_wait3A_379, %select_n3A_373, %dma_wait3A_380] : memref<128x32x8x128xf32, #tpu.memory_space<hbm>> -> memref<1x32x1x128xf32, #tpu.memory_space<hbm>>
    %dma_wait3A_382 = tpu.memref_squeeze %dma_wait3A_381 : memref<1x32x1x128xf32, #tpu.memory_space<hbm>> -> memref<32x128xf32, #tpu.memory_space<hbm>>
    %dma_wait3A_383 = tpu.memref_slice %arg12[%dma_wait3A_374] : memref<4x!tpu.dma_semaphore, #tpu.memory_space<semaphore_mem>> -> memref<1x!tpu.dma_semaphore, #tpu.memory_space<semaphore_mem>>
    %dma_wait3A_384 = tpu.memref_squeeze %dma_wait3A_383 : memref<1x!tpu.dma_semaphore, #tpu.memory_space<semaphore_mem>> -> memref<!tpu.dma_semaphore, #tpu.memory_space<semaphore_mem>>
    %dma_wait3A_385 = arith.constant 0 : i32
    %dma_wait3A_386 = arith.constant 0 : i32
    %dma_wait3A_387 = tpu.memref_slice %arg6[%select_n3A_357, %dma_wait3A_385, %select_n3A_373, %dma_wait3A_386] : memref<128x32x8x128xf32, #tpu.memory_space<hbm>> -> memref<1x32x1x128xf32, #tpu.memory_space<hbm>>
    %dma_wait3A_388 = tpu.memref_squeeze %dma_wait3A_387 : memref<1x32x1x128xf32, #tpu.memory_space<hbm>> -> memref<32x128xf32, #tpu.memory_space<hbm>>
    %dma_wait3A_389 = arith.constant 0 : i32
    %dma_wait3A_390 = arith.constant 0 : i32
    %dma_wait3A_391 = tpu.memref_slice %arg8[%dma_wait3A, %dma_wait3A_389, %dma_wait3A_390] : memref<4x32x128xf32, #tpu.memory_space<vmem>> -> memref<1x32x128xf32, #tpu.memory_space<vmem>>
    %dma_wait3A_392 = tpu.memref_squeeze %dma_wait3A_391 : memref<1x32x128xf32, #tpu.memory_space<vmem>> -> memref<32x128xf32, #tpu.memory_space<vmem>>
    tpu.wait_dma2 semaphore(%dma_wait3A_384 : memref<!tpu.dma_semaphore, #tpu.memory_space<semaphore_mem>>) src(%dma_wait3A_392 : memref<32x128xf32, #tpu.memory_space<vmem>>) dst(%dma_wait3A_388 : memref<32x128xf32, #tpu.memory_space<hbm>>)
    %add3A_393 = arith.constant 32 : i32
    %add3A_394 = arith.addi %add3A_35, %add3A_393 : i32
    %sub3A_395 = arith.constant 4 : i32
    %sub3A_396 = arith.subi %add3A_394, %sub3A_395 : i32
    %add3A_397 = arith.constant 1 : i32
    %add3A_398 = arith.addi %sub3A_396, %add3A_397 : i32
    %jit3A_399 = arith.constant 8 : i32
    %div3A_400 = arith.divsi %add3A_398, %jit3A_399 : i32
    %sign3A_401 = arith.constant 0 : i32
    %sign3A_402 = arith.cmpi sgt, %add3A_398, %sign3A_401 : i32
    %sign3A_403 = arith.extui %sign3A_402 : i1 to i32
    %sign3A_404 = arith.constant 0 : i32
    %sign3A_405 = arith.cmpi slt, %add3A_398, %sign3A_404 : i32
    %sign3A_406 = arith.extui %sign3A_405 : i1 to i32
    %sign3A_407 = arith.subi %sign3A_403, %sign3A_406 : i32
    %sign3A_408 = arith.constant 0 : i32
    %sign3A_409 = arith.cmpi sgt, %jit3A_399, %sign3A_408 : i32
    %sign3A_410 = arith.extui %sign3A_409 : i1 to i32
    %sign3A_411 = arith.constant 0 : i32
    %sign3A_412 = arith.cmpi slt, %jit3A_399, %sign3A_411 : i32
    %sign3A_413 = arith.extui %sign3A_412 : i1 to i32
    %sign3A_414 = arith.subi %sign3A_410, %sign3A_413 : i32
    %ne3A_415 = arith.cmpi ne, %sign3A_407, %sign3A_414 : i32
    %rem3A_416 = arith.remsi %add3A_398, %jit3A_399 : i32
    %ne3A_417 = arith.constant 0 : i32
    %ne3A_418 = arith.cmpi ne, %rem3A_416, %ne3A_417 : i32
    %and3A_419 = arith.andi %ne3A_415, %ne3A_418 : i1
    %sub3A_420 = arith.constant 1 : i32
    %sub3A_421 = arith.subi %div3A_400, %sub3A_420 : i32
    %select_n3A_422 = arith.select %and3A_419, %sub3A_421, %div3A_400 : i32
    %jit3A_423 = arith.constant 8 : i32
    %eq3A_424 = arith.constant 0 : i32
    %eq3A_425 = arith.cmpi eq, %jit3A_423, %eq3A_424 : i32
    %jit3A_426 = arith.constant 1 : i32
    %select_n3A_427 = arith.select %eq3A_425, %jit3A_426, %jit3A_423 : i32
    %rem3A_428 = arith.remsi %add3A_398, %select_n3A_427 : i32
    %ne3A_429 = arith.constant 0 : i32
    %ne3A_430 = arith.cmpi ne, %rem3A_428, %ne3A_429 : i32
    %lt3A_431 = arith.constant 0 : i32
    %lt3A_432 = arith.cmpi slt, %rem3A_428, %lt3A_431 : i32
    %lt3A_433 = arith.constant 0 : i32
    %lt3A_434 = arith.cmpi slt, %select_n3A_427, %lt3A_433 : i32
    %ne3A_435 = arith.xori %lt3A_432, %lt3A_434 : i1
    %and3A_436 = arith.andi %ne3A_435, %ne3A_430 : i1
    %add3A_437 = arith.addi %rem3A_428, %select_n3A_427 : i32
    %select_n3A_438 = arith.select %and3A_436, %add3A_437, %rem3A_428 : i32
    %dma_wait3A_439 = arith.constant 1 : i32
    %dma_wait3A_440 = arith.constant 1 : i32
    %dma_wait3A_441 = arith.constant 0 : i32
    %dma_wait3A_442 = arith.constant 0 : i32
    %dma_wait3A_443 = tpu.memref_slice %arg8[%dma_wait3A_439, %dma_wait3A_441, %dma_wait3A_442] : memref<4x32x128xf32, #tpu.memory_space<vmem>> -> memref<1x32x128xf32, #tpu.memory_space<vmem>>
    %dma_wait3A_444 = tpu.memref_squeeze %dma_wait3A_443 : memref<1x32x128xf32, #tpu.memory_space<vmem>> -> memref<32x128xf32, #tpu.memory_space<vmem>>
    %dma_wait3A_445 = arith.constant 0 : i32
    %dma_wait3A_446 = arith.constant 0 : i32
    %dma_wait3A_447 = tpu.memref_slice %arg6[%select_n3A_422, %dma_wait3A_445, %select_n3A_438, %dma_wait3A_446] : memref<128x32x8x128xf32, #tpu.memory_space<hbm>> -> memref<1x32x1x128xf32, #tpu.memory_space<hbm>>
    %dma_wait3A_448 = tpu.memref_squeeze %dma_wait3A_447 : memref<1x32x1x128xf32, #tpu.memory_space<hbm>> -> memref<32x128xf32, #tpu.memory_space<hbm>>
    %dma_wait3A_449 = tpu.memref_slice %arg12[%dma_wait3A_440] : memref<4x!tpu.dma_semaphore, #tpu.memory_space<semaphore_mem>> -> memref<1x!tpu.dma_semaphore, #tpu.memory_space<semaphore_mem>>
    %dma_wait3A_450 = tpu.memref_squeeze %dma_wait3A_449 : memref<1x!tpu.dma_semaphore, #tpu.memory_space<semaphore_mem>> -> memref<!tpu.dma_semaphore, #tpu.memory_space<semaphore_mem>>
    %dma_wait3A_451 = arith.constant 0 : i32
    %dma_wait3A_452 = arith.constant 0 : i32
    %dma_wait3A_453 = tpu.memref_slice %arg6[%select_n3A_422, %dma_wait3A_451, %select_n3A_438, %dma_wait3A_452] : memref<128x32x8x128xf32, #tpu.memory_space<hbm>> -> memref<1x32x1x128xf32, #tpu.memory_space<hbm>>
    %dma_wait3A_454 = tpu.memref_squeeze %dma_wait3A_453 : memref<1x32x1x128xf32, #tpu.memory_space<hbm>> -> memref<32x128xf32, #tpu.memory_space<hbm>>
    %dma_wait3A_455 = arith.constant 0 : i32
    %dma_wait3A_456 = arith.constant 0 : i32
    %dma_wait3A_457 = tpu.memref_slice %arg8[%dma_wait3A_439, %dma_wait3A_455, %dma_wait3A_456] : memref<4x32x128xf32, #tpu.memory_space<vmem>> -> memref<1x32x128xf32, #tpu.memory_space<vmem>>
    %dma_wait3A_458 = tpu.memref_squeeze %dma_wait3A_457 : memref<1x32x128xf32, #tpu.memory_space<vmem>> -> memref<32x128xf32, #tpu.memory_space<vmem>>
    tpu.wait_dma2 semaphore(%dma_wait3A_450 : memref<!tpu.dma_semaphore, #tpu.memory_space<semaphore_mem>>) src(%dma_wait3A_458 : memref<32x128xf32, #tpu.memory_space<vmem>>) dst(%dma_wait3A_454 : memref<32x128xf32, #tpu.memory_space<hbm>>)
    %add3A_459 = arith.constant 32 : i32
    %add3A_460 = arith.addi %add3A_35, %add3A_459 : i32
    %sub3A_461 = arith.constant 4 : i32
    %sub3A_462 = arith.subi %add3A_460, %sub3A_461 : i32
    %add3A_463 = arith.constant 2 : i32
    %add3A_464 = arith.addi %sub3A_462, %add3A_463 : i32
    %jit3A_465 = arith.constant 8 : i32
    %div3A_466 = arith.divsi %add3A_464, %jit3A_465 : i32
    %sign3A_467 = arith.constant 0 : i32
    %sign3A_468 = arith.cmpi sgt, %add3A_464, %sign3A_467 : i32
    %sign3A_469 = arith.extui %sign3A_468 : i1 to i32
    %sign3A_470 = arith.constant 0 : i32
    %sign3A_471 = arith.cmpi slt, %add3A_464, %sign3A_470 : i32
    %sign3A_472 = arith.extui %sign3A_471 : i1 to i32
    %sign3A_473 = arith.subi %sign3A_469, %sign3A_472 : i32
    %sign3A_474 = arith.constant 0 : i32
    %sign3A_475 = arith.cmpi sgt, %jit3A_465, %sign3A_474 : i32
    %sign3A_476 = arith.extui %sign3A_475 : i1 to i32
    %sign3A_477 = arith.constant 0 : i32
    %sign3A_478 = arith.cmpi slt, %jit3A_465, %sign3A_477 : i32
    %sign3A_479 = arith.extui %sign3A_478 : i1 to i32
    %sign3A_480 = arith.subi %sign3A_476, %sign3A_479 : i32
    %ne3A_481 = arith.cmpi ne, %sign3A_473, %sign3A_480 : i32
    %rem3A_482 = arith.remsi %add3A_464, %jit3A_465 : i32
    %ne3A_483 = arith.constant 0 : i32
    %ne3A_484 = arith.cmpi ne, %rem3A_482, %ne3A_483 : i32
    %and3A_485 = arith.andi %ne3A_481, %ne3A_484 : i1
    %sub3A_486 = arith.constant 1 : i32
    %sub3A_487 = arith.subi %div3A_466, %sub3A_486 : i32
    %select_n3A_488 = arith.select %and3A_485, %sub3A_487, %div3A_466 : i32
    %jit3A_489 = arith.constant 8 : i32
    %eq3A_490 = arith.constant 0 : i32
    %eq3A_491 = arith.cmpi eq, %jit3A_489, %eq3A_490 : i32
    %jit3A_492 = arith.constant 1 : i32
    %select_n3A_493 = arith.select %eq3A_491, %jit3A_492, %jit3A_489 : i32
    %rem3A_494 = arith.remsi %add3A_464, %select_n3A_493 : i32
    %ne3A_495 = arith.constant 0 : i32
    %ne3A_496 = arith.cmpi ne, %rem3A_494, %ne3A_495 : i32
    %lt3A_497 = arith.constant 0 : i32
    %lt3A_498 = arith.cmpi slt, %rem3A_494, %lt3A_497 : i32
    %lt3A_499 = arith.constant 0 : i32
    %lt3A_500 = arith.cmpi slt, %select_n3A_493, %lt3A_499 : i32
    %ne3A_501 = arith.xori %lt3A_498, %lt3A_500 : i1
    %and3A_502 = arith.andi %ne3A_501, %ne3A_496 : i1
    %add3A_503 = arith.addi %rem3A_494, %select_n3A_493 : i32
    %select_n3A_504 = arith.select %and3A_502, %add3A_503, %rem3A_494 : i32
    %dma_wait3A_505 = arith.constant 2 : i32
    %dma_wait3A_506 = arith.constant 2 : i32
    %dma_wait3A_507 = arith.constant 0 : i32
    %dma_wait3A_508 = arith.constant 0 : i32
    %dma_wait3A_509 = tpu.memref_slice %arg8[%dma_wait3A_505, %dma_wait3A_507, %dma_wait3A_508] : memref<4x32x128xf32, #tpu.memory_space<vmem>> -> memref<1x32x128xf32, #tpu.memory_space<vmem>>
    %dma_wait3A_510 = tpu.memref_squeeze %dma_wait3A_509 : memref<1x32x128xf32, #tpu.memory_space<vmem>> -> memref<32x128xf32, #tpu.memory_space<vmem>>
    %dma_wait3A_511 = arith.constant 0 : i32
    %dma_wait3A_512 = arith.constant 0 : i32
    %dma_wait3A_513 = tpu.memref_slice %arg6[%select_n3A_488, %dma_wait3A_511, %select_n3A_504, %dma_wait3A_512] : memref<128x32x8x128xf32, #tpu.memory_space<hbm>> -> memref<1x32x1x128xf32, #tpu.memory_space<hbm>>
    %dma_wait3A_514 = tpu.memref_squeeze %dma_wait3A_513 : memref<1x32x1x128xf32, #tpu.memory_space<hbm>> -> memref<32x128xf32, #tpu.memory_space<hbm>>
    %dma_wait3A_515 = tpu.memref_slice %arg12[%dma_wait3A_506] : memref<4x!tpu.dma_semaphore, #tpu.memory_space<semaphore_mem>> -> memref<1x!tpu.dma_semaphore, #tpu.memory_space<semaphore_mem>>
    %dma_wait3A_516 = tpu.memref_squeeze %dma_wait3A_515 : memref<1x!tpu.dma_semaphore, #tpu.memory_space<semaphore_mem>> -> memref<!tpu.dma_semaphore, #tpu.memory_space<semaphore_mem>>
    %dma_wait3A_517 = arith.constant 0 : i32
    %dma_wait3A_518 = arith.constant 0 : i32
    %dma_wait3A_519 = tpu.memref_slice %arg6[%select_n3A_488, %dma_wait3A_517, %select_n3A_504, %dma_wait3A_518] : memref<128x32x8x128xf32, #tpu.memory_space<hbm>> -> memref<1x32x1x128xf32, #tpu.memory_space<hbm>>
    %dma_wait3A_520 = tpu.memref_squeeze %dma_wait3A_519 : memref<1x32x1x128xf32, #tpu.memory_space<hbm>> -> memref<32x128xf32, #tpu.memory_space<hbm>>
    %dma_wait3A_521 = arith.constant 0 : i32
    %dma_wait3A_522 = arith.constant 0 : i32
    %dma_wait3A_523 = tpu.memref_slice %arg8[%dma_wait3A_505, %dma_wait3A_521, %dma_wait3A_522] : memref<4x32x128xf32, #tpu.memory_space<vmem>> -> memref<1x32x128xf32, #tpu.memory_space<vmem>>
    %dma_wait3A_524 = tpu.memref_squeeze %dma_wait3A_523 : memref<1x32x128xf32, #tpu.memory_space<vmem>> -> memref<32x128xf32, #tpu.memory_space<vmem>>
    tpu.wait_dma2 semaphore(%dma_wait3A_516 : memref<!tpu.dma_semaphore, #tpu.memory_space<semaphore_mem>>) src(%dma_wait3A_524 : memref<32x128xf32, #tpu.memory_space<vmem>>) dst(%dma_wait3A_520 : memref<32x128xf32, #tpu.memory_space<hbm>>)
    %add3A_525 = arith.constant 32 : i32
    %add3A_526 = arith.addi %add3A_35, %add3A_525 : i32
    %sub3A_527 = arith.constant 4 : i32
    %sub3A_528 = arith.subi %add3A_526, %sub3A_527 : i32
    %add3A_529 = arith.constant 3 : i32
    %add3A_530 = arith.addi %sub3A_528, %add3A_529 : i32
    %jit3A_531 = arith.constant 8 : i32
    %div3A_532 = arith.divsi %add3A_530, %jit3A_531 : i32
    %sign3A_533 = arith.constant 0 : i32
    %sign3A_534 = arith.cmpi sgt, %add3A_530, %sign3A_533 : i32
    %sign3A_535 = arith.extui %sign3A_534 : i1 to i32
    %sign3A_536 = arith.constant 0 : i32
    %sign3A_537 = arith.cmpi slt, %add3A_530, %sign3A_536 : i32
    %sign3A_538 = arith.extui %sign3A_537 : i1 to i32
    %sign3A_539 = arith.subi %sign3A_535, %sign3A_538 : i32
    %sign3A_540 = arith.constant 0 : i32
    %sign3A_541 = arith.cmpi sgt, %jit3A_531, %sign3A_540 : i32
    %sign3A_542 = arith.extui %sign3A_541 : i1 to i32
    %sign3A_543 = arith.constant 0 : i32
    %sign3A_544 = arith.cmpi slt, %jit3A_531, %sign3A_543 : i32
    %sign3A_545 = arith.extui %sign3A_544 : i1 to i32
    %sign3A_546 = arith.subi %sign3A_542, %sign3A_545 : i32
    %ne3A_547 = arith.cmpi ne, %sign3A_539, %sign3A_546 : i32
    %rem3A_548 = arith.remsi %add3A_530, %jit3A_531 : i32
    %ne3A_549 = arith.constant 0 : i32
    %ne3A_550 = arith.cmpi ne, %rem3A_548, %ne3A_549 : i32
    %and3A_551 = arith.andi %ne3A_547, %ne3A_550 : i1
    %sub3A_552 = arith.constant 1 : i32
    %sub3A_553 = arith.subi %div3A_532, %sub3A_552 : i32
    %select_n3A_554 = arith.select %and3A_551, %sub3A_553, %div3A_532 : i32
    %jit3A_555 = arith.constant 8 : i32
    %eq3A_556 = arith.constant 0 : i32
    %eq3A_557 = arith.cmpi eq, %jit3A_555, %eq3A_556 : i32
    %jit3A_558 = arith.constant 1 : i32
    %select_n3A_559 = arith.select %eq3A_557, %jit3A_558, %jit3A_555 : i32
    %rem3A_560 = arith.remsi %add3A_530, %select_n3A_559 : i32
    %ne3A_561 = arith.constant 0 : i32
    %ne3A_562 = arith.cmpi ne, %rem3A_560, %ne3A_561 : i32
    %lt3A_563 = arith.constant 0 : i32
    %lt3A_564 = arith.cmpi slt, %rem3A_560, %lt3A_563 : i32
    %lt3A_565 = arith.constant 0 : i32
    %lt3A_566 = arith.cmpi slt, %select_n3A_559, %lt3A_565 : i32
    %ne3A_567 = arith.xori %lt3A_564, %lt3A_566 : i1
    %and3A_568 = arith.andi %ne3A_567, %ne3A_562 : i1
    %add3A_569 = arith.addi %rem3A_560, %select_n3A_559 : i32
    %select_n3A_570 = arith.select %and3A_568, %add3A_569, %rem3A_560 : i32
    %dma_wait3A_571 = arith.constant 3 : i32
    %dma_wait3A_572 = arith.constant 3 : i32
    %dma_wait3A_573 = arith.constant 0 : i32
    %dma_wait3A_574 = arith.constant 0 : i32
    %dma_wait3A_575 = tpu.memref_slice %arg8[%dma_wait3A_571, %dma_wait3A_573, %dma_wait3A_574] : memref<4x32x128xf32, #tpu.memory_space<vmem>> -> memref<1x32x128xf32, #tpu.memory_space<vmem>>
    %dma_wait3A_576 = tpu.memref_squeeze %dma_wait3A_575 : memref<1x32x128xf32, #tpu.memory_space<vmem>> -> memref<32x128xf32, #tpu.memory_space<vmem>>
    %dma_wait3A_577 = arith.constant 0 : i32
    %dma_wait3A_578 = arith.constant 0 : i32
    %dma_wait3A_579 = tpu.memref_slice %arg6[%select_n3A_554, %dma_wait3A_577, %select_n3A_570, %dma_wait3A_578] : memref<128x32x8x128xf32, #tpu.memory_space<hbm>> -> memref<1x32x1x128xf32, #tpu.memory_space<hbm>>
    %dma_wait3A_580 = tpu.memref_squeeze %dma_wait3A_579 : memref<1x32x1x128xf32, #tpu.memory_space<hbm>> -> memref<32x128xf32, #tpu.memory_space<hbm>>
    %dma_wait3A_581 = tpu.memref_slice %arg12[%dma_wait3A_572] : memref<4x!tpu.dma_semaphore, #tpu.memory_space<semaphore_mem>> -> memref<1x!tpu.dma_semaphore, #tpu.memory_space<semaphore_mem>>
    %dma_wait3A_582 = tpu.memref_squeeze %dma_wait3A_581 : memref<1x!tpu.dma_semaphore, #tpu.memory_space<semaphore_mem>> -> memref<!tpu.dma_semaphore, #tpu.memory_space<semaphore_mem>>
    %dma_wait3A_583 = arith.constant 0 : i32
    %dma_wait3A_584 = arith.constant 0 : i32
    %dma_wait3A_585 = tpu.memref_slice %arg6[%select_n3A_554, %dma_wait3A_583, %select_n3A_570, %dma_wait3A_584] : memref<128x32x8x128xf32, #tpu.memory_space<hbm>> -> memref<1x32x1x128xf32, #tpu.memory_space<hbm>>
    %dma_wait3A_586 = tpu.memref_squeeze %dma_wait3A_585 : memref<1x32x1x128xf32, #tpu.memory_space<hbm>> -> memref<32x128xf32, #tpu.memory_space<hbm>>
    %dma_wait3A_587 = arith.constant 0 : i32
    %dma_wait3A_588 = arith.constant 0 : i32
    %dma_wait3A_589 = tpu.memref_slice %arg8[%dma_wait3A_571, %dma_wait3A_587, %dma_wait3A_588] : memref<4x32x128xf32, #tpu.memory_space<vmem>> -> memref<1x32x128xf32, #tpu.memory_space<vmem>>
    %dma_wait3A_590 = tpu.memref_squeeze %dma_wait3A_589 : memref<1x32x128xf32, #tpu.memory_space<vmem>> -> memref<32x128xf32, #tpu.memory_space<vmem>>
    tpu.wait_dma2 semaphore(%dma_wait3A_582 : memref<!tpu.dma_semaphore, #tpu.memory_space<semaphore_mem>>) src(%dma_wait3A_590 : memref<32x128xf32, #tpu.memory_space<vmem>>) dst(%dma_wait3A_586 : memref<32x128xf32, #tpu.memory_space<hbm>>)
    %dma_wait3A_591 = arith.constant 0 : i32
    %dma_wait3A_592 = arith.constant 0 : i32
    %dma_wait3A_593 = arith.constant 0 : i32
    %dma_wait3A_594 = arith.constant 0 : i32
    %dma_wait3A_595 = arith.constant 0 : i32
    %dma_wait3A_596 = tpu.memref_slice %arg7[%dma_wait3A_592, %dma_wait3A_594, %dma_wait3A_595] : memref<4x128x128xf32, #tpu.memory_space<vmem>> -> memref<1x128x128xf32, #tpu.memory_space<vmem>>
    %dma_wait3A_597 = tpu.memref_squeeze %dma_wait3A_596 : memref<1x128x128xf32, #tpu.memory_space<vmem>> -> memref<128x128xf32, #tpu.memory_space<vmem>>
    %dma_wait3A_598 = arith.constant 0 : i32
    %dma_wait3A_599 = arith.constant 0 : i32
    %dma_wait3A_600 = tpu.memref_slice %arg2[%dma_wait3A_591, %select_n3A_59, %dma_wait3A_598, %select_n3A_75, %dma_wait3A_599] : memref<3x2x128x8x128xf32, #tpu.memory_space<hbm>> -> memref<1x1x128x1x128xf32, #tpu.memory_space<hbm>>
    %dma_wait3A_601 = tpu.memref_squeeze %dma_wait3A_600 : memref<1x1x128x1x128xf32, #tpu.memory_space<hbm>> -> memref<128x128xf32, #tpu.memory_space<hbm>>
    %dma_wait3A_602 = tpu.memref_slice %arg11[%dma_wait3A_593] : memref<4x!tpu.dma_semaphore, #tpu.memory_space<semaphore_mem>> -> memref<1x!tpu.dma_semaphore, #tpu.memory_space<semaphore_mem>>
    %dma_wait3A_603 = tpu.memref_squeeze %dma_wait3A_602 : memref<1x!tpu.dma_semaphore, #tpu.memory_space<semaphore_mem>> -> memref<!tpu.dma_semaphore, #tpu.memory_space<semaphore_mem>>
    %dma_wait3A_604 = arith.constant 0 : i32
    %dma_wait3A_605 = arith.constant 0 : i32
    %dma_wait3A_606 = tpu.memref_slice %arg7[%dma_wait3A_592, %dma_wait3A_604, %dma_wait3A_605] : memref<4x128x128xf32, #tpu.memory_space<vmem>> -> memref<1x128x128xf32, #tpu.memory_space<vmem>>
    %dma_wait3A_607 = tpu.memref_squeeze %dma_wait3A_606 : memref<1x128x128xf32, #tpu.memory_space<vmem>> -> memref<128x128xf32, #tpu.memory_space<vmem>>
    %dma_wait3A_608 = arith.constant 0 : i32
    %dma_wait3A_609 = arith.constant 0 : i32
    %dma_wait3A_610 = tpu.memref_slice %arg2[%dma_wait3A_591, %select_n3A_59, %dma_wait3A_608, %select_n3A_75, %dma_wait3A_609] : memref<3x2x128x8x128xf32, #tpu.memory_space<hbm>> -> memref<1x1x128x1x128xf32, #tpu.memory_space<hbm>>
    %dma_wait3A_611 = tpu.memref_squeeze %dma_wait3A_610 : memref<1x1x128x1x128xf32, #tpu.memory_space<hbm>> -> memref<128x128xf32, #tpu.memory_space<hbm>>
    tpu.wait_dma2 semaphore(%dma_wait3A_603 : memref<!tpu.dma_semaphore, #tpu.memory_space<semaphore_mem>>) src(%dma_wait3A_611 : memref<128x128xf32, #tpu.memory_space<hbm>>) dst(%dma_wait3A_607 : memref<128x128xf32, #tpu.memory_space<vmem>>)
    %dma_wait3A_612 = arith.constant 1 : i32
    %dma_wait3A_613 = arith.constant 1 : i32
    %dma_wait3A_614 = arith.constant 1 : i32
    %dma_wait3A_615 = arith.constant 0 : i32
    %dma_wait3A_616 = arith.constant 0 : i32
    %dma_wait3A_617 = tpu.memref_slice %arg7[%dma_wait3A_613, %dma_wait3A_615, %dma_wait3A_616] : memref<4x128x128xf32, #tpu.memory_space<vmem>> -> memref<1x128x128xf32, #tpu.memory_space<vmem>>
    %dma_wait3A_618 = tpu.memref_squeeze %dma_wait3A_617 : memref<1x128x128xf32, #tpu.memory_space<vmem>> -> memref<128x128xf32, #tpu.memory_space<vmem>>
    %dma_wait3A_619 = arith.constant 0 : i32
    %dma_wait3A_620 = arith.constant 0 : i32
    %dma_wait3A_621 = tpu.memref_slice %arg2[%dma_wait3A_612, %select_n3A_59, %dma_wait3A_619, %select_n3A_75, %dma_wait3A_620] : memref<3x2x128x8x128xf32, #tpu.memory_space<hbm>> -> memref<1x1x128x1x128xf32, #tpu.memory_space<hbm>>
    %dma_wait3A_622 = tpu.memref_squeeze %dma_wait3A_621 : memref<1x1x128x1x128xf32, #tpu.memory_space<hbm>> -> memref<128x128xf32, #tpu.memory_space<hbm>>
    %dma_wait3A_623 = tpu.memref_slice %arg11[%dma_wait3A_614] : memref<4x!tpu.dma_semaphore, #tpu.memory_space<semaphore_mem>> -> memref<1x!tpu.dma_semaphore, #tpu.memory_space<semaphore_mem>>
    %dma_wait3A_624 = tpu.memref_squeeze %dma_wait3A_623 : memref<1x!tpu.dma_semaphore, #tpu.memory_space<semaphore_mem>> -> memref<!tpu.dma_semaphore, #tpu.memory_space<semaphore_mem>>
    %dma_wait3A_625 = arith.constant 0 : i32
    %dma_wait3A_626 = arith.constant 0 : i32
    %dma_wait3A_627 = tpu.memref_slice %arg7[%dma_wait3A_613, %dma_wait3A_625, %dma_wait3A_626] : memref<4x128x128xf32, #tpu.memory_space<vmem>> -> memref<1x128x128xf32, #tpu.memory_space<vmem>>
    %dma_wait3A_628 = tpu.memref_squeeze %dma_wait3A_627 : memref<1x128x128xf32, #tpu.memory_space<vmem>> -> memref<128x128xf32, #tpu.memory_space<vmem>>
    %dma_wait3A_629 = arith.constant 0 : i32
    %dma_wait3A_630 = arith.constant 0 : i32
    %dma_wait3A_631 = tpu.memref_slice %arg2[%dma_wait3A_612, %select_n3A_59, %dma_wait3A_629, %select_n3A_75, %dma_wait3A_630] : memref<3x2x128x8x128xf32, #tpu.memory_space<hbm>> -> memref<1x1x128x1x128xf32, #tpu.memory_space<hbm>>
    %dma_wait3A_632 = tpu.memref_squeeze %dma_wait3A_631 : memref<1x1x128x1x128xf32, #tpu.memory_space<hbm>> -> memref<128x128xf32, #tpu.memory_space<hbm>>
    tpu.wait_dma2 semaphore(%dma_wait3A_624 : memref<!tpu.dma_semaphore, #tpu.memory_space<semaphore_mem>>) src(%dma_wait3A_632 : memref<128x128xf32, #tpu.memory_space<hbm>>) dst(%dma_wait3A_628 : memref<128x128xf32, #tpu.memory_space<vmem>>)
    %dma_wait3A_633 = arith.constant 2 : i32
    %dma_wait3A_634 = arith.constant 2 : i32
    %dma_wait3A_635 = arith.constant 2 : i32
    %dma_wait3A_636 = arith.constant 0 : i32
    %dma_wait3A_637 = arith.constant 0 : i32
    %dma_wait3A_638 = tpu.memref_slice %arg7[%dma_wait3A_634, %dma_wait3A_636, %dma_wait3A_637] : memref<4x128x128xf32, #tpu.memory_space<vmem>> -> memref<1x128x128xf32, #tpu.memory_space<vmem>>
    %dma_wait3A_639 = tpu.memref_squeeze %dma_wait3A_638 : memref<1x128x128xf32, #tpu.memory_space<vmem>> -> memref<128x128xf32, #tpu.memory_space<vmem>>
    %dma_wait3A_640 = arith.constant 0 : i32
    %dma_wait3A_641 = arith.constant 0 : i32
    %dma_wait3A_642 = tpu.memref_slice %arg2[%dma_wait3A_633, %select_n3A_59, %dma_wait3A_640, %select_n3A_75, %dma_wait3A_641] : memref<3x2x128x8x128xf32, #tpu.memory_space<hbm>> -> memref<1x1x128x1x128xf32, #tpu.memory_space<hbm>>
    %dma_wait3A_643 = tpu.memref_squeeze %dma_wait3A_642 : memref<1x1x128x1x128xf32, #tpu.memory_space<hbm>> -> memref<128x128xf32, #tpu.memory_space<hbm>>
    %dma_wait3A_644 = tpu.memref_slice %arg11[%dma_wait3A_635] : memref<4x!tpu.dma_semaphore, #tpu.memory_space<semaphore_mem>> -> memref<1x!tpu.dma_semaphore, #tpu.memory_space<semaphore_mem>>
    %dma_wait3A_645 = tpu.memref_squeeze %dma_wait3A_644 : memref<1x!tpu.dma_semaphore, #tpu.memory_space<semaphore_mem>> -> memref<!tpu.dma_semaphore, #tpu.memory_space<semaphore_mem>>
    %dma_wait3A_646 = arith.constant 0 : i32
    %dma_wait3A_647 = arith.constant 0 : i32
    %dma_wait3A_648 = tpu.memref_slice %arg7[%dma_wait3A_634, %dma_wait3A_646, %dma_wait3A_647] : memref<4x128x128xf32, #tpu.memory_space<vmem>> -> memref<1x128x128xf32, #tpu.memory_space<vmem>>
    %dma_wait3A_649 = tpu.memref_squeeze %dma_wait3A_648 : memref<1x128x128xf32, #tpu.memory_space<vmem>> -> memref<128x128xf32, #tpu.memory_space<vmem>>
    %dma_wait3A_650 = arith.constant 0 : i32
    %dma_wait3A_651 = arith.constant 0 : i32
    %dma_wait3A_652 = tpu.memref_slice %arg2[%dma_wait3A_633, %select_n3A_59, %dma_wait3A_650, %select_n3A_75, %dma_wait3A_651] : memref<3x2x128x8x128xf32, #tpu.memory_space<hbm>> -> memref<1x1x128x1x128xf32, #tpu.memory_space<hbm>>
    %dma_wait3A_653 = tpu.memref_squeeze %dma_wait3A_652 : memref<1x1x128x1x128xf32, #tpu.memory_space<hbm>> -> memref<128x128xf32, #tpu.memory_space<hbm>>
    tpu.wait_dma2 semaphore(%dma_wait3A_645 : memref<!tpu.dma_semaphore, #tpu.memory_space<semaphore_mem>>) src(%dma_wait3A_653 : memref<128x128xf32, #tpu.memory_space<hbm>>) dst(%dma_wait3A_649 : memref<128x128xf32, #tpu.memory_space<vmem>>)
    %parallel_loop3A = arith.constant 0 : i32
    %parallel_loop3A_654 = arith.constant 16 : i32
    %parallel_loop3A_655 = arith.constant 1 : i32
    scf.for %parallel_loop3A_770 = %parallel_loop3A to %parallel_loop3A_654 step %parallel_loop3A_655  : i32 {
      %parallel_loop3A_771 = arith.constant 16 : i32
      %parallel_loop3A_772 = arith.muli %select_n3A_30, %parallel_loop3A_771 : i32
      %parallel_loop3A_773 = arith.addi %parallel_loop3A_772, %parallel_loop3A_770 : i32
      %parallel_loop3A_774 = arith.index_cast %parallel_loop3A_773 : i32 to index
      %parallel_loop3A_775 = arith.constant 0 : index
      %parallel_loop3A_776 = tpu.vector_load %arg9[%parallel_loop3A_774, %parallel_loop3A_775] {strides = array<i32>} : memref<32x128xi32, #tpu.memory_space<vmem>>, vector<16xi32>,
      %parallel_loop3A_777 = arith.constant 7 : i32
      %parallel_loop3A_778 = vector.broadcast %parallel_loop3A_777 : i32 to vector<16xi32>
      %parallel_loop3A_779 = arith.shrsi %parallel_loop3A_776, %parallel_loop3A_778 : vector<16xi32>
      %parallel_loop3A_780 = arith.constant 127 : i32
      %parallel_loop3A_781 = vector.broadcast %parallel_loop3A_780 : i32 to vector<16xi32>
      %parallel_loop3A_782 = arith.andi %parallel_loop3A_776, %parallel_loop3A_781 : vector<16xi32>
      %parallel_loop3A_783 = arith.constant 0 : i32
      %parallel_loop3A_784 = arith.constant 0 : i32
      %parallel_loop3A_785 = arith.constant 0 : i32
      %parallel_loop3A_786 = tpu.memref_slice %arg7[%parallel_loop3A_783, %parallel_loop3A_784, %parallel_loop3A_785] : memref<4x128x128xf32, #tpu.memory_space<vmem>> -> memref<1x128x128xf32, #tpu.memory_space<vmem>>
      %parallel_loop3A_787 = tpu.memref_squeeze %parallel_loop3A_786 : memref<1x128x128xf32, #tpu.memory_space<vmem>> -> memref<128x128xf32, #tpu.memory_space<vmem>>
      %parallel_loop3A_788 = tpu.vector_load_idx %parallel_loop3A_787[%parallel_loop3A_779, %parallel_loop3A_782] : memref<128x128xf32, #tpu.memory_space<vmem>>[vector<16xi32>, vector<16xi32>], vector<16xf32>,
      %parallel_loop3A_789 = arith.constant 0 : i32
      %parallel_loop3A_790 = arith.index_cast %parallel_loop3A_789 : i32 to index
      %parallel_loop3A_791 = arith.index_cast %parallel_loop3A_770 : i32 to index
      %parallel_loop3A_792 = arith.constant 0 : index
      %parallel_loop3A_793 = tpu.vector_load %arg10[%parallel_loop3A_790, %parallel_loop3A_791, %parallel_loop3A_792] {strides = array<i32>} : memref<3x16x128xf32, #tpu.memory_space<vmem>>, vector<16xf32>,
      tpu.vector_store %arg10[%parallel_loop3A_790, %parallel_loop3A_791, %parallel_loop3A_792], %parallel_loop3A_788 {strides = array<i32>} : memref<3x16x128xf32, #tpu.memory_space<vmem>>, vector<16xf32>,
      %parallel_loop3A_794 = arith.constant 16 : i32
      %parallel_loop3A_795 = arith.muli %select_n3A_30, %parallel_loop3A_794 : i32
      %parallel_loop3A_796 = arith.addi %parallel_loop3A_795, %parallel_loop3A_770 : i32
      %parallel_loop3A_797 = arith.index_cast %parallel_loop3A_796 : i32 to index
      %parallel_loop3A_798 = arith.constant 16 : index
      %parallel_loop3A_799 = tpu.vector_load %arg9[%parallel_loop3A_797, %parallel_loop3A_798] {strides = array<i32>} : memref<32x128xi32, #tpu.memory_space<vmem>>, vector<16xi32>,
      %parallel_loop3A_800 = arith.constant 7 : i32
      %parallel_loop3A_801 = vector.broadcast %parallel_loop3A_800 : i32 to vector<16xi32>
      %parallel_loop3A_802 = arith.shrsi %parallel_loop3A_799, %parallel_loop3A_801 : vector<16xi32>
      %parallel_loop3A_803 = arith.constant 127 : i32
      %parallel_loop3A_804 = vector.broadcast %parallel_loop3A_803 : i32 to vector<16xi32>
      %parallel_loop3A_805 = arith.andi %parallel_loop3A_799, %parallel_loop3A_804 : vector<16xi32>
      %parallel_loop3A_806 = arith.constant 0 : i32
      %parallel_loop3A_807 = arith.constant 0 : i32
      %parallel_loop3A_808 = arith.constant 0 : i32
      %parallel_loop3A_809 = tpu.memref_slice %arg7[%parallel_loop3A_806, %parallel_loop3A_807, %parallel_loop3A_808] : memref<4x128x128xf32, #tpu.memory_space<vmem>> -> memref<1x128x128xf32, #tpu.memory_space<vmem>>
      %parallel_loop3A_810 = tpu.memref_squeeze %parallel_loop3A_809 : memref<1x128x128xf32, #tpu.memory_space<vmem>> -> memref<128x128xf32, #tpu.memory_space<vmem>>
      %parallel_loop3A_811 = tpu.vector_load_idx %parallel_loop3A_810[%parallel_loop3A_802, %parallel_loop3A_805] : memref<128x128xf32, #tpu.memory_space<vmem>>[vector<16xi32>, vector<16xi32>], vector<16xf32>,
      %parallel_loop3A_812 = arith.constant 0 : i32
      %parallel_loop3A_813 = arith.index_cast %parallel_loop3A_812 : i32 to index
      %parallel_loop3A_814 = arith.index_cast %parallel_loop3A_770 : i32 to index
      %parallel_loop3A_815 = arith.constant 16 : index
      %parallel_loop3A_816 = tpu.vector_load %arg10[%parallel_loop3A_813, %parallel_loop3A_814, %parallel_loop3A_815] {strides = array<i32>} : memref<3x16x128xf32, #tpu.memory_space<vmem>>, vector<16xf32>,
      tpu.vector_store %arg10[%parallel_loop3A_813, %parallel_loop3A_814, %parallel_loop3A_815], %parallel_loop3A_811 {strides = array<i32>} : memref<3x16x128xf32, #tpu.memory_space<vmem>>, vector<16xf32>,
      %parallel_loop3A_817 = arith.constant 16 : i32
      %parallel_loop3A_818 = arith.muli %select_n3A_30, %parallel_loop3A_817 : i32
      %parallel_loop3A_819 = arith.addi %parallel_loop3A_818, %parallel_loop3A_770 : i32
      %parallel_loop3A_820 = arith.index_cast %parallel_loop3A_819 : i32 to index
      %parallel_loop3A_821 = arith.constant 32 : index
      %parallel_loop3A_822 = tpu.vector_load %arg9[%parallel_loop3A_820, %parallel_loop3A_821] {strides = array<i32>} : memref<32x128xi32, #tpu.memory_space<vmem>>, vector<16xi32>,
      %parallel_loop3A_823 = arith.constant 7 : i32
      %parallel_loop3A_824 = vector.broadcast %parallel_loop3A_823 : i32 to vector<16xi32>
      %parallel_loop3A_825 = arith.shrsi %parallel_loop3A_822, %parallel_loop3A_824 : vector<16xi32>
      %parallel_loop3A_826 = arith.constant 127 : i32
      %parallel_loop3A_827 = vector.broadcast %parallel_loop3A_826 : i32 to vector<16xi32>
      %parallel_loop3A_828 = arith.andi %parallel_loop3A_822, %parallel_loop3A_827 : vector<16xi32>
      %parallel_loop3A_829 = arith.constant 0 : i32
      %parallel_loop3A_830 = arith.constant 0 : i32
      %parallel_loop3A_831 = arith.constant 0 : i32
      %parallel_loop3A_832 = tpu.memref_slice %arg7[%parallel_loop3A_829, %parallel_loop3A_830, %parallel_loop3A_831] : memref<4x128x128xf32, #tpu.memory_space<vmem>> -> memref<1x128x128xf32, #tpu.memory_space<vmem>>
      %parallel_loop3A_833 = tpu.memref_squeeze %parallel_loop3A_832 : memref<1x128x128xf32, #tpu.memory_space<vmem>> -> memref<128x128xf32, #tpu.memory_space<vmem>>
      %parallel_loop3A_834 = tpu.vector_load_idx %parallel_loop3A_833[%parallel_loop3A_825, %parallel_loop3A_828] : memref<128x128xf32, #tpu.memory_space<vmem>>[vector<16xi32>, vector<16xi32>], vector<16xf32>,
      %parallel_loop3A_835 = arith.constant 0 : i32
      %parallel_loop3A_836 = arith.index_cast %parallel_loop3A_835 : i32 to index
      %parallel_loop3A_837 = arith.index_cast %parallel_loop3A_770 : i32 to index
      %parallel_loop3A_838 = arith.constant 32 : index
      %parallel_loop3A_839 = tpu.vector_load %arg10[%parallel_loop3A_836, %parallel_loop3A_837, %parallel_loop3A_838] {strides = array<i32>} : memref<3x16x128xf32, #tpu.memory_space<vmem>>, vector<16xf32>,
      tpu.vector_store %arg10[%parallel_loop3A_836, %parallel_loop3A_837, %parallel_loop3A_838], %parallel_loop3A_834 {strides = array<i32>} : memref<3x16x128xf32, #tpu.memory_space<vmem>>, vector<16xf32>,
      %parallel_loop3A_840 = arith.constant 16 : i32
      %parallel_loop3A_841 = arith.muli %select_n3A_30, %parallel_loop3A_840 : i32
      %parallel_loop3A_842 = arith.addi %parallel_loop3A_841, %parallel_loop3A_770 : i32
      %parallel_loop3A_843 = arith.index_cast %parallel_loop3A_842 : i32 to index
      %parallel_loop3A_844 = arith.constant 48 : index
      %parallel_loop3A_845 = tpu.vector_load %arg9[%parallel_loop3A_843, %parallel_loop3A_844] {strides = array<i32>} : memref<32x128xi32, #tpu.memory_space<vmem>>, vector<16xi32>,
      %parallel_loop3A_846 = arith.constant 7 : i32
      %parallel_loop3A_847 = vector.broadcast %parallel_loop3A_846 : i32 to vector<16xi32>
      %parallel_loop3A_848 = arith.shrsi %parallel_loop3A_845, %parallel_loop3A_847 : vector<16xi32>
      %parallel_loop3A_849 = arith.constant 127 : i32
      %parallel_loop3A_850 = vector.broadcast %parallel_loop3A_849 : i32 to vector<16xi32>
      %parallel_loop3A_851 = arith.andi %parallel_loop3A_845, %parallel_loop3A_850 : vector<16xi32>
      %parallel_loop3A_852 = arith.constant 0 : i32
      %parallel_loop3A_853 = arith.constant 0 : i32
      %parallel_loop3A_854 = arith.constant 0 : i32
      %parallel_loop3A_855 = tpu.memref_slice %arg7[%parallel_loop3A_852, %parallel_loop3A_853, %parallel_loop3A_854] : memref<4x128x128xf32, #tpu.memory_space<vmem>> -> memref<1x128x128xf32, #tpu.memory_space<vmem>>
      %parallel_loop3A_856 = tpu.memref_squeeze %parallel_loop3A_855 : memref<1x128x128xf32, #tpu.memory_space<vmem>> -> memref<128x128xf32, #tpu.memory_space<vmem>>
      %parallel_loop3A_857 = tpu.vector_load_idx %parallel_loop3A_856[%parallel_loop3A_848, %parallel_loop3A_851] : memref<128x128xf32, #tpu.memory_space<vmem>>[vector<16xi32>, vector<16xi32>], vector<16xf32>,
      %parallel_loop3A_858 = arith.constant 0 : i32
      %parallel_loop3A_859 = arith.index_cast %parallel_loop3A_858 : i32 to index
      %parallel_loop3A_860 = arith.index_cast %parallel_loop3A_770 : i32 to index
      %parallel_loop3A_861 = arith.constant 48 : index
      %parallel_loop3A_862 = tpu.vector_load %arg10[%parallel_loop3A_859, %parallel_loop3A_860, %parallel_loop3A_861] {strides = array<i32>} : memref<3x16x128xf32, #tpu.memory_space<vmem>>, vector<16xf32>,
      tpu.vector_store %arg10[%parallel_loop3A_859, %parallel_loop3A_860, %parallel_loop3A_861], %parallel_loop3A_857 {strides = array<i32>} : memref<3x16x128xf32, #tpu.memory_space<vmem>>, vector<16xf32>,
      %parallel_loop3A_863 = arith.constant 16 : i32
      %parallel_loop3A_864 = arith.muli %select_n3A_30, %parallel_loop3A_863 : i32
      %parallel_loop3A_865 = arith.addi %parallel_loop3A_864, %parallel_loop3A_770 : i32
      %parallel_loop3A_866 = arith.index_cast %parallel_loop3A_865 : i32 to index
      %parallel_loop3A_867 = arith.constant 64 : index
      %parallel_loop3A_868 = tpu.vector_load %arg9[%parallel_loop3A_866, %parallel_loop3A_867] {strides = array<i32>} : memref<32x128xi32, #tpu.memory_space<vmem>>, vector<16xi32>,
      %parallel_loop3A_869 = arith.constant 7 : i32
      %parallel_loop3A_870 = vector.broadcast %parallel_loop3A_869 : i32 to vector<16xi32>
      %parallel_loop3A_871 = arith.shrsi %parallel_loop3A_868, %parallel_loop3A_870 : vector<16xi32>
      %parallel_loop3A_872 = arith.constant 127 : i32
      %parallel_loop3A_873 = vector.broadcast %parallel_loop3A_872 : i32 to vector<16xi32>
      %parallel_loop3A_874 = arith.andi %parallel_loop3A_868, %parallel_loop3A_873 : vector<16xi32>
      %parallel_loop3A_875 = arith.constant 0 : i32
      %parallel_loop3A_876 = arith.constant 0 : i32
      %parallel_loop3A_877 = arith.constant 0 : i32
      %parallel_loop3A_878 = tpu.memref_slice %arg7[%parallel_loop3A_875, %parallel_loop3A_876, %parallel_loop3A_877] : memref<4x128x128xf32, #tpu.memory_space<vmem>> -> memref<1x128x128xf32, #tpu.memory_space<vmem>>
      %parallel_loop3A_879 = tpu.memref_squeeze %parallel_loop3A_878 : memref<1x128x128xf32, #tpu.memory_space<vmem>> -> memref<128x128xf32, #tpu.memory_space<vmem>>
      %parallel_loop3A_880 = tpu.vector_load_idx %parallel_loop3A_879[%parallel_loop3A_871, %parallel_loop3A_874] : memref<128x128xf32, #tpu.memory_space<vmem>>[vector<16xi32>, vector<16xi32>], vector<16xf32>,
      %parallel_loop3A_881 = arith.constant 0 : i32
      %parallel_loop3A_882 = arith.index_cast %parallel_loop3A_881 : i32 to index
      %parallel_loop3A_883 = arith.index_cast %parallel_loop3A_770 : i32 to index
      %parallel_loop3A_884 = arith.constant 64 : index
      %parallel_loop3A_885 = tpu.vector_load %arg10[%parallel_loop3A_882, %parallel_loop3A_883, %parallel_loop3A_884] {strides = array<i32>} : memref<3x16x128xf32, #tpu.memory_space<vmem>>, vector<16xf32>,
      tpu.vector_store %arg10[%parallel_loop3A_882, %parallel_loop3A_883, %parallel_loop3A_884], %parallel_loop3A_880 {strides = array<i32>} : memref<3x16x128xf32, #tpu.memory_space<vmem>>, vector<16xf32>,
      %parallel_loop3A_886 = arith.constant 16 : i32
      %parallel_loop3A_887 = arith.muli %select_n3A_30, %parallel_loop3A_886 : i32
      %parallel_loop3A_888 = arith.addi %parallel_loop3A_887, %parallel_loop3A_770 : i32
      %parallel_loop3A_889 = arith.index_cast %parallel_loop3A_888 : i32 to index
      %parallel_loop3A_890 = arith.constant 80 : index
      %parallel_loop3A_891 = tpu.vector_load %arg9[%parallel_loop3A_889, %parallel_loop3A_890] {strides = array<i32>} : memref<32x128xi32, #tpu.memory_space<vmem>>, vector<16xi32>,
      %parallel_loop3A_892 = arith.constant 7 : i32
      %parallel_loop3A_893 = vector.broadcast %parallel_loop3A_892 : i32 to vector<16xi32>
      %parallel_loop3A_894 = arith.shrsi %parallel_loop3A_891, %parallel_loop3A_893 : vector<16xi32>
      %parallel_loop3A_895 = arith.constant 127 : i32
      %parallel_loop3A_896 = vector.broadcast %parallel_loop3A_895 : i32 to vector<16xi32>
      %parallel_loop3A_897 = arith.andi %parallel_loop3A_891, %parallel_loop3A_896 : vector<16xi32>
      %parallel_loop3A_898 = arith.constant 0 : i32
      %parallel_loop3A_899 = arith.constant 0 : i32
      %parallel_loop3A_900 = arith.constant 0 : i32
      %parallel_loop3A_901 = tpu.memref_slice %arg7[%parallel_loop3A_898, %parallel_loop3A_899, %parallel_loop3A_900] : memref<4x128x128xf32, #tpu.memory_space<vmem>> -> memref<1x128x128xf32, #tpu.memory_space<vmem>>
      %parallel_loop3A_902 = tpu.memref_squeeze %parallel_loop3A_901 : memref<1x128x128xf32, #tpu.memory_space<vmem>> -> memref<128x128xf32, #tpu.memory_space<vmem>>
      %parallel_loop3A_903 = tpu.vector_load_idx %parallel_loop3A_902[%parallel_loop3A_894, %parallel_loop3A_897] : memref<128x128xf32, #tpu.memory_space<vmem>>[vector<16xi32>, vector<16xi32>], vector<16xf32>,
      %parallel_loop3A_904 = arith.constant 0 : i32
      %parallel_loop3A_905 = arith.index_cast %parallel_loop3A_904 : i32 to index
      %parallel_loop3A_906 = arith.index_cast %parallel_loop3A_770 : i32 to index
      %parallel_loop3A_907 = arith.constant 80 : index
      %parallel_loop3A_908 = tpu.vector_load %arg10[%parallel_loop3A_905, %parallel_loop3A_906, %parallel_loop3A_907] {strides = array<i32>} : memref<3x16x128xf32, #tpu.memory_space<vmem>>, vector<16xf32>,
      tpu.vector_store %arg10[%parallel_loop3A_905, %parallel_loop3A_906, %parallel_loop3A_907], %parallel_loop3A_903 {strides = array<i32>} : memref<3x16x128xf32, #tpu.memory_space<vmem>>, vector<16xf32>,
      %parallel_loop3A_909 = arith.constant 16 : i32
      %parallel_loop3A_910 = arith.muli %select_n3A_30, %parallel_loop3A_909 : i32
      %parallel_loop3A_911 = arith.addi %parallel_loop3A_910, %parallel_loop3A_770 : i32
      %parallel_loop3A_912 = arith.index_cast %parallel_loop3A_911 : i32 to index
      %parallel_loop3A_913 = arith.constant 96 : index
      %parallel_loop3A_914 = tpu.vector_load %arg9[%parallel_loop3A_912, %parallel_loop3A_913] {strides = array<i32>} : memref<32x128xi32, #tpu.memory_space<vmem>>, vector<16xi32>,
      %parallel_loop3A_915 = arith.constant 7 : i32
      %parallel_loop3A_916 = vector.broadcast %parallel_loop3A_915 : i32 to vector<16xi32>
      %parallel_loop3A_917 = arith.shrsi %parallel_loop3A_914, %parallel_loop3A_916 : vector<16xi32>
      %parallel_loop3A_918 = arith.constant 127 : i32
      %parallel_loop3A_919 = vector.broadcast %parallel_loop3A_918 : i32 to vector<16xi32>
      %parallel_loop3A_920 = arith.andi %parallel_loop3A_914, %parallel_loop3A_919 : vector<16xi32>
      %parallel_loop3A_921 = arith.constant 0 : i32
      %parallel_loop3A_922 = arith.constant 0 : i32
      %parallel_loop3A_923 = arith.constant 0 : i32
      %parallel_loop3A_924 = tpu.memref_slice %arg7[%parallel_loop3A_921, %parallel_loop3A_922, %parallel_loop3A_923] : memref<4x128x128xf32, #tpu.memory_space<vmem>> -> memref<1x128x128xf32, #tpu.memory_space<vmem>>
      %parallel_loop3A_925 = tpu.memref_squeeze %parallel_loop3A_924 : memref<1x128x128xf32, #tpu.memory_space<vmem>> -> memref<128x128xf32, #tpu.memory_space<vmem>>
      %parallel_loop3A_926 = tpu.vector_load_idx %parallel_loop3A_925[%parallel_loop3A_917, %parallel_loop3A_920] : memref<128x128xf32, #tpu.memory_space<vmem>>[vector<16xi32>, vector<16xi32>], vector<16xf32>,
      %parallel_loop3A_927 = arith.constant 0 : i32
      %parallel_loop3A_928 = arith.index_cast %parallel_loop3A_927 : i32 to index
      %parallel_loop3A_929 = arith.index_cast %parallel_loop3A_770 : i32 to index
      %parallel_loop3A_930 = arith.constant 96 : index
      %parallel_loop3A_931 = tpu.vector_load %arg10[%parallel_loop3A_928, %parallel_loop3A_929, %parallel_loop3A_930] {strides = array<i32>} : memref<3x16x128xf32, #tpu.memory_space<vmem>>, vector<16xf32>,
      tpu.vector_store %arg10[%parallel_loop3A_928, %parallel_loop3A_929, %parallel_loop3A_930], %parallel_loop3A_926 {strides = array<i32>} : memref<3x16x128xf32, #tpu.memory_space<vmem>>, vector<16xf32>,
      %parallel_loop3A_932 = arith.constant 16 : i32
      %parallel_loop3A_933 = arith.muli %select_n3A_30, %parallel_loop3A_932 : i32
      %parallel_loop3A_934 = arith.addi %parallel_loop3A_933, %parallel_loop3A_770 : i32
      %parallel_loop3A_935 = arith.index_cast %parallel_loop3A_934 : i32 to index
      %parallel_loop3A_936 = arith.constant 112 : index
      %parallel_loop3A_937 = tpu.vector_load %arg9[%parallel_loop3A_935, %parallel_loop3A_936] {strides = array<i32>} : memref<32x128xi32, #tpu.memory_space<vmem>>, vector<16xi32>,
      %parallel_loop3A_938 = arith.constant 7 : i32
      %parallel_loop3A_939 = vector.broadcast %parallel_loop3A_938 : i32 to vector<16xi32>
      %parallel_loop3A_940 = arith.shrsi %parallel_loop3A_937, %parallel_loop3A_939 : vector<16xi32>
      %parallel_loop3A_941 = arith.constant 127 : i32
      %parallel_loop3A_942 = vector.broadcast %parallel_loop3A_941 : i32 to vector<16xi32>
      %parallel_loop3A_943 = arith.andi %parallel_loop3A_937, %parallel_loop3A_942 : vector<16xi32>
      %parallel_loop3A_944 = arith.constant 0 : i32
      %parallel_loop3A_945 = arith.constant 0 : i32
      %parallel_loop3A_946 = arith.constant 0 : i32
      %parallel_loop3A_947 = tpu.memref_slice %arg7[%parallel_loop3A_944, %parallel_loop3A_945, %parallel_loop3A_946] : memref<4x128x128xf32, #tpu.memory_space<vmem>> -> memref<1x128x128xf32, #tpu.memory_space<vmem>>
      %parallel_loop3A_948 = tpu.memref_squeeze %parallel_loop3A_947 : memref<1x128x128xf32, #tpu.memory_space<vmem>> -> memref<128x128xf32, #tpu.memory_space<vmem>>
      %parallel_loop3A_949 = tpu.vector_load_idx %parallel_loop3A_948[%parallel_loop3A_940, %parallel_loop3A_943] : memref<128x128xf32, #tpu.memory_space<vmem>>[vector<16xi32>, vector<16xi32>], vector<16xf32>,
      %parallel_loop3A_950 = arith.constant 0 : i32
      %parallel_loop3A_951 = arith.index_cast %parallel_loop3A_950 : i32 to index
      %parallel_loop3A_952 = arith.index_cast %parallel_loop3A_770 : i32 to index
      %parallel_loop3A_953 = arith.constant 112 : index
      %parallel_loop3A_954 = tpu.vector_load %arg10[%parallel_loop3A_951, %parallel_loop3A_952, %parallel_loop3A_953] {strides = array<i32>} : memref<3x16x128xf32, #tpu.memory_space<vmem>>, vector<16xf32>,
      tpu.vector_store %arg10[%parallel_loop3A_951, %parallel_loop3A_952, %parallel_loop3A_953], %parallel_loop3A_949 {strides = array<i32>} : memref<3x16x128xf32, #tpu.memory_space<vmem>>, vector<16xf32>,
    } {sc.loop_unroll_factor = 2 : i64, sc.parallel_access}
    %parallel_loop3A_656 = arith.constant 0 : i32
    %parallel_loop3A_657 = arith.constant 16 : i32
    %parallel_loop3A_658 = arith.constant 1 : i32
    scf.for %parallel_loop3A_770 = %parallel_loop3A_656 to %parallel_loop3A_657 step %parallel_loop3A_658  : i32 {
      %parallel_loop3A_771 = arith.constant 16 : i32
      %parallel_loop3A_772 = arith.muli %select_n3A_30, %parallel_loop3A_771 : i32
      %parallel_loop3A_773 = arith.addi %parallel_loop3A_772, %parallel_loop3A_770 : i32
      %parallel_loop3A_774 = arith.index_cast %parallel_loop3A_773 : i32 to index
      %parallel_loop3A_775 = arith.constant 0 : index
      %parallel_loop3A_776 = tpu.vector_load %arg9[%parallel_loop3A_774, %parallel_loop3A_775] {strides = array<i32>} : memref<32x128xi32, #tpu.memory_space<vmem>>, vector<16xi32>,
      %parallel_loop3A_777 = arith.constant 7 : i32
      %parallel_loop3A_778 = vector.broadcast %parallel_loop3A_777 : i32 to vector<16xi32>
      %parallel_loop3A_779 = arith.shrsi %parallel_loop3A_776, %parallel_loop3A_778 : vector<16xi32>
      %parallel_loop3A_780 = arith.constant 127 : i32
      %parallel_loop3A_781 = vector.broadcast %parallel_loop3A_780 : i32 to vector<16xi32>
      %parallel_loop3A_782 = arith.andi %parallel_loop3A_776, %parallel_loop3A_781 : vector<16xi32>
      %parallel_loop3A_783 = arith.constant 1 : i32
      %parallel_loop3A_784 = arith.constant 0 : i32
      %parallel_loop3A_785 = arith.constant 0 : i32
      %parallel_loop3A_786 = tpu.memref_slice %arg7[%parallel_loop3A_783, %parallel_loop3A_784, %parallel_loop3A_785] : memref<4x128x128xf32, #tpu.memory_space<vmem>> -> memref<1x128x128xf32, #tpu.memory_space<vmem>>
      %parallel_loop3A_787 = tpu.memref_squeeze %parallel_loop3A_786 : memref<1x128x128xf32, #tpu.memory_space<vmem>> -> memref<128x128xf32, #tpu.memory_space<vmem>>
      %parallel_loop3A_788 = tpu.vector_load_idx %parallel_loop3A_787[%parallel_loop3A_779, %parallel_loop3A_782] : memref<128x128xf32, #tpu.memory_space<vmem>>[vector<16xi32>, vector<16xi32>], vector<16xf32>,
      %parallel_loop3A_789 = arith.constant 1 : i32
      %parallel_loop3A_790 = arith.index_cast %parallel_loop3A_789 : i32 to index
      %parallel_loop3A_791 = arith.index_cast %parallel_loop3A_770 : i32 to index
      %parallel_loop3A_792 = arith.constant 0 : index
      %parallel_loop3A_793 = tpu.vector_load %arg10[%parallel_loop3A_790, %parallel_loop3A_791, %parallel_loop3A_792] {strides = array<i32>} : memref<3x16x128xf32, #tpu.memory_space<vmem>>, vector<16xf32>,
      tpu.vector_store %arg10[%parallel_loop3A_790, %parallel_loop3A_791, %parallel_loop3A_792], %parallel_loop3A_788 {strides = array<i32>} : memref<3x16x128xf32, #tpu.memory_space<vmem>>, vector<16xf32>,
      %parallel_loop3A_794 = arith.constant 16 : i32
      %parallel_loop3A_795 = arith.muli %select_n3A_30, %parallel_loop3A_794 : i32
      %parallel_loop3A_796 = arith.addi %parallel_loop3A_795, %parallel_loop3A_770 : i32
      %parallel_loop3A_797 = arith.index_cast %parallel_loop3A_796 : i32 to index
      %parallel_loop3A_798 = arith.constant 16 : index
      %parallel_loop3A_799 = tpu.vector_load %arg9[%parallel_loop3A_797, %parallel_loop3A_798] {strides = array<i32>} : memref<32x128xi32, #tpu.memory_space<vmem>>, vector<16xi32>,
      %parallel_loop3A_800 = arith.constant 7 : i32
      %parallel_loop3A_801 = vector.broadcast %parallel_loop3A_800 : i32 to vector<16xi32>
      %parallel_loop3A_802 = arith.shrsi %parallel_loop3A_799, %parallel_loop3A_801 : vector<16xi32>
      %parallel_loop3A_803 = arith.constant 127 : i32
      %parallel_loop3A_804 = vector.broadcast %parallel_loop3A_803 : i32 to vector<16xi32>
      %parallel_loop3A_805 = arith.andi %parallel_loop3A_799, %parallel_loop3A_804 : vector<16xi32>
      %parallel_loop3A_806 = arith.constant 1 : i32
      %parallel_loop3A_807 = arith.constant 0 : i32
      %parallel_loop3A_808 = arith.constant 0 : i32
      %parallel_loop3A_809 = tpu.memref_slice %arg7[%parallel_loop3A_806, %parallel_loop3A_807, %parallel_loop3A_808] : memref<4x128x128xf32, #tpu.memory_space<vmem>> -> memref<1x128x128xf32, #tpu.memory_space<vmem>>
      %parallel_loop3A_810 = tpu.memref_squeeze %parallel_loop3A_809 : memref<1x128x128xf32, #tpu.memory_space<vmem>> -> memref<128x128xf32, #tpu.memory_space<vmem>>
      %parallel_loop3A_811 = tpu.vector_load_idx %parallel_loop3A_810[%parallel_loop3A_802, %parallel_loop3A_805] : memref<128x128xf32, #tpu.memory_space<vmem>>[vector<16xi32>, vector<16xi32>], vector<16xf32>,
      %parallel_loop3A_812 = arith.constant 1 : i32
      %parallel_loop3A_813 = arith.index_cast %parallel_loop3A_812 : i32 to index
      %parallel_loop3A_814 = arith.index_cast %parallel_loop3A_770 : i32 to index
      %parallel_loop3A_815 = arith.constant 16 : index
      %parallel_loop3A_816 = tpu.vector_load %arg10[%parallel_loop3A_813, %parallel_loop3A_814, %parallel_loop3A_815] {strides = array<i32>} : memref<3x16x128xf32, #tpu.memory_space<vmem>>, vector<16xf32>,
      tpu.vector_store %arg10[%parallel_loop3A_813, %parallel_loop3A_814, %parallel_loop3A_815], %parallel_loop3A_811 {strides = array<i32>} : memref<3x16x128xf32, #tpu.memory_space<vmem>>, vector<16xf32>,
      %parallel_loop3A_817 = arith.constant 16 : i32
      %parallel_loop3A_818 = arith.muli %select_n3A_30, %parallel_loop3A_817 : i32
      %parallel_loop3A_819 = arith.addi %parallel_loop3A_818, %parallel_loop3A_770 : i32
      %parallel_loop3A_820 = arith.index_cast %parallel_loop3A_819 : i32 to index
      %parallel_loop3A_821 = arith.constant 32 : index
      %parallel_loop3A_822 = tpu.vector_load %arg9[%parallel_loop3A_820, %parallel_loop3A_821] {strides = array<i32>} : memref<32x128xi32, #tpu.memory_space<vmem>>, vector<16xi32>,
      %parallel_loop3A_823 = arith.constant 7 : i32
      %parallel_loop3A_824 = vector.broadcast %parallel_loop3A_823 : i32 to vector<16xi32>
      %parallel_loop3A_825 = arith.shrsi %parallel_loop3A_822, %parallel_loop3A_824 : vector<16xi32>
      %parallel_loop3A_826 = arith.constant 127 : i32
      %parallel_loop3A_827 = vector.broadcast %parallel_loop3A_826 : i32 to vector<16xi32>
      %parallel_loop3A_828 = arith.andi %parallel_loop3A_822, %parallel_loop3A_827 : vector<16xi32>
      %parallel_loop3A_829 = arith.constant 1 : i32
      %parallel_loop3A_830 = arith.constant 0 : i32
      %parallel_loop3A_831 = arith.constant 0 : i32
      %parallel_loop3A_832 = tpu.memref_slice %arg7[%parallel_loop3A_829, %parallel_loop3A_830, %parallel_loop3A_831] : memref<4x128x128xf32, #tpu.memory_space<vmem>> -> memref<1x128x128xf32, #tpu.memory_space<vmem>>
      %parallel_loop3A_833 = tpu.memref_squeeze %parallel_loop3A_832 : memref<1x128x128xf32, #tpu.memory_space<vmem>> -> memref<128x128xf32, #tpu.memory_space<vmem>>
      %parallel_loop3A_834 = tpu.vector_load_idx %parallel_loop3A_833[%parallel_loop3A_825, %parallel_loop3A_828] : memref<128x128xf32, #tpu.memory_space<vmem>>[vector<16xi32>, vector<16xi32>], vector<16xf32>,
      %parallel_loop3A_835 = arith.constant 1 : i32
      %parallel_loop3A_836 = arith.index_cast %parallel_loop3A_835 : i32 to index
      %parallel_loop3A_837 = arith.index_cast %parallel_loop3A_770 : i32 to index
      %parallel_loop3A_838 = arith.constant 32 : index
      %parallel_loop3A_839 = tpu.vector_load %arg10[%parallel_loop3A_836, %parallel_loop3A_837, %parallel_loop3A_838] {strides = array<i32>} : memref<3x16x128xf32, #tpu.memory_space<vmem>>, vector<16xf32>,
      tpu.vector_store %arg10[%parallel_loop3A_836, %parallel_loop3A_837, %parallel_loop3A_838], %parallel_loop3A_834 {strides = array<i32>} : memref<3x16x128xf32, #tpu.memory_space<vmem>>, vector<16xf32>,
      %parallel_loop3A_840 = arith.constant 16 : i32
      %parallel_loop3A_841 = arith.muli %select_n3A_30, %parallel_loop3A_840 : i32
      %parallel_loop3A_842 = arith.addi %parallel_loop3A_841, %parallel_loop3A_770 : i32
      %parallel_loop3A_843 = arith.index_cast %parallel_loop3A_842 : i32 to index
      %parallel_loop3A_844 = arith.constant 48 : index
      %parallel_loop3A_845 = tpu.vector_load %arg9[%parallel_loop3A_843, %parallel_loop3A_844] {strides = array<i32>} : memref<32x128xi32, #tpu.memory_space<vmem>>, vector<16xi32>,
      %parallel_loop3A_846 = arith.constant 7 : i32
      %parallel_loop3A_847 = vector.broadcast %parallel_loop3A_846 : i32 to vector<16xi32>
      %parallel_loop3A_848 = arith.shrsi %parallel_loop3A_845, %parallel_loop3A_847 : vector<16xi32>
      %parallel_loop3A_849 = arith.constant 127 : i32
      %parallel_loop3A_850 = vector.broadcast %parallel_loop3A_849 : i32 to vector<16xi32>
      %parallel_loop3A_851 = arith.andi %parallel_loop3A_845, %parallel_loop3A_850 : vector<16xi32>
      %parallel_loop3A_852 = arith.constant 1 : i32
      %parallel_loop3A_853 = arith.constant 0 : i32
      %parallel_loop3A_854 = arith.constant 0 : i32
      %parallel_loop3A_855 = tpu.memref_slice %arg7[%parallel_loop3A_852, %parallel_loop3A_853, %parallel_loop3A_854] : memref<4x128x128xf32, #tpu.memory_space<vmem>> -> memref<1x128x128xf32, #tpu.memory_space<vmem>>
      %parallel_loop3A_856 = tpu.memref_squeeze %parallel_loop3A_855 : memref<1x128x128xf32, #tpu.memory_space<vmem>> -> memref<128x128xf32, #tpu.memory_space<vmem>>
      %parallel_loop3A_857 = tpu.vector_load_idx %parallel_loop3A_856[%parallel_loop3A_848, %parallel_loop3A_851] : memref<128x128xf32, #tpu.memory_space<vmem>>[vector<16xi32>, vector<16xi32>], vector<16xf32>,
      %parallel_loop3A_858 = arith.constant 1 : i32
      %parallel_loop3A_859 = arith.index_cast %parallel_loop3A_858 : i32 to index
      %parallel_loop3A_860 = arith.index_cast %parallel_loop3A_770 : i32 to index
      %parallel_loop3A_861 = arith.constant 48 : index
      %parallel_loop3A_862 = tpu.vector_load %arg10[%parallel_loop3A_859, %parallel_loop3A_860, %parallel_loop3A_861] {strides = array<i32>} : memref<3x16x128xf32, #tpu.memory_space<vmem>>, vector<16xf32>,
      tpu.vector_store %arg10[%parallel_loop3A_859, %parallel_loop3A_860, %parallel_loop3A_861], %parallel_loop3A_857 {strides = array<i32>} : memref<3x16x128xf32, #tpu.memory_space<vmem>>, vector<16xf32>,
      %parallel_loop3A_863 = arith.constant 16 : i32
      %parallel_loop3A_864 = arith.muli %select_n3A_30, %parallel_loop3A_863 : i32
      %parallel_loop3A_865 = arith.addi %parallel_loop3A_864, %parallel_loop3A_770 : i32
      %parallel_loop3A_866 = arith.index_cast %parallel_loop3A_865 : i32 to index
      %parallel_loop3A_867 = arith.constant 64 : index
      %parallel_loop3A_868 = tpu.vector_load %arg9[%parallel_loop3A_866, %parallel_loop3A_867] {strides = array<i32>} : memref<32x128xi32, #tpu.memory_space<vmem>>, vector<16xi32>,
      %parallel_loop3A_869 = arith.constant 7 : i32
      %parallel_loop3A_870 = vector.broadcast %parallel_loop3A_869 : i32 to vector<16xi32>
      %parallel_loop3A_871 = arith.shrsi %parallel_loop3A_868, %parallel_loop3A_870 : vector<16xi32>
      %parallel_loop3A_872 = arith.constant 127 : i32
      %parallel_loop3A_873 = vector.broadcast %parallel_loop3A_872 : i32 to vector<16xi32>
      %parallel_loop3A_874 = arith.andi %parallel_loop3A_868, %parallel_loop3A_873 : vector<16xi32>
      %parallel_loop3A_875 = arith.constant 1 : i32
      %parallel_loop3A_876 = arith.constant 0 : i32
      %parallel_loop3A_877 = arith.constant 0 : i32
      %parallel_loop3A_878 = tpu.memref_slice %arg7[%parallel_loop3A_875, %parallel_loop3A_876, %parallel_loop3A_877] : memref<4x128x128xf32, #tpu.memory_space<vmem>> -> memref<1x128x128xf32, #tpu.memory_space<vmem>>
      %parallel_loop3A_879 = tpu.memref_squeeze %parallel_loop3A_878 : memref<1x128x128xf32, #tpu.memory_space<vmem>> -> memref<128x128xf32, #tpu.memory_space<vmem>>
      %parallel_loop3A_880 = tpu.vector_load_idx %parallel_loop3A_879[%parallel_loop3A_871, %parallel_loop3A_874] : memref<128x128xf32, #tpu.memory_space<vmem>>[vector<16xi32>, vector<16xi32>], vector<16xf32>,
      %parallel_loop3A_881 = arith.constant 1 : i32
      %parallel_loop3A_882 = arith.index_cast %parallel_loop3A_881 : i32 to index
      %parallel_loop3A_883 = arith.index_cast %parallel_loop3A_770 : i32 to index
      %parallel_loop3A_884 = arith.constant 64 : index
      %parallel_loop3A_885 = tpu.vector_load %arg10[%parallel_loop3A_882, %parallel_loop3A_883, %parallel_loop3A_884] {strides = array<i32>} : memref<3x16x128xf32, #tpu.memory_space<vmem>>, vector<16xf32>,
      tpu.vector_store %arg10[%parallel_loop3A_882, %parallel_loop3A_883, %parallel_loop3A_884], %parallel_loop3A_880 {strides = array<i32>} : memref<3x16x128xf32, #tpu.memory_space<vmem>>, vector<16xf32>,
      %parallel_loop3A_886 = arith.constant 16 : i32
      %parallel_loop3A_887 = arith.muli %select_n3A_30, %parallel_loop3A_886 : i32
      %parallel_loop3A_888 = arith.addi %parallel_loop3A_887, %parallel_loop3A_770 : i32
      %parallel_loop3A_889 = arith.index_cast %parallel_loop3A_888 : i32 to index
      %parallel_loop3A_890 = arith.constant 80 : index
      %parallel_loop3A_891 = tpu.vector_load %arg9[%parallel_loop3A_889, %parallel_loop3A_890] {strides = array<i32>} : memref<32x128xi32, #tpu.memory_space<vmem>>, vector<16xi32>,
      %parallel_loop3A_892 = arith.constant 7 : i32
      %parallel_loop3A_893 = vector.broadcast %parallel_loop3A_892 : i32 to vector<16xi32>
      %parallel_loop3A_894 = arith.shrsi %parallel_loop3A_891, %parallel_loop3A_893 : vector<16xi32>
      %parallel_loop3A_895 = arith.constant 127 : i32
      %parallel_loop3A_896 = vector.broadcast %parallel_loop3A_895 : i32 to vector<16xi32>
      %parallel_loop3A_897 = arith.andi %parallel_loop3A_891, %parallel_loop3A_896 : vector<16xi32>
      %parallel_loop3A_898 = arith.constant 1 : i32
      %parallel_loop3A_899 = arith.constant 0 : i32
      %parallel_loop3A_900 = arith.constant 0 : i32
      %parallel_loop3A_901 = tpu.memref_slice %arg7[%parallel_loop3A_898, %parallel_loop3A_899, %parallel_loop3A_900] : memref<4x128x128xf32, #tpu.memory_space<vmem>> -> memref<1x128x128xf32, #tpu.memory_space<vmem>>
      %parallel_loop3A_902 = tpu.memref_squeeze %parallel_loop3A_901 : memref<1x128x128xf32, #tpu.memory_space<vmem>> -> memref<128x128xf32, #tpu.memory_space<vmem>>
      %parallel_loop3A_903 = tpu.vector_load_idx %parallel_loop3A_902[%parallel_loop3A_894, %parallel_loop3A_897] : memref<128x128xf32, #tpu.memory_space<vmem>>[vector<16xi32>, vector<16xi32>], vector<16xf32>,
      %parallel_loop3A_904 = arith.constant 1 : i32
      %parallel_loop3A_905 = arith.index_cast %parallel_loop3A_904 : i32 to index
      %parallel_loop3A_906 = arith.index_cast %parallel_loop3A_770 : i32 to index
      %parallel_loop3A_907 = arith.constant 80 : index
      %parallel_loop3A_908 = tpu.vector_load %arg10[%parallel_loop3A_905, %parallel_loop3A_906, %parallel_loop3A_907] {strides = array<i32>} : memref<3x16x128xf32, #tpu.memory_space<vmem>>, vector<16xf32>,
      tpu.vector_store %arg10[%parallel_loop3A_905, %parallel_loop3A_906, %parallel_loop3A_907], %parallel_loop3A_903 {strides = array<i32>} : memref<3x16x128xf32, #tpu.memory_space<vmem>>, vector<16xf32>,
      %parallel_loop3A_909 = arith.constant 16 : i32
      %parallel_loop3A_910 = arith.muli %select_n3A_30, %parallel_loop3A_909 : i32
      %parallel_loop3A_911 = arith.addi %parallel_loop3A_910, %parallel_loop3A_770 : i32
      %parallel_loop3A_912 = arith.index_cast %parallel_loop3A_911 : i32 to index
      %parallel_loop3A_913 = arith.constant 96 : index
      %parallel_loop3A_914 = tpu.vector_load %arg9[%parallel_loop3A_912, %parallel_loop3A_913] {strides = array<i32>} : memref<32x128xi32, #tpu.memory_space<vmem>>, vector<16xi32>,
      %parallel_loop3A_915 = arith.constant 7 : i32
      %parallel_loop3A_916 = vector.broadcast %parallel_loop3A_915 : i32 to vector<16xi32>
      %parallel_loop3A_917 = arith.shrsi %parallel_loop3A_914, %parallel_loop3A_916 : vector<16xi32>
      %parallel_loop3A_918 = arith.constant 127 : i32
      %parallel_loop3A_919 = vector.broadcast %parallel_loop3A_918 : i32 to vector<16xi32>
      %parallel_loop3A_920 = arith.andi %parallel_loop3A_914, %parallel_loop3A_919 : vector<16xi32>
      %parallel_loop3A_921 = arith.constant 1 : i32
      %parallel_loop3A_922 = arith.constant 0 : i32
      %parallel_loop3A_923 = arith.constant 0 : i32
      %parallel_loop3A_924 = tpu.memref_slice %arg7[%parallel_loop3A_921, %parallel_loop3A_922, %parallel_loop3A_923] : memref<4x128x128xf32, #tpu.memory_space<vmem>> -> memref<1x128x128xf32, #tpu.memory_space<vmem>>
      %parallel_loop3A_925 = tpu.memref_squeeze %parallel_loop3A_924 : memref<1x128x128xf32, #tpu.memory_space<vmem>> -> memref<128x128xf32, #tpu.memory_space<vmem>>
      %parallel_loop3A_926 = tpu.vector_load_idx %parallel_loop3A_925[%parallel_loop3A_917, %parallel_loop3A_920] : memref<128x128xf32, #tpu.memory_space<vmem>>[vector<16xi32>, vector<16xi32>], vector<16xf32>,
      %parallel_loop3A_927 = arith.constant 1 : i32
      %parallel_loop3A_928 = arith.index_cast %parallel_loop3A_927 : i32 to index
      %parallel_loop3A_929 = arith.index_cast %parallel_loop3A_770 : i32 to index
      %parallel_loop3A_930 = arith.constant 96 : index
      %parallel_loop3A_931 = tpu.vector_load %arg10[%parallel_loop3A_928, %parallel_loop3A_929, %parallel_loop3A_930] {strides = array<i32>} : memref<3x16x128xf32, #tpu.memory_space<vmem>>, vector<16xf32>,
      tpu.vector_store %arg10[%parallel_loop3A_928, %parallel_loop3A_929, %parallel_loop3A_930], %parallel_loop3A_926 {strides = array<i32>} : memref<3x16x128xf32, #tpu.memory_space<vmem>>, vector<16xf32>,
      %parallel_loop3A_932 = arith.constant 16 : i32
      %parallel_loop3A_933 = arith.muli %select_n3A_30, %parallel_loop3A_932 : i32
      %parallel_loop3A_934 = arith.addi %parallel_loop3A_933, %parallel_loop3A_770 : i32
      %parallel_loop3A_935 = arith.index_cast %parallel_loop3A_934 : i32 to index
      %parallel_loop3A_936 = arith.constant 112 : index
      %parallel_loop3A_937 = tpu.vector_load %arg9[%parallel_loop3A_935, %parallel_loop3A_936] {strides = array<i32>} : memref<32x128xi32, #tpu.memory_space<vmem>>, vector<16xi32>,
      %parallel_loop3A_938 = arith.constant 7 : i32
      %parallel_loop3A_939 = vector.broadcast %parallel_loop3A_938 : i32 to vector<16xi32>
      %parallel_loop3A_940 = arith.shrsi %parallel_loop3A_937, %parallel_loop3A_939 : vector<16xi32>
      %parallel_loop3A_941 = arith.constant 127 : i32
      %parallel_loop3A_942 = vector.broadcast %parallel_loop3A_941 : i32 to vector<16xi32>
      %parallel_loop3A_943 = arith.andi %parallel_loop3A_937, %parallel_loop3A_942 : vector<16xi32>
      %parallel_loop3A_944 = arith.constant 1 : i32
      %parallel_loop3A_945 = arith.constant 0 : i32
      %parallel_loop3A_946 = arith.constant 0 : i32
      %parallel_loop3A_947 = tpu.memref_slice %arg7[%parallel_loop3A_944, %parallel_loop3A_945, %parallel_loop3A_946] : memref<4x128x128xf32, #tpu.memory_space<vmem>> -> memref<1x128x128xf32, #tpu.memory_space<vmem>>
      %parallel_loop3A_948 = tpu.memref_squeeze %parallel_loop3A_947 : memref<1x128x128xf32, #tpu.memory_space<vmem>> -> memref<128x128xf32, #tpu.memory_space<vmem>>
      %parallel_loop3A_949 = tpu.vector_load_idx %parallel_loop3A_948[%parallel_loop3A_940, %parallel_loop3A_943] : memref<128x128xf32, #tpu.memory_space<vmem>>[vector<16xi32>, vector<16xi32>], vector<16xf32>,
      %parallel_loop3A_950 = arith.constant 1 : i32
      %parallel_loop3A_951 = arith.index_cast %parallel_loop3A_950 : i32 to index
      %parallel_loop3A_952 = arith.index_cast %parallel_loop3A_770 : i32 to index
      %parallel_loop3A_953 = arith.constant 112 : index
      %parallel_loop3A_954 = tpu.vector_load %arg10[%parallel_loop3A_951, %parallel_loop3A_952, %parallel_loop3A_953] {strides = array<i32>} : memref<3x16x128xf32, #tpu.memory_space<vmem>>, vector<16xf32>,
      tpu.vector_store %arg10[%parallel_loop3A_951, %parallel_loop3A_952, %parallel_loop3A_953], %parallel_loop3A_949 {strides = array<i32>} : memref<3x16x128xf32, #tpu.memory_space<vmem>>, vector<16xf32>,
    } {sc.loop_unroll_factor = 2 : i64, sc.parallel_access}
    %parallel_loop3A_659 = arith.constant 0 : i32
    %parallel_loop3A_660 = arith.constant 16 : i32
    %parallel_loop3A_661 = arith.constant 1 : i32
    scf.for %parallel_loop3A_770 = %parallel_loop3A_659 to %parallel_loop3A_660 step %parallel_loop3A_661  : i32 {
      %parallel_loop3A_771 = arith.constant 16 : i32
      %parallel_loop3A_772 = arith.muli %select_n3A_30, %parallel_loop3A_771 : i32
      %parallel_loop3A_773 = arith.addi %parallel_loop3A_772, %parallel_loop3A_770 : i32
      %parallel_loop3A_774 = arith.index_cast %parallel_loop3A_773 : i32 to index
      %parallel_loop3A_775 = arith.constant 0 : index
      %parallel_loop3A_776 = tpu.vector_load %arg9[%parallel_loop3A_774, %parallel_loop3A_775] {strides = array<i32>} : memref<32x128xi32, #tpu.memory_space<vmem>>, vector<16xi32>,
      %parallel_loop3A_777 = arith.constant 7 : i32
      %parallel_loop3A_778 = vector.broadcast %parallel_loop3A_777 : i32 to vector<16xi32>
      %parallel_loop3A_779 = arith.shrsi %parallel_loop3A_776, %parallel_loop3A_778 : vector<16xi32>
      %parallel_loop3A_780 = arith.constant 127 : i32
      %parallel_loop3A_781 = vector.broadcast %parallel_loop3A_780 : i32 to vector<16xi32>
      %parallel_loop3A_782 = arith.andi %parallel_loop3A_776, %parallel_loop3A_781 : vector<16xi32>
      %parallel_loop3A_783 = arith.constant 2 : i32
      %parallel_loop3A_784 = arith.constant 0 : i32
      %parallel_loop3A_785 = arith.constant 0 : i32
      %parallel_loop3A_786 = tpu.memref_slice %arg7[%parallel_loop3A_783, %parallel_loop3A_784, %parallel_loop3A_785] : memref<4x128x128xf32, #tpu.memory_space<vmem>> -> memref<1x128x128xf32, #tpu.memory_space<vmem>>
      %parallel_loop3A_787 = tpu.memref_squeeze %parallel_loop3A_786 : memref<1x128x128xf32, #tpu.memory_space<vmem>> -> memref<128x128xf32, #tpu.memory_space<vmem>>
      %parallel_loop3A_788 = tpu.vector_load_idx %parallel_loop3A_787[%parallel_loop3A_779, %parallel_loop3A_782] : memref<128x128xf32, #tpu.memory_space<vmem>>[vector<16xi32>, vector<16xi32>], vector<16xf32>,
      %parallel_loop3A_789 = arith.constant 2 : i32
      %parallel_loop3A_790 = arith.index_cast %parallel_loop3A_789 : i32 to index
      %parallel_loop3A_791 = arith.index_cast %parallel_loop3A_770 : i32 to index
      %parallel_loop3A_792 = arith.constant 0 : index
      %parallel_loop3A_793 = tpu.vector_load %arg10[%parallel_loop3A_790, %parallel_loop3A_791, %parallel_loop3A_792] {strides = array<i32>} : memref<3x16x128xf32, #tpu.memory_space<vmem>>, vector<16xf32>,
      tpu.vector_store %arg10[%parallel_loop3A_790, %parallel_loop3A_791, %parallel_loop3A_792], %parallel_loop3A_788 {strides = array<i32>} : memref<3x16x128xf32, #tpu.memory_space<vmem>>, vector<16xf32>,
      %parallel_loop3A_794 = arith.constant 16 : i32
      %parallel_loop3A_795 = arith.muli %select_n3A_30, %parallel_loop3A_794 : i32
      %parallel_loop3A_796 = arith.addi %parallel_loop3A_795, %parallel_loop3A_770 : i32
      %parallel_loop3A_797 = arith.index_cast %parallel_loop3A_796 : i32 to index
      %parallel_loop3A_798 = arith.constant 16 : index
      %parallel_loop3A_799 = tpu.vector_load %arg9[%parallel_loop3A_797, %parallel_loop3A_798] {strides = array<i32>} : memref<32x128xi32, #tpu.memory_space<vmem>>, vector<16xi32>,
      %parallel_loop3A_800 = arith.constant 7 : i32
      %parallel_loop3A_801 = vector.broadcast %parallel_loop3A_800 : i32 to vector<16xi32>
      %parallel_loop3A_802 = arith.shrsi %parallel_loop3A_799, %parallel_loop3A_801 : vector<16xi32>
      %parallel_loop3A_803 = arith.constant 127 : i32
      %parallel_loop3A_804 = vector.broadcast %parallel_loop3A_803 : i32 to vector<16xi32>
      %parallel_loop3A_805 = arith.andi %parallel_loop3A_799, %parallel_loop3A_804 : vector<16xi32>
      %parallel_loop3A_806 = arith.constant 2 : i32
      %parallel_loop3A_807 = arith.constant 0 : i32
      %parallel_loop3A_808 = arith.constant 0 : i32
      %parallel_loop3A_809 = tpu.memref_slice %arg7[%parallel_loop3A_806, %parallel_loop3A_807, %parallel_loop3A_808] : memref<4x128x128xf32, #tpu.memory_space<vmem>> -> memref<1x128x128xf32, #tpu.memory_space<vmem>>
      %parallel_loop3A_810 = tpu.memref_squeeze %parallel_loop3A_809 : memref<1x128x128xf32, #tpu.memory_space<vmem>> -> memref<128x128xf32, #tpu.memory_space<vmem>>
      %parallel_loop3A_811 = tpu.vector_load_idx %parallel_loop3A_810[%parallel_loop3A_802, %parallel_loop3A_805] : memref<128x128xf32, #tpu.memory_space<vmem>>[vector<16xi32>, vector<16xi32>], vector<16xf32>,
      %parallel_loop3A_812 = arith.constant 2 : i32
      %parallel_loop3A_813 = arith.index_cast %parallel_loop3A_812 : i32 to index
      %parallel_loop3A_814 = arith.index_cast %parallel_loop3A_770 : i32 to index
      %parallel_loop3A_815 = arith.constant 16 : index
      %parallel_loop3A_816 = tpu.vector_load %arg10[%parallel_loop3A_813, %parallel_loop3A_814, %parallel_loop3A_815] {strides = array<i32>} : memref<3x16x128xf32, #tpu.memory_space<vmem>>, vector<16xf32>,
      tpu.vector_store %arg10[%parallel_loop3A_813, %parallel_loop3A_814, %parallel_loop3A_815], %parallel_loop3A_811 {strides = array<i32>} : memref<3x16x128xf32, #tpu.memory_space<vmem>>, vector<16xf32>,
      %parallel_loop3A_817 = arith.constant 16 : i32
      %parallel_loop3A_818 = arith.muli %select_n3A_30, %parallel_loop3A_817 : i32
      %parallel_loop3A_819 = arith.addi %parallel_loop3A_818, %parallel_loop3A_770 : i32
      %parallel_loop3A_820 = arith.index_cast %parallel_loop3A_819 : i32 to index
      %parallel_loop3A_821 = arith.constant 32 : index
      %parallel_loop3A_822 = tpu.vector_load %arg9[%parallel_loop3A_820, %parallel_loop3A_821] {strides = array<i32>} : memref<32x128xi32, #tpu.memory_space<vmem>>, vector<16xi32>,
      %parallel_loop3A_823 = arith.constant 7 : i32
      %parallel_loop3A_824 = vector.broadcast %parallel_loop3A_823 : i32 to vector<16xi32>
      %parallel_loop3A_825 = arith.shrsi %parallel_loop3A_822, %parallel_loop3A_824 : vector<16xi32>
      %parallel_loop3A_826 = arith.constant 127 : i32
      %parallel_loop3A_827 = vector.broadcast %parallel_loop3A_826 : i32 to vector<16xi32>
      %parallel_loop3A_828 = arith.andi %parallel_loop3A_822, %parallel_loop3A_827 : vector<16xi32>
      %parallel_loop3A_829 = arith.constant 2 : i32
      %parallel_loop3A_830 = arith.constant 0 : i32
      %parallel_loop3A_831 = arith.constant 0 : i32
      %parallel_loop3A_832 = tpu.memref_slice %arg7[%parallel_loop3A_829, %parallel_loop3A_830, %parallel_loop3A_831] : memref<4x128x128xf32, #tpu.memory_space<vmem>> -> memref<1x128x128xf32, #tpu.memory_space<vmem>>
      %parallel_loop3A_833 = tpu.memref_squeeze %parallel_loop3A_832 : memref<1x128x128xf32, #tpu.memory_space<vmem>> -> memref<128x128xf32, #tpu.memory_space<vmem>>
      %parallel_loop3A_834 = tpu.vector_load_idx %parallel_loop3A_833[%parallel_loop3A_825, %parallel_loop3A_828] : memref<128x128xf32, #tpu.memory_space<vmem>>[vector<16xi32>, vector<16xi32>], vector<16xf32>,
      %parallel_loop3A_835 = arith.constant 2 : i32
      %parallel_loop3A_836 = arith.index_cast %parallel_loop3A_835 : i32 to index
      %parallel_loop3A_837 = arith.index_cast %parallel_loop3A_770 : i32 to index
      %parallel_loop3A_838 = arith.constant 32 : index
      %parallel_loop3A_839 = tpu.vector_load %arg10[%parallel_loop3A_836, %parallel_loop3A_837, %parallel_loop3A_838] {strides = array<i32>} : memref<3x16x128xf32, #tpu.memory_space<vmem>>, vector<16xf32>,
      tpu.vector_store %arg10[%parallel_loop3A_836, %parallel_loop3A_837, %parallel_loop3A_838], %parallel_loop3A_834 {strides = array<i32>} : memref<3x16x128xf32, #tpu.memory_space<vmem>>, vector<16xf32>,
      %parallel_loop3A_840 = arith.constant 16 : i32
      %parallel_loop3A_841 = arith.muli %select_n3A_30, %parallel_loop3A_840 : i32
      %parallel_loop3A_842 = arith.addi %parallel_loop3A_841, %parallel_loop3A_770 : i32
      %parallel_loop3A_843 = arith.index_cast %parallel_loop3A_842 : i32 to index
      %parallel_loop3A_844 = arith.constant 48 : index
      %parallel_loop3A_845 = tpu.vector_load %arg9[%parallel_loop3A_843, %parallel_loop3A_844] {strides = array<i32>} : memref<32x128xi32, #tpu.memory_space<vmem>>, vector<16xi32>,
      %parallel_loop3A_846 = arith.constant 7 : i32
      %parallel_loop3A_847 = vector.broadcast %parallel_loop3A_846 : i32 to vector<16xi32>
      %parallel_loop3A_848 = arith.shrsi %parallel_loop3A_845, %parallel_loop3A_847 : vector<16xi32>
      %parallel_loop3A_849 = arith.constant 127 : i32
      %parallel_loop3A_850 = vector.broadcast %parallel_loop3A_849 : i32 to vector<16xi32>
      %parallel_loop3A_851 = arith.andi %parallel_loop3A_845, %parallel_loop3A_850 : vector<16xi32>
      %parallel_loop3A_852 = arith.constant 2 : i32
      %parallel_loop3A_853 = arith.constant 0 : i32
      %parallel_loop3A_854 = arith.constant 0 : i32
      %parallel_loop3A_855 = tpu.memref_slice %arg7[%parallel_loop3A_852, %parallel_loop3A_853, %parallel_loop3A_854] : memref<4x128x128xf32, #tpu.memory_space<vmem>> -> memref<1x128x128xf32, #tpu.memory_space<vmem>>
      %parallel_loop3A_856 = tpu.memref_squeeze %parallel_loop3A_855 : memref<1x128x128xf32, #tpu.memory_space<vmem>> -> memref<128x128xf32, #tpu.memory_space<vmem>>
      %parallel_loop3A_857 = tpu.vector_load_idx %parallel_loop3A_856[%parallel_loop3A_848, %parallel_loop3A_851] : memref<128x128xf32, #tpu.memory_space<vmem>>[vector<16xi32>, vector<16xi32>], vector<16xf32>,
      %parallel_loop3A_858 = arith.constant 2 : i32
      %parallel_loop3A_859 = arith.index_cast %parallel_loop3A_858 : i32 to index
      %parallel_loop3A_860 = arith.index_cast %parallel_loop3A_770 : i32 to index
      %parallel_loop3A_861 = arith.constant 48 : index
      %parallel_loop3A_862 = tpu.vector_load %arg10[%parallel_loop3A_859, %parallel_loop3A_860, %parallel_loop3A_861] {strides = array<i32>} : memref<3x16x128xf32, #tpu.memory_space<vmem>>, vector<16xf32>,
      tpu.vector_store %arg10[%parallel_loop3A_859, %parallel_loop3A_860, %parallel_loop3A_861], %parallel_loop3A_857 {strides = array<i32>} : memref<3x16x128xf32, #tpu.memory_space<vmem>>, vector<16xf32>,
      %parallel_loop3A_863 = arith.constant 16 : i32
      %parallel_loop3A_864 = arith.muli %select_n3A_30, %parallel_loop3A_863 : i32
      %parallel_loop3A_865 = arith.addi %parallel_loop3A_864, %parallel_loop3A_770 : i32
      %parallel_loop3A_866 = arith.index_cast %parallel_loop3A_865 : i32 to index
      %parallel_loop3A_867 = arith.constant 64 : index
      %parallel_loop3A_868 = tpu.vector_load %arg9[%parallel_loop3A_866, %parallel_loop3A_867] {strides = array<i32>} : memref<32x128xi32, #tpu.memory_space<vmem>>, vector<16xi32>,
      %parallel_loop3A_869 = arith.constant 7 : i32
      %parallel_loop3A_870 = vector.broadcast %parallel_loop3A_869 : i32 to vector<16xi32>
      %parallel_loop3A_871 = arith.shrsi %parallel_loop3A_868, %parallel_loop3A_870 : vector<16xi32>
      %parallel_loop3A_872 = arith.constant 127 : i32
      %parallel_loop3A_873 = vector.broadcast %parallel_loop3A_872 : i32 to vector<16xi32>
      %parallel_loop3A_874 = arith.andi %parallel_loop3A_868, %parallel_loop3A_873 : vector<16xi32>
      %parallel_loop3A_875 = arith.constant 2 : i32
      %parallel_loop3A_876 = arith.constant 0 : i32
      %parallel_loop3A_877 = arith.constant 0 : i32
      %parallel_loop3A_878 = tpu.memref_slice %arg7[%parallel_loop3A_875, %parallel_loop3A_876, %parallel_loop3A_877] : memref<4x128x128xf32, #tpu.memory_space<vmem>> -> memref<1x128x128xf32, #tpu.memory_space<vmem>>
      %parallel_loop3A_879 = tpu.memref_squeeze %parallel_loop3A_878 : memref<1x128x128xf32, #tpu.memory_space<vmem>> -> memref<128x128xf32, #tpu.memory_space<vmem>>
      %parallel_loop3A_880 = tpu.vector_load_idx %parallel_loop3A_879[%parallel_loop3A_871, %parallel_loop3A_874] : memref<128x128xf32, #tpu.memory_space<vmem>>[vector<16xi32>, vector<16xi32>], vector<16xf32>,
      %parallel_loop3A_881 = arith.constant 2 : i32
      %parallel_loop3A_882 = arith.index_cast %parallel_loop3A_881 : i32 to index
      %parallel_loop3A_883 = arith.index_cast %parallel_loop3A_770 : i32 to index
      %parallel_loop3A_884 = arith.constant 64 : index
      %parallel_loop3A_885 = tpu.vector_load %arg10[%parallel_loop3A_882, %parallel_loop3A_883, %parallel_loop3A_884] {strides = array<i32>} : memref<3x16x128xf32, #tpu.memory_space<vmem>>, vector<16xf32>,
      tpu.vector_store %arg10[%parallel_loop3A_882, %parallel_loop3A_883, %parallel_loop3A_884], %parallel_loop3A_880 {strides = array<i32>} : memref<3x16x128xf32, #tpu.memory_space<vmem>>, vector<16xf32>,
      %parallel_loop3A_886 = arith.constant 16 : i32
      %parallel_loop3A_887 = arith.muli %select_n3A_30, %parallel_loop3A_886 : i32
      %parallel_loop3A_888 = arith.addi %parallel_loop3A_887, %parallel_loop3A_770 : i32
      %parallel_loop3A_889 = arith.index_cast %parallel_loop3A_888 : i32 to index
      %parallel_loop3A_890 = arith.constant 80 : index
      %parallel_loop3A_891 = tpu.vector_load %arg9[%parallel_loop3A_889, %parallel_loop3A_890] {strides = array<i32>} : memref<32x128xi32, #tpu.memory_space<vmem>>, vector<16xi32>,
      %parallel_loop3A_892 = arith.constant 7 : i32
      %parallel_loop3A_893 = vector.broadcast %parallel_loop3A_892 : i32 to vector<16xi32>
      %parallel_loop3A_894 = arith.shrsi %parallel_loop3A_891, %parallel_loop3A_893 : vector<16xi32>
      %parallel_loop3A_895 = arith.constant 127 : i32
      %parallel_loop3A_896 = vector.broadcast %parallel_loop3A_895 : i32 to vector<16xi32>
      %parallel_loop3A_897 = arith.andi %parallel_loop3A_891, %parallel_loop3A_896 : vector<16xi32>
      %parallel_loop3A_898 = arith.constant 2 : i32
      %parallel_loop3A_899 = arith.constant 0 : i32
      %parallel_loop3A_900 = arith.constant 0 : i32
      %parallel_loop3A_901 = tpu.memref_slice %arg7[%parallel_loop3A_898, %parallel_loop3A_899, %parallel_loop3A_900] : memref<4x128x128xf32, #tpu.memory_space<vmem>> -> memref<1x128x128xf32, #tpu.memory_space<vmem>>
      %parallel_loop3A_902 = tpu.memref_squeeze %parallel_loop3A_901 : memref<1x128x128xf32, #tpu.memory_space<vmem>> -> memref<128x128xf32, #tpu.memory_space<vmem>>
      %parallel_loop3A_903 = tpu.vector_load_idx %parallel_loop3A_902[%parallel_loop3A_894, %parallel_loop3A_897] : memref<128x128xf32, #tpu.memory_space<vmem>>[vector<16xi32>, vector<16xi32>], vector<16xf32>,
      %parallel_loop3A_904 = arith.constant 2 : i32
      %parallel_loop3A_905 = arith.index_cast %parallel_loop3A_904 : i32 to index
      %parallel_loop3A_906 = arith.index_cast %parallel_loop3A_770 : i32 to index
      %parallel_loop3A_907 = arith.constant 80 : index
      %parallel_loop3A_908 = tpu.vector_load %arg10[%parallel_loop3A_905, %parallel_loop3A_906, %parallel_loop3A_907] {strides = array<i32>} : memref<3x16x128xf32, #tpu.memory_space<vmem>>, vector<16xf32>,
      tpu.vector_store %arg10[%parallel_loop3A_905, %parallel_loop3A_906, %parallel_loop3A_907], %parallel_loop3A_903 {strides = array<i32>} : memref<3x16x128xf32, #tpu.memory_space<vmem>>, vector<16xf32>,
      %parallel_loop3A_909 = arith.constant 16 : i32
      %parallel_loop3A_910 = arith.muli %select_n3A_30, %parallel_loop3A_909 : i32
      %parallel_loop3A_911 = arith.addi %parallel_loop3A_910, %parallel_loop3A_770 : i32
      %parallel_loop3A_912 = arith.index_cast %parallel_loop3A_911 : i32 to index
      %parallel_loop3A_913 = arith.constant 96 : index
      %parallel_loop3A_914 = tpu.vector_load %arg9[%parallel_loop3A_912, %parallel_loop3A_913] {strides = array<i32>} : memref<32x128xi32, #tpu.memory_space<vmem>>, vector<16xi32>,
      %parallel_loop3A_915 = arith.constant 7 : i32
      %parallel_loop3A_916 = vector.broadcast %parallel_loop3A_915 : i32 to vector<16xi32>
      %parallel_loop3A_917 = arith.shrsi %parallel_loop3A_914, %parallel_loop3A_916 : vector<16xi32>
      %parallel_loop3A_918 = arith.constant 127 : i32
      %parallel_loop3A_919 = vector.broadcast %parallel_loop3A_918 : i32 to vector<16xi32>
      %parallel_loop3A_920 = arith.andi %parallel_loop3A_914, %parallel_loop3A_919 : vector<16xi32>
      %parallel_loop3A_921 = arith.constant 2 : i32
      %parallel_loop3A_922 = arith.constant 0 : i32
      %parallel_loop3A_923 = arith.constant 0 : i32
      %parallel_loop3A_924 = tpu.memref_slice %arg7[%parallel_loop3A_921, %parallel_loop3A_922, %parallel_loop3A_923] : memref<4x128x128xf32, #tpu.memory_space<vmem>> -> memref<1x128x128xf32, #tpu.memory_space<vmem>>
      %parallel_loop3A_925 = tpu.memref_squeeze %parallel_loop3A_924 : memref<1x128x128xf32, #tpu.memory_space<vmem>> -> memref<128x128xf32, #tpu.memory_space<vmem>>
      %parallel_loop3A_926 = tpu.vector_load_idx %parallel_loop3A_925[%parallel_loop3A_917, %parallel_loop3A_920] : memref<128x128xf32, #tpu.memory_space<vmem>>[vector<16xi32>, vector<16xi32>], vector<16xf32>,
      %parallel_loop3A_927 = arith.constant 2 : i32
      %parallel_loop3A_928 = arith.index_cast %parallel_loop3A_927 : i32 to index
      %parallel_loop3A_929 = arith.index_cast %parallel_loop3A_770 : i32 to index
      %parallel_loop3A_930 = arith.constant 96 : index
      %parallel_loop3A_931 = tpu.vector_load %arg10[%parallel_loop3A_928, %parallel_loop3A_929, %parallel_loop3A_930] {strides = array<i32>} : memref<3x16x128xf32, #tpu.memory_space<vmem>>, vector<16xf32>,
      tpu.vector_store %arg10[%parallel_loop3A_928, %parallel_loop3A_929, %parallel_loop3A_930], %parallel_loop3A_926 {strides = array<i32>} : memref<3x16x128xf32, #tpu.memory_space<vmem>>, vector<16xf32>,
      %parallel_loop3A_932 = arith.constant 16 : i32
      %parallel_loop3A_933 = arith.muli %select_n3A_30, %parallel_loop3A_932 : i32
      %parallel_loop3A_934 = arith.addi %parallel_loop3A_933, %parallel_loop3A_770 : i32
      %parallel_loop3A_935 = arith.index_cast %parallel_loop3A_934 : i32 to index
      %parallel_loop3A_936 = arith.constant 112 : index
      %parallel_loop3A_937 = tpu.vector_load %arg9[%parallel_loop3A_935, %parallel_loop3A_936] {strides = array<i32>} : memref<32x128xi32, #tpu.memory_space<vmem>>, vector<16xi32>,
      %parallel_loop3A_938 = arith.constant 7 : i32
      %parallel_loop3A_939 = vector.broadcast %parallel_loop3A_938 : i32 to vector<16xi32>
      %parallel_loop3A_940 = arith.shrsi %parallel_loop3A_937, %parallel_loop3A_939 : vector<16xi32>
      %parallel_loop3A_941 = arith.constant 127 : i32
      %parallel_loop3A_942 = vector.broadcast %parallel_loop3A_941 : i32 to vector<16xi32>
      %parallel_loop3A_943 = arith.andi %parallel_loop3A_937, %parallel_loop3A_942 : vector<16xi32>
      %parallel_loop3A_944 = arith.constant 2 : i32
      %parallel_loop3A_945 = arith.constant 0 : i32
      %parallel_loop3A_946 = arith.constant 0 : i32
      %parallel_loop3A_947 = tpu.memref_slice %arg7[%parallel_loop3A_944, %parallel_loop3A_945, %parallel_loop3A_946] : memref<4x128x128xf32, #tpu.memory_space<vmem>> -> memref<1x128x128xf32, #tpu.memory_space<vmem>>
      %parallel_loop3A_948 = tpu.memref_squeeze %parallel_loop3A_947 : memref<1x128x128xf32, #tpu.memory_space<vmem>> -> memref<128x128xf32, #tpu.memory_space<vmem>>
      %parallel_loop3A_949 = tpu.vector_load_idx %parallel_loop3A_948[%parallel_loop3A_940, %parallel_loop3A_943] : memref<128x128xf32, #tpu.memory_space<vmem>>[vector<16xi32>, vector<16xi32>], vector<16xf32>,
      %parallel_loop3A_950 = arith.constant 2 : i32
      %parallel_loop3A_951 = arith.index_cast %parallel_loop3A_950 : i32 to index
      %parallel_loop3A_952 = arith.index_cast %parallel_loop3A_770 : i32 to index
      %parallel_loop3A_953 = arith.constant 112 : index
      %parallel_loop3A_954 = tpu.vector_load %arg10[%parallel_loop3A_951, %parallel_loop3A_952, %parallel_loop3A_953] {strides = array<i32>} : memref<3x16x128xf32, #tpu.memory_space<vmem>>, vector<16xf32>,
      tpu.vector_store %arg10[%parallel_loop3A_951, %parallel_loop3A_952, %parallel_loop3A_953], %parallel_loop3A_949 {strides = array<i32>} : memref<3x16x128xf32, #tpu.memory_space<vmem>>, vector<16xf32>,
    } {sc.loop_unroll_factor = 2 : i64, sc.parallel_access}
    %mul3A_662 = arith.constant 16 : i32
    %mul3A_663 = arith.muli %select_n3A_30, %mul3A_662 : i32
    %dma_start3A_664 = arith.constant 0 : i32
    %dma_start3A_665 = arith.constant 0 : i32
    %dma_start3A_666 = arith.constant 0 : i32
    %dma_start3A_667 = arith.constant 0 : i32
    %dma_start3A_668 = tpu.memref_slice %arg10[%dma_start3A_664, %dma_start3A_666, %dma_start3A_667] : memref<3x16x128xf32, #tpu.memory_space<vmem>> -> memref<1x16x128xf32, #tpu.memory_space<vmem>>
    %dma_start3A_669 = tpu.memref_squeeze %dma_start3A_668 : memref<1x16x128xf32, #tpu.memory_space<vmem>> -> memref<16x128xf32, #tpu.memory_space<vmem>>
    %dma_start3A_670 = arith.constant 0 : i32
    %dma_start3A_671 = tpu.memref_slice %arg5[%dma_start3A_665, %select_n3A_59, %mul3A_663, %select_n3A_75, %dma_start3A_670] : memref<3x2x32x8x128xf32, #tpu.memory_space<hbm>> -> memref<1x1x16x1x128xf32, #tpu.memory_space<hbm>>
    %dma_start3A_672 = tpu.memref_squeeze %dma_start3A_671 : memref<1x1x16x1x128xf32, #tpu.memory_space<hbm>> -> memref<16x128xf32, #tpu.memory_space<hbm>>
    %dma_start3A_673 = arith.constant 0 : i32
    %dma_start3A_674 = tpu.memref_slice %arg5[%dma_start3A_665, %select_n3A_59, %mul3A_663, %select_n3A_75, %dma_start3A_673] : memref<3x2x32x8x128xf32, #tpu.memory_space<hbm>> -> memref<1x1x16x1x128xf32, #tpu.memory_space<hbm>>
    %dma_start3A_675 = tpu.memref_squeeze %dma_start3A_674 : memref<1x1x16x1x128xf32, #tpu.memory_space<hbm>> -> memref<16x128xf32, #tpu.memory_space<hbm>>
    %dma_start3A_676 = arith.constant 0 : i32
    %dma_start3A_677 = arith.constant 0 : i32
    %dma_start3A_678 = tpu.memref_slice %arg10[%dma_start3A_664, %dma_start3A_676, %dma_start3A_677] : memref<3x16x128xf32, #tpu.memory_space<vmem>> -> memref<1x16x128xf32, #tpu.memory_space<vmem>>
    %dma_start3A_679 = tpu.memref_squeeze %dma_start3A_678 : memref<1x16x128xf32, #tpu.memory_space<vmem>> -> memref<16x128xf32, #tpu.memory_space<vmem>>
    tpu.enqueue_dma source(%dma_start3A_679 : memref<16x128xf32, #tpu.memory_space<vmem>>) target(%dma_start3A_675 : memref<16x128xf32, #tpu.memory_space<hbm>>) target_semaphore(%arg13 : memref<!tpu.dma_semaphore, #tpu.memory_space<semaphore_mem>>)
    %mul3A_680 = arith.constant 16 : i32
    %mul3A_681 = arith.muli %select_n3A_30, %mul3A_680 : i32
    %dma_start3A_682 = arith.constant 1 : i32
    %dma_start3A_683 = arith.constant 1 : i32
    %dma_start3A_684 = arith.constant 0 : i32
    %dma_start3A_685 = arith.constant 0 : i32
    %dma_start3A_686 = tpu.memref_slice %arg10[%dma_start3A_682, %dma_start3A_684, %dma_start3A_685] : memref<3x16x128xf32, #tpu.memory_space<vmem>> -> memref<1x16x128xf32, #tpu.memory_space<vmem>>
    %dma_start3A_687 = tpu.memref_squeeze %dma_start3A_686 : memref<1x16x128xf32, #tpu.memory_space<vmem>> -> memref<16x128xf32, #tpu.memory_space<vmem>>
    %dma_start3A_688 = arith.constant 0 : i32
    %dma_start3A_689 = tpu.memref_slice %arg5[%dma_start3A_683, %select_n3A_59, %mul3A_681, %select_n3A_75, %dma_start3A_688] : memref<3x2x32x8x128xf32, #tpu.memory_space<hbm>> -> memref<1x1x16x1x128xf32, #tpu.memory_space<hbm>>
    %dma_start3A_690 = tpu.memref_squeeze %dma_start3A_689 : memref<1x1x16x1x128xf32, #tpu.memory_space<hbm>> -> memref<16x128xf32, #tpu.memory_space<hbm>>
    %dma_start3A_691 = arith.constant 0 : i32
    %dma_start3A_692 = tpu.memref_slice %arg5[%dma_start3A_683, %select_n3A_59, %mul3A_681, %select_n3A_75, %dma_start3A_691] : memref<3x2x32x8x128xf32, #tpu.memory_space<hbm>> -> memref<1x1x16x1x128xf32, #tpu.memory_space<hbm>>
    %dma_start3A_693 = tpu.memref_squeeze %dma_start3A_692 : memref<1x1x16x1x128xf32, #tpu.memory_space<hbm>> -> memref<16x128xf32, #tpu.memory_space<hbm>>
    %dma_start3A_694 = arith.constant 0 : i32
    %dma_start3A_695 = arith.constant 0 : i32
    %dma_start3A_696 = tpu.memref_slice %arg10[%dma_start3A_682, %dma_start3A_694, %dma_start3A_695] : memref<3x16x128xf32, #tpu.memory_space<vmem>> -> memref<1x16x128xf32, #tpu.memory_space<vmem>>
    %dma_start3A_697 = tpu.memref_squeeze %dma_start3A_696 : memref<1x16x128xf32, #tpu.memory_space<vmem>> -> memref<16x128xf32, #tpu.memory_space<vmem>>
    tpu.enqueue_dma source(%dma_start3A_697 : memref<16x128xf32, #tpu.memory_space<vmem>>) target(%dma_start3A_693 : memref<16x128xf32, #tpu.memory_space<hbm>>) target_semaphore(%arg13 : memref<!tpu.dma_semaphore, #tpu.memory_space<semaphore_mem>>)
    %mul3A_698 = arith.constant 16 : i32
    %mul3A_699 = arith.muli %select_n3A_30, %mul3A_698 : i32
    %dma_start3A_700 = arith.constant 2 : i32
    %dma_start3A_701 = arith.constant 2 : i32
    %dma_start3A_702 = arith.constant 0 : i32
    %dma_start3A_703 = arith.constant 0 : i32
    %dma_start3A_704 = tpu.memref_slice %arg10[%dma_start3A_700, %dma_start3A_702, %dma_start3A_703] : memref<3x16x128xf32, #tpu.memory_space<vmem>> -> memref<1x16x128xf32, #tpu.memory_space<vmem>>
    %dma_start3A_705 = tpu.memref_squeeze %dma_start3A_704 : memref<1x16x128xf32, #tpu.memory_space<vmem>> -> memref<16x128xf32, #tpu.memory_space<vmem>>
    %dma_start3A_706 = arith.constant 0 : i32
    %dma_start3A_707 = tpu.memref_slice %arg5[%dma_start3A_701, %select_n3A_59, %mul3A_699, %select_n3A_75, %dma_start3A_706] : memref<3x2x32x8x128xf32, #tpu.memory_space<hbm>> -> memref<1x1x16x1x128xf32, #tpu.memory_space<hbm>>
    %dma_start3A_708 = tpu.memref_squeeze %dma_start3A_707 : memref<1x1x16x1x128xf32, #tpu.memory_space<hbm>> -> memref<16x128xf32, #tpu.memory_space<hbm>>
    %dma_start3A_709 = arith.constant 0 : i32
    %dma_start3A_710 = tpu.memref_slice %arg5[%dma_start3A_701, %select_n3A_59, %mul3A_699, %select_n3A_75, %dma_start3A_709] : memref<3x2x32x8x128xf32, #tpu.memory_space<hbm>> -> memref<1x1x16x1x128xf32, #tpu.memory_space<hbm>>
    %dma_start3A_711 = tpu.memref_squeeze %dma_start3A_710 : memref<1x1x16x1x128xf32, #tpu.memory_space<hbm>> -> memref<16x128xf32, #tpu.memory_space<hbm>>
    %dma_start3A_712 = arith.constant 0 : i32
    %dma_start3A_713 = arith.constant 0 : i32
    %dma_start3A_714 = tpu.memref_slice %arg10[%dma_start3A_700, %dma_start3A_712, %dma_start3A_713] : memref<3x16x128xf32, #tpu.memory_space<vmem>> -> memref<1x16x128xf32, #tpu.memory_space<vmem>>
    %dma_start3A_715 = tpu.memref_squeeze %dma_start3A_714 : memref<1x16x128xf32, #tpu.memory_space<vmem>> -> memref<16x128xf32, #tpu.memory_space<vmem>>
    tpu.enqueue_dma source(%dma_start3A_715 : memref<16x128xf32, #tpu.memory_space<vmem>>) target(%dma_start3A_711 : memref<16x128xf32, #tpu.memory_space<hbm>>) target_semaphore(%arg13 : memref<!tpu.dma_semaphore, #tpu.memory_space<semaphore_mem>>)
    %mul3A_716 = arith.constant 16 : i32
    %mul3A_717 = arith.muli %select_n3A_30, %mul3A_716 : i32
    %dma_wait3A_718 = arith.constant 0 : i32
    %dma_wait3A_719 = arith.constant 0 : i32
    %dma_wait3A_720 = arith.constant 0 : i32
    %dma_wait3A_721 = arith.constant 0 : i32
    %dma_wait3A_722 = tpu.memref_slice %arg10[%dma_wait3A_718, %dma_wait3A_720, %dma_wait3A_721] : memref<3x16x128xf32, #tpu.memory_space<vmem>> -> memref<1x16x128xf32, #tpu.memory_space<vmem>>
    %dma_wait3A_723 = tpu.memref_squeeze %dma_wait3A_722 : memref<1x16x128xf32, #tpu.memory_space<vmem>> -> memref<16x128xf32, #tpu.memory_space<vmem>>
    %dma_wait3A_724 = arith.constant 0 : i32
    %dma_wait3A_725 = tpu.memref_slice %arg5[%dma_wait3A_719, %select_n3A_59, %mul3A_717, %select_n3A_75, %dma_wait3A_724] : memref<3x2x32x8x128xf32, #tpu.memory_space<hbm>> -> memref<1x1x16x1x128xf32, #tpu.memory_space<hbm>>
    %dma_wait3A_726 = tpu.memref_squeeze %dma_wait3A_725 : memref<1x1x16x1x128xf32, #tpu.memory_space<hbm>> -> memref<16x128xf32, #tpu.memory_space<hbm>>
    %dma_wait3A_727 = arith.constant 0 : i32
    %dma_wait3A_728 = tpu.memref_slice %arg5[%dma_wait3A_719, %select_n3A_59, %mul3A_717, %select_n3A_75, %dma_wait3A_727] : memref<3x2x32x8x128xf32, #tpu.memory_space<hbm>> -> memref<1x1x16x1x128xf32, #tpu.memory_space<hbm>>
    %dma_wait3A_729 = tpu.memref_squeeze %dma_wait3A_728 : memref<1x1x16x1x128xf32, #tpu.memory_space<hbm>> -> memref<16x128xf32, #tpu.memory_space<hbm>>
    %dma_wait3A_730 = arith.constant 0 : i32
    %dma_wait3A_731 = arith.constant 0 : i32
    %dma_wait3A_732 = tpu.memref_slice %arg10[%dma_wait3A_718, %dma_wait3A_730, %dma_wait3A_731] : memref<3x16x128xf32, #tpu.memory_space<vmem>> -> memref<1x16x128xf32, #tpu.memory_space<vmem>>
    %dma_wait3A_733 = tpu.memref_squeeze %dma_wait3A_732 : memref<1x16x128xf32, #tpu.memory_space<vmem>> -> memref<16x128xf32, #tpu.memory_space<vmem>>
    tpu.wait_dma2 semaphore(%arg13 : memref<!tpu.dma_semaphore, #tpu.memory_space<semaphore_mem>>) src(%dma_wait3A_733 : memref<16x128xf32, #tpu.memory_space<vmem>>) dst(%dma_wait3A_729 : memref<16x128xf32, #tpu.memory_space<hbm>>)
    %mul3A_734 = arith.constant 16 : i32
    %mul3A_735 = arith.muli %select_n3A_30, %mul3A_734 : i32
    %dma_wait3A_736 = arith.constant 1 : i32
    %dma_wait3A_737 = arith.constant 1 : i32
    %dma_wait3A_738 = arith.constant 0 : i32
    %dma_wait3A_739 = arith.constant 0 : i32
    %dma_wait3A_740 = tpu.memref_slice %arg10[%dma_wait3A_736, %dma_wait3A_738, %dma_wait3A_739] : memref<3x16x128xf32, #tpu.memory_space<vmem>> -> memref<1x16x128xf32, #tpu.memory_space<vmem>>
    %dma_wait3A_741 = tpu.memref_squeeze %dma_wait3A_740 : memref<1x16x128xf32, #tpu.memory_space<vmem>> -> memref<16x128xf32, #tpu.memory_space<vmem>>
    %dma_wait3A_742 = arith.constant 0 : i32
    %dma_wait3A_743 = tpu.memref_slice %arg5[%dma_wait3A_737, %select_n3A_59, %mul3A_735, %select_n3A_75, %dma_wait3A_742] : memref<3x2x32x8x128xf32, #tpu.memory_space<hbm>> -> memref<1x1x16x1x128xf32, #tpu.memory_space<hbm>>
    %dma_wait3A_744 = tpu.memref_squeeze %dma_wait3A_743 : memref<1x1x16x1x128xf32, #tpu.memory_space<hbm>> -> memref<16x128xf32, #tpu.memory_space<hbm>>
    %dma_wait3A_745 = arith.constant 0 : i32
    %dma_wait3A_746 = tpu.memref_slice %arg5[%dma_wait3A_737, %select_n3A_59, %mul3A_735, %select_n3A_75, %dma_wait3A_745] : memref<3x2x32x8x128xf32, #tpu.memory_space<hbm>> -> memref<1x1x16x1x128xf32, #tpu.memory_space<hbm>>
    %dma_wait3A_747 = tpu.memref_squeeze %dma_wait3A_746 : memref<1x1x16x1x128xf32, #tpu.memory_space<hbm>> -> memref<16x128xf32, #tpu.memory_space<hbm>>
    %dma_wait3A_748 = arith.constant 0 : i32
    %dma_wait3A_749 = arith.constant 0 : i32
    %dma_wait3A_750 = tpu.memref_slice %arg10[%dma_wait3A_736, %dma_wait3A_748, %dma_wait3A_749] : memref<3x16x128xf32, #tpu.memory_space<vmem>> -> memref<1x16x128xf32, #tpu.memory_space<vmem>>
    %dma_wait3A_751 = tpu.memref_squeeze %dma_wait3A_750 : memref<1x16x128xf32, #tpu.memory_space<vmem>> -> memref<16x128xf32, #tpu.memory_space<vmem>>
    tpu.wait_dma2 semaphore(%arg13 : memref<!tpu.dma_semaphore, #tpu.memory_space<semaphore_mem>>) src(%dma_wait3A_751 : memref<16x128xf32, #tpu.memory_space<vmem>>) dst(%dma_wait3A_747 : memref<16x128xf32, #tpu.memory_space<hbm>>)
    %mul3A_752 = arith.constant 16 : i32
    %mul3A_753 = arith.muli %select_n3A_30, %mul3A_752 : i32
    %dma_wait3A_754 = arith.constant 2 : i32
    %dma_wait3A_755 = arith.constant 2 : i32
    %dma_wait3A_756 = arith.constant 0 : i32
    %dma_wait3A_757 = arith.constant 0 : i32
    %dma_wait3A_758 = tpu.memref_slice %arg10[%dma_wait3A_754, %dma_wait3A_756, %dma_wait3A_757] : memref<3x16x128xf32, #tpu.memory_space<vmem>> -> memref<1x16x128xf32, #tpu.memory_space<vmem>>
    %dma_wait3A_759 = tpu.memref_squeeze %dma_wait3A_758 : memref<1x16x128xf32, #tpu.memory_space<vmem>> -> memref<16x128xf32, #tpu.memory_space<vmem>>
    %dma_wait3A_760 = arith.constant 0 : i32
    %dma_wait3A_761 = tpu.memref_slice %arg5[%dma_wait3A_755, %select_n3A_59, %mul3A_753, %select_n3A_75, %dma_wait3A_760] : memref<3x2x32x8x128xf32, #tpu.memory_space<hbm>> -> memref<1x1x16x1x128xf32, #tpu.memory_space<hbm>>
    %dma_wait3A_762 = tpu.memref_squeeze %dma_wait3A_761 : memref<1x1x16x1x128xf32, #tpu.memory_space<hbm>> -> memref<16x128xf32, #tpu.memory_space<hbm>>
    %dma_wait3A_763 = arith.constant 0 : i32
    %dma_wait3A_764 = tpu.memref_slice %arg5[%dma_wait3A_755, %select_n3A_59, %mul3A_753, %select_n3A_75, %dma_wait3A_763] : memref<3x2x32x8x128xf32, #tpu.memory_space<hbm>> -> memref<1x1x16x1x128xf32, #tpu.memory_space<hbm>>
    %dma_wait3A_765 = tpu.memref_squeeze %dma_wait3A_764 : memref<1x1x16x1x128xf32, #tpu.memory_space<hbm>> -> memref<16x128xf32, #tpu.memory_space<hbm>>
    %dma_wait3A_766 = arith.constant 0 : i32
    %dma_wait3A_767 = arith.constant 0 : i32
    %dma_wait3A_768 = tpu.memref_slice %arg10[%dma_wait3A_754, %dma_wait3A_766, %dma_wait3A_767] : memref<3x16x128xf32, #tpu.memory_space<vmem>> -> memref<1x16x128xf32, #tpu.memory_space<vmem>>
    %dma_wait3A_769 = tpu.memref_squeeze %dma_wait3A_768 : memref<1x16x128xf32, #tpu.memory_space<vmem>> -> memref<16x128xf32, #tpu.memory_space<vmem>>
    tpu.wait_dma2 semaphore(%arg13 : memref<!tpu.dma_semaphore, #tpu.memory_space<semaphore_mem>>) src(%dma_wait3A_769 : memref<16x128xf32, #tpu.memory_space<vmem>>) dst(%dma_wait3A_765 : memref<16x128xf32, #tpu.memory_space<hbm>>)
    return
  }
}

</mosaic_0001>

<sc_bundles>
// kernel: kernel.3.cloned.1.call-start
scs
__scs_entry_jumppad:
0x0: {  	(pc) =	sbr.rel $0x88, $3  }
0x1: {  	(tag) =	ssettag $0x0;
	lr =	simm.s32 $0x1  }
0x2: {  	[smem:$0x3F9F] =	sst lr;
	_ =	strace $0xD0000000  }
0x3: {  	_ = 	snop  }
0x4: {  	_ = 	snop  }
0x5: {  	_ = 	snop  }
0x6: {  	_ = 	snop  }
0x7: {  	_ = 	snop  }
__scs_overlays_trampoline_lowered:
0x8: {  	[smem:$0x3FAE] =	sst s0  }
0x9: {  	[smem:$0x3FAF] =	sst s1  }
0xa: {  	[smem:$0x3FB0] =	sst s2  }
0xb: {  	[smem:$0x3FB1] =	sst s3  }
0xc: {  	[smem:$0x3FB2] =	sst s4  }
0xd: {  	[smem:$0x3FB3] =	sst s5  }
0xe: {  	[smem:$0x3FB4] =	sst s6  }
0xf: {  	[smem:$0x3FB5] =	sst s7  }
0x10: {  	[smem:$0x3FB6] =	sst s8  }
0x11: {  	[smem:$0x3FB7] =	sst s9;
	s0 =	simm.s32 @!p0 $0x0  }
0x12: {  	s1 =	sld [smem:$0x3F9D];
	s0 =	simm.s32 @p0 $0x1  }
0x13: {  	[smem:$0x3FB8] =	sst s0;
	s0 =	simm.s32 @!p1 $0x0  }
0x14: {  	s2 =	sld [smem:$0x3F9C];
	s0 =	simm.s32 @p1 $0x1  }
0x15: {  	[smem:$0x3FB9] =	sst s0;
	s0 =	simm.s32 @!p2 $0x0  }
0x16: {  	s3 =	sld [smem:$0x3FDB];
	s0 =	simm.s32 @p2 $0x1  }
0x17: {  	s4 =	simm.s32 $0x1BF5;
	[smem:$0x3FBB] =	sst s0  }
0x18: {  	s0 =	sld [smem:$0x3F9E];
	_ =	swait.ge [sflag:s4], $0x0  }
0x19: {  	s7 =	sld [smem:$0x3F9F]  }
0x1a: {  	s8 =	sadd.s32 $0xFFFFE003, lr  }
0x1b: {  	s9 =	sadd.s32 $0xFFFFFEF7, lr;
	s5 =	simm.s32 $0xFFFFFFFF;
	p2 =	slt.u32 s8, $0xFFFFF086  }
0x1c: {  	p1 =	slt.u32 s9, $0xF7A;
	s5 =	simm.s32 @!p2 $0x0  }
0x1d: {  	s5 =	simm.s32 @p1 $0x1;
	p0 =	seq.s32 s7, s2  }
0x1e: {  	s7 =	smul.u32 @!p0 $0xF7A, s2;
	p2 =	seq.s32 @!p0 s5, $0x0  }
0x1f: {  	s9 =	smul.u32 $0xF7A, s1;
	s8 =	simm.s32 @!p0 $0x1BF5;
	p2 =	por !p2, p0  }
0x20: {  	[sflag:s8] =	ssyncset.s32 @!p0 $0xFFFFF086;
	s6 =	sadd.s32 @!p0 s3, s7;
	s7 =	simm.s32 @!p0 $0x108  }
0x21: {  	s3 =	sadd.s32 s3, s9;
	s6 =	sadd.s32 @!p0 $0x88, s6;
	s7 =	simm.s32 @p2 $0x1082  }
0x22: {  	[simem:s7], [sflag:s8] =	dma.local @!p0 [hbm:s6], $0xF7A  }
0x23: {  	s9 =	sor.u32 $0xD0000000, s2;
	s6 =	simm.s32 $0x108;
	_ =	swait.ge @!p0 [sflag:s8], $0x0  }
0x24: {  	s3 =	sadd.s32 $0x88, s3;
	s6 =	simm.s32 @!p1 $0x1082;
	[sflag:s4] =	ssyncset.s32 $0xFFFFF086  }
0x25: {  	[simem:s6], [sflag:s4] =	dma.local [hbm:s3], $0xF7A  }
0x26: {  	[smem:$0x3F9F] =	sst s1;
	(tag) =	ssettag s2;
	_ =	strace s9  }
0x27: {  	s1 =	sld [smem:$0x3FAF]  }
0x28: {  	s2 =	sld [smem:$0x3FB0]  }
0x29: {  	s4 =	sld [smem:$0x3FB2]  }
0x2a: {  	p0 =	seq.s32 s5, $0x0;
	s5 =	sld [smem:$0x3FB3]  }
0x2b: {  	s6 =	sld [smem:$0x3FB4]  }
0x2c: {  	s7 =	sld [smem:$0x3FB5]  }
0x2d: {  	s3 =	simm.s32 $0x108;
	s8 =	sld [smem:$0x3FB6]  }
0x2e: {  	s3 =	simm.s32 @!p0 $0x1082;
	s9 =	sld [smem:$0x3FB7]  }
0x2f: {  	lr =	sadd.s32 s0, s3;
	s0 =	sld [smem:$0x3FAE]  }
0x30: {  	s3 =	sld [smem:$0x3FB1]  }
0x31: {  	[smem:$0x3FBA] =	sst s10  }
0x32: {  	s10 =	sld [smem:$0x3FB8];
	_ =	sdelay $0x3  }
0x33: {  	p0 =	seq.s32 s10, $0x1;
	s10 =	sld [smem:$0x3FBA];
	_ =	sdelay $0x3  }
0x34: {  	[smem:$0x3FBA] =	sst s10  }
0x35: {  	s10 =	sld [smem:$0x3FB9];
	_ =	sdelay $0x3  }
0x36: {  	p1 =	seq.s32 s10, $0x1;
	s10 =	sld [smem:$0x3FBA];
	_ =	sdelay $0x3  }
0x37: {  	[smem:$0x3FBA] =	sst s10  }
0x38: {  	s10 =	sld [smem:$0x3FBB]  }
0x39: {  	_ = 	snop;
	(pc) =	sbr.ind lr, $3  }
0x3a: {  	_ = 	snop  }
0x3b: {  	_ = 	snop  }
0x3c: {  	p2 =	seq.s32 s10, $0x1;
	s10 =	sld [smem:$0x3FBA]  }
0x3d: {  	_ =	shalt  }
0x3e: {  	_ =	shalt  }
0x3f: {  	_ =	shalt  }
0x40: {  	_ =	shalt  }
0x41: {  	_ =	shalt  }
0x42: {  	_ =	shalt  }
0x43: {  	_ =	shalt  }
0x44: {  	_ =	shalt  }
0x45: {  	_ =	shalt  }
0x46: {  	_ =	shalt  }
0x47: {  	_ =	shalt  }
0x48: {  	_ =	shalt  }
0x49: {  	_ =	shalt  }
0x4a: {  	_ =	shalt  }
0x4b: {  	_ =	shalt  }
0x4c: {  	_ =	shalt  }
0x4d: {  	_ =	shalt  }
0x4e: {  	_ =	shalt  }
0x4f: {  	_ =	shalt  }
0x50: {  	_ =	shalt  }
0x51: {  	_ =	shalt  }
0x52: {  	_ =	shalt  }
0x53: {  	_ =	shalt  }
0x54: {  	_ =	shalt  }
0x55: {  	_ =	shalt  }
0x56: {  	_ =	shalt  }
0x57: {  	_ =	shalt  }
0x58: {  	_ =	shalt  }
0x59: {  	_ =	shalt  }
0x5a: {  	_ =	shalt  }
0x5b: {  	_ =	shalt  }
0x5c: {  	_ =	shalt  }
0x5d: {  	_ =	shalt  }
0x5e: {  	_ =	shalt  }
0x5f: {  	_ =	shalt  }
0x60: {  	_ =	shalt  }
0x61: {  	_ =	shalt  }
0x62: {  	_ =	shalt  }
0x63: {  	_ =	shalt  }
0x64: {  	_ =	shalt  }
0x65: {  	_ =	shalt  }
0x66: {  	_ =	shalt  }
0x67: {  	_ =	shalt  }
0x68: {  	_ =	shalt  }
0x69: {  	_ =	shalt  }
0x6a: {  	_ =	shalt  }
0x6b: {  	_ =	shalt  }
0x6c: {  	_ =	shalt  }
0x6d: {  	_ =	shalt  }
0x6e: {  	_ =	shalt  }
0x6f: {  	_ =	shalt  }
0x70: {  	_ =	shalt  }
0x71: {  	_ =	shalt  }
0x72: {  	_ =	shalt  }
0x73: {  	_ =	shalt  }
0x74: {  	_ =	shalt  }
0x75: {  	_ =	shalt  }
0x76: {  	_ =	shalt  }
0x77: {  	_ =	shalt  }
0x78: {  	_ =	shalt  }
0x79: {  	_ =	shalt  }
0x7a: {  	_ =	shalt  }
0x7b: {  	_ =	shalt  }
0x7c: {  	_ =	shalt  }
0x7d: {  	_ =	shalt  }
0x7e: {  	_ =	shalt  }
0x7f: {  	_ =	shalt  }
0x80: {  	_ =	shalt  }
0x81: {  	_ =	shalt  }
0x82: {  	_ =	shalt  }
0x83: {  	_ =	shalt  }
0x84: {  	_ =	shalt  }
0x85: {  	_ =	shalt  }
0x86: {  	_ =	shalt  }
0x87: {  	_ =	shalt  }
.Lfunc_end0:
.L_simem_size_0:
called_computation_lowered:
.L_overlay_start_0:
0x88: {  	s2 =	sld [smem:$0x3FD9]  }
0x89: {  	s3 =	sld [smem:$0x3FFE];
	_ =	sdelay $0x1  }
0x8a: {  	s1 =	srdreg.scid  }
0x8b: {  	s0 =	sand.u32 $0x1, s1  }
0x8c: {  	s14 =	sshll.u32 s0, $0xA;
	s2 =	sadd.s32 s3, s2  }
0x8d: {  	s2 =	sadd.s32 s2, s14  }
0x8e: {  	[smem:$0x3FC6] =	sst s2  }
0x8f: {  	_ = 	snop  }
0x90: {  	s2 =	sld [smem:$0x3FD0];
	_ =	sdelay $0x1  }
0x91: {  	s15 =	sld [smem:$0x3FC9]  }
0x92: {  	s5 =	simm.s32 $0xA;
	s6 =	simm.s32 $0x10;
	s4 =	sld [smem:$0x3FC8]  }
0x93: {  	[smem:s6], [sflag:s5] =	dma.local [hbm:s2], $0x1  }
0x94: {  	_ =	swait.eq [sflag:s5], $0x1  }
0x95: {  	[sflag:s5] =	ssyncset.done $0x0  }
0x96: {  	s16 =	sld [smem:$0x10];
	[sflag:s5] =	ssyncadd.s32 $0xFFFFFFFF  }
0x97: {  	s17 =	sld [smem:$0x11];
	(tm) =	ssettm $0x1  }
0x98: {  	s18 =	sld [smem:$0x3FFB];
	_ =	sdelay $0x3  }
0x99: {  	_ =	strace s18  }
0x9a: {  	s6 =	sld [smem:$0x3FFC];
	_ =	sdelay $0x3  }
0x9b: {  	_ =	strace s6  }
0x9c: {  	s6 =	sld [smem:$0x3FFD];
	_ =	sdelay $0x3  }
0x9d: {  	_ =	strace s6  }
0x9e: {  	_ =	strace $0x8FFFFFFF  }
0x9f: {  	s19 =	sld [smem:$0x3FDB];
	_ =	sdelay $0x1  }
0xa0: {  	s7 =	simm.s32 $_scs_section_size  }
0xa1: {  	s8 =	simm.s32 $_size__tile_overlayer_lowered;
	s9 =	simm.s32 $_tile_overlayer_lowered  }
0xa2: {  	s22 =	simm.s32 $0x1BFF;
	s21 =	sshll.u32 s9, $0x1;
	s6 =	sadd.s32 s7, s19  }
0xa3: {  	s10 =	simm.s32 $0x0;
	s20 =	sshll.u32 s8, $0x1;
	s8 =	sadd.s32 s21, s6  }
0xa4: {  	[timem:s10], [sflag:s22] =	dma.local [hbm:s8], s20  }
0xa5: {  	_ =	swait.ge [sflag:s22], s20  }
0xa6: {  	s7 =	ssub.s32 $0x0, s20;
	[sflag:s22] =	ssyncset.done $0x0  }
0xa7: {  	[sflag:s22] =	ssyncadd.s32 s7;
	_ =	sdelay $0x1  }
0xa8: {  	s23 =	simm.s32 $0x1B8B  }
0xa9: {  	_ =	swait.ge [sflag:s23], $0x1  }
0xaa: {  	[sflag:s23] =	ssyncset.done $0x0  }
0xab: {  	s25 =	simm.s32 $0x1B8E;
	s24 =	sld [smem:$0x3FFE];
	[sflag:s23] =	ssyncadd.s32 $0xFFFFFFFF  }
0xac: {  	s26 =	simm.s32 $execute0_lowered;
	[smem:$0x3FD2] =	sst s25  }
0xad: {  	s8 =	sshll.u32 s26, $0x1;
	_ =	strace $0x80000046;
	[dreg:$0x1] =	wrdreg $0xFFFFFFFF  }
0xae: {  	s28 =	simm.s32 $_size_execute0_lowered;
	s6 =	sadd.s32 s6, s8;
	[dreg:$0x0] =	wrdreg $0x0  }
0xaf: {  	s8 =	sshll.u32 s28, $0x1;
	[dreg:$0x2] =	wrdreg s6  }
0xb0: {  	[dreg:$0x3] =	wrdreg s8  }
0xb1: {  	[dreg:$0x4] =	wrdreg $0xC0  }
0xb2: {  	_ =	task [dreg:s10], $0x5FFFF  }
0xb3: {  	[dreg:$0x1] =	wrdreg $0xFFFFFFFF  }
0xb4: {  	[dreg:$0x0] =	wrdreg $0x60  }
0xb5: {  	[dreg:$0x2] =	wrdreg s15  }
0xb6: {  	[dreg:$0x3] =	wrdreg s4  }
0xb7: {  	[dreg:$0x4] =	wrdreg s24  }
0xb8: {  	[dreg:$0x5] =	wrdreg s16  }
0xb9: {  	[dreg:$0x6] =	wrdreg s17  }
0xba: {  	[dreg:$0x7] =	wrdreg $0x9  }
0xbb: {  	_ =	task.clear_ibuf [dreg:s10], $0x8FFFF;
	_ =	strace $0x90000046  }
0xbc: {  	s29 =	simm.s32 $0x9;
	_ =	strace $0x80000048  }
0xbd: {  	_ =	swait.ge [sflag:s29], $0x1  }
0xbe: {  	[sflag:s29] =	ssyncadd.s32 $0xFFFFFFFF  }
0xbf: {  	_ =	strace $0x90000048  }
0xc0: {  	_ =	sfence  }
0xc1: {  	s30 =	sld [smem:$0x0];
	_ =	sdelay $0x2  }
0xc2: {  	s31 =	sshll.u32 s1, $0xD;
	s1 =	sshrl.u32 s1, $0x2  }
0xc3: {  	s3 =	sand.u32 $0x4000, s31;
	s1 =	sadd.s32 s1, s30  }
0xc4: {  	s0 =	sor.u32 s3, s0;
	s1 =	sshll.u32 s1, $0x11  }
0xc5: {  	s0 =	sor.u32 s1, s0  }
0xc6: {  	s0 =	sadd.s32 $0x8F2B, s0  }
0xc7: {  	[sflag:s0] =	ssyncadd.remote.s32 $0x1  }
0xc8: {  	_ =	sfence.sel $0xFFFF  }
0xc9: {  	[dreg:$0x0] =	wrdreg $0xFFFFFFFF;
	(pc) =	sbr.abs _section_cstart, $3  }
0xca: {  	[dreg:$0x1] =	wrdreg $0xFFFFFFFF  }
0xcb: {  	_ =	task.clear_ibuf [dreg:s10], $0x2FFFF;
	_ =	strace $0x9FFFFFFF  }
0xcc: {  	(tm) =	ssettm $0x7FFFFFFF  }
0xcd: {  	_ =	shalt  }
tec
execute0_lowered:
.L_overlay_start_1:
0x0: {  	(tag) =	ssettag $0x1  }
0x1: {  	s0 =	srdreg.scid  }
0x2: {  	s2 =	stileid.u32;
	s0 =	sand.u32 $0x1, s0  }
0x3: {  	s1 =	sor.u32 s0, s2  }
0x4: {  	s7 =	rddreg [dreg:$0x0];
	p1 =	seq.s32 s0, $0x1;
	p0 =	seq.s32 s1, $0x0  }
0x5: {  	s6 =	rddreg [dreg:$0x2];
	s9 =	simm.s32 $0x1;
	p0 =	por !p0, !p1  }
0x6: {  	s3 =	rddreg [dreg:$0x4];
	s1 =	simm.s32 $0x1;
	p0 =	por !p0, !p0  }
0x7: {  	s28 =	simm.s32 $0xC000;
	s29 =	simm.s32 $0x2;
	s1 =	simm.s32 @!p0 $0x0  }
0x8: {  	s30 =	simm.s32 $0x0;
	s21 =	ssub.s32 $0x2, s0;
	s8 =	ssub.s32 s2, s1  }
0x9: {  	s15 =	sshll.u32 s0, $0x5;
	s13 =	sshrl.u32 s21, $0x1;
	s1 =	sand.u32 $0xE0, s8  }
0xa: {  	s16 =	ssub.s32 s21, s13;
	s2 =	rddreg [dreg:$0x3];
	s1 =	sshrl.u32 s1, $0x5  }
0xb: {  	p5 =	slt.s32 s8, $0x1;
	s14 =	sshll.u32 s8, $0x6;
	s4 =	sadd.s32 s1, s8  }
0xc: {  	s22 =	sxor.u32 $0xFFFFFFFF, s8;
	s23 =	sshrl.u32 s8, $0x1D;
	s1 =	sand.u32 $0xFFFFFFF8, s4  }
0xd: {  	s13 =	sshrl.u32 s22, $0x1F;
	s4 =	sshra.s32 s4, $0x3;
	s5 =	ssub.s32 s8, s1  }
0xe: {  	s1 =	rddreg [dreg:$0x1];
	s8 =	sshra.s32 s8, $0x19;
	p6 =	sne.s32 s5, $0x0  }
0xf: {  	s5 =	sshll.u32 s5, $0x7;
	s8 =	sadd.s32 s13, s8;
	p0 =	por !p5, !p6  }
0x10: {  	s11 =	sand.u32 $0x380, s5;
	s5 =	simm.s32 $0x1;
	p0 =	por !p0, !p0  }
0x11: {  	s9 =	simm.s32 @!p0 $0x0;
	p0 =	sne.s32 s8, $0x1;
	s8 =	simm.s32 $0xFFFFFFFF  }
0x12: {  	s9 =	ssub.s32 s4, s9;
	s4 =	simm.s32 $0x0;
	s8 =	simm.s32 @!p0 $0x0  }
0x13: {  	s10 =	sshll.u32 s9, $0xF;
	[smem:$0x7FF] =	sst s4;
	s9 =	sshll.u32 s9, $0x11  }
0x14: {  	s10 =	sor.u32 s11, s10;
	_ =	strace $0x80000047;
	s9 =	sor.u32 s11, s9  }
0x15: {  	s12 =	sshrl.u32 s10, $0x3;
	s20 =	sshrl.u32 s9, $0x3;
	s22 =	sadd.s32 $0x40000, s9  }
0x16: {  	s9 =	sadd.s32 $0x80000, s9;
	s12 =	sadd.s32 s12, s6;
	s6 =	sor.u32 s15, s14  }
0x17: {  	s14 =	simm.s32 $0x1;
	s9 =	sshrl.u32 s9, $0x3;
	s12 =	sadd.s32 $0x800, s12  }
0x18: {  	s24 =	sor.u32 s6, s23;
	s26 =	sshll.u32 s6, $0xB;
	s14 =	simm.s32 @!p0 $0x0  }
0x19: {  	s23 =	sshll.u32 s0, $0xE;
	s0 =	sshll.u32 s0, $0xB;
	[dreg:$0x6] =	wrdreg s12  }
0x1a: {  	s25 =	sadd.s32 $0x1, s24;
	s31 =	sand.u32 $0x1FFF0000, s26;
	s17 =	sadd.s32 $0x2, s24  }
0x1b: {  	s12 =	sadd.s32 $0x3, s24;
	s10 =	sor.u32 s23, s10;
	s13 =	sshrl.u32 s25, $0x3  }
0x1c: {  	s15 =	sadd.s32 s1, s31;
	s12 =	sshrl.u32 s12, $0x3;
	s24 =	sadd.s32 $0x10000, s10  }
0x1d: {  	s25 =	sshrl.u32 s10, $0x3;
	s10 =	sadd.s32 $0x20000, s10;
	s13 =	ssub.s32 s13, s14  }
0x1e: {  	s31 =	smax.u32 s16, $0x1;
	[dreg:$0x7] =	wrdreg s15;
	s13 =	sshll.u32 s13, $0xE  }
0x1f: {  	s15 =	sshrl.u32 s17, $0x3;
	s12 =	ssub.s32 s12, s14;
	s13 =	sand.u32 $0x1FFFC000, s13  }
0x20: {  	s26 =	sshrl.u32 s10, $0x3;
	s12 =	sshll.u32 s12, $0xE;
	s13 =	sadd.s32 s13, s1  }
0x21: {  	s18 =	ssub.s32 s15, s14;
	s12 =	sand.u32 $0x1FFFC000, s12;
	s13 =	sadd.s32 $0x10, s13  }
0x22: {  	s12 =	sadd.s32 s12, s1;
	[dreg:$0x8] =	wrdreg s13;
	s13 =	sshll.u32 s18, $0xE  }
0x23: {  	[dreg:$0xf] =	wrdreg s31;
	s21 =	sadd.s32 $0x30, s12;
	s13 =	sand.u32 $0x1FFFC000, s13  }
0x24: {  	[dreg:$0xa] =	wrdreg s21;
	s21 =	simm.s32 $0x80;
	s19 =	sadd.s32 s13, s1  }
0x25: {  	s13 =	sadd.s32 s7, s20;
	s11 =	sadd.s32 $0x20, s19;
	s19 =	sor.u32 $0x14080, s0  }
0x26: {  	s0 =	simm.s32 $0x4;
	[dreg:$0x9] =	wrdreg s11;
	s11 =	sshrl.u32 s22, $0x3  }
0x27: {  	s22 =	simm.s32 $0x400;
	s14 =	sadd.s32 s7, s11;
	s7 =	sadd.s32 s7, s9  }
0x28: {  	s9 =	sadd.s32 s2, s25;
	[dreg:$0xb] =	wrdreg s7;
	s7 =	sshrl.u32 s24, $0x3  }
0x29: {  	s25 =	simm.s32 $0x4000;
	[dreg:$0xc] =	wrdreg s9;
	s7 =	sadd.s32 s2, s7  }
0x2a: {  	s2 =	sadd.s32 s2, s26;
	s26 =	simm.s32 $0x8000;
	[dreg:$0xd] =	wrdreg s7  }
0x2b: {  	[dreg:$0xe] =	wrdreg s2;
	s2 =	simm.s32 $0x3;
	s7 =	simm.s32 $0x13000  }
.LBB2_1:
0x2c: {  	[dreg:$0x10] =	wrdreg s30  }
0x2d: {  	s9 =	rddreg [dreg:$0x6];
	s10 =	simm.s32 $0x14000;
	s20 =	simm.s32 $0xA  }
0x2e: {  	[tilespmem:s10], [sflag:$0xA] =	stream.strided.gather [hbm4b:s9+s21], $0x1000, s22, s21, $0x38;
	[tilespmem:$0x16800] =	vst v63  }
0x2f: {  	_ =	swait.ge [sflag:s20], $0x1000  }
0x30: {  	[sflag:s20] =	ssyncset.done $0x0  }
0x31: {  	s23 =	rddreg [dreg:$0x7];
	[sflag:s20] =	ssyncadd.s32 $0xFFFFF000  }
0x32: {  	[tilespmem:s4], [sflag:$0x1] =	stream.strided.gather [hbm4b:s23+s21], $0x4000, s22, s21, $0x38;
	[tilespmem:$0x16800] =	vst v63  }
0x33: {  	s24 =	rddreg [dreg:$0x8]  }
0x34: {  	[tilespmem:s25], [sflag:$0x2] =	stream.strided.gather [hbm4b:s24+s21], $0x4000, s22, s21, $0x38;
	[tilespmem:$0x16800] =	vst v63  }
0x35: {  	s30 =	rddreg [dreg:$0x9]  }
0x36: {  	[tilespmem:s26], [sflag:$0x3] =	stream.strided.gather [hbm4b:s30+s21], $0x4000, s22, s21, $0x38;
	[tilespmem:$0x16800] =	vst v63  }
0x37: {  	s17 =	simm.s32 $0x0;
	s31 =	rddreg [dreg:$0xa]  }
0x38: {  	[tilespmem:s28], [sflag:$0x4] =	stream.strided.gather [hbm4b:s31+s21], $0x4000, s22, s21, $0x38;
	[tilespmem:$0x16800] =	vst v63  }
.LBB2_2:
0x39: {  	_ =	swait.ge [sflag:s5], $0x4000  }
0x3a: {  	[sflag:s5] =	ssyncset.done $0x0  }
0x3b: {  	[sflag:s5] =	ssyncadd.s32 $0xFFFFC000  }
0x3c: {  	_ =	swait.ge [sflag:s29], $0x4000  }
0x3d: {  	p0 =	seq.s32 s17, $0x0;
	[sflag:s29] =	ssyncset.done $0x0  }
0x3e: {  	s9 =	simm.s32 @!p0 $0x5;
	[sflag:s29] =	ssyncadd.s32 $0xFFFFC000  }
0x3f: {  	_ =	swait.ge @!p0 [sflag:s9], $0x1000  }
0x40: {  	[sflag:s9] =	ssyncset.done @!p0 $0x0  }
0x41: {  	[sflag:s9] =	ssyncadd.s32 @!p0 $0xFFFFF000;
	s9 =	simm.s32 @!p0 $0x6  }
0x42: {  	_ =	swait.ge @!p0 [sflag:s9], $0x1000  }
0x43: {  	[sflag:s9] =	ssyncset.done @!p0 $0x0  }
0x44: {  	s11 =	simm.s32 $0x14100;
	[sflag:s9] =	ssyncadd.s32 @!p0 $0xFFFFF000  }
0x45: {  	v0 =	vld [tilespmem:s11+$0x80];
	_ =	sdelay $0x1  }
0x46: {  	v1 =	vld [tilespmem:s11+$0xFFFFFF00]  }
0x47: {  	v2 =	vld [tilespmem:s11+$0xFFFFFF80];
	_ =	sdelay $0x1  }
0x48: {  	v3 =	vld [tilespmem:s11+$0x0];
	_ =	sdelay $0x2  }
0x49: {  	v4 =	vld.idx.msk [tilespmem:v0+s4+$0x0], $0xffff;
	_ =	sdelay $0x1  }
0x4a: {  	v5 =	vld.idx.msk [tilespmem:v1+s4+$0x0], $0xffff  }
0x4b: {  	v6 =	vld.idx.msk [tilespmem:v2+s4+$0x0], $0xffff  }
0x4c: {  	s24 =	simm.s32 $0x11000  }
0x4d: {  	v7 =	vld.idx.msk [tilespmem:v3+s4+$0x0], $0xffff;
	[tilespmem:s24+$0xFFFFF180] =	vst v4  }
0x4e: {  	v0 =	vld.idx.msk [tilespmem:v0+s25+$0x0], $0xffff  }
0x4f: {  	[tilespmem:s24+$0xFFFFF000] =	vst v5  }
0x50: {  	[tilespmem:s24+$0xFFFFF080] =	vst v6;
	v1 =	vld.idx.msk [tilespmem:v1+s25+$0x0], $0xffff  }
0x51: {  	v2 =	vld.idx.msk [tilespmem:v2+s25+$0x0], $0xffff  }
0x52: {  	[tilespmem:s24+$0xFFFFF100] =	vst v7  }
0x53: {  	v3 =	vld.idx.msk [tilespmem:v3+s25+$0x0], $0xffff;
	[tilespmem:s24+$0x180] =	vst v0  }
0x54: {  	v0 =	vld [tilespmem:s11+$0x90]  }
0x55: {  	[tilespmem:s24+$0x0] =	vst v1  }
0x56: {  	[tilespmem:s24+$0x80] =	vst v2;
	v1 =	vld [tilespmem:s11+$0xFFFFFF10]  }
0x57: {  	v2 =	vld [tilespmem:s11+$0xFFFFFF90]  }
0x58: {  	[tilespmem:s24+$0x100] =	vst v3  }
0x59: {  	v3 =	vld [tilespmem:s11+$0x10];
	_ =	sdelay $0x2  }
0x5a: {  	v4 =	vld.idx.msk [tilespmem:v0+s4+$0x0], $0xffff;
	_ =	sdelay $0x1  }
0x5b: {  	v5 =	vld.idx.msk [tilespmem:v1+s4+$0x0], $0xffff  }
0x5c: {  	v6 =	vld.idx.msk [tilespmem:v2+s4+$0x0], $0xffff;
	_ =	sdelay $0x1  }
0x5d: {  	v7 =	vld.idx.msk [tilespmem:v3+s4+$0x0], $0xffff;
	[tilespmem:s24+$0xFFFFF190] =	vst v4  }
0x5e: {  	v0 =	vld.idx.msk [tilespmem:v0+s25+$0x0], $0xffff  }
0x5f: {  	[tilespmem:s24+$0xFFFFF010] =	vst v5  }
0x60: {  	[tilespmem:s24+$0xFFFFF090] =	vst v6;
	v1 =	vld.idx.msk [tilespmem:v1+s25+$0x0], $0xffff  }
0x61: {  	v2 =	vld.idx.msk [tilespmem:v2+s25+$0x0], $0xffff  }
0x62: {  	[tilespmem:s24+$0xFFFFF110] =	vst v7  }
0x63: {  	v3 =	vld.idx.msk [tilespmem:v3+s25+$0x0], $0xffff;
	[tilespmem:s24+$0x190] =	vst v0  }
0x64: {  	v0 =	vld [tilespmem:s11+$0xA0]  }
0x65: {  	[tilespmem:s24+$0x10] =	vst v1  }
0x66: {  	[tilespmem:s24+$0x90] =	vst v2;
	v1 =	vld [tilespmem:s11+$0xFFFFFF20]  }
0x67: {  	v2 =	vld [tilespmem:s11+$0xFFFFFFA0]  }
0x68: {  	[tilespmem:s24+$0x110] =	vst v3  }
0x69: {  	v3 =	vld [tilespmem:s11+$0x20];
	_ =	sdelay $0x2  }
0x6a: {  	v4 =	vld.idx.msk [tilespmem:v0+s4+$0x0], $0xffff;
	_ =	sdelay $0x1  }
0x6b: {  	v5 =	vld.idx.msk [tilespmem:v1+s4+$0x0], $0xffff  }
0x6c: {  	v6 =	vld.idx.msk [tilespmem:v2+s4+$0x0], $0xffff;
	_ =	sdelay $0x1  }
0x6d: {  	v7 =	vld.idx.msk [tilespmem:v3+s4+$0x0], $0xffff;
	[tilespmem:s24+$0xFFFFF1A0] =	vst v4  }
0x6e: {  	v0 =	vld.idx.msk [tilespmem:v0+s25+$0x0], $0xffff  }
0x6f: {  	[tilespmem:s24+$0xFFFFF020] =	vst v5  }
0x70: {  	[tilespmem:s24+$0xFFFFF0A0] =	vst v6;
	v1 =	vld.idx.msk [tilespmem:v1+s25+$0x0], $0xffff  }
0x71: {  	v2 =	vld.idx.msk [tilespmem:v2+s25+$0x0], $0xffff  }
0x72: {  	[tilespmem:s24+$0xFFFFF120] =	vst v7  }
0x73: {  	v3 =	vld.idx.msk [tilespmem:v3+s25+$0x0], $0xffff;
	[tilespmem:s24+$0x1A0] =	vst v0  }
0x74: {  	v0 =	vld [tilespmem:s11+$0xB0]  }
0x75: {  	[tilespmem:s24+$0x20] =	vst v1  }
0x76: {  	[tilespmem:s24+$0xA0] =	vst v2;
	v1 =	vld [tilespmem:s11+$0xFFFFFF30]  }
0x77: {  	v2 =	vld [tilespmem:s11+$0xFFFFFFB0]  }
0x78: {  	[tilespmem:s24+$0x120] =	vst v3  }
0x79: {  	v3 =	vld [tilespmem:s11+$0x30];
	_ =	sdelay $0x2  }
0x7a: {  	v4 =	vld.idx.msk [tilespmem:v0+s4+$0x0], $0xffff;
	_ =	sdelay $0x1  }
0x7b: {  	v5 =	vld.idx.msk [tilespmem:v1+s4+$0x0], $0xffff  }
0x7c: {  	v6 =	vld.idx.msk [tilespmem:v2+s4+$0x0], $0xffff;
	_ =	sdelay $0x1  }
0x7d: {  	v7 =	vld.idx.msk [tilespmem:v3+s4+$0x0], $0xffff;
	[tilespmem:s24+$0xFFFFF1B0] =	vst v4  }
0x7e: {  	s9 =	simm.s32 $0x14300;
	v0 =	vld.idx.msk [tilespmem:v0+s25+$0x0], $0xffff  }
0x7f: {  	v8 =	vld [tilespmem:s9+$0xFFFFFF00];
	[tilespmem:s24+$0xFFFFF030] =	vst v5  }
0x80: {  	[tilespmem:s24+$0xFFFFF0B0] =	vst v6;
	v1 =	vld.idx.msk [tilespmem:v1+s25+$0x0], $0xffff  }
0x81: {  	v2 =	vld.idx.msk [tilespmem:v2+s25+$0x0], $0xffff  }
0x82: {  	[tilespmem:s24+$0xFFFFF130] =	vst v7;
	v4 =	vld [tilespmem:s9+$0x80]  }
0x83: {  	v3 =	vld.idx.msk [tilespmem:v3+s25+$0x0], $0xffff;
	[tilespmem:s24+$0x1B0] =	vst v0  }
0x84: {  	v0 =	vld [tilespmem:s11+$0xC0]  }
0x85: {  	v7 =	vld [tilespmem:s9+$0x0];
	[tilespmem:s24+$0x30] =	vst v1  }
0x86: {  	[tilespmem:s24+$0xB0] =	vst v2;
	v1 =	vld [tilespmem:s11+$0xFFFFFF40]  }
0x87: {  	v2 =	vld [tilespmem:s11+$0xFFFFFFC0]  }
0x88: {  	v5 =	vld [tilespmem:s9+$0xFFFFFF80];
	[tilespmem:s24+$0x130] =	vst v3  }
0x89: {  	v3 =	vld [tilespmem:s11+$0x40]  }
0x8a: {  	v12 =	vld.idx.msk [tilespmem:v4+s4+$0x0], $0xffff  }
0x8b: {  	v49 =	vld.idx.msk [tilespmem:v8+s4+$0x0], $0xffff  }
0x8c: {  	v6 =	vld.idx.msk [tilespmem:v0+s4+$0x0], $0xffff  }
0x8d: {  	v13 =	vld.idx.msk [tilespmem:v7+s4+$0x0], $0xffff  }
0x8e: {  	s10 =	simm.s32 $0x11200;
	v9 =	vld.idx.msk [tilespmem:v1+s4+$0x0], $0xffff  }
0x8f: {  	[tilespmem:s10+$0xFFFFF180] =	vst v12;
	v10 =	vld.idx.msk [tilespmem:v2+s4+$0x0], $0xffff  }
0x90: {  	v4 =	vld.idx.msk [tilespmem:v4+s25+$0x0], $0xffff  }
0x91: {  	[tilespmem:s24+$0xFFFFF1C0] =	vst v6;
	v6 =	vld.idx.msk [tilespmem:v5+s4+$0x0], $0xffff  }
0x92: {  	[tilespmem:s10+$0xFFFFF000] =	vst v49;
	v11 =	vld.idx.msk [tilespmem:v3+s4+$0x0], $0xffff  }
0x93: {  	[tilespmem:s24+$0xFFFFF040] =	vst v9;
	v0 =	vld.idx.msk [tilespmem:v0+s25+$0x0], $0xffff  }
0x94: {  	[tilespmem:s24+$0xFFFFF0C0] =	vst v10;
	v1 =	vld.idx.msk [tilespmem:v1+s25+$0x0], $0xffff  }
0x95: {  	[tilespmem:s10+$0xFFFFF100] =	vst v13;
	v2 =	vld.idx.msk [tilespmem:v2+s25+$0x0], $0xffff  }
0x96: {  	[tilespmem:s10+$0xFFFFF080] =	vst v6;
	v6 =	vld.idx.msk [tilespmem:v7+s25+$0x0], $0xffff  }
0x97: {  	[tilespmem:s24+$0xFFFFF140] =	vst v11;
	v7 =	vld.idx.msk [tilespmem:v8+s25+$0x0], $0xffff  }
0x98: {  	[tilespmem:s24+$0x1C0] =	vst v0;
	v5 =	vld.idx.msk [tilespmem:v5+s25+$0x0], $0xffff  }
0x99: {  	[tilespmem:s24+$0x40] =	vst v1;
	v1 =	vld.idx.msk [tilespmem:v3+s25+$0x0], $0xffff  }
0x9a: {  	[tilespmem:s10+$0x180] =	vst v4;
	v0 =	vld [tilespmem:s11+$0xD0]  }
0x9b: {  	[tilespmem:s24+$0xC0] =	vst v2;
	v2 =	vld [tilespmem:s9+$0x90]  }
0x9c: {  	v3 =	vld [tilespmem:s11+$0xFFFFFF50];
	[tilespmem:s10+$0x0] =	vst v7  }
0x9d: {  	[tilespmem:s10+$0x100] =	vst v6;
	v6 =	vld [tilespmem:s9+$0xFFFFFF10]  }
0x9e: {  	[tilespmem:s24+$0x140] =	vst v1;
	v1 =	vld [tilespmem:s9+$0x10]  }
0x9f: {  	v4 =	vld [tilespmem:s11+$0xFFFFFFD0];
	[tilespmem:s10+$0x80] =	vst v5  }
0xa0: {  	v7 =	vld [tilespmem:s9+$0xFFFFFF90]  }
0xa1: {  	v8 =	vld [tilespmem:s11+$0x50]  }
0xa2: {  	v5 =	vld.idx.msk [tilespmem:v0+s4+$0x0], $0xffff  }
0xa3: {  	v51 =	vld.idx.msk [tilespmem:v2+s4+$0x0], $0xffff  }
0xa4: {  	v50 =	vld.idx.msk [tilespmem:v3+s4+$0x0], $0xffff  }
0xa5: {  	v53 =	vld.idx.msk [tilespmem:v6+s4+$0x0], $0xffff  }
0xa6: {  	v13 =	vld.idx.msk [tilespmem:v1+s4+$0x0], $0xffff  }
0xa7: {  	[tilespmem:s24+$0xFFFFF1D0] =	vst v5;
	v5 =	vld.idx.msk [tilespmem:v4+s4+$0x0], $0xffff  }
0xa8: {  	v52 =	vld.idx.msk [tilespmem:v7+s4+$0x0], $0xffff  }
0xa9: {  	[tilespmem:s10+$0xFFFFF190] =	vst v51;
	v54 =	vld.idx.msk [tilespmem:v8+s4+$0x0], $0xffff  }
0xaa: {  	v2 =	vld.idx.msk [tilespmem:v2+s25+$0x0], $0xffff;
	[tilespmem:s24+$0xFFFFF050] =	vst v50  }
0xab: {  	v0 =	vld.idx.msk [tilespmem:v0+s25+$0x0], $0xffff;
	[tilespmem:s10+$0xFFFFF010] =	vst v53  }
0xac: {  	v3 =	vld.idx.msk [tilespmem:v3+s25+$0x0], $0xffff;
	[tilespmem:s10+$0xFFFFF110] =	vst v13  }
0xad: {  	[tilespmem:s10+$0xFFFFF090] =	vst v52;
	v6 =	vld.idx.msk [tilespmem:v6+s25+$0x0], $0xffff  }
0xae: {  	[tilespmem:s24+$0xFFFFF0D0] =	vst v5;
	v1 =	vld.idx.msk [tilespmem:v1+s25+$0x0], $0xffff  }
0xaf: {  	[tilespmem:s10+$0x190] =	vst v2;
	v7 =	vld.idx.msk [tilespmem:v7+s25+$0x0], $0xffff  }
0xb0: {  	[tilespmem:s24+$0x1D0] =	vst v0;
	v2 =	vld.idx.msk [tilespmem:v4+s25+$0x0], $0xffff  }
0xb1: {  	v0 =	vld [tilespmem:s11+$0xE0]  }
0xb2: {  	[tilespmem:s24+$0xFFFFF150] =	vst v54;
	v4 =	vld [tilespmem:s9+$0xA0]  }
0xb3: {  	v5 =	vld.idx.msk [tilespmem:v8+s25+$0x0], $0xffff;
	[tilespmem:s10+$0x10] =	vst v6  }
0xb4: {  	[tilespmem:s10+$0x110] =	vst v1;
	v8 =	vld [tilespmem:s9+$0xFFFFFF20]  }
0xb5: {  	[tilespmem:s10+$0x90] =	vst v7;
	v1 =	vld [tilespmem:s9+$0x20]  }
0xb6: {  	v6 =	vld [tilespmem:s9+$0xFFFFFFA0]  }
0xb7: {  	[tilespmem:s24+$0x50] =	vst v3  }
0xb8: {  	[tilespmem:s24+$0xD0] =	vst v2;
	v2 =	vld [tilespmem:s11+$0xFFFFFF60]  }
0xb9: {  	[tilespmem:s24+$0x150] =	vst v5;
	v7 =	vld.idx.msk [tilespmem:v0+s4+$0x0], $0xffff  }
0xba: {  	v5 =	vld [tilespmem:s11+$0x60]  }
0xbb: {  	v55 =	vld.idx.msk [tilespmem:v4+s4+$0x0], $0xffff  }
0xbc: {  	v56 =	vld.idx.msk [tilespmem:v8+s4+$0x0], $0xffff  }
0xbd: {  	v57 =	vld.idx.msk [tilespmem:v1+s4+$0x0], $0xffff  }
0xbe: {  	[tilespmem:s24+$0xFFFFF1E0] =	vst v7;
	v7 =	vld.idx.msk [tilespmem:v6+s4+$0x0], $0xffff  }
0xbf: {  	v3 =	vld [tilespmem:s11+$0xFFFFFFE0]  }
0xc0: {  	[tilespmem:s10+$0xFFFFF1A0] =	vst v55;
	v58 =	vld.idx.msk [tilespmem:v2+s4+$0x0], $0xffff  }
0xc1: {  	v4 =	vld.idx.msk [tilespmem:v4+s25+$0x0], $0xffff;
	[tilespmem:s10+$0xFFFFF020] =	vst v56  }
0xc2: {  	v0 =	vld.idx.msk [tilespmem:v0+s25+$0x0], $0xffff;
	[tilespmem:s10+$0xFFFFF120] =	vst v57  }
0xc3: {  	[tilespmem:s10+$0xFFFFF0A0] =	vst v7;
	v7 =	vld.idx.msk [tilespmem:v8+s25+$0x0], $0xffff  }
0xc4: {  	v1 =	vld.idx.msk [tilespmem:v1+s25+$0x0], $0xffff  }
0xc5: {  	v8 =	vld.idx.msk [tilespmem:v5+s4+$0x0], $0xffff  }
0xc6: {  	[tilespmem:s24+$0xFFFFF060] =	vst v58;
	v6 =	vld.idx.msk [tilespmem:v6+s25+$0x0], $0xffff  }
0xc7: {  	[tilespmem:s24+$0x1E0] =	vst v0;
	v0 =	vld.idx.msk [tilespmem:v3+s4+$0x0], $0xffff  }
0xc8: {  	[tilespmem:s10+$0x1A0] =	vst v4;
	v2 =	vld.idx.msk [tilespmem:v2+s25+$0x0], $0xffff  }
0xc9: {  	v4 =	vld [tilespmem:s9+$0xB0]  }
0xca: {  	v59 =	vld [tilespmem:s11+$0xF0];
	[tilespmem:s10+$0x20] =	vst v7  }
0xcb: {  	[tilespmem:s10+$0xA0] =	vst v6;
	v7 =	vld [tilespmem:s9+$0xFFFFFF30]  }
0xcc: {  	[tilespmem:s24+$0xFFFFF0E0] =	vst v0;
	v6 =	vld [tilespmem:s9+$0xFFFFFFB0]  }
0xcd: {  	[tilespmem:s10+$0x120] =	vst v1;
	v3 =	vld.idx.msk [tilespmem:v3+s25+$0x0], $0xffff  }
0xce: {  	[tilespmem:s24+$0xFFFFF160] =	vst v8;
	v1 =	vld [tilespmem:s9+$0x30]  }
0xcf: {  	[tilespmem:s24+$0x60] =	vst v2;
	v2 =	vld.idx.msk [tilespmem:v5+s25+$0x0], $0xffff  }
0xd0: {  	v8 =	vld [tilespmem:s11+$0xFFFFFF70]  }
0xd1: {  	v5 =	vld.idx.msk [tilespmem:v4+s4+$0x0], $0xffff  }
0xd2: {  	v0 =	vld.idx.msk [tilespmem:v59+s4+$0x0], $0xffff;
	[tilespmem:s24+$0xE0] =	vst v3  }
0xd3: {  	v61 =	vld [tilespmem:s11+$0xFFFFFFF0]  }
0xd4: {  	v10 =	vld.idx.msk [tilespmem:v7+s4+$0x0], $0xffff  }
0xd5: {  	v60 =	vld.idx.msk [tilespmem:v6+s4+$0x0], $0xffff  }
0xd6: {  	[tilespmem:s24+$0x160] =	vst v2;
	v3 =	vld.idx.msk [tilespmem:v1+s4+$0x0], $0xffff  }
0xd7: {  	[tilespmem:s24+$0xFFFFF1F0] =	vst v0;
	v0 =	vld [tilespmem:s11+$0x70]  }
0xd8: {  	[tilespmem:s10+$0xFFFFF1B0] =	vst v5;
	v62 =	vld.idx.msk [tilespmem:v8+s4+$0x0], $0xffff  }
0xd9: {  	v4 =	vld.idx.msk [tilespmem:v4+s25+$0x0], $0xffff  }
0xda: {  	s23 =	sshll.u32 s17, $0x2;
	v2 =	vld.idx.msk [tilespmem:v59+s25+$0x0], $0xffff;
	[tilespmem:s10+$0xFFFFF0B0] =	vst v60  }
0xdb: {  	s18 =	sadd.s32 s6, s23;
	[tilespmem:s10+$0xFFFFF130] =	vst v3;
	v5 =	vld.idx.msk [tilespmem:v6+s25+$0x0], $0xffff  }
0xdc: {  	s11 =	sshra.s32 s18, $0x1F;
	[tilespmem:s10+$0xFFFFF030] =	vst v10;
	v1 =	vld.idx.msk [tilespmem:v1+s25+$0x0], $0xffff  }
0xdd: {  	s20 =	sshrl.u32 s11, $0x1D;
	[tilespmem:s24+$0xFFFFF070] =	vst v62;
	v6 =	vld.idx.msk [tilespmem:v7+s25+$0x0], $0xffff  }
0xde: {  	s12 =	sadd.s32 s20, s18;
	[tilespmem:s10+$0x1B0] =	vst v4;
	v7 =	vld.idx.msk [tilespmem:v61+s4+$0x0], $0xffff  }
0xdf: {  	s15 =	sand.u32 $0xFFFFFFF8, s12;
	[tilespmem:s24+$0x1F0] =	vst v2;
	v63 =	vld.idx.msk [tilespmem:v0+s4+$0x0], $0xffff  }
0xe0: {  	p1 =	slt.s32 s18, $0x1;
	p2 =	sne.s32 s18, s15;
	[tilespmem:s10+$0xB0] =	vst v5;
	v5 =	vld [tilespmem:s9+$0xC0]  }
0xe1: {  	s31 =	simm.s32 $0x4;
	p1 =	por !p1, !p2;
	v2 =	vld.idx.msk [tilespmem:v8+s25+$0x0], $0xffff;
	[tilespmem:s10+$0x130] =	vst v1  }
0xe2: {  	s23 =	simm.s32 $0x1;
	s11 =	sor.u32 $0x1, s18;
	p1 =	por !p1, !p1;
	[tilespmem:s10+$0x30] =	vst v6;
	v3 =	vld [tilespmem:s9+$0x40]  }
0xe3: {  	s16 =	sadd.s32 s20, s11;
	s12 =	sshra.s32 s12, $0x3;
	s23 =	simm.s32 @!p1 $0x0;
	v6 =	vld [tilespmem:s9+$0xFFFFFF40]  }
0xe4: {  	s30 =	sshra.s32 s16, $0x3;
	s16 =	ssub.s32 s18, s15;
	s15 =	ssub.s32 s12, s23;
	[tilespmem:s24+$0xFFFFF0F0] =	vst v7;
	v4 =	vld [tilespmem:s9+$0xFFFFFFC0]  }
0xe5: {  	s12 =	sadd.s32 s8, s30;
	s23 =	simm.s32 $0x14500;
	s30 =	simm.s32 $0x11200;
	v1 =	vld.idx.msk [tilespmem:v61+s25+$0x0], $0xffff;
	[tilespmem:s24+$0xFFFFF170] =	vst v63  }
.LBB2_3:
0xe6: {  	v7 =	vld [tilespmem:s23+$0x80]  }
0xe7: {  	v8 =	vld [tilespmem:s23+$0xFFFFFF80]  }
0xe8: {  	s31 =	sadd.s32 $0x4, s31;
	v9 =	vld.idx.msk [tilespmem:v5+s4+$0x0], $0xffff  }
0xe9: {  	p1 =	slt.u32 s31, $0x1C;
	v10 =	vld [tilespmem:s23+$0x0]  }
0xea: {  	v11 =	vld [tilespmem:s23+$0xFFFFFF00];
	[tilespmem:s24+$0x70] =	vst v2  }
0xeb: {  	v2 =	vld.idx.msk [tilespmem:v6+s4+$0x0], $0xffff;
	[tilespmem:s24+$0xF0] =	vst v1  }
0xec: {  	v1 =	vld.idx.msk [tilespmem:v4+s4+$0x0], $0xffff  }
0xed: {  	v12 =	vld.idx.msk [tilespmem:v3+s4+$0x0], $0xffff  }
0xee: {  	v13 =	vld.idx.msk [tilespmem:v7+s4+$0x0], $0xffff;
	[tilespmem:s10+$0xFFFFF1C0] =	vst v9  }
0xef: {  	v5 =	vld.idx.msk [tilespmem:v5+s25+$0x0], $0xffff  }
0xf0: {  	v9 =	vld.idx.msk [tilespmem:v8+s4+$0x0], $0xffff  }
0xf1: {  	v14 =	vld.idx.msk [tilespmem:v10+s4+$0x0], $0xffff;
	[tilespmem:s10+$0xFFFFF040] =	vst v2  }
0xf2: {  	v2 =	vld.idx.msk [tilespmem:v11+s4+$0x0], $0xffff;
	[tilespmem:s10+$0xFFFFF0C0] =	vst v1  }
0xf3: {  	s10 =	sadd.s32 $0x200, s10;
	v1 =	vld.idx.msk [tilespmem:v6+s25+$0x0], $0xffff;
	[tilespmem:s30+$0xFFFFF140] =	vst v12  }
0xf4: {  	[tilespmem:s10+$0xFFFFF180] =	vst v13;
	v4 =	vld.idx.msk [tilespmem:v4+s25+$0x0], $0xffff  }
0xf5: {  	v6 =	vld.idx.msk [tilespmem:v7+s25+$0x0], $0xffff;
	[tilespmem:s30+$0x1C0] =	vst v5  }
0xf6: {  	[tilespmem:s10+$0xFFFFF080] =	vst v9;
	v5 =	vld [tilespmem:s9+$0xD0]  }
0xf7: {  	v7 =	vld.idx.msk [tilespmem:v8+s25+$0x0], $0xffff;
	[tilespmem:s10+$0xFFFFF100] =	vst v14  }
0xf8: {  	[tilespmem:s10+$0xFFFFF000] =	vst v2;
	v2 =	vld.idx.msk [tilespmem:v10+s25+$0x0], $0xffff  }
0xf9: {  	v8 =	vld.idx.msk [tilespmem:v11+s25+$0x0], $0xffff;
	[tilespmem:s30+$0x40] =	vst v1  }
0xfa: {  	[tilespmem:s30+$0xC0] =	vst v4;
	v1 =	vld.idx.msk [tilespmem:v3+s25+$0x0], $0xffff  }
0xfb: {  	[tilespmem:s10+$0x180] =	vst v6;
	v3 =	vld [tilespmem:s9+$0xFFFFFF50]  }
0xfc: {  	v4 =	vld [tilespmem:s23+$0x90]  }
0xfd: {  	[tilespmem:s10+$0x80] =	vst v7;
	v6 =	vld [tilespmem:s9+$0xFFFFFFD0]  }
0xfe: {  	[tilespmem:s10+$0x100] =	vst v2;
	v2 =	vld.idx.msk [tilespmem:v5+s4+$0x0], $0xffff  }
0xff: {  	[tilespmem:s10+$0x0] =	vst v8;
	v7 =	vld [tilespmem:s23+$0xFFFFFF90]  }
0x100: {  	v8 =	vld [tilespmem:s23+$0xFFFFFF10];
	[tilespmem:s30+$0x140] =	vst v1  }
0x101: {  	v1 =	vld [tilespmem:s23+$0x10]  }
0x102: {  	v9 =	vld [tilespmem:s9+$0x50]  }
0x103: {  	v10 =	vld.idx.msk [tilespmem:v3+s4+$0x0], $0xffff  }
0x104: {  	v11 =	vld.idx.msk [tilespmem:v4+s4+$0x0], $0xffff;
	[tilespmem:s30+$0xFFFFF1D0] =	vst v2  }
0x105: {  	v2 =	vld.idx.msk [tilespmem:v5+s25+$0x0], $0xffff  }
0x106: {  	v5 =	vld.idx.msk [tilespmem:v6+s4+$0x0], $0xffff  }
0x107: {  	v12 =	vld.idx.msk [tilespmem:v7+s4+$0x0], $0xffff  }
0x108: {  	v13 =	vld.idx.msk [tilespmem:v8+s4+$0x0], $0xffff  }
0x109: {  	v14 =	vld.idx.msk [tilespmem:v1+s4+$0x0], $0xffff;
	[tilespmem:s30+$0xFFFFF050] =	vst v10  }
0x10a: {  	[tilespmem:s10+$0xFFFFF190] =	vst v11;
	v10 =	vld.idx.msk [tilespmem:v9+s4+$0x0], $0xffff  }
0x10b: {  	v4 =	vld.idx.msk [tilespmem:v4+s25+$0x0], $0xffff;
	[tilespmem:s30+$0x1D0] =	vst v2  }
0x10c: {  	[tilespmem:s30+$0xFFFFF0D0] =	vst v5;
	v2 =	vld [tilespmem:s9+$0xE0]  }
0x10d: {  	[tilespmem:s10+$0xFFFFF090] =	vst v12;
	v3 =	vld.idx.msk [tilespmem:v3+s25+$0x0], $0xffff  }
0x10e: {  	[tilespmem:s10+$0xFFFFF010] =	vst v13;
	v5 =	vld.idx.msk [tilespmem:v7+s25+$0x0], $0xffff  }
0x10f: {  	v7 =	vld.idx.msk [tilespmem:v8+s25+$0x0], $0xffff;
	[tilespmem:s10+$0xFFFFF110] =	vst v14  }
0x110: {  	v1 =	vld.idx.msk [tilespmem:v1+s25+$0x0], $0xffff;
	[tilespmem:s30+$0xFFFFF150] =	vst v10  }
0x111: {  	[tilespmem:s10+$0x190] =	vst v4;
	v4 =	vld.idx.msk [tilespmem:v6+s25+$0x0], $0xffff  }
0x112: {  	v6 =	vld [tilespmem:s23+$0xA0]  }
0x113: {  	[tilespmem:s30+$0x50] =	vst v3;
	v3 =	vld.idx.msk [tilespmem:v9+s25+$0x0], $0xffff  }
0x114: {  	[tilespmem:s10+$0x90] =	vst v5;
	v5 =	vld.idx.msk [tilespmem:v2+s4+$0x0], $0xffff  }
0x115: {  	[tilespmem:s10+$0x10] =	vst v7;
	v7 =	vld [tilespmem:s23+$0xFFFFFFA0]  }
0x116: {  	v8 =	vld [tilespmem:s23+$0xFFFFFF20];
	[tilespmem:s10+$0x110] =	vst v1  }
0x117: {  	v1 =	vld [tilespmem:s23+$0x20];
	[tilespmem:s30+$0xD0] =	vst v4  }
0x118: {  	v4 =	vld [tilespmem:s9+$0xFFFFFF60]  }
0x119: {  	v9 =	vld [tilespmem:s9+$0xFFFFFFE0];
	[tilespmem:s30+$0x150] =	vst v3  }
0x11a: {  	v3 =	vld.idx.msk [tilespmem:v6+s4+$0x0], $0xffff;
	[tilespmem:s30+$0xFFFFF1E0] =	vst v5  }
0x11b: {  	v2 =	vld.idx.msk [tilespmem:v2+s25+$0x0], $0xffff  }
0x11c: {  	v5 =	vld [tilespmem:s9+$0x60]  }
0x11d: {  	v10 =	vld.idx.msk [tilespmem:v7+s4+$0x0], $0xffff  }
0x11e: {  	v11 =	vld.idx.msk [tilespmem:v8+s4+$0x0], $0xffff  }
0x11f: {  	v12 =	vld.idx.msk [tilespmem:v1+s4+$0x0], $0xffff  }
0x120: {  	[tilespmem:s10+$0xFFFFF1A0] =	vst v3;
	v3 =	vld.idx.msk [tilespmem:v4+s4+$0x0], $0xffff  }
0x121: {  	v6 =	vld.idx.msk [tilespmem:v6+s25+$0x0], $0xffff;
	[tilespmem:s30+$0x1E0] =	vst v2  }
0x122: {  	v2 =	vld [tilespmem:s9+$0xF0]  }
0x123: {  	[tilespmem:s10+$0xFFFFF0A0] =	vst v10;
	v10 =	vld.idx.msk [tilespmem:v9+s4+$0x0], $0xffff  }
0x124: {  	[tilespmem:s10+$0xFFFFF020] =	vst v11;
	v7 =	vld.idx.msk [tilespmem:v7+s25+$0x0], $0xffff  }
0x125: {  	v8 =	vld.idx.msk [tilespmem:v8+s25+$0x0], $0xffff;
	[tilespmem:s10+$0xFFFFF120] =	vst v12  }
0x126: {  	v1 =	vld.idx.msk [tilespmem:v1+s25+$0x0], $0xffff;
	[tilespmem:s30+$0xFFFFF060] =	vst v3  }
0x127: {  	v3 =	vld.idx.msk [tilespmem:v5+s4+$0x0], $0xffff  }
0x128: {  	[tilespmem:s10+$0x1A0] =	vst v6;
	v4 =	vld.idx.msk [tilespmem:v4+s25+$0x0], $0xffff  }
0x129: {  	v6 =	vld [tilespmem:s23+$0xB0];
	[tilespmem:s30+$0xFFFFF0E0] =	vst v10  }
0x12a: {  	[tilespmem:s10+$0xA0] =	vst v7;
	v7 =	vld.idx.msk [tilespmem:v2+s4+$0x0], $0xffff  }
0x12b: {  	[tilespmem:s10+$0x20] =	vst v8;
	v8 =	vld [tilespmem:s23+$0xFFFFFFB0]  }
0x12c: {  	v10 =	vld [tilespmem:s23+$0xFFFFFF30];
	[tilespmem:s10+$0x120] =	vst v1  }
0x12d: {  	v1 =	vld [tilespmem:s23+$0x30];
	[tilespmem:s30+$0xFFFFF160] =	vst v3  }
0x12e: {  	[tilespmem:s30+$0x60] =	vst v4;
	v3 =	vld.idx.msk [tilespmem:v9+s25+$0x0], $0xffff  }
0x12f: {  	v4 =	vld.idx.msk [tilespmem:v5+s25+$0x0], $0xffff  }
0x130: {  	v9 =	vld [tilespmem:s9+$0xFFFFFF70];
	[tilespmem:s30+$0xFFFFF1F0] =	vst v7  }
0x131: {  	v2 =	vld.idx.msk [tilespmem:v2+s25+$0x0], $0xffff  }
0x132: {  	v5 =	vld.idx.msk [tilespmem:v6+s4+$0x0], $0xffff  }
0x133: {  	v7 =	vld.idx.msk [tilespmem:v8+s4+$0x0], $0xffff  }
0x134: {  	v11 =	vld.idx.msk [tilespmem:v10+s4+$0x0], $0xffff;
	[tilespmem:s30+$0xE0] =	vst v3  }
0x135: {  	v3 =	vld.idx.msk [tilespmem:v1+s4+$0x0], $0xffff;
	[tilespmem:s30+$0x160] =	vst v4  }
0x136: {  	v12 =	vld [tilespmem:s9+$0xFFFFFFF0]  }
0x137: {  	v4 =	vld [tilespmem:s9+$0x70];
	[tilespmem:s30+$0x1F0] =	vst v2;
	s9 =	smov.u32 s23  }
0x138: {  	[tilespmem:s10+$0xFFFFF1B0] =	vst v5;
	v2 =	vld.idx.msk [tilespmem:v9+s4+$0x0], $0xffff  }
0x139: {  	[tilespmem:s10+$0xFFFFF0B0] =	vst v7;
	v5 =	vld.idx.msk [tilespmem:v6+s25+$0x0], $0xffff  }
0x13a: {  	[tilespmem:s10+$0xFFFFF030] =	vst v11;
	v6 =	vld.idx.msk [tilespmem:v8+s25+$0x0], $0xffff  }
0x13b: {  	v7 =	vld.idx.msk [tilespmem:v10+s25+$0x0], $0xffff;
	[tilespmem:s10+$0xFFFFF130] =	vst v3  }
0x13c: {  	v1 =	vld.idx.msk [tilespmem:v1+s25+$0x0], $0xffff  }
0x13d: {  	v8 =	vld.idx.msk [tilespmem:v0+s25+$0x0], $0xffff;
	v0 =	vmov v4  }
0x13e: {  	[tilespmem:s30+$0xFFFFF070] =	vst v2;
	v10 =	vld.idx.msk [tilespmem:v12+s4+$0x0], $0xffff  }
0x13f: {  	[tilespmem:s10+$0x1B0] =	vst v5;
	v11 =	vld.idx.msk [tilespmem:v4+s4+$0x0], $0xffff  }
0x140: {  	[tilespmem:s10+$0xB0] =	vst v6;
	v5 =	vld [tilespmem:s23+$0xC0]  }
.Ltmp0:
0x141: {  	[tilespmem:s10+$0x30] =	vst v7;
	v4 =	vld [tilespmem:s23+$0xFFFFFFC0];
	(pc) =	sbr.rel @p1 .LBB2_3-.Ltmp0, $4  }
0x142: {  	v6 =	vld [tilespmem:s23+$0xFFFFFF40];
	[tilespmem:s10+$0x130] =	vst v1  }
0x143: {  	v3 =	vld [tilespmem:s23+$0x40];
	[tilespmem:s24+$0x170] =	vst v8;
	s24 =	smov.u32 s30;
	s30 =	smov.u32 s10  }
0x144: {  	v2 =	vld.idx.msk [tilespmem:v9+s25+$0x0], $0xffff;
	[tilespmem:s24+$0xFFFFF0F0] =	vst v10  }
0x145: {  	s23 =	sadd.s32 $0x200, s23;
	v1 =	vld.idx.msk [tilespmem:v12+s25+$0x0], $0xffff;
	[tilespmem:s24+$0xFFFFF170] =	vst v11  }
0x146: {  	_ =	sdelay $0x3  }
0x147: {  	v7 =	vld.idx.msk [tilespmem:v5+s4+$0x0], $0xffff  }
0x148: {  	v8 =	vld.idx.msk [tilespmem:v6+s4+$0x0], $0xffff  }
0x149: {  	v9 =	vld.idx.msk [tilespmem:v4+s4+$0x0], $0xffff  }
0x14a: {  	v10 =	vld.idx.msk [tilespmem:v3+s4+$0x0], $0xffff;
	_ =	sdelay $0x1  }
0x14b: {  	[tilespmem:s10+$0xFFFFF1C0] =	vst v7  }
0x14c: {  	v5 =	vld.idx.msk [tilespmem:v5+s25+$0x0], $0xffff;
	[tilespmem:s10+$0xFFFFF040] =	vst v8  }
0x14d: {  	[tilespmem:s10+$0xFFFFF0C0] =	vst v9;
	v6 =	vld.idx.msk [tilespmem:v6+s25+$0x0], $0xffff  }
0x14e: {  	v4 =	vld.idx.msk [tilespmem:v4+s25+$0x0], $0xffff;
	[tilespmem:s30+$0xFFFFF140] =	vst v10  }
0x14f: {  	v3 =	vld.idx.msk [tilespmem:v3+s25+$0x0], $0xffff;
	_ =	sdelay $0x1  }
0x150: {  	[tilespmem:s30+$0x1C0] =	vst v5  }
0x151: {  	v5 =	vld [tilespmem:s9+$0xD0];
	[tilespmem:s30+$0x40] =	vst v6  }
0x152: {  	[tilespmem:s30+$0xC0] =	vst v4;
	v4 =	vld [tilespmem:s9+$0xFFFFFF50]  }
0x153: {  	v6 =	vld [tilespmem:s9+$0xFFFFFFD0];
	[tilespmem:s30+$0x140] =	vst v3  }
0x154: {  	v3 =	vld [tilespmem:s9+$0x50];
	_ =	sdelay $0x4  }
0x155: {  	v7 =	vld.idx.msk [tilespmem:v5+s4+$0x0], $0xffff  }
0x156: {  	v8 =	vld.idx.msk [tilespmem:v4+s4+$0x0], $0xffff  }
0x157: {  	v9 =	vld.idx.msk [tilespmem:v6+s4+$0x0], $0xffff  }
0x158: {  	v10 =	vld.idx.msk [tilespmem:v3+s4+$0x0], $0xffff;
	_ =	sdelay $0x1  }
0x159: {  	[tilespmem:s30+$0xFFFFF1D0] =	vst v7  }
0x15a: {  	v5 =	vld.idx.msk [tilespmem:v5+s25+$0x0], $0xffff;
	[tilespmem:s30+$0xFFFFF050] =	vst v8  }
0x15b: {  	[tilespmem:s30+$0xFFFFF0D0] =	vst v9;
	v4 =	vld.idx.msk [tilespmem:v4+s25+$0x0], $0xffff  }
0x15c: {  	v6 =	vld.idx.msk [tilespmem:v6+s25+$0x0], $0xffff;
	[tilespmem:s30+$0xFFFFF150] =	vst v10  }
0x15d: {  	v3 =	vld.idx.msk [tilespmem:v3+s25+$0x0], $0xffff;
	_ =	sdelay $0x1  }
0x15e: {  	[tilespmem:s30+$0x1D0] =	vst v5  }
0x15f: {  	v5 =	vld [tilespmem:s9+$0xE0];
	[tilespmem:s30+$0x50] =	vst v4  }
0x160: {  	[tilespmem:s30+$0xD0] =	vst v6;
	v4 =	vld [tilespmem:s9+$0xFFFFFF60]  }
0x161: {  	v6 =	vld [tilespmem:s9+$0xFFFFFFE0];
	[tilespmem:s30+$0x150] =	vst v3  }
0x162: {  	v3 =	vld [tilespmem:s9+$0x60];
	_ =	sdelay $0x4  }
0x163: {  	v7 =	vld.idx.msk [tilespmem:v5+s4+$0x0], $0xffff  }
0x164: {  	v8 =	vld.idx.msk [tilespmem:v4+s4+$0x0], $0xffff  }
0x165: {  	v9 =	vld.idx.msk [tilespmem:v6+s4+$0x0], $0xffff  }
0x166: {  	v10 =	vld.idx.msk [tilespmem:v3+s4+$0x0], $0xffff;
	_ =	sdelay $0x1  }
0x167: {  	[tilespmem:s30+$0xFFFFF1E0] =	vst v7  }
0x168: {  	v5 =	vld.idx.msk [tilespmem:v5+s25+$0x0], $0xffff;
	[tilespmem:s30+$0xFFFFF060] =	vst v8  }
0x169: {  	[tilespmem:s30+$0xFFFFF0E0] =	vst v9;
	v4 =	vld.idx.msk [tilespmem:v4+s25+$0x0], $0xffff  }
0x16a: {  	v6 =	vld.idx.msk [tilespmem:v6+s25+$0x0], $0xffff;
	[tilespmem:s30+$0xFFFFF160] =	vst v10  }
0x16b: {  	v3 =	vld.idx.msk [tilespmem:v3+s25+$0x0], $0xffff;
	_ =	sdelay $0x1  }
0x16c: {  	[tilespmem:s30+$0x1E0] =	vst v5  }
0x16d: {  	v5 =	vld [tilespmem:s9+$0xF0];
	[tilespmem:s30+$0x60] =	vst v4  }
0x16e: {  	[tilespmem:s30+$0xE0] =	vst v6;
	v4 =	vld [tilespmem:s9+$0xFFFFFF70]  }
0x16f: {  	[tilespmem:s30+$0x160] =	vst v3;
	v3 =	vld [tilespmem:s9+$0xFFFFFFF0]  }
0x170: {  	v6 =	vld [tilespmem:s9+$0x70];
	_ =	sdelay $0x4  }
0x171: {  	v7 =	vld.idx.msk [tilespmem:v5+s4+$0x0], $0xffff  }
0x172: {  	v8 =	vld.idx.msk [tilespmem:v4+s4+$0x0], $0xffff  }
0x173: {  	v9 =	vld.idx.msk [tilespmem:v3+s4+$0x0], $0xffff  }
0x174: {  	v10 =	vld.idx.msk [tilespmem:v6+s4+$0x0], $0xffff  }
0x175: {  	[tilespmem:s24+$0x70] =	vst v2  }
0x176: {  	v0 =	vld.idx.msk [tilespmem:v0+s25+$0x0], $0xffff;
	[tilespmem:s30+$0xFFFFF1F0] =	vst v7  }
0x177: {  	v2 =	vld.idx.msk [tilespmem:v5+s25+$0x0], $0xffff;
	[tilespmem:s30+$0xFFFFF070] =	vst v8  }
0x178: {  	[tilespmem:s30+$0xFFFFF0F0] =	vst v9;
	v4 =	vld.idx.msk [tilespmem:v4+s25+$0x0], $0xffff  }
0x179: {  	v3 =	vld.idx.msk [tilespmem:v3+s25+$0x0], $0xffff;
	[tilespmem:s30+$0xFFFFF170] =	vst v10  }
0x17a: {  	[tilespmem:s24+$0xF0] =	vst v1;
	v1 =	vld.idx.msk [tilespmem:v6+s25+$0x0], $0xffff  }
0x17b: {  	s23 =	sshll.u32 s16, $0x7;
	[tilespmem:s24+$0x170] =	vst v0  }
0x17c: {  	s24 =	sshll.u32 s15, $0xF;
	s9 =	sand.u32 $0x200, s23;
	[tilespmem:s30+$0x1F0] =	vst v2  }
0x17d: {  	s9 =	sor.u32 s9, s24;
	[tilespmem:s30+$0x70] =	vst v4  }
0x17e: {  	s9 =	sshrl.u32 s9, $0x3;
	[tilespmem:s30+$0xF0] =	vst v3  }
0x17f: {  	s31 =	simm.s32 $0x10000;
	s11 =	sshll.u32 s11, $0x7;
	s9 =	sadd.s32 s3, s9;
	[tilespmem:s30+$0x170] =	vst v1  }
0x180: {  	[hbm4b:s9+s21] =	stream.strided.scatter [tilespmem:s31], [sflag:$0x5], $0x1000, s22, s21, $0x38;
	[tilespmem:$0x16800] =	vst v63  }
0x181: {  	s12 =	sshll.u32 s12, $0xF;
	s9 =	sand.u32 $0x280, s11  }
0x182: {  	s9 =	sor.u32 s9, s12  }
0x183: {  	s9 =	sshrl.u32 s9, $0x3  }
0x184: {  	p1 =	seq.s32 s17, $0x7;
	s15 =	simm.s32 $0x11000;
	s9 =	sadd.s32 s3, s9  }
0x185: {  	[hbm4b:s9+s21] =	stream.strided.scatter [tilespmem:s15], [sflag:$0x6], $0x1000, s22, s21, $0x38;
	[tilespmem:$0x16800] =	vst v63  }
0x186: {  	s10 =	simm.s32 @p1 $0x400;
	s11 =	simm.s32 @p1 $0x0;
	s9 =	simm.s32 @p1 $0x80  }
0x187: {  	[tilespmem:s11], [sflag:$0x1] =	stream.strided.gather @p1 [hbm4b:s13+s9], $0x4000, s10, s9, $0x38;
	[tilespmem:$0x16800] =	vst v63  }
0x188: {  	s9 =	sadd.s32 @!p1 $0x4, s18  }
0x189: {  	s10 =	sshra.s32 @!p1 s9, $0x1F  }
0x18a: {  	s10 =	sshrl.u32 @!p1 s10, $0x1D  }
0x18b: {  	s10 =	sadd.s32 @!p1 s10, s9  }
0x18c: {  	s11 =	sand.u32 @!p1 $0xFFFFFFF8, s10  }
0x18d: {  	p2 =	slt.s32 @!p1 s18, $0xFFFFFFFD;
	p3 =	sne.s32 @!p1 s9, s11  }
0x18e: {  	p2 =	por @!p1 !p2, !p3  }
0x18f: {  	p2 =	por @!p1 !p2, !p2  }
0x190: {  	s9 =	simm.s32 @!p1 $0x1;
	p2 =	por !p2, p1  }
0x191: {  	s10 =	sshrl.u32 @!p1 s10, $0x3;
	s11 =	sshll.u32 @!p1 s18, $0x7;
	s9 =	simm.s32 @p2 $0x0  }
0x192: {  	s9 =	ssub.s32 @!p1 s10, s9;
	s10 =	sadd.s32 @!p1 $0x600, s11  }
0x193: {  	s9 =	sshll.u32 @!p1 s9, $0x11;
	s10 =	sand.u32 @!p1 $0x200, s10  }
0x194: {  	s9 =	sor.u32 @!p1 s10, s9  }
0x195: {  	s12 =	simm.s32 @!p1 $0x0;
	s9 =	sshrl.u32 @!p1 s9, $0x3  }
0x196: {  	s11 =	simm.s32 @!p1 $0x400;
	s10 =	simm.s32 @!p1 $0x80;
	s9 =	sadd.s32 @!p1 s1, s9  }
0x197: {  	[tilespmem:s12], [sflag:$0x1] =	stream.strided.gather @!p1 [hbm4b:s9+s10], $0x4000, s11, s10, $0x38;
	[tilespmem:$0x16800] =	vst v63  }
0x198: {  	s9 =	sadd.s32 @!p1 $0x5, s18  }
0x199: {  	s10 =	sshra.s32 @!p1 s9, $0x1F  }
0x19a: {  	s11 =	sshrl.u32 @!p1 s10, $0x1D  }
0x19b: {  	s11 =	sadd.s32 @!p1 s11, s9  }
0x19c: {  	s11 =	sshrl.u32 @!p1 s11, $0x3  }
0x19d: {  	s9 =	sshll.u32 @!p1 s9, $0x7;
	s10 =	sadd.s32 @!p1 s10, s11  }
0x19e: {  	s9 =	sand.u32 @!p1 $0x280, s9;
	s10 =	sshll.u32 @!p1 s10, $0x11  }
0x19f: {  	s9 =	sor.u32 @!p1 s9, s10  }
0x1a0: {  	s9 =	sshrl.u32 @!p1 s9, $0x3  }
0x1a1: {  	s9 =	sadd.s32 @!p1 s1, s9  }
0x1a2: {  	s9 =	smov.u32 @p1 s14  }
0x1a3: {  	[tilespmem:s25], [sflag:$0x2] =	stream.strided.gather [hbm4b:s9+s21], $0x4000, s22, s21, $0x38;
	[tilespmem:$0x16800] =	vst v63  }
0x1a4: {  	_ =	swait.ge [sflag:s2], $0x4000  }
0x1a5: {  	[sflag:s2] =	ssyncset.done $0x0  }
0x1a6: {  	[sflag:s2] =	ssyncadd.s32 $0xFFFFC000  }
0x1a7: {  	_ =	swait.ge [sflag:s0], $0x4000  }
0x1a8: {  	[sflag:s0] =	ssyncset.done $0x0  }
0x1a9: {  	s9 =	simm.s32 @!p0 $0x7;
	[sflag:s0] =	ssyncadd.s32 $0xFFFFC000  }
0x1aa: {  	_ =	swait.ge @!p0 [sflag:s9], $0x1000  }
0x1ab: {  	[sflag:s9] =	ssyncset.done @!p0 $0x0  }
0x1ac: {  	[sflag:s9] =	ssyncadd.s32 @!p0 $0xFFFFF000;
	s9 =	simm.s32 @!p0 $0x8  }
0x1ad: {  	_ =	swait.ge @!p0 [sflag:s9], $0x1000  }
0x1ae: {  	[sflag:s9] =	ssyncset.done @!p0 $0x0  }
0x1af: {  	s16 =	simm.s32 $0x14100;
	[sflag:s9] =	ssyncadd.s32 @!p0 $0xFFFFF000  }
0x1b0: {  	v0 =	vld [tilespmem:s16+$0x80];
	_ =	sdelay $0x1  }
0x1b1: {  	v1 =	vld [tilespmem:s16+$0xFFFFFF00]  }
0x1b2: {  	v2 =	vld [tilespmem:s16+$0xFFFFFF80];
	_ =	sdelay $0x1  }
0x1b3: {  	v3 =	vld [tilespmem:s16+$0x0];
	_ =	sdelay $0x2  }
0x1b4: {  	v4 =	vld.idx.msk [tilespmem:v0+s26+$0x0], $0xffff;
	_ =	sdelay $0x1  }
0x1b5: {  	v5 =	vld.idx.msk [tilespmem:v1+s26+$0x0], $0xffff  }
0x1b6: {  	v6 =	vld.idx.msk [tilespmem:v2+s26+$0x0], $0xffff  }
0x1b7: {  	s24 =	simm.s32 $0x131F0  }
0x1b8: {  	v7 =	vld.idx.msk [tilespmem:v3+s26+$0x0], $0xffff;
	[tilespmem:s24+$0xFFFFEF90] =	vst v4  }
0x1b9: {  	v0 =	vld.idx.msk [tilespmem:v0+s28+$0x0], $0xffff  }
0x1ba: {  	[tilespmem:s24+$0xFFFFEE10] =	vst v5  }
0x1bb: {  	[tilespmem:s24+$0xFFFFEE90] =	vst v6;
	v1 =	vld.idx.msk [tilespmem:v1+s28+$0x0], $0xffff  }
0x1bc: {  	v2 =	vld.idx.msk [tilespmem:v2+s28+$0x0], $0xffff  }
0x1bd: {  	[tilespmem:s24+$0xFFFFEF10] =	vst v7  }
0x1be: {  	v3 =	vld.idx.msk [tilespmem:v3+s28+$0x0], $0xffff;
	[tilespmem:s24+$0xFFFFFF90] =	vst v0  }
0x1bf: {  	v0 =	vld [tilespmem:s16+$0x90]  }
0x1c0: {  	[tilespmem:s24+$0xFFFFFE10] =	vst v1  }
0x1c1: {  	[tilespmem:s24+$0xFFFFFE90] =	vst v2;
	v1 =	vld [tilespmem:s16+$0xFFFFFF10]  }
0x1c2: {  	v2 =	vld [tilespmem:s16+$0xFFFFFF90]  }
0x1c3: {  	[tilespmem:s24+$0xFFFFFF10] =	vst v3  }
0x1c4: {  	v3 =	vld [tilespmem:s16+$0x10];
	_ =	sdelay $0x2  }
0x1c5: {  	v4 =	vld.idx.msk [tilespmem:v0+s26+$0x0], $0xffff;
	_ =	sdelay $0x1  }
0x1c6: {  	v5 =	vld.idx.msk [tilespmem:v1+s26+$0x0], $0xffff  }
0x1c7: {  	v6 =	vld.idx.msk [tilespmem:v2+s26+$0x0], $0xffff;
	_ =	sdelay $0x1  }
0x1c8: {  	v7 =	vld.idx.msk [tilespmem:v3+s26+$0x0], $0xffff;
	[tilespmem:s24+$0xFFFFEFA0] =	vst v4  }
0x1c9: {  	v0 =	vld.idx.msk [tilespmem:v0+s28+$0x0], $0xffff  }
0x1ca: {  	[tilespmem:s24+$0xFFFFEE20] =	vst v5  }
0x1cb: {  	[tilespmem:s24+$0xFFFFEEA0] =	vst v6;
	v1 =	vld.idx.msk [tilespmem:v1+s28+$0x0], $0xffff  }
0x1cc: {  	v2 =	vld.idx.msk [tilespmem:v2+s28+$0x0], $0xffff  }
0x1cd: {  	[tilespmem:s24+$0xFFFFEF20] =	vst v7  }
0x1ce: {  	v3 =	vld.idx.msk [tilespmem:v3+s28+$0x0], $0xffff;
	[tilespmem:s24+$0xFFFFFFA0] =	vst v0  }
0x1cf: {  	v0 =	vld [tilespmem:s16+$0xA0]  }
0x1d0: {  	[tilespmem:s24+$0xFFFFFE20] =	vst v1  }
0x1d1: {  	[tilespmem:s24+$0xFFFFFEA0] =	vst v2;
	v1 =	vld [tilespmem:s16+$0xFFFFFF20]  }
0x1d2: {  	v2 =	vld [tilespmem:s16+$0xFFFFFFA0]  }
0x1d3: {  	[tilespmem:s24+$0xFFFFFF20] =	vst v3  }
0x1d4: {  	v3 =	vld [tilespmem:s16+$0x20];
	_ =	sdelay $0x2  }
0x1d5: {  	v4 =	vld.idx.msk [tilespmem:v0+s26+$0x0], $0xffff;
	_ =	sdelay $0x1  }
0x1d6: {  	v5 =	vld.idx.msk [tilespmem:v1+s26+$0x0], $0xffff  }
0x1d7: {  	v6 =	vld.idx.msk [tilespmem:v2+s26+$0x0], $0xffff;
	_ =	sdelay $0x1  }
0x1d8: {  	v7 =	vld.idx.msk [tilespmem:v3+s26+$0x0], $0xffff;
	[tilespmem:s24+$0xFFFFEFB0] =	vst v4  }
0x1d9: {  	v0 =	vld.idx.msk [tilespmem:v0+s28+$0x0], $0xffff  }
0x1da: {  	[tilespmem:s24+$0xFFFFEE30] =	vst v5  }
0x1db: {  	[tilespmem:s24+$0xFFFFEEB0] =	vst v6;
	v1 =	vld.idx.msk [tilespmem:v1+s28+$0x0], $0xffff  }
0x1dc: {  	v2 =	vld.idx.msk [tilespmem:v2+s28+$0x0], $0xffff  }
0x1dd: {  	[tilespmem:s24+$0xFFFFEF30] =	vst v7  }
0x1de: {  	v3 =	vld.idx.msk [tilespmem:v3+s28+$0x0], $0xffff;
	[tilespmem:s24+$0xFFFFFFB0] =	vst v0  }
0x1df: {  	v0 =	vld [tilespmem:s16+$0xB0]  }
0x1e0: {  	[tilespmem:s24+$0xFFFFFE30] =	vst v1  }
0x1e1: {  	[tilespmem:s24+$0xFFFFFEB0] =	vst v2;
	v1 =	vld [tilespmem:s16+$0xFFFFFF30]  }
0x1e2: {  	v2 =	vld [tilespmem:s16+$0xFFFFFFB0]  }
0x1e3: {  	[tilespmem:s24+$0xFFFFFF30] =	vst v3  }
0x1e4: {  	v3 =	vld [tilespmem:s16+$0x30];
	_ =	sdelay $0x2  }
0x1e5: {  	v4 =	vld.idx.msk [tilespmem:v0+s26+$0x0], $0xffff;
	_ =	sdelay $0x1  }
0x1e6: {  	v5 =	vld.idx.msk [tilespmem:v1+s26+$0x0], $0xffff  }
0x1e7: {  	v6 =	vld.idx.msk [tilespmem:v2+s26+$0x0], $0xffff;
	_ =	sdelay $0x1  }
0x1e8: {  	v7 =	vld.idx.msk [tilespmem:v3+s26+$0x0], $0xffff;
	[tilespmem:s24+$0xFFFFEFC0] =	vst v4  }
0x1e9: {  	s9 =	simm.s32 $0x14300;
	v0 =	vld.idx.msk [tilespmem:v0+s28+$0x0], $0xffff  }
0x1ea: {  	v8 =	vld [tilespmem:s9+$0xFFFFFF00];
	[tilespmem:s24+$0xFFFFEE40] =	vst v5  }
0x1eb: {  	[tilespmem:s24+$0xFFFFEEC0] =	vst v6;
	v1 =	vld.idx.msk [tilespmem:v1+s28+$0x0], $0xffff  }
0x1ec: {  	v2 =	vld.idx.msk [tilespmem:v2+s28+$0x0], $0xffff  }
0x1ed: {  	[tilespmem:s24+$0xFFFFEF40] =	vst v7;
	v4 =	vld [tilespmem:s9+$0x80]  }
0x1ee: {  	v3 =	vld.idx.msk [tilespmem:v3+s28+$0x0], $0xffff;
	[tilespmem:s24+$0xFFFFFFC0] =	vst v0  }
0x1ef: {  	v0 =	vld [tilespmem:s16+$0xC0]  }
0x1f0: {  	v7 =	vld [tilespmem:s9+$0x0];
	[tilespmem:s24+$0xFFFFFE40] =	vst v1  }
0x1f1: {  	[tilespmem:s24+$0xFFFFFEC0] =	vst v2;
	v1 =	vld [tilespmem:s16+$0xFFFFFF40]  }
0x1f2: {  	v2 =	vld [tilespmem:s16+$0xFFFFFFC0]  }
0x1f3: {  	v5 =	vld [tilespmem:s9+$0xFFFFFF80];
	[tilespmem:s24+$0xFFFFFF40] =	vst v3  }
0x1f4: {  	v3 =	vld [tilespmem:s16+$0x40]  }
0x1f5: {  	v12 =	vld.idx.msk [tilespmem:v4+s26+$0x0], $0xffff  }
0x1f6: {  	v48 =	vld.idx.msk [tilespmem:v8+s26+$0x0], $0xffff  }
0x1f7: {  	v6 =	vld.idx.msk [tilespmem:v0+s26+$0x0], $0xffff  }
0x1f8: {  	v13 =	vld.idx.msk [tilespmem:v7+s26+$0x0], $0xffff  }
0x1f9: {  	s10 =	simm.s32 $0x133F0;
	v46 =	vld.idx.msk [tilespmem:v1+s26+$0x0], $0xffff  }
0x1fa: {  	[tilespmem:s10+$0xFFFFEF90] =	vst v12;
	v47 =	vld.idx.msk [tilespmem:v2+s26+$0x0], $0xffff  }
0x1fb: {  	v4 =	vld.idx.msk [tilespmem:v4+s28+$0x0], $0xffff  }
0x1fc: {  	[tilespmem:s24+$0xFFFFEFD0] =	vst v6;
	v6 =	vld.idx.msk [tilespmem:v5+s26+$0x0], $0xffff  }
0x1fd: {  	[tilespmem:s10+$0xFFFFEE10] =	vst v48;
	v11 =	vld.idx.msk [tilespmem:v3+s26+$0x0], $0xffff  }
0x1fe: {  	[tilespmem:s24+$0xFFFFEE50] =	vst v46;
	v0 =	vld.idx.msk [tilespmem:v0+s28+$0x0], $0xffff  }
0x1ff: {  	[tilespmem:s24+$0xFFFFEED0] =	vst v47;
	v1 =	vld.idx.msk [tilespmem:v1+s28+$0x0], $0xffff  }
0x200: {  	[tilespmem:s10+$0xFFFFEF10] =	vst v13;
	v2 =	vld.idx.msk [tilespmem:v2+s28+$0x0], $0xffff  }
0x201: {  	[tilespmem:s10+$0xFFFFEE90] =	vst v6;
	v6 =	vld.idx.msk [tilespmem:v7+s28+$0x0], $0xffff  }
0x202: {  	[tilespmem:s24+$0xFFFFEF50] =	vst v11;
	v7 =	vld.idx.msk [tilespmem:v8+s28+$0x0], $0xffff  }
0x203: {  	[tilespmem:s24+$0xFFFFFFD0] =	vst v0;
	v5 =	vld.idx.msk [tilespmem:v5+s28+$0x0], $0xffff  }
0x204: {  	[tilespmem:s24+$0xFFFFFE50] =	vst v1;
	v1 =	vld.idx.msk [tilespmem:v3+s28+$0x0], $0xffff  }
0x205: {  	[tilespmem:s10+$0xFFFFFF90] =	vst v4;
	v0 =	vld [tilespmem:s16+$0xD0]  }
0x206: {  	[tilespmem:s24+$0xFFFFFED0] =	vst v2;
	v2 =	vld [tilespmem:s9+$0x90]  }
0x207: {  	v3 =	vld [tilespmem:s16+$0xFFFFFF50];
	[tilespmem:s10+$0xFFFFFE10] =	vst v7  }
0x208: {  	[tilespmem:s10+$0xFFFFFF10] =	vst v6;
	v6 =	vld [tilespmem:s9+$0xFFFFFF10]  }
0x209: {  	[tilespmem:s24+$0xFFFFFF50] =	vst v1;
	v1 =	vld [tilespmem:s9+$0x10]  }
0x20a: {  	v4 =	vld [tilespmem:s16+$0xFFFFFFD0];
	[tilespmem:s10+$0xFFFFFE90] =	vst v5  }
0x20b: {  	v7 =	vld [tilespmem:s9+$0xFFFFFF90]  }
0x20c: {  	v8 =	vld [tilespmem:s16+$0x50]  }
0x20d: {  	v5 =	vld.idx.msk [tilespmem:v0+s26+$0x0], $0xffff  }
0x20e: {  	v50 =	vld.idx.msk [tilespmem:v2+s26+$0x0], $0xffff  }
0x20f: {  	v49 =	vld.idx.msk [tilespmem:v3+s26+$0x0], $0xffff  }
0x210: {  	v52 =	vld.idx.msk [tilespmem:v6+s26+$0x0], $0xffff  }
0x211: {  	v13 =	vld.idx.msk [tilespmem:v1+s26+$0x0], $0xffff  }
0x212: {  	[tilespmem:s24+$0xFFFFEFE0] =	vst v5;
	v5 =	vld.idx.msk [tilespmem:v4+s26+$0x0], $0xffff  }
0x213: {  	v51 =	vld.idx.msk [tilespmem:v7+s26+$0x0], $0xffff  }
0x214: {  	[tilespmem:s10+$0xFFFFEFA0] =	vst v50;
	v53 =	vld.idx.msk [tilespmem:v8+s26+$0x0], $0xffff  }
0x215: {  	v2 =	vld.idx.msk [tilespmem:v2+s28+$0x0], $0xffff;
	[tilespmem:s24+$0xFFFFEE60] =	vst v49  }
0x216: {  	v0 =	vld.idx.msk [tilespmem:v0+s28+$0x0], $0xffff;
	[tilespmem:s10+$0xFFFFEE20] =	vst v52  }
0x217: {  	v3 =	vld.idx.msk [tilespmem:v3+s28+$0x0], $0xffff;
	[tilespmem:s10+$0xFFFFEF20] =	vst v13  }
0x218: {  	[tilespmem:s10+$0xFFFFEEA0] =	vst v51;
	v6 =	vld.idx.msk [tilespmem:v6+s28+$0x0], $0xffff  }
0x219: {  	[tilespmem:s24+$0xFFFFEEE0] =	vst v5;
	v1 =	vld.idx.msk [tilespmem:v1+s28+$0x0], $0xffff  }
0x21a: {  	[tilespmem:s10+$0xFFFFFFA0] =	vst v2;
	v7 =	vld.idx.msk [tilespmem:v7+s28+$0x0], $0xffff  }
0x21b: {  	[tilespmem:s24+$0xFFFFFFE0] =	vst v0;
	v2 =	vld.idx.msk [tilespmem:v4+s28+$0x0], $0xffff  }
0x21c: {  	v0 =	vld [tilespmem:s16+$0xE0]  }
0x21d: {  	[tilespmem:s24+$0xFFFFEF60] =	vst v53;
	v4 =	vld [tilespmem:s9+$0xA0]  }
0x21e: {  	v5 =	vld.idx.msk [tilespmem:v8+s28+$0x0], $0xffff;
	[tilespmem:s10+$0xFFFFFE20] =	vst v6  }
0x21f: {  	[tilespmem:s10+$0xFFFFFF20] =	vst v1;
	v8 =	vld [tilespmem:s9+$0xFFFFFF20]  }
0x220: {  	[tilespmem:s10+$0xFFFFFEA0] =	vst v7;
	v1 =	vld [tilespmem:s9+$0x20]  }
0x221: {  	v6 =	vld [tilespmem:s9+$0xFFFFFFA0]  }
0x222: {  	[tilespmem:s24+$0xFFFFFE60] =	vst v3  }
0x223: {  	[tilespmem:s24+$0xFFFFFEE0] =	vst v2;
	v2 =	vld [tilespmem:s16+$0xFFFFFF60]  }
0x224: {  	[tilespmem:s24+$0xFFFFFF60] =	vst v5;
	v7 =	vld.idx.msk [tilespmem:v0+s26+$0x0], $0xffff  }
0x225: {  	v5 =	vld [tilespmem:s16+$0x60]  }
0x226: {  	v54 =	vld.idx.msk [tilespmem:v4+s26+$0x0], $0xffff  }
0x227: {  	v55 =	vld.idx.msk [tilespmem:v8+s26+$0x0], $0xffff  }
0x228: {  	v56 =	vld.idx.msk [tilespmem:v1+s26+$0x0], $0xffff  }
0x229: {  	[tilespmem:s24+$0xFFFFEFF0] =	vst v7;
	v7 =	vld.idx.msk [tilespmem:v6+s26+$0x0], $0xffff  }
0x22a: {  	v3 =	vld [tilespmem:s16+$0xFFFFFFE0]  }
0x22b: {  	[tilespmem:s10+$0xFFFFEFB0] =	vst v54;
	v57 =	vld.idx.msk [tilespmem:v2+s26+$0x0], $0xffff  }
0x22c: {  	v4 =	vld.idx.msk [tilespmem:v4+s28+$0x0], $0xffff;
	[tilespmem:s10+$0xFFFFEE30] =	vst v55  }
0x22d: {  	v0 =	vld.idx.msk [tilespmem:v0+s28+$0x0], $0xffff;
	[tilespmem:s10+$0xFFFFEF30] =	vst v56  }
0x22e: {  	[tilespmem:s10+$0xFFFFEEB0] =	vst v7;
	v7 =	vld.idx.msk [tilespmem:v8+s28+$0x0], $0xffff  }
0x22f: {  	v1 =	vld.idx.msk [tilespmem:v1+s28+$0x0], $0xffff  }
0x230: {  	[tilespmem:s24+$0xFFFFEE70] =	vst v57;
	v8 =	vld.idx.msk [tilespmem:v5+s26+$0x0], $0xffff  }
0x231: {  	v2 =	vld.idx.msk [tilespmem:v2+s28+$0x0], $0xffff  }
0x232: {  	[tilespmem:s24+$0xFFFFFFF0] =	vst v0;
	v0 =	vld.idx.msk [tilespmem:v3+s26+$0x0], $0xffff  }
0x233: {  	[tilespmem:s10+$0xFFFFFFB0] =	vst v4;
	v6 =	vld.idx.msk [tilespmem:v6+s28+$0x0], $0xffff  }
0x234: {  	v4 =	vld [tilespmem:s9+$0xB0];
	[tilespmem:s10+$0xFFFFFE30] =	vst v7  }
0x235: {  	v58 =	vld [tilespmem:s16+$0xF0];
	[tilespmem:s10+$0xFFFFFF30] =	vst v1  }
0x236: {  	[tilespmem:s24+$0xFFFFEF70] =	vst v8;
	v7 =	vld [tilespmem:s9+$0xFFFFFF30]  }
0x237: {  	v1 =	vld [tilespmem:s9+$0x30];
	[tilespmem:s24+$0xFFFFEEF0] =	vst v0  }
0x238: {  	[tilespmem:s24+$0xFFFFFE70] =	vst v2;
	v3 =	vld.idx.msk [tilespmem:v3+s28+$0x0], $0xffff  }
0x239: {  	[tilespmem:s10+$0xFFFFFEB0] =	vst v6;
	v8 =	vld [tilespmem:s16+$0xFFFFFF70]  }
0x23a: {  	v6 =	vld [tilespmem:s9+$0xFFFFFFB0]  }
0x23b: {  	v2 =	vld.idx.msk [tilespmem:v5+s28+$0x0], $0xffff  }
0x23c: {  	v5 =	vld.idx.msk [tilespmem:v4+s26+$0x0], $0xffff  }
0x23d: {  	v0 =	vld.idx.msk [tilespmem:v58+s26+$0x0], $0xffff;
	[tilespmem:s24+$0xFFFFFEF0] =	vst v3  }
0x23e: {  	v60 =	vld [tilespmem:s16+$0xFFFFFFF0]  }
0x23f: {  	v10 =	vld.idx.msk [tilespmem:v7+s26+$0x0], $0xffff  }
0x240: {  	v3 =	vld.idx.msk [tilespmem:v1+s26+$0x0], $0xffff  }
0x241: {  	[tilespmem:s24+$0xFFFFFF70] =	vst v2;
	v61 =	vld.idx.msk [tilespmem:v8+s26+$0x0], $0xffff  }
0x242: {  	[tilespmem:s10+$0xFFFFEFC0] =	vst v5;
	v59 =	vld.idx.msk [tilespmem:v6+s26+$0x0], $0xffff  }
0x243: {  	[tilespmem:s24+$0xFFFFF000] =	vst v0;
	v0 =	vld [tilespmem:s16+$0x70]  }
0x244: {  	v4 =	vld.idx.msk [tilespmem:v4+s28+$0x0], $0xffff  }
0x245: {  	v2 =	vld.idx.msk [tilespmem:v58+s28+$0x0], $0xffff;
	[tilespmem:s10+$0xFFFFEE40] =	vst v10  }
0x246: {  	[tilespmem:s10+$0xFFFFEF40] =	vst v3;
	v7 =	vld.idx.msk [tilespmem:v7+s28+$0x0], $0xffff  }
0x247: {  	[tilespmem:s10+$0xFFFFEEC0] =	vst v59;
	v1 =	vld.idx.msk [tilespmem:v1+s28+$0x0], $0xffff  }
0x248: {  	[tilespmem:s24+$0xFFFFEE80] =	vst v61;
	v5 =	vld.idx.msk [tilespmem:v6+s28+$0x0], $0xffff  }
0x249: {  	[tilespmem:s10+$0xFFFFFFC0] =	vst v4;
	v62 =	vld.idx.msk [tilespmem:v60+s26+$0x0], $0xffff  }
0x24a: {  	[tilespmem:s24+$0x0] =	vst v2;
	v6 =	vld [tilespmem:s9+$0xC0]  }
0x24b: {  	v63 =	vld.idx.msk [tilespmem:v0+s26+$0x0], $0xffff;
	[tilespmem:s10+$0xFFFFFE40] =	vst v7  }
0x24c: {  	v2 =	vld.idx.msk [tilespmem:v8+s28+$0x0], $0xffff;
	[tilespmem:s10+$0xFFFFFF40] =	vst v1  }
0x24d: {  	s12 =	sor.u32 $0x2, s18;
	s11 =	sor.u32 $0x3, s18;
	[tilespmem:s10+$0xFFFFFEC0] =	vst v5;
	v5 =	vld [tilespmem:s9+$0xFFFFFF40]  }
0x24e: {  	s30 =	simm.s32 $0x4;
	s23 =	sadd.s32 s20, s12;
	s31 =	sadd.s32 s20, s11;
	v3 =	vld [tilespmem:s9+$0x40]  }
0x24f: {  	s15 =	sshra.s32 s23, $0x3;
	s23 =	simm.s32 $0x14500;
	s16 =	sshra.s32 s31, $0x3;
	[tilespmem:s24+$0xFFFFEF00] =	vst v62;
	v4 =	vld [tilespmem:s9+$0xFFFFFFC0]  }
0x250: {  	s15 =	sadd.s32 s8, s15;
	s20 =	sadd.s32 s8, s16;
	s16 =	simm.s32 $0x133F0;
	v1 =	vld.idx.msk [tilespmem:v60+s28+$0x0], $0xffff;
	[tilespmem:s24+$0xFFFFEF80] =	vst v63  }
.LBB2_5:
0x251: {  	v7 =	vld [tilespmem:s23+$0x80]  }
0x252: {  	v8 =	vld [tilespmem:s23+$0xFFFFFF80]  }
0x253: {  	s30 =	sadd.s32 $0x4, s30;
	v9 =	vld.idx.msk [tilespmem:v6+s26+$0x0], $0xffff  }
0x254: {  	p0 =	slt.u32 s30, $0x1C;
	v10 =	vld [tilespmem:s23+$0x0]  }
0x255: {  	v11 =	vld [tilespmem:s23+$0xFFFFFF00];
	[tilespmem:s24+$0xFFFFFE80] =	vst v2  }
0x256: {  	v2 =	vld.idx.msk [tilespmem:v5+s26+$0x0], $0xffff;
	[tilespmem:s24+$0xFFFFFF00] =	vst v1  }
0x257: {  	v1 =	vld.idx.msk [tilespmem:v4+s26+$0x0], $0xffff  }
0x258: {  	v12 =	vld.idx.msk [tilespmem:v3+s26+$0x0], $0xffff  }
0x259: {  	v13 =	vld.idx.msk [tilespmem:v7+s26+$0x0], $0xffff;
	[tilespmem:s10+$0xFFFFEFD0] =	vst v9  }
0x25a: {  	v6 =	vld.idx.msk [tilespmem:v6+s28+$0x0], $0xffff  }
0x25b: {  	v9 =	vld.idx.msk [tilespmem:v8+s26+$0x0], $0xffff  }
0x25c: {  	v14 =	vld.idx.msk [tilespmem:v10+s26+$0x0], $0xffff;
	[tilespmem:s10+$0xFFFFEE50] =	vst v2  }
0x25d: {  	v2 =	vld.idx.msk [tilespmem:v11+s26+$0x0], $0xffff;
	[tilespmem:s10+$0xFFFFEED0] =	vst v1  }
0x25e: {  	s10 =	sadd.s32 $0x200, s10;
	v1 =	vld.idx.msk [tilespmem:v5+s28+$0x0], $0xffff;
	[tilespmem:s16+$0xFFFFEF50] =	vst v12  }
0x25f: {  	[tilespmem:s10+$0xFFFFEF90] =	vst v13;
	v4 =	vld.idx.msk [tilespmem:v4+s28+$0x0], $0xffff  }
0x260: {  	v5 =	vld.idx.msk [tilespmem:v7+s28+$0x0], $0xffff;
	[tilespmem:s16+$0xFFFFFFD0] =	vst v6  }
0x261: {  	[tilespmem:s10+$0xFFFFEE90] =	vst v9;
	v6 =	vld [tilespmem:s9+$0xD0]  }
0x262: {  	v7 =	vld.idx.msk [tilespmem:v8+s28+$0x0], $0xffff;
	[tilespmem:s10+$0xFFFFEF10] =	vst v14  }
0x263: {  	[tilespmem:s10+$0xFFFFEE10] =	vst v2;
	v2 =	vld.idx.msk [tilespmem:v10+s28+$0x0], $0xffff  }
0x264: {  	v8 =	vld.idx.msk [tilespmem:v11+s28+$0x0], $0xffff;
	[tilespmem:s16+$0xFFFFFE50] =	vst v1  }
0x265: {  	[tilespmem:s16+$0xFFFFFED0] =	vst v4;
	v1 =	vld.idx.msk [tilespmem:v3+s28+$0x0], $0xffff  }
0x266: {  	[tilespmem:s10+$0xFFFFFF90] =	vst v5;
	v3 =	vld [tilespmem:s9+$0xFFFFFF50]  }
0x267: {  	v4 =	vld [tilespmem:s23+$0x90]  }
0x268: {  	[tilespmem:s10+$0xFFFFFE90] =	vst v7;
	v5 =	vld [tilespmem:s9+$0xFFFFFFD0]  }
0x269: {  	[tilespmem:s10+$0xFFFFFF10] =	vst v2;
	v2 =	vld.idx.msk [tilespmem:v6+s26+$0x0], $0xffff  }
0x26a: {  	[tilespmem:s10+$0xFFFFFE10] =	vst v8;
	v7 =	vld [tilespmem:s23+$0xFFFFFF90]  }
0x26b: {  	v8 =	vld [tilespmem:s23+$0xFFFFFF10];
	[tilespmem:s16+$0xFFFFFF50] =	vst v1  }
0x26c: {  	v1 =	vld [tilespmem:s23+$0x10]  }
0x26d: {  	v9 =	vld [tilespmem:s9+$0x50]  }
0x26e: {  	v10 =	vld.idx.msk [tilespmem:v3+s26+$0x0], $0xffff  }
0x26f: {  	v11 =	vld.idx.msk [tilespmem:v4+s26+$0x0], $0xffff;
	[tilespmem:s16+$0xFFFFEFE0] =	vst v2  }
0x270: {  	v2 =	vld.idx.msk [tilespmem:v6+s28+$0x0], $0xffff  }
0x271: {  	v6 =	vld.idx.msk [tilespmem:v5+s26+$0x0], $0xffff  }
0x272: {  	v12 =	vld.idx.msk [tilespmem:v7+s26+$0x0], $0xffff  }
0x273: {  	v13 =	vld.idx.msk [tilespmem:v8+s26+$0x0], $0xffff  }
0x274: {  	v14 =	vld.idx.msk [tilespmem:v1+s26+$0x0], $0xffff;
	[tilespmem:s16+$0xFFFFEE60] =	vst v10  }
0x275: {  	[tilespmem:s10+$0xFFFFEFA0] =	vst v11;
	v10 =	vld.idx.msk [tilespmem:v9+s26+$0x0], $0xffff  }
0x276: {  	v4 =	vld.idx.msk [tilespmem:v4+s28+$0x0], $0xffff;
	[tilespmem:s16+$0xFFFFFFE0] =	vst v2  }
0x277: {  	[tilespmem:s16+$0xFFFFEEE0] =	vst v6;
	v2 =	vld [tilespmem:s9+$0xE0]  }
0x278: {  	[tilespmem:s10+$0xFFFFEEA0] =	vst v12;
	v3 =	vld.idx.msk [tilespmem:v3+s28+$0x0], $0xffff  }
0x279: {  	[tilespmem:s10+$0xFFFFEE20] =	vst v13;
	v6 =	vld.idx.msk [tilespmem:v7+s28+$0x0], $0xffff  }
0x27a: {  	v7 =	vld.idx.msk [tilespmem:v8+s28+$0x0], $0xffff;
	[tilespmem:s10+$0xFFFFEF20] =	vst v14  }
0x27b: {  	v1 =	vld.idx.msk [tilespmem:v1+s28+$0x0], $0xffff;
	[tilespmem:s16+$0xFFFFEF60] =	vst v10  }
0x27c: {  	[tilespmem:s10+$0xFFFFFFA0] =	vst v4;
	v4 =	vld.idx.msk [tilespmem:v5+s28+$0x0], $0xffff  }
0x27d: {  	v5 =	vld [tilespmem:s23+$0xA0]  }
0x27e: {  	[tilespmem:s16+$0xFFFFFE60] =	vst v3;
	v3 =	vld.idx.msk [tilespmem:v9+s28+$0x0], $0xffff  }
0x27f: {  	[tilespmem:s10+$0xFFFFFEA0] =	vst v6;
	v6 =	vld.idx.msk [tilespmem:v2+s26+$0x0], $0xffff  }
0x280: {  	[tilespmem:s10+$0xFFFFFE20] =	vst v7;
	v7 =	vld [tilespmem:s23+$0xFFFFFFA0]  }
0x281: {  	v8 =	vld [tilespmem:s23+$0xFFFFFF20];
	[tilespmem:s10+$0xFFFFFF20] =	vst v1  }
0x282: {  	v1 =	vld [tilespmem:s23+$0x20];
	[tilespmem:s16+$0xFFFFFEE0] =	vst v4  }
0x283: {  	v4 =	vld [tilespmem:s9+$0xFFFFFF60]  }
0x284: {  	v9 =	vld [tilespmem:s9+$0xFFFFFFE0];
	[tilespmem:s16+$0xFFFFFF60] =	vst v3  }
0x285: {  	v3 =	vld.idx.msk [tilespmem:v5+s26+$0x0], $0xffff;
	[tilespmem:s16+$0xFFFFEFF0] =	vst v6  }
0x286: {  	v2 =	vld.idx.msk [tilespmem:v2+s28+$0x0], $0xffff  }
0x287: {  	v6 =	vld [tilespmem:s9+$0x60]  }
0x288: {  	v10 =	vld.idx.msk [tilespmem:v7+s26+$0x0], $0xffff  }
0x289: {  	v11 =	vld.idx.msk [tilespmem:v8+s26+$0x0], $0xffff  }
0x28a: {  	v12 =	vld.idx.msk [tilespmem:v1+s26+$0x0], $0xffff  }
0x28b: {  	[tilespmem:s10+$0xFFFFEFB0] =	vst v3;
	v3 =	vld.idx.msk [tilespmem:v4+s26+$0x0], $0xffff  }
0x28c: {  	v5 =	vld.idx.msk [tilespmem:v5+s28+$0x0], $0xffff;
	[tilespmem:s16+$0xFFFFFFF0] =	vst v2  }
0x28d: {  	v2 =	vld [tilespmem:s9+$0xF0]  }
0x28e: {  	[tilespmem:s10+$0xFFFFEEB0] =	vst v10;
	v10 =	vld.idx.msk [tilespmem:v9+s26+$0x0], $0xffff  }
0x28f: {  	[tilespmem:s10+$0xFFFFEE30] =	vst v11;
	v7 =	vld.idx.msk [tilespmem:v7+s28+$0x0], $0xffff  }
0x290: {  	v8 =	vld.idx.msk [tilespmem:v8+s28+$0x0], $0xffff;
	[tilespmem:s10+$0xFFFFEF30] =	vst v12  }
0x291: {  	v1 =	vld.idx.msk [tilespmem:v1+s28+$0x0], $0xffff;
	[tilespmem:s16+$0xFFFFEE70] =	vst v3  }
0x292: {  	v3 =	vld.idx.msk [tilespmem:v6+s26+$0x0], $0xffff  }
0x293: {  	[tilespmem:s10+$0xFFFFFFB0] =	vst v5;
	v4 =	vld.idx.msk [tilespmem:v4+s28+$0x0], $0xffff  }
0x294: {  	v5 =	vld [tilespmem:s23+$0xB0];
	[tilespmem:s16+$0xFFFFEEF0] =	vst v10  }
0x295: {  	[tilespmem:s10+$0xFFFFFEB0] =	vst v7;
	v7 =	vld.idx.msk [tilespmem:v2+s26+$0x0], $0xffff  }
0x296: {  	[tilespmem:s10+$0xFFFFFE30] =	vst v8;
	v8 =	vld [tilespmem:s23+$0xFFFFFFB0]  }
0x297: {  	v10 =	vld [tilespmem:s23+$0xFFFFFF30];
	[tilespmem:s10+$0xFFFFFF30] =	vst v1  }
0x298: {  	v1 =	vld [tilespmem:s23+$0x30];
	[tilespmem:s16+$0xFFFFEF70] =	vst v3  }
0x299: {  	[tilespmem:s16+$0xFFFFFE70] =	vst v4;
	v3 =	vld.idx.msk [tilespmem:v9+s28+$0x0], $0xffff  }
0x29a: {  	v4 =	vld.idx.msk [tilespmem:v6+s28+$0x0], $0xffff  }
0x29b: {  	v9 =	vld [tilespmem:s9+$0xFFFFFF70];
	[tilespmem:s16+$0xFFFFF000] =	vst v7  }
0x29c: {  	v2 =	vld.idx.msk [tilespmem:v2+s28+$0x0], $0xffff  }
0x29d: {  	v6 =	vld.idx.msk [tilespmem:v5+s26+$0x0], $0xffff  }
0x29e: {  	v7 =	vld.idx.msk [tilespmem:v8+s26+$0x0], $0xffff  }
0x29f: {  	v11 =	vld.idx.msk [tilespmem:v10+s26+$0x0], $0xffff;
	[tilespmem:s16+$0xFFFFFEF0] =	vst v3  }
0x2a0: {  	v3 =	vld.idx.msk [tilespmem:v1+s26+$0x0], $0xffff;
	[tilespmem:s16+$0xFFFFFF70] =	vst v4  }
0x2a1: {  	v12 =	vld [tilespmem:s9+$0xFFFFFFF0]  }
0x2a2: {  	v4 =	vld [tilespmem:s9+$0x70];
	[tilespmem:s16+$0x0] =	vst v2;
	s9 =	smov.u32 s23  }
0x2a3: {  	[tilespmem:s10+$0xFFFFEFC0] =	vst v6;
	v2 =	vld.idx.msk [tilespmem:v9+s26+$0x0], $0xffff  }
0x2a4: {  	[tilespmem:s10+$0xFFFFEEC0] =	vst v7;
	v5 =	vld.idx.msk [tilespmem:v5+s28+$0x0], $0xffff  }
0x2a5: {  	[tilespmem:s10+$0xFFFFEE40] =	vst v11;
	v6 =	vld.idx.msk [tilespmem:v8+s28+$0x0], $0xffff  }
0x2a6: {  	v7 =	vld.idx.msk [tilespmem:v10+s28+$0x0], $0xffff;
	[tilespmem:s10+$0xFFFFEF40] =	vst v3  }
0x2a7: {  	v1 =	vld.idx.msk [tilespmem:v1+s28+$0x0], $0xffff  }
0x2a8: {  	v8 =	vld.idx.msk [tilespmem:v0+s28+$0x0], $0xffff;
	v0 =	vmov v4  }
0x2a9: {  	[tilespmem:s16+$0xFFFFEE80] =	vst v2;
	v10 =	vld.idx.msk [tilespmem:v12+s26+$0x0], $0xffff  }
0x2aa: {  	[tilespmem:s10+$0xFFFFFFC0] =	vst v5;
	v11 =	vld.idx.msk [tilespmem:v4+s26+$0x0], $0xffff  }
0x2ab: {  	[tilespmem:s10+$0xFFFFFEC0] =	vst v6;
	v6 =	vld [tilespmem:s23+$0xC0]  }
.Ltmp1:
0x2ac: {  	[tilespmem:s10+$0xFFFFFE40] =	vst v7;
	v4 =	vld [tilespmem:s23+$0xFFFFFFC0];
	(pc) =	sbr.rel @p0 .LBB2_5-.Ltmp1, $4  }
0x2ad: {  	v5 =	vld [tilespmem:s23+$0xFFFFFF40];
	[tilespmem:s10+$0xFFFFFF40] =	vst v1  }
0x2ae: {  	v3 =	vld [tilespmem:s23+$0x40];
	[tilespmem:s24+$0xFFFFFF80] =	vst v8;
	s24 =	smov.u32 s16;
	s16 =	smov.u32 s10  }
0x2af: {  	v2 =	vld.idx.msk [tilespmem:v9+s28+$0x0], $0xffff;
	[tilespmem:s24+$0xFFFFEF00] =	vst v10  }
0x2b0: {  	s23 =	sadd.s32 $0x200, s23;
	v1 =	vld.idx.msk [tilespmem:v12+s28+$0x0], $0xffff;
	[tilespmem:s24+$0xFFFFEF80] =	vst v11  }
0x2b1: {  	_ =	sdelay $0x3  }
0x2b2: {  	v7 =	vld.idx.msk [tilespmem:v6+s26+$0x0], $0xffff  }
0x2b3: {  	v9 =	vld.idx.msk [tilespmem:v4+s26+$0x0], $0xffff  }
0x2b4: {  	v8 =	vld.idx.msk [tilespmem:v5+s26+$0x0], $0xffff  }
0x2b5: {  	v10 =	vld.idx.msk [tilespmem:v3+s26+$0x0], $0xffff;
	_ =	sdelay $0x1  }
0x2b6: {  	[tilespmem:s10+$0xFFFFEFD0] =	vst v7  }
0x2b7: {  	[tilespmem:s10+$0xFFFFEED0] =	vst v9;
	v54 =	vld.idx.msk [tilespmem:v6+s28+$0x0], $0xffff  }
0x2b8: {  	[tilespmem:s10+$0xFFFFEE50] =	vst v8;
	v56 =	vld.idx.msk [tilespmem:v4+s28+$0x0], $0xffff  }
0x2b9: {  	v55 =	vld.idx.msk [tilespmem:v5+s28+$0x0], $0xffff;
	[tilespmem:s16+$0xFFFFEF50] =	vst v10  }
0x2ba: {  	v57 =	vld.idx.msk [tilespmem:v3+s28+$0x0], $0xffff;
	_ =	sdelay $0x1  }
0x2bb: {  	[tilespmem:s16+$0xFFFFFFD0] =	vst v54  }
0x2bc: {  	[tilespmem:s16+$0xFFFFFED0] =	vst v56;
	v6 =	vld [tilespmem:s9+$0xD0]  }
0x2bd: {  	[tilespmem:s16+$0xFFFFFE50] =	vst v55;
	v59 =	vld [tilespmem:s9+$0xFFFFFFD0]  }
0x2be: {  	v58 =	vld [tilespmem:s9+$0xFFFFFF50];
	[tilespmem:s16+$0xFFFFFF50] =	vst v57  }
0x2bf: {  	v3 =	vld [tilespmem:s9+$0x50];
	_ =	sdelay $0x4  }
0x2c0: {  	v7 =	vld.idx.msk [tilespmem:v6+s26+$0x0], $0xffff  }
0x2c1: {  	v9 =	vld.idx.msk [tilespmem:v59+s26+$0x0], $0xffff  }
0x2c2: {  	v8 =	vld.idx.msk [tilespmem:v58+s26+$0x0], $0xffff  }
0x2c3: {  	v10 =	vld.idx.msk [tilespmem:v3+s26+$0x0], $0xffff;
	_ =	sdelay $0x1  }
0x2c4: {  	[tilespmem:s16+$0xFFFFEFE0] =	vst v7  }
0x2c5: {  	[tilespmem:s16+$0xFFFFEEE0] =	vst v9;
	v6 =	vld.idx.msk [tilespmem:v6+s28+$0x0], $0xffff  }
0x2c6: {  	[tilespmem:s16+$0xFFFFEE60] =	vst v8;
	v5 =	vld.idx.msk [tilespmem:v59+s28+$0x0], $0xffff  }
0x2c7: {  	v4 =	vld.idx.msk [tilespmem:v58+s28+$0x0], $0xffff;
	[tilespmem:s16+$0xFFFFEF60] =	vst v10  }
0x2c8: {  	v3 =	vld.idx.msk [tilespmem:v3+s28+$0x0], $0xffff;
	_ =	sdelay $0x1  }
0x2c9: {  	[tilespmem:s16+$0xFFFFFFE0] =	vst v6  }
0x2ca: {  	[tilespmem:s16+$0xFFFFFEE0] =	vst v5;
	v6 =	vld [tilespmem:s9+$0xE0]  }
0x2cb: {  	[tilespmem:s16+$0xFFFFFE60] =	vst v4;
	v5 =	vld [tilespmem:s9+$0xFFFFFFE0]  }
0x2cc: {  	v4 =	vld [tilespmem:s9+$0xFFFFFF60];
	[tilespmem:s16+$0xFFFFFF60] =	vst v3  }
0x2cd: {  	v3 =	vld [tilespmem:s9+$0x60];
	_ =	sdelay $0x4  }
0x2ce: {  	v7 =	vld.idx.msk [tilespmem:v6+s26+$0x0], $0xffff  }
0x2cf: {  	v9 =	vld.idx.msk [tilespmem:v5+s26+$0x0], $0xffff  }
0x2d0: {  	v8 =	vld.idx.msk [tilespmem:v4+s26+$0x0], $0xffff  }
0x2d1: {  	v10 =	vld.idx.msk [tilespmem:v3+s26+$0x0], $0xffff;
	_ =	sdelay $0x1  }
0x2d2: {  	[tilespmem:s16+$0xFFFFEFF0] =	vst v7  }
0x2d3: {  	[tilespmem:s16+$0xFFFFEEF0] =	vst v9;
	v6 =	vld.idx.msk [tilespmem:v6+s28+$0x0], $0xffff  }
0x2d4: {  	[tilespmem:s16+$0xFFFFEE70] =	vst v8;
	v5 =	vld.idx.msk [tilespmem:v5+s28+$0x0], $0xffff  }
0x2d5: {  	v4 =	vld.idx.msk [tilespmem:v4+s28+$0x0], $0xffff;
	[tilespmem:s16+$0xFFFFEF70] =	vst v10  }
0x2d6: {  	v3 =	vld.idx.msk [tilespmem:v3+s28+$0x0], $0xffff;
	_ =	sdelay $0x1  }
0x2d7: {  	[tilespmem:s16+$0xFFFFFFF0] =	vst v6  }
0x2d8: {  	[tilespmem:s16+$0xFFFFFEF0] =	vst v5;
	v6 =	vld [tilespmem:s9+$0xF0]  }
0x2d9: {  	[tilespmem:s16+$0xFFFFFE70] =	vst v4;
	v60 =	vld [tilespmem:s9+$0xFFFFFFF0]  }
0x2da: {  	v4 =	vld [tilespmem:s9+$0xFFFFFF70];
	[tilespmem:s16+$0xFFFFFF70] =	vst v3  }
0x2db: {  	v61 =	vld [tilespmem:s9+$0x70];
	_ =	sdelay $0x4  }
0x2dc: {  	v7 =	vld.idx.msk [tilespmem:v6+s26+$0x0], $0xffff  }
0x2dd: {  	v9 =	vld.idx.msk [tilespmem:v60+s26+$0x0], $0xffff  }
0x2de: {  	v8 =	vld.idx.msk [tilespmem:v4+s26+$0x0], $0xffff  }
0x2df: {  	v10 =	vld.idx.msk [tilespmem:v61+s26+$0x0], $0xffff  }
0x2e0: {  	[tilespmem:s24+$0xFFFFFE80] =	vst v2  }
0x2e1: {  	v0 =	vld.idx.msk [tilespmem:v0+s28+$0x0], $0xffff;
	[tilespmem:s16+$0xFFFFF000] =	vst v7  }
0x2e2: {  	[tilespmem:s16+$0xFFFFEF00] =	vst v9;
	v62 =	vld.idx.msk [tilespmem:v6+s28+$0x0], $0xffff  }
0x2e3: {  	[tilespmem:s16+$0xFFFFEE80] =	vst v8;
	v3 =	vld.idx.msk [tilespmem:v60+s28+$0x0], $0xffff  }
0x2e4: {  	v4 =	vld.idx.msk [tilespmem:v4+s28+$0x0], $0xffff;
	[tilespmem:s16+$0xFFFFEF80] =	vst v10  }
0x2e5: {  	[tilespmem:s24+$0xFFFFFF00] =	vst v1;
	v63 =	vld.idx.msk [tilespmem:v61+s28+$0x0], $0xffff  }
0x2e6: {  	s12 =	sshll.u32 s12, $0x7;
	[tilespmem:s24+$0xFFFFFF80] =	vst v0  }
0x2e7: {  	s23 =	sshll.u32 s15, $0xF;
	s9 =	sand.u32 $0x300, s12;
	[tilespmem:s16+$0x0] =	vst v62  }
0x2e8: {  	s9 =	sor.u32 s9, s23;
	[tilespmem:s16+$0xFFFFFF00] =	vst v3  }
0x2e9: {  	s9 =	sshrl.u32 s9, $0x3;
	[tilespmem:s16+$0xFFFFFE80] =	vst v4  }
0x2ea: {  	s30 =	sshll.u32 s11, $0x7;
	s24 =	simm.s32 $0x12000;
	s9 =	sadd.s32 s3, s9;
	[tilespmem:s16+$0xFFFFFF80] =	vst v63  }
0x2eb: {  	[hbm4b:s9+s21] =	stream.strided.scatter [tilespmem:s24], [sflag:$0x7], $0x1000, s22, s21, $0x38;
	[tilespmem:$0x16800] =	vst v63  }
.Ltmp2:
0x2ec: {  	s31 =	sshll.u32 s20, $0xF;
	s9 =	sand.u32 $0x380, s30;
	(pc) =	sbr.rel @p1 .LBB2_8-.Ltmp2, $4  }
0x2ed: {  	s9 =	sor.u32 s9, s31  }
0x2ee: {  	s9 =	sshrl.u32 s9, $0x3  }
0x2ef: {  	s9 =	sadd.s32 s3, s9  }
0x2f0: {  	[hbm4b:s9+s21] =	stream.strided.scatter [tilespmem:s7], [sflag:$0x8], $0x1000, s22, s21, $0x38;
	[tilespmem:$0x16800] =	vst v63  }
0x2f1: {  	s9 =	sadd.s32 $0x6, s18  }
0x2f2: {  	s10 =	sshra.s32 s9, $0x1F  }
0x2f3: {  	s11 =	sshrl.u32 s10, $0x1D  }
0x2f4: {  	s11 =	sadd.s32 s11, s9  }
0x2f5: {  	s11 =	sshrl.u32 s11, $0x3  }
0x2f6: {  	s24 =	sadd.s32 $0x7, s18;
	s9 =	sshll.u32 s9, $0x7;
	s10 =	sadd.s32 s10, s11  }
0x2f7: {  	s30 =	sshra.s32 s24, $0x1F;
	s9 =	sand.u32 $0x300, s9;
	s10 =	sshll.u32 s10, $0x11  }
0x2f8: {  	s31 =	sshrl.u32 s30, $0x1D;
	s9 =	sor.u32 s9, s10  }
0x2f9: {  	s11 =	sadd.s32 s31, s24;
	s9 =	sshrl.u32 s9, $0x3  }
0x2fa: {  	s11 =	sshrl.u32 s11, $0x3;
	s9 =	sadd.s32 s1, s9  }
0x2fb: {  	[tilespmem:s26], [sflag:$0x3] =	stream.strided.gather [hbm4b:s9+s21], $0x4000, s22, s21, $0x38;
	[tilespmem:$0x16800] =	vst v63  }
0x2fc: {  	s10 =	sadd.s32 s30, s11;
	s9 =	sshll.u32 s24, $0x7  }
.Ltmp3:
0x2fd: {  	s10 =	sshll.u32 s10, $0x11;
	s9 =	sand.u32 $0x380, s9;
	(pc) =	sbr.rel .LBB2_2-.Ltmp3, $4  }
0x2fe: {  	s9 =	sor.u32 s9, s10  }
0x2ff: {  	s9 =	sshrl.u32 s9, $0x3  }
0x300: {  	s17 =	sadd.s32 $0x1, s17;
	s9 =	sadd.s32 s1, s9  }
0x301: {  	[tilespmem:s28], [sflag:$0x4] =	stream.strided.gather [hbm4b:s9+s21], $0x4000, s22, s21, $0x38;
	[tilespmem:$0x16800] =	vst v63  }
.LBB2_8:
0x302: {  	s9 =	rddreg [dreg:$0xb];
	s20 =	simm.s32 $0x5  }
0x303: {  	[tilespmem:s26], [sflag:$0x3] =	stream.strided.gather [hbm4b:s9+s21], $0x4000, s22, s21, $0x38;
	[tilespmem:$0x16800] =	vst v63  }
0x304: {  	_ =	swait.ge [sflag:s20], $0x1000  }
0x305: {  	[sflag:s20] =	ssyncset.done $0x0  }
0x306: {  	s23 =	simm.s32 $0x6;
	[sflag:s20] =	ssyncadd.s32 $0xFFFFF000  }
0x307: {  	_ =	swait.ge [sflag:s23], $0x1000  }
0x308: {  	[sflag:s23] =	ssyncset.done $0x0  }
0x309: {  	s24 =	simm.s32 $0x7;
	[sflag:s23] =	ssyncadd.s32 $0xFFFFF000  }
0x30a: {  	_ =	swait.ge [sflag:s24], $0x1000  }
0x30b: {  	[sflag:s24] =	ssyncset.done $0x0  }
0x30c: {  	s31 =	simm.s32 $0x8;
	[sflag:s24] =	ssyncadd.s32 $0xFFFFF000  }
0x30d: {  	_ =	swait.ge [sflag:s31], $0x1000  }
0x30e: {  	[sflag:s31] =	ssyncset.done $0x0  }
0x30f: {  	[sflag:s31] =	ssyncadd.s32 $0xFFFFF000  }
0x310: {  	_ =	swait.ge [sflag:s5], $0x4000  }
0x311: {  	[sflag:s5] =	ssyncset.done $0x0  }
0x312: {  	[sflag:s5] =	ssyncadd.s32 $0xFFFFC000  }
0x313: {  	_ =	swait.ge [sflag:s29], $0x4000  }
0x314: {  	[sflag:s29] =	ssyncset.done $0x0  }
0x315: {  	[sflag:s29] =	ssyncadd.s32 $0xFFFFC000  }
0x316: {  	_ =	swait.ge [sflag:s2], $0x4000  }
0x317: {  	[sflag:s2] =	ssyncset.done $0x0  }
0x318: {  	[sflag:s2] =	ssyncadd.s32 $0xFFFFC000  }
0x319: {  	v0 =	vld [tilespmem:s19+$0x0];
	_ =	sdelay $0x1  }
0x31a: {  	v1 =	vld [tilespmem:s19+$0xFFFFFF80];
	_ =	sdelay $0x5  }
0x31b: {  	v0 =	vld.idx.msk [tilespmem:v0+s4+$0x0], $0xffff;
	_ =	sdelay $0x1  }
0x31c: {  	v1 =	vld.idx.msk [tilespmem:v1+s4+$0x0], $0xffff;
	_ =	sdelay $0x1  }
0x31d: {  	s9 =	simm.s32 $0x15080  }
0x31e: {  	[tilespmem:s9+$0x0] =	vst v0  }
0x31f: {  	v0 =	vld [tilespmem:s19+$0x10]  }
0x320: {  	[tilespmem:s9+$0xFFFFFF80] =	vst v1  }
0x321: {  	v1 =	vld [tilespmem:s19+$0xFFFFFF90];
	_ =	sdelay $0x3  }
0x322: {  	s17 =	sadd.s32 $0x100, s19  }
0x323: {  	v2 =	vld [tilespmem:s17+$0x0]  }
0x324: {  	v0 =	vld.idx.msk [tilespmem:v0+s4+$0x0], $0xffff;
	_ =	sdelay $0x1  }
0x325: {  	v1 =	vld.idx.msk [tilespmem:v1+s4+$0x0], $0xffff;
	_ =	sdelay $0x2  }
0x326: {  	[tilespmem:s9+$0x10] =	vst v0  }
0x327: {  	v0 =	vld [tilespmem:s19+$0x20]  }
0x328: {  	[tilespmem:s9+$0xFFFFFF90] =	vst v1;
	v1 =	vld.idx.msk [tilespmem:v2+s4+$0x0], $0xffff  }
0x329: {  	v3 =	vld [tilespmem:s17+$0xFFFFFF80];
	_ =	sdelay $0x1  }
0x32a: {  	v2 =	vld [tilespmem:s19+$0xFFFFFFA0]  }
0x32b: {  	s10 =	simm.s32 $0x15180  }
0x32c: {  	[tilespmem:s10+$0x0] =	vst v1  }
0x32d: {  	v1 =	vld [tilespmem:s17+$0x10]  }
0x32e: {  	v0 =	vld.idx.msk [tilespmem:v0+s4+$0x0], $0xffff;
	_ =	sdelay $0x1  }
0x32f: {  	v3 =	vld.idx.msk [tilespmem:v3+s4+$0x0], $0xffff;
	_ =	sdelay $0x1  }
0x330: {  	v2 =	vld.idx.msk [tilespmem:v2+s4+$0x0], $0xffff  }
0x331: {  	[tilespmem:s9+$0x20] =	vst v0  }
0x332: {  	v0 =	vld [tilespmem:s19+$0x30]  }
0x333: {  	[tilespmem:s10+$0xFFFFFF80] =	vst v3;
	v1 =	vld.idx.msk [tilespmem:v1+s4+$0x0], $0xffff  }
0x334: {  	v3 =	vld [tilespmem:s17+$0xFFFFFF90]  }
0x335: {  	[tilespmem:s9+$0xFFFFFFA0] =	vst v2  }
0x336: {  	v2 =	vld [tilespmem:s19+$0xFFFFFFB0];
	_ =	sdelay $0x1  }
0x337: {  	[tilespmem:s10+$0x10] =	vst v1  }
0x338: {  	v1 =	vld [tilespmem:s17+$0x20]  }
0x339: {  	s20 =	sadd.s32 $0x100, s17;
	v0 =	vld.idx.msk [tilespmem:v0+s4+$0x0], $0xffff  }
0x33a: {  	v4 =	vld [tilespmem:s20+$0x0]  }
0x33b: {  	v3 =	vld.idx.msk [tilespmem:v3+s4+$0x0], $0xffff  }
0x33c: {  	v5 =	vld [tilespmem:s20+$0xFFFFFF80]  }
0x33d: {  	v2 =	vld.idx.msk [tilespmem:v2+s4+$0x0], $0xffff  }
0x33e: {  	[tilespmem:s9+$0x30] =	vst v0  }
0x33f: {  	v0 =	vld [tilespmem:s19+$0x40]  }
0x340: {  	[tilespmem:s10+$0xFFFFFF90] =	vst v3;
	v1 =	vld.idx.msk [tilespmem:v1+s4+$0x0], $0xffff  }
0x341: {  	v3 =	vld [tilespmem:s17+$0xFFFFFFA0]  }
0x342: {  	v4 =	vld.idx.msk [tilespmem:v4+s4+$0x0], $0xffff;
	[tilespmem:s9+$0xFFFFFFB0] =	vst v2  }
0x343: {  	v2 =	vld [tilespmem:s19+$0xFFFFFFC0]  }
0x344: {  	s18 =	sadd.s32 $0x100, s20;
	v5 =	vld.idx.msk [tilespmem:v5+s4+$0x0], $0xffff  }
0x345: {  	v6 =	vld [tilespmem:s18+$0x0];
	[tilespmem:s10+$0x20] =	vst v1  }
0x346: {  	s11 =	simm.s32 $0x15280;
	v1 =	vld [tilespmem:s17+$0x30]  }
0x347: {  	[tilespmem:s11+$0x0] =	vst v4;
	v0 =	vld.idx.msk [tilespmem:v0+s4+$0x0], $0xffff  }
0x348: {  	v4 =	vld [tilespmem:s20+$0x10]  }
0x349: {  	[tilespmem:s11+$0xFFFFFF80] =	vst v5;
	v3 =	vld.idx.msk [tilespmem:v3+s4+$0x0], $0xffff  }
0x34a: {  	v5 =	vld [tilespmem:s20+$0xFFFFFF90]  }
0x34b: {  	v2 =	vld.idx.msk [tilespmem:v2+s4+$0x0], $0xffff  }
0x34c: {  	v7 =	vld [tilespmem:s18+$0xFFFFFF80];
	[tilespmem:s9+$0x40] =	vst v0  }
0x34d: {  	v0 =	vld [tilespmem:s19+$0x50]  }
0x34e: {  	[tilespmem:s10+$0xFFFFFFA0] =	vst v3;
	v1 =	vld.idx.msk [tilespmem:v1+s4+$0x0], $0xffff  }
0x34f: {  	v3 =	vld [tilespmem:s17+$0xFFFFFFB0]  }
0x350: {  	v4 =	vld.idx.msk [tilespmem:v4+s4+$0x0], $0xffff;
	[tilespmem:s9+$0xFFFFFFC0] =	vst v2  }
0x351: {  	v2 =	vld [tilespmem:s19+$0xFFFFFFD0]  }
0x352: {  	v5 =	vld.idx.msk [tilespmem:v5+s4+$0x0], $0xffff  }
0x353: {  	v6 =	vld.idx.msk [tilespmem:v6+s4+$0x0], $0xffff;
	[tilespmem:s10+$0x30] =	vst v1  }
0x354: {  	v1 =	vld [tilespmem:s17+$0x40]  }
0x355: {  	[tilespmem:s11+$0x10] =	vst v4;
	v0 =	vld.idx.msk [tilespmem:v0+s4+$0x0], $0xffff  }
0x356: {  	v4 =	vld [tilespmem:s20+$0x20]  }
0x357: {  	[tilespmem:s11+$0xFFFFFF90] =	vst v5;
	v3 =	vld.idx.msk [tilespmem:v3+s4+$0x0], $0xffff  }
0x358: {  	v5 =	vld [tilespmem:s20+$0xFFFFFFA0]  }
0x359: {  	v2 =	vld.idx.msk [tilespmem:v2+s4+$0x0], $0xffff  }
0x35a: {  	v7 =	vld.idx.msk [tilespmem:v7+s4+$0x0], $0xffff;
	[tilespmem:s9+$0x50] =	vst v0  }
0x35b: {  	v0 =	vld [tilespmem:s19+$0x60]  }
0x35c: {  	s12 =	simm.s32 $0x15380;
	[tilespmem:s10+$0xFFFFFFB0] =	vst v3;
	v1 =	vld.idx.msk [tilespmem:v1+s4+$0x0], $0xffff  }
0x35d: {  	[tilespmem:s12+$0x0] =	vst v6;
	v3 =	vld [tilespmem:s17+$0xFFFFFFC0]  }
0x35e: {  	[tilespmem:s9+$0xFFFFFFD0] =	vst v2;
	v2 =	vld.idx.msk [tilespmem:v4+s4+$0x0], $0xffff  }
0x35f: {  	v6 =	vld [tilespmem:s18+$0x10]  }
0x360: {  	v4 =	vld [tilespmem:s19+$0xFFFFFFE0]  }
0x361: {  	v5 =	vld.idx.msk [tilespmem:v5+s4+$0x0], $0xffff;
	[tilespmem:s10+$0x40] =	vst v1  }
0x362: {  	v1 =	vld [tilespmem:s17+$0x50]  }
0x363: {  	[tilespmem:s11+$0x20] =	vst v2;
	v0 =	vld.idx.msk [tilespmem:v0+s4+$0x0], $0xffff  }
0x364: {  	v2 =	vld [tilespmem:s20+$0x30]  }
0x365: {  	[tilespmem:s12+$0xFFFFFF80] =	vst v7;
	v3 =	vld.idx.msk [tilespmem:v3+s4+$0x0], $0xffff  }
0x366: {  	v8 =	vld [tilespmem:s18+$0xFFFFFF90];
	[tilespmem:s11+$0xFFFFFFA0] =	vst v5  }
0x367: {  	v9 =	vld [tilespmem:s20+$0xFFFFFFB0]  }
0x368: {  	v4 =	vld.idx.msk [tilespmem:v4+s4+$0x0], $0xffff;
	[tilespmem:s9+$0x60] =	vst v0  }
0x369: {  	v0 =	vld [tilespmem:s19+$0x70]  }
0x36a: {  	[tilespmem:s10+$0xFFFFFFC0] =	vst v3;
	v1 =	vld.idx.msk [tilespmem:v1+s4+$0x0], $0xffff  }
0x36b: {  	v10 =	vld [tilespmem:s17+$0xFFFFFFD0]  }
0x36c: {  	v2 =	vld.idx.msk [tilespmem:v2+s4+$0x0], $0xffff  }
0x36d: {  	[tilespmem:s9+$0xFFFFFFE0] =	vst v4;
	v4 =	vld.idx.msk [tilespmem:v6+s4+$0x0], $0xffff;
	_ =	sdelay $0x1  }
0x36e: {  	v5 =	vld.idx.msk [tilespmem:v8+s4+$0x0], $0xffff;
	[tilespmem:s10+$0x50] =	vst v1  }
0x36f: {  	v1 =	vld [tilespmem:s17+$0x60]  }
0x370: {  	[tilespmem:s11+$0x30] =	vst v2;
	v7 =	vld.idx.msk [tilespmem:v0+s4+$0x0], $0xffff  }
0x371: {  	[tilespmem:s12+$0x10] =	vst v4;
	v4 =	vld.idx.msk [tilespmem:v9+s4+$0x0], $0xffff  }
0x372: {  	v3 =	vld [tilespmem:s20+$0x40]  }
0x373: {  	v2 =	vld.idx.msk [tilespmem:v10+s4+$0x0], $0xffff  }
0x374: {  	s16 =	smov.u32 s20;
	s30 =	sadd.s32 $0x100, s18;
	v6 =	vld [tilespmem:s18+$0x20]  }
0x375: {  	s15 =	smov.u32 s18;
	s23 =	smov.u32 s17;
	s24 =	simm.s32 $0x6;
	v0 =	vld [tilespmem:s19+$0xFFFFFFF0];
	[tilespmem:s9+$0x70] =	vst v7  }
.LBB2_9:
0x376: {  	v7 =	vld [tilespmem:s30+$0x0];
	s24 =	sadd.s32 $0x2, s24;
	s31 =	smov.u32 s11;
	s11 =	smov.u32 s12  }
0x377: {  	v8 =	vld [tilespmem:s30+$0xFFFFFF80];
	p0 =	slt.u32 s24, $0xE;
	[tilespmem:s12+$0xFFFFFF90] =	vst v5  }
0x378: {  	v1 =	vld.idx.msk [tilespmem:v1+s4+$0x0], $0xffff  }
0x379: {  	v5 =	vld [tilespmem:s15+$0xFFFFFFA0];
	[tilespmem:s31+$0xFFFFFFB0] =	vst v4  }
0x37a: {  	v3 =	vld.idx.msk [tilespmem:v3+s4+$0x0], $0xffff  }
0x37b: {  	v4 =	vld [tilespmem:s16+$0xFFFFFFC0];
	[tilespmem:s10+$0xFFFFFFD0] =	vst v2  }
0x37c: {  	v2 =	vld.idx.msk [tilespmem:v6+s4+$0x0], $0xffff  }
0x37d: {  	v6 =	vld [tilespmem:s23+$0xFFFFFFE0]  }
0x37e: {  	v7 =	vld.idx.msk [tilespmem:v7+s4+$0x0], $0xffff;
	[tilespmem:s10+$0x60] =	vst v1  }
0x37f: {  	v1 =	vld [tilespmem:s23+$0x70]  }
0x380: {  	v8 =	vld.idx.msk [tilespmem:v8+s4+$0x0], $0xffff;
	[tilespmem:s31+$0x40] =	vst v3  }
0x381: {  	v3 =	vld [tilespmem:s16+$0x50]  }
0x382: {  	v5 =	vld.idx.msk [tilespmem:v5+s4+$0x0], $0xffff;
	[tilespmem:s12+$0x20] =	vst v2  }
0x383: {  	s12 =	sadd.s32 $0x100, s12;
	v2 =	vld [tilespmem:s15+$0x30]  }
0x384: {  	[tilespmem:s12+$0x0] =	vst v7;
	v4 =	vld.idx.msk [tilespmem:v4+s4+$0x0], $0xffff  }
0x385: {  	v7 =	vld [tilespmem:s30+$0x10]  }
0x386: {  	[tilespmem:s12+$0xFFFFFF80] =	vst v8;
	v6 =	vld.idx.msk [tilespmem:v6+s4+$0x0], $0xffff  }
0x387: {  	v1 =	vld.idx.msk [tilespmem:v1+s4+$0x0], $0xffff  }
0x388: {  	v8 =	vld [tilespmem:s30+$0xFFFFFF90];
	[tilespmem:s11+$0xFFFFFFA0] =	vst v5  }
0x389: {  	v3 =	vld.idx.msk [tilespmem:v3+s4+$0x0], $0xffff  }
0x38a: {  	v9 =	vld [tilespmem:s15+$0xFFFFFFB0];
	[tilespmem:s31+$0xFFFFFFC0] =	vst v4  }
0x38b: {  	v2 =	vld.idx.msk [tilespmem:v2+s4+$0x0], $0xffff  }
0x38c: {  	v10 =	vld [tilespmem:s16+$0xFFFFFFD0];
	[tilespmem:s10+$0xFFFFFFE0] =	vst v6  }
0x38d: {  	v4 =	vld.idx.msk [tilespmem:v7+s4+$0x0], $0xffff;
	[tilespmem:s10+$0x70] =	vst v1  }
0x38e: {  	v6 =	vld [tilespmem:s23+$0xFFFFFFF0];
	s23 =	smov.u32 s16;
	s16 =	smov.u32 s15;
	s15 =	smov.u32 s30  }
0x38f: {  	[tilespmem:s31+$0x50] =	vst v3;
	v7 =	vld.idx.msk [tilespmem:v0+s4+$0x0], $0xffff  }
0x390: {  	v1 =	vld [tilespmem:s23+$0x60]  }
.Ltmp4:
0x391: {  	v5 =	vld.idx.msk [tilespmem:v8+s4+$0x0], $0xffff;
	[tilespmem:s11+$0x30] =	vst v2;
	(pc) =	sbr.rel @p0 .LBB2_9-.Ltmp4, $4  }
0x392: {  	v3 =	vld [tilespmem:s16+$0x40]  }
0x393: {  	[tilespmem:s12+$0x10] =	vst v4;
	v4 =	vld.idx.msk [tilespmem:v9+s4+$0x0], $0xffff;
	v0 =	vmov v6  }
0x394: {  	v6 =	vld [tilespmem:s30+$0x20]  }
0x395: {  	s30 =	sadd.s32 $0x100, s30;
	v2 =	vld.idx.msk [tilespmem:v10+s4+$0x0], $0xffff;
	[tilespmem:s9+$0xFFFFFFF0] =	vst v7;
	s9 =	smov.u32 s10;
	s10 =	smov.u32 s31  }
0x396: {  	[tilespmem:s12+$0xFFFFFF90] =	vst v5  }
0x397: {  	v5 =	vld [tilespmem:s15+$0xFFFFFFA0];
	_ =	sdelay $0x6  }
0x398: {  	v6 =	vld.idx.msk [tilespmem:v6+s4+$0x0], $0xffff  }
0x399: {  	v5 =	vld.idx.msk [tilespmem:v5+s4+$0x0], $0xffff;
	_ =	sdelay $0x3  }
0x39a: {  	[tilespmem:s12+$0x20] =	vst v6  }
0x39b: {  	v6 =	vld [tilespmem:s15+$0x30];
	[tilespmem:s12+$0xFFFFFFA0] =	vst v5  }
0x39c: {  	v5 =	vld [tilespmem:s15+$0xFFFFFFB0];
	_ =	sdelay $0x6  }
0x39d: {  	v6 =	vld.idx.msk [tilespmem:v6+s4+$0x0], $0xffff  }
0x39e: {  	v5 =	vld.idx.msk [tilespmem:v5+s4+$0x0], $0xffff;
	_ =	sdelay $0x2  }
0x39f: {  	[tilespmem:s11+$0xFFFFFFB0] =	vst v4  }
0x3a0: {  	[tilespmem:s12+$0x30] =	vst v6;
	v6 =	vld [tilespmem:s16+$0xFFFFFFC0]  }
0x3a1: {  	v4 =	vld [tilespmem:s15+$0x40];
	[tilespmem:s12+$0xFFFFFFB0] =	vst v5  }
0x3a2: {  	v5 =	vld [tilespmem:s15+$0xFFFFFFC0];
	_ =	sdelay $0x4  }
0x3a3: {  	v3 =	vld.idx.msk [tilespmem:v3+s4+$0x0], $0xffff  }
0x3a4: {  	v6 =	vld.idx.msk [tilespmem:v6+s4+$0x0], $0xffff  }
0x3a5: {  	v4 =	vld.idx.msk [tilespmem:v4+s4+$0x0], $0xffff  }
0x3a6: {  	v5 =	vld.idx.msk [tilespmem:v5+s4+$0x0], $0xffff;
	_ =	sdelay $0x1  }
0x3a7: {  	[tilespmem:s11+$0x40] =	vst v3  }
0x3a8: {  	v3 =	vld [tilespmem:s16+$0x50];
	[tilespmem:s11+$0xFFFFFFC0] =	vst v6  }
0x3a9: {  	[tilespmem:s12+$0x40] =	vst v4;
	v6 =	vld [tilespmem:s16+$0xFFFFFFD0]  }
0x3aa: {  	v4 =	vld [tilespmem:s15+$0x50];
	[tilespmem:s12+$0xFFFFFFC0] =	vst v5  }
0x3ab: {  	v5 =	vld [tilespmem:s15+$0xFFFFFFD0];
	_ =	sdelay $0x4  }
0x3ac: {  	v3 =	vld.idx.msk [tilespmem:v3+s4+$0x0], $0xffff  }
0x3ad: {  	v6 =	vld.idx.msk [tilespmem:v6+s4+$0x0], $0xffff  }
0x3ae: {  	v4 =	vld.idx.msk [tilespmem:v4+s4+$0x0], $0xffff  }
0x3af: {  	v5 =	vld.idx.msk [tilespmem:v5+s4+$0x0], $0xffff  }
0x3b0: {  	v1 =	vld.idx.msk [tilespmem:v1+s4+$0x0], $0xffff;
	[tilespmem:s10+$0xFFFFFFD0] =	vst v2  }
0x3b1: {  	[tilespmem:s11+$0x50] =	vst v3;
	v3 =	vld [tilespmem:s23+$0xFFFFFFE0]  }
0x3b2: {  	v2 =	vld [tilespmem:s16+$0x60];
	[tilespmem:s11+$0xFFFFFFD0] =	vst v6  }
0x3b3: {  	[tilespmem:s12+$0x50] =	vst v4;
	v6 =	vld [tilespmem:s16+$0xFFFFFFE0]  }
0x3b4: {  	v4 =	vld [tilespmem:s15+$0x60];
	[tilespmem:s12+$0xFFFFFFD0] =	vst v5  }
0x3b5: {  	v5 =	vld [tilespmem:s15+$0xFFFFFFE0];
	_ =	sdelay $0x1  }
0x3b6: {  	[tilespmem:s10+$0x60] =	vst v1  }
0x3b7: {  	v1 =	vld [tilespmem:s23+$0x70]  }
0x3b8: {  	v3 =	vld.idx.msk [tilespmem:v3+s4+$0x0], $0xffff  }
0x3b9: {  	v2 =	vld.idx.msk [tilespmem:v2+s4+$0x0], $0xffff  }
0x3ba: {  	v6 =	vld.idx.msk [tilespmem:v6+s4+$0x0], $0xffff  }
0x3bb: {  	v4 =	vld.idx.msk [tilespmem:v4+s4+$0x0], $0xffff  }
0x3bc: {  	v5 =	vld.idx.msk [tilespmem:v5+s4+$0x0], $0xffff  }
0x3bd: {  	[tilespmem:s10+$0xFFFFFFE0] =	vst v3  }
0x3be: {  	[tilespmem:s11+$0x60] =	vst v2;
	v3 =	vld [tilespmem:s23+$0xFFFFFFF0]  }
0x3bf: {  	v2 =	vld [tilespmem:s16+$0x70];
	[tilespmem:s11+$0xFFFFFFE0] =	vst v6  }
0x3c0: {  	[tilespmem:s12+$0x60] =	vst v4;
	v6 =	vld [tilespmem:s16+$0xFFFFFFF0]  }
0x3c1: {  	v4 =	vld [tilespmem:s15+$0x70];
	[tilespmem:s12+$0xFFFFFFE0] =	vst v5  }
0x3c2: {  	v5 =	vld [tilespmem:s15+$0xFFFFFFF0]  }
0x3c3: {  	v1 =	vld.idx.msk [tilespmem:v1+s4+$0x0], $0xffff;
	_ =	sdelay $0x1  }
0x3c4: {  	v0 =	vld.idx.msk [tilespmem:v0+s4+$0x0], $0xffff  }
0x3c5: {  	v3 =	vld.idx.msk [tilespmem:v3+s4+$0x0], $0xffff  }
0x3c6: {  	v2 =	vld.idx.msk [tilespmem:v2+s4+$0x0], $0xffff  }
0x3c7: {  	[tilespmem:s10+$0x70] =	vst v1;
	v1 =	vld.idx.msk [tilespmem:v6+s4+$0x0], $0xffff  }
0x3c8: {  	v4 =	vld.idx.msk [tilespmem:v4+s4+$0x0], $0xffff  }
0x3c9: {  	[tilespmem:s9+$0xFFFFFFF0] =	vst v0;
	v0 =	vld.idx.msk [tilespmem:v5+s4+$0x0], $0xffff  }
0x3ca: {  	[tilespmem:s10+$0xFFFFFFF0] =	vst v3  }
0x3cb: {  	[tilespmem:s11+$0x70] =	vst v2  }
0x3cc: {  	[tilespmem:s11+$0xFFFFFFF0] =	vst v1  }
0x3cd: {  	[tilespmem:s12+$0x70] =	vst v4  }
0x3ce: {  	[tilespmem:s12+$0xFFFFFFF0] =	vst v0  }
0x3cf: {  	v0 =	vld [tilespmem:s19+$0x0];
	_ =	sdelay $0x1  }
0x3d0: {  	v1 =	vld [tilespmem:s19+$0xFFFFFF80];
	_ =	sdelay $0x5  }
0x3d1: {  	v0 =	vld.idx.msk [tilespmem:v0+s25+$0x0], $0xffff;
	_ =	sdelay $0x1  }
0x3d2: {  	v1 =	vld.idx.msk [tilespmem:v1+s25+$0x0], $0xffff;
	_ =	sdelay $0x1  }
0x3d3: {  	s9 =	simm.s32 $0x158F0  }
0x3d4: {  	[tilespmem:s9+$0xFFFFFF90] =	vst v0  }
0x3d5: {  	v0 =	vld [tilespmem:s19+$0x10]  }
0x3d6: {  	[tilespmem:s9+$0xFFFFFF10] =	vst v1  }
0x3d7: {  	v1 =	vld [tilespmem:s19+$0xFFFFFF90];
	_ =	sdelay $0x4  }
0x3d8: {  	v2 =	vld [tilespmem:s17+$0x0]  }
0x3d9: {  	v0 =	vld.idx.msk [tilespmem:v0+s25+$0x0], $0xffff;
	_ =	sdelay $0x1  }
0x3da: {  	v1 =	vld.idx.msk [tilespmem:v1+s25+$0x0], $0xffff;
	_ =	sdelay $0x2  }
0x3db: {  	[tilespmem:s9+$0xFFFFFFA0] =	vst v0  }
0x3dc: {  	v0 =	vld [tilespmem:s19+$0x20]  }
0x3dd: {  	[tilespmem:s9+$0xFFFFFF20] =	vst v1;
	v1 =	vld.idx.msk [tilespmem:v2+s25+$0x0], $0xffff  }
0x3de: {  	v3 =	vld [tilespmem:s17+$0xFFFFFF80];
	_ =	sdelay $0x1  }
0x3df: {  	v2 =	vld [tilespmem:s19+$0xFFFFFFA0]  }
0x3e0: {  	s10 =	simm.s32 $0x159F0  }
0x3e1: {  	[tilespmem:s10+$0xFFFFFF90] =	vst v1  }
0x3e2: {  	v1 =	vld [tilespmem:s17+$0x10]  }
0x3e3: {  	v0 =	vld.idx.msk [tilespmem:v0+s25+$0x0], $0xffff;
	_ =	sdelay $0x1  }
0x3e4: {  	v3 =	vld.idx.msk [tilespmem:v3+s25+$0x0], $0xffff;
	_ =	sdelay $0x1  }
0x3e5: {  	v2 =	vld.idx.msk [tilespmem:v2+s25+$0x0], $0xffff  }
0x3e6: {  	[tilespmem:s9+$0xFFFFFFB0] =	vst v0  }
0x3e7: {  	v0 =	vld [tilespmem:s19+$0x30]  }
0x3e8: {  	[tilespmem:s10+$0xFFFFFF10] =	vst v3;
	v1 =	vld.idx.msk [tilespmem:v1+s25+$0x0], $0xffff  }
0x3e9: {  	v3 =	vld [tilespmem:s17+$0xFFFFFF90]  }
0x3ea: {  	[tilespmem:s9+$0xFFFFFF30] =	vst v2  }
0x3eb: {  	v2 =	vld [tilespmem:s19+$0xFFFFFFB0];
	_ =	sdelay $0x1  }
0x3ec: {  	[tilespmem:s10+$0xFFFFFFA0] =	vst v1  }
0x3ed: {  	v1 =	vld [tilespmem:s17+$0x20]  }
0x3ee: {  	v0 =	vld.idx.msk [tilespmem:v0+s25+$0x0], $0xffff  }
0x3ef: {  	v4 =	vld [tilespmem:s20+$0x0]  }
0x3f0: {  	v3 =	vld.idx.msk [tilespmem:v3+s25+$0x0], $0xffff  }
0x3f1: {  	v5 =	vld [tilespmem:s20+$0xFFFFFF80]  }
0x3f2: {  	v2 =	vld.idx.msk [tilespmem:v2+s25+$0x0], $0xffff  }
0x3f3: {  	[tilespmem:s9+$0xFFFFFFC0] =	vst v0  }
0x3f4: {  	v0 =	vld [tilespmem:s19+$0x40]  }
0x3f5: {  	[tilespmem:s10+$0xFFFFFF20] =	vst v3;
	v1 =	vld.idx.msk [tilespmem:v1+s25+$0x0], $0xffff  }
0x3f6: {  	v3 =	vld [tilespmem:s17+$0xFFFFFFA0]  }
0x3f7: {  	v4 =	vld.idx.msk [tilespmem:v4+s25+$0x0], $0xffff;
	[tilespmem:s9+$0xFFFFFF40] =	vst v2  }
0x3f8: {  	v2 =	vld [tilespmem:s19+$0xFFFFFFC0]  }
0x3f9: {  	v5 =	vld.idx.msk [tilespmem:v5+s25+$0x0], $0xffff  }
0x3fa: {  	v6 =	vld [tilespmem:s18+$0x0];
	[tilespmem:s10+$0xFFFFFFB0] =	vst v1  }
0x3fb: {  	s11 =	simm.s32 $0x15AF0;
	v1 =	vld [tilespmem:s17+$0x30]  }
0x3fc: {  	[tilespmem:s11+$0xFFFFFF90] =	vst v4;
	v0 =	vld.idx.msk [tilespmem:v0+s25+$0x0], $0xffff  }
0x3fd: {  	v4 =	vld [tilespmem:s20+$0x10]  }
0x3fe: {  	[tilespmem:s11+$0xFFFFFF10] =	vst v5;
	v3 =	vld.idx.msk [tilespmem:v3+s25+$0x0], $0xffff  }
0x3ff: {  	v5 =	vld [tilespmem:s20+$0xFFFFFF90]  }
0x400: {  	v2 =	vld.idx.msk [tilespmem:v2+s25+$0x0], $0xffff  }
0x401: {  	v7 =	vld [tilespmem:s18+$0xFFFFFF80];
	[tilespmem:s9+$0xFFFFFFD0] =	vst v0  }
0x402: {  	v0 =	vld [tilespmem:s19+$0x50]  }
0x403: {  	[tilespmem:s10+$0xFFFFFF30] =	vst v3;
	v1 =	vld.idx.msk [tilespmem:v1+s25+$0x0], $0xffff  }
0x404: {  	v3 =	vld [tilespmem:s17+$0xFFFFFFB0]  }
0x405: {  	v4 =	vld.idx.msk [tilespmem:v4+s25+$0x0], $0xffff;
	[tilespmem:s9+$0xFFFFFF50] =	vst v2  }
0x406: {  	v2 =	vld [tilespmem:s19+$0xFFFFFFD0]  }
0x407: {  	v5 =	vld.idx.msk [tilespmem:v5+s25+$0x0], $0xffff  }
0x408: {  	v6 =	vld.idx.msk [tilespmem:v6+s25+$0x0], $0xffff;
	[tilespmem:s10+$0xFFFFFFC0] =	vst v1  }
0x409: {  	v1 =	vld [tilespmem:s17+$0x40]  }
0x40a: {  	[tilespmem:s11+$0xFFFFFFA0] =	vst v4;
	v0 =	vld.idx.msk [tilespmem:v0+s25+$0x0], $0xffff  }
0x40b: {  	v4 =	vld [tilespmem:s20+$0x20]  }
0x40c: {  	[tilespmem:s11+$0xFFFFFF20] =	vst v5;
	v3 =	vld.idx.msk [tilespmem:v3+s25+$0x0], $0xffff  }
0x40d: {  	v5 =	vld [tilespmem:s20+$0xFFFFFFA0]  }
0x40e: {  	v2 =	vld.idx.msk [tilespmem:v2+s25+$0x0], $0xffff  }
0x40f: {  	v7 =	vld.idx.msk [tilespmem:v7+s25+$0x0], $0xffff;
	[tilespmem:s9+$0xFFFFFFE0] =	vst v0  }
0x410: {  	v0 =	vld [tilespmem:s19+$0x60]  }
0x411: {  	s12 =	simm.s32 $0x15BF0;
	[tilespmem:s10+$0xFFFFFF40] =	vst v3;
	v1 =	vld.idx.msk [tilespmem:v1+s25+$0x0], $0xffff  }
0x412: {  	[tilespmem:s12+$0xFFFFFF90] =	vst v6;
	v3 =	vld [tilespmem:s17+$0xFFFFFFC0]  }
0x413: {  	[tilespmem:s9+$0xFFFFFF60] =	vst v2;
	v2 =	vld.idx.msk [tilespmem:v4+s25+$0x0], $0xffff  }
0x414: {  	v6 =	vld [tilespmem:s18+$0x10]  }
0x415: {  	v4 =	vld [tilespmem:s19+$0xFFFFFFE0]  }
0x416: {  	v5 =	vld.idx.msk [tilespmem:v5+s25+$0x0], $0xffff;
	[tilespmem:s10+$0xFFFFFFD0] =	vst v1  }
0x417: {  	v1 =	vld [tilespmem:s17+$0x50]  }
0x418: {  	[tilespmem:s11+$0xFFFFFFB0] =	vst v2;
	v0 =	vld.idx.msk [tilespmem:v0+s25+$0x0], $0xffff  }
0x419: {  	v2 =	vld [tilespmem:s20+$0x30]  }
0x41a: {  	[tilespmem:s12+$0xFFFFFF10] =	vst v7;
	v3 =	vld.idx.msk [tilespmem:v3+s25+$0x0], $0xffff  }
0x41b: {  	v8 =	vld [tilespmem:s18+$0xFFFFFF90];
	[tilespmem:s11+$0xFFFFFF30] =	vst v5  }
0x41c: {  	v9 =	vld [tilespmem:s20+$0xFFFFFFB0]  }
0x41d: {  	v4 =	vld.idx.msk [tilespmem:v4+s25+$0x0], $0xffff;
	[tilespmem:s9+$0xFFFFFFF0] =	vst v0  }
0x41e: {  	v0 =	vld [tilespmem:s19+$0x70]  }
0x41f: {  	[tilespmem:s10+$0xFFFFFF50] =	vst v3;
	v1 =	vld.idx.msk [tilespmem:v1+s25+$0x0], $0xffff  }
0x420: {  	v10 =	vld [tilespmem:s17+$0xFFFFFFD0]  }
0x421: {  	v2 =	vld.idx.msk [tilespmem:v2+s25+$0x0], $0xffff  }
0x422: {  	[tilespmem:s9+$0xFFFFFF70] =	vst v4;
	v4 =	vld.idx.msk [tilespmem:v6+s25+$0x0], $0xffff;
	_ =	sdelay $0x1  }
0x423: {  	v5 =	vld.idx.msk [tilespmem:v8+s25+$0x0], $0xffff;
	[tilespmem:s10+$0xFFFFFFE0] =	vst v1  }
0x424: {  	v1 =	vld [tilespmem:s17+$0x60]  }
0x425: {  	[tilespmem:s11+$0xFFFFFFC0] =	vst v2;
	v7 =	vld.idx.msk [tilespmem:v0+s25+$0x0], $0xffff  }
0x426: {  	[tilespmem:s12+$0xFFFFFFA0] =	vst v4;
	v4 =	vld.idx.msk [tilespmem:v9+s25+$0x0], $0xffff  }
0x427: {  	v3 =	vld [tilespmem:s20+$0x40]  }
0x428: {  	v2 =	vld.idx.msk [tilespmem:v10+s25+$0x0], $0xffff  }
0x429: {  	s24 =	simm.s32 $0x6;
	s30 =	sadd.s32 $0x100, s18;
	v6 =	vld [tilespmem:s18+$0x20]  }
0x42a: {  	s23 =	smov.u32 s17;
	s16 =	smov.u32 s20;
	s15 =	smov.u32 s18;
	v0 =	vld [tilespmem:s19+$0xFFFFFFF0];
	[tilespmem:s9+$0x0] =	vst v7  }
.LBB2_11:
0x42b: {  	v7 =	vld [tilespmem:s30+$0x0];
	s24 =	sadd.s32 $0x2, s24;
	s31 =	smov.u32 s11;
	s11 =	smov.u32 s12  }
0x42c: {  	v8 =	vld [tilespmem:s30+$0xFFFFFF80];
	p0 =	slt.u32 s24, $0xE;
	[tilespmem:s12+$0xFFFFFF20] =	vst v5  }
0x42d: {  	v1 =	vld.idx.msk [tilespmem:v1+s25+$0x0], $0xffff  }
0x42e: {  	v5 =	vld [tilespmem:s15+$0xFFFFFFA0];
	[tilespmem:s31+$0xFFFFFF40] =	vst v4  }
0x42f: {  	v3 =	vld.idx.msk [tilespmem:v3+s25+$0x0], $0xffff  }
0x430: {  	v4 =	vld [tilespmem:s16+$0xFFFFFFC0];
	[tilespmem:s10+$0xFFFFFF60] =	vst v2  }
0x431: {  	v2 =	vld.idx.msk [tilespmem:v6+s25+$0x0], $0xffff  }
0x432: {  	v6 =	vld [tilespmem:s23+$0xFFFFFFE0]  }
0x433: {  	v7 =	vld.idx.msk [tilespmem:v7+s25+$0x0], $0xffff;
	[tilespmem:s10+$0xFFFFFFF0] =	vst v1  }
0x434: {  	v1 =	vld [tilespmem:s23+$0x70]  }
0x435: {  	v8 =	vld.idx.msk [tilespmem:v8+s25+$0x0], $0xffff;
	[tilespmem:s31+$0xFFFFFFD0] =	vst v3  }
0x436: {  	v3 =	vld [tilespmem:s16+$0x50]  }
0x437: {  	v5 =	vld.idx.msk [tilespmem:v5+s25+$0x0], $0xffff;
	[tilespmem:s12+$0xFFFFFFB0] =	vst v2  }
0x438: {  	s12 =	sadd.s32 $0x100, s12;
	v2 =	vld [tilespmem:s15+$0x30]  }
0x439: {  	[tilespmem:s12+$0xFFFFFF90] =	vst v7;
	v4 =	vld.idx.msk [tilespmem:v4+s25+$0x0], $0xffff  }
0x43a: {  	v7 =	vld [tilespmem:s30+$0x10]  }
0x43b: {  	[tilespmem:s12+$0xFFFFFF10] =	vst v8;
	v6 =	vld.idx.msk [tilespmem:v6+s25+$0x0], $0xffff  }
0x43c: {  	v1 =	vld.idx.msk [tilespmem:v1+s25+$0x0], $0xffff  }
0x43d: {  	v8 =	vld [tilespmem:s30+$0xFFFFFF90];
	[tilespmem:s11+$0xFFFFFF30] =	vst v5  }
0x43e: {  	v3 =	vld.idx.msk [tilespmem:v3+s25+$0x0], $0xffff  }
0x43f: {  	v9 =	vld [tilespmem:s15+$0xFFFFFFB0];
	[tilespmem:s31+$0xFFFFFF50] =	vst v4  }
0x440: {  	v2 =	vld.idx.msk [tilespmem:v2+s25+$0x0], $0xffff  }
0x441: {  	v10 =	vld [tilespmem:s16+$0xFFFFFFD0];
	[tilespmem:s10+$0xFFFFFF70] =	vst v6  }
0x442: {  	v4 =	vld.idx.msk [tilespmem:v7+s25+$0x0], $0xffff;
	[tilespmem:s10+$0x0] =	vst v1  }
0x443: {  	v6 =	vld [tilespmem:s23+$0xFFFFFFF0];
	s23 =	smov.u32 s16;
	s16 =	smov.u32 s15;
	s15 =	smov.u32 s30  }
0x444: {  	[tilespmem:s31+$0xFFFFFFE0] =	vst v3;
	v7 =	vld.idx.msk [tilespmem:v0+s25+$0x0], $0xffff  }
0x445: {  	v1 =	vld [tilespmem:s23+$0x60]  }
.Ltmp5:
0x446: {  	v5 =	vld.idx.msk [tilespmem:v8+s25+$0x0], $0xffff;
	[tilespmem:s11+$0xFFFFFFC0] =	vst v2;
	(pc) =	sbr.rel @p0 .LBB2_11-.Ltmp5, $4  }
0x447: {  	v3 =	vld [tilespmem:s16+$0x40]  }
0x448: {  	[tilespmem:s12+$0xFFFFFFA0] =	vst v4;
	v4 =	vld.idx.msk [tilespmem:v9+s25+$0x0], $0xffff;
	v0 =	vmov v6  }
0x449: {  	v6 =	vld [tilespmem:s30+$0x20]  }
0x44a: {  	s30 =	sadd.s32 $0x100, s30;
	v2 =	vld.idx.msk [tilespmem:v10+s25+$0x0], $0xffff;
	[tilespmem:s9+$0xFFFFFF80] =	vst v7;
	s9 =	smov.u32 s10;
	s10 =	smov.u32 s31  }
0x44b: {  	[tilespmem:s12+$0xFFFFFF20] =	vst v5  }
0x44c: {  	v5 =	vld [tilespmem:s15+$0xFFFFFFA0];
	_ =	sdelay $0x6  }
0x44d: {  	v6 =	vld.idx.msk [tilespmem:v6+s25+$0x0], $0xffff  }
0x44e: {  	v5 =	vld.idx.msk [tilespmem:v5+s25+$0x0], $0xffff;
	_ =	sdelay $0x3  }
0x44f: {  	[tilespmem:s12+$0xFFFFFFB0] =	vst v6  }
0x450: {  	v6 =	vld [tilespmem:s15+$0x30];
	[tilespmem:s12+$0xFFFFFF30] =	vst v5  }
0x451: {  	v5 =	vld [tilespmem:s15+$0xFFFFFFB0];
	_ =	sdelay $0x6  }
0x452: {  	v6 =	vld.idx.msk [tilespmem:v6+s25+$0x0], $0xffff  }
0x453: {  	v5 =	vld.idx.msk [tilespmem:v5+s25+$0x0], $0xffff;
	_ =	sdelay $0x2  }
0x454: {  	[tilespmem:s11+$0xFFFFFF40] =	vst v4  }
0x455: {  	[tilespmem:s12+$0xFFFFFFC0] =	vst v6;
	v6 =	vld [tilespmem:s16+$0xFFFFFFC0]  }
0x456: {  	v4 =	vld [tilespmem:s15+$0x40];
	[tilespmem:s12+$0xFFFFFF40] =	vst v5  }
0x457: {  	v5 =	vld [tilespmem:s15+$0xFFFFFFC0];
	_ =	sdelay $0x4  }
0x458: {  	v3 =	vld.idx.msk [tilespmem:v3+s25+$0x0], $0xffff  }
0x459: {  	v6 =	vld.idx.msk [tilespmem:v6+s25+$0x0], $0xffff  }
0x45a: {  	v4 =	vld.idx.msk [tilespmem:v4+s25+$0x0], $0xffff  }
0x45b: {  	v5 =	vld.idx.msk [tilespmem:v5+s25+$0x0], $0xffff;
	_ =	sdelay $0x1  }
0x45c: {  	[tilespmem:s11+$0xFFFFFFD0] =	vst v3  }
0x45d: {  	v3 =	vld [tilespmem:s16+$0x50];
	[tilespmem:s11+$0xFFFFFF50] =	vst v6  }
0x45e: {  	[tilespmem:s12+$0xFFFFFFD0] =	vst v4;
	v6 =	vld [tilespmem:s16+$0xFFFFFFD0]  }
0x45f: {  	v4 =	vld [tilespmem:s15+$0x50];
	[tilespmem:s12+$0xFFFFFF50] =	vst v5  }
0x460: {  	v5 =	vld [tilespmem:s15+$0xFFFFFFD0];
	_ =	sdelay $0x4  }
0x461: {  	v3 =	vld.idx.msk [tilespmem:v3+s25+$0x0], $0xffff  }
0x462: {  	v6 =	vld.idx.msk [tilespmem:v6+s25+$0x0], $0xffff  }
0x463: {  	v4 =	vld.idx.msk [tilespmem:v4+s25+$0x0], $0xffff  }
0x464: {  	v5 =	vld.idx.msk [tilespmem:v5+s25+$0x0], $0xffff  }
0x465: {  	[tilespmem:s10+$0xFFFFFF60] =	vst v2  }
0x466: {  	[tilespmem:s11+$0xFFFFFFE0] =	vst v3;
	v3 =	vld [tilespmem:s23+$0xFFFFFFE0]  }
0x467: {  	v61 =	vld [tilespmem:s16+$0x60];
	[tilespmem:s11+$0xFFFFFF60] =	vst v6  }
0x468: {  	[tilespmem:s12+$0xFFFFFFE0] =	vst v4;
	v6 =	vld [tilespmem:s16+$0xFFFFFFE0]  }
0x469: {  	v4 =	vld [tilespmem:s15+$0x60];
	[tilespmem:s12+$0xFFFFFF60] =	vst v5  }
0x46a: {  	v5 =	vld [tilespmem:s15+$0xFFFFFFE0];
	_ =	sdelay $0x2  }
0x46b: {  	v1 =	vld.idx.msk [tilespmem:v1+s25+$0x0], $0xffff  }
0x46c: {  	v3 =	vld.idx.msk [tilespmem:v3+s25+$0x0], $0xffff  }
0x46d: {  	v2 =	vld.idx.msk [tilespmem:v61+s25+$0x0], $0xffff  }
0x46e: {  	v6 =	vld.idx.msk [tilespmem:v6+s25+$0x0], $0xffff  }
0x46f: {  	v4 =	vld.idx.msk [tilespmem:v4+s25+$0x0], $0xffff  }
0x470: {  	[tilespmem:s10+$0xFFFFFFF0] =	vst v1;
	v5 =	vld.idx.msk [tilespmem:v5+s25+$0x0], $0xffff  }
0x471: {  	v1 =	vld [tilespmem:s23+$0x70];
	[tilespmem:s10+$0xFFFFFF70] =	vst v3  }
0x472: {  	[tilespmem:s11+$0xFFFFFFF0] =	vst v2;
	v3 =	vld [tilespmem:s23+$0xFFFFFFF0]  }
0x473: {  	v2 =	vld [tilespmem:s16+$0x70];
	[tilespmem:s11+$0xFFFFFF70] =	vst v6  }
0x474: {  	[tilespmem:s12+$0xFFFFFFF0] =	vst v4;
	v6 =	vld [tilespmem:s16+$0xFFFFFFF0]  }
0x475: {  	v4 =	vld [tilespmem:s15+$0x70];
	[tilespmem:s12+$0xFFFFFF70] =	vst v5  }
0x476: {  	v5 =	vld [tilespmem:s15+$0xFFFFFFF0];
	_ =	sdelay $0x1  }
0x477: {  	v0 =	vld.idx.msk [tilespmem:v0+s25+$0x0], $0xffff  }
0x478: {  	v1 =	vld.idx.msk [tilespmem:v1+s25+$0x0], $0xffff  }
0x479: {  	v3 =	vld.idx.msk [tilespmem:v3+s25+$0x0], $0xffff  }
0x47a: {  	v2 =	vld.idx.msk [tilespmem:v2+s25+$0x0], $0xffff  }
0x47b: {  	v62 =	vld.idx.msk [tilespmem:v6+s25+$0x0], $0xffff  }
0x47c: {  	[tilespmem:s9+$0xFFFFFF80] =	vst v0;
	v4 =	vld.idx.msk [tilespmem:v4+s25+$0x0], $0xffff  }
0x47d: {  	[tilespmem:s10+$0x0] =	vst v1;
	v63 =	vld.idx.msk [tilespmem:v5+s25+$0x0], $0xffff  }
0x47e: {  	[tilespmem:s10+$0xFFFFFF80] =	vst v3  }
0x47f: {  	[tilespmem:s11+$0x0] =	vst v2  }
0x480: {  	[tilespmem:s11+$0xFFFFFF80] =	vst v62  }
0x481: {  	[tilespmem:s12+$0x0] =	vst v4  }
0x482: {  	[tilespmem:s12+$0xFFFFFF80] =	vst v63  }
0x483: {  	v0 =	vld [tilespmem:s19+$0x0];
	_ =	sdelay $0x4  }
0x484: {  	v1 =	vld [tilespmem:s19+$0xFFFFFF80];
	_ =	sdelay $0x2  }
0x485: {  	v0 =	vld.idx.msk [tilespmem:v0+s26+$0x0], $0xffff;
	_ =	sdelay $0x3  }
0x486: {  	s9 =	simm.s32 $0x160F0  }
0x487: {  	v1 =	vld.idx.msk [tilespmem:v1+s26+$0x0], $0xffff;
	[tilespmem:s9+$0xFFFFFF90] =	vst v0  }
0x488: {  	v0 =	vld [tilespmem:s19+$0x10];
	_ =	sdelay $0x3  }
0x489: {  	[tilespmem:s9+$0xFFFFFF10] =	vst v1  }
0x48a: {  	v1 =	vld [tilespmem:s19+$0xFFFFFF90];
	_ =	sdelay $0x2  }
0x48b: {  	v0 =	vld.idx.msk [tilespmem:v0+s26+$0x0], $0xffff  }
0x48c: {  	p3 =	por $0x1, $0x1  }
.Ltmp6:
0x48d: {  	_ = 	snop;
	(pc) =	sbr.rel @!p3 .LBB2_13-.Ltmp6, $3  }
0x48e: {  	_ =	sdelay $0x1  }
0x48f: {  	v5 =	vld.idx.msk [tilespmem:v1+s26+$0x0], $0xffff;
	[tilespmem:s9+$0xFFFFFFA0] =	vst v0  }
0x490: {  	p0 =	por $0x0, $0x0;
	p1 =	por $0x0, $0x0;
	p2 =	por $0x0, $0x0;
	v6 =	vld [tilespmem:s19+$0x20]  }
0x491: {  	_ =	sdelay $0x1  }
0x492: {  	v0 =	vld [tilespmem:s17+$0x0];
	_ =	sdelay $0x2  }
0x493: {  	v1 =	vld [tilespmem:s17+$0xFFFFFF80]  }
0x494: {  	[tilespmem:s9+$0xFFFFFF20] =	vst v5  }
0x495: {  	v2 =	vld [tilespmem:s19+$0xFFFFFFA0]  }
0x496: {  	v3 =	vld.idx.msk [tilespmem:v6+s26+$0x0], $0xffff;
	_ =	sdelay $0x1  }
0x497: {  	v0 =	vld.idx.msk [tilespmem:v0+s26+$0x0], $0xffff;
	_ =	sdelay $0x2  }
0x498: {  	v1 =	vld.idx.msk [tilespmem:v1+s26+$0x0], $0xffff;
	[tilespmem:s9+$0xFFFFFFB0] =	vst v3  }
0x499: {  	s10 =	simm.s32 $0x161F0;
	v3 =	vld [tilespmem:s19+$0x30]  }
0x49a: {  	v2 =	vld.idx.msk [tilespmem:v2+s26+$0x0], $0xffff;
	[tilespmem:s10+$0xFFFFFF90] =	vst v0  }
0x49b: {  	v0 =	vld [tilespmem:s17+$0x10];
	_ =	sdelay $0x1  }
0x49c: {  	[tilespmem:s10+$0xFFFFFF10] =	vst v1  }
0x49d: {  	v1 =	vld [tilespmem:s17+$0xFFFFFF90]  }
0x49e: {  	[tilespmem:s9+$0xFFFFFF30] =	vst v2  }
0x49f: {  	v2 =	vld [tilespmem:s19+$0xFFFFFFB0]  }
0x4a0: {  	v3 =	vld.idx.msk [tilespmem:v3+s26+$0x0], $0xffff;
	_ =	sdelay $0x1  }
0x4a1: {  	v0 =	vld.idx.msk [tilespmem:v0+s26+$0x0], $0xffff  }
0x4a2: {  	p3 =	por $0x1, $0x1  }
.Ltmp7:
0x4a3: {  	_ = 	snop;
	(pc) =	sbr.rel @!p3 .LBB2_15-.Ltmp7, $4  }
0x4a4: {  	v5 =	vld.idx.msk [tilespmem:v1+s26+$0x0], $0xffff;
	[tilespmem:s9+$0xFFFFFFC0] =	vst v3  }
0x4a5: {  	v4 =	vld [tilespmem:s19+$0x40]  }
0x4a6: {  	v7 =	vld.idx.msk [tilespmem:v2+s26+$0x0], $0xffff;
	[tilespmem:s10+$0xFFFFFFA0] =	vst v0  }
0x4a7: {  	p0 =	por $0x1, $0x1;
	v6 =	vld [tilespmem:s17+$0x20];
	s30 =	rddreg [dreg:$0x10]  }
0x4a8: {  	_ =	sdelay $0x2  }
0x4a9: {  	v0 =	vld [tilespmem:s20+$0x0];
	_ =	sdelay $0x1  }
0x4aa: {  	v1 =	vld [tilespmem:s20+$0xFFFFFF80]  }
0x4ab: {  	[tilespmem:s10+$0xFFFFFF20] =	vst v5;
	v2 =	vld.idx.msk [tilespmem:v4+s26+$0x0], $0xffff  }
0x4ac: {  	v3 =	vld [tilespmem:s17+$0xFFFFFFA0]  }
0x4ad: {  	[tilespmem:s9+$0xFFFFFF40] =	vst v7;
	v4 =	vld.idx.msk [tilespmem:v6+s26+$0x0], $0xffff  }
0x4ae: {  	v5 =	vld [tilespmem:s19+$0xFFFFFFC0];
	_ =	sdelay $0x1  }
0x4af: {  	[tilespmem:s9+$0xFFFFFFD0] =	vst v2;
	v0 =	vld.idx.msk [tilespmem:v0+s26+$0x0], $0xffff  }
0x4b0: {  	v2 =	vld [tilespmem:s19+$0x50]  }
0x4b1: {  	v1 =	vld.idx.msk [tilespmem:v1+s26+$0x0], $0xffff;
	[tilespmem:s10+$0xFFFFFFB0] =	vst v4  }
0x4b2: {  	v4 =	vld [tilespmem:s17+$0x30]  }
0x4b3: {  	v3 =	vld.idx.msk [tilespmem:v3+s26+$0x0], $0xffff  }
0x4b4: {  	s11 =	simm.s32 $0x162F0  }
0x4b5: {  	v5 =	vld.idx.msk [tilespmem:v5+s26+$0x0], $0xffff;
	[tilespmem:s11+$0xFFFFFF90] =	vst v0  }
0x4b6: {  	[tilespmem:s11+$0xFFFFFF10] =	vst v1;
	v0 =	vld [tilespmem:s20+$0x10]  }
0x4b7: {  	v1 =	vld [tilespmem:s20+$0xFFFFFF90]  }
0x4b8: {  	[tilespmem:s10+$0xFFFFFF30] =	vst v3;
	v2 =	vld.idx.msk [tilespmem:v2+s26+$0x0], $0xffff  }
0x4b9: {  	v3 =	vld [tilespmem:s17+$0xFFFFFFB0]  }
0x4ba: {  	[tilespmem:s9+$0xFFFFFF50] =	vst v5;
	v4 =	vld.idx.msk [tilespmem:v4+s26+$0x0], $0xffff  }
0x4bb: {  	v8 =	vld [tilespmem:s19+$0xFFFFFFD0];
	_ =	sdelay $0x2  }
0x4bc: {  	[tilespmem:s9+$0xFFFFFFE0] =	vst v2;
	v6 =	vld.idx.msk [tilespmem:v0+s26+$0x0], $0xffff  }
0x4bd: {  	p3 =	por $0x1, $0x1;
	v0 =	vld [tilespmem:s19+$0x60]  }
.Ltmp8:
0x4be: {  	v5 =	vld.idx.msk [tilespmem:v1+s26+$0x0], $0xffff;
	[tilespmem:s10+$0xFFFFFFC0] =	vst v4;
	(pc) =	sbr.rel @!p3 .LBB2_17-.Ltmp8, $4  }
0x4bf: {  	v4 =	vld [tilespmem:s17+$0x40]  }
0x4c0: {  	v7 =	vld.idx.msk [tilespmem:v3+s26+$0x0], $0xffff  }
0x4c1: {  	v1 =	vld.idx.msk [tilespmem:v8+s26+$0x0], $0xffff;
	[tilespmem:s11+$0xFFFFFFA0] =	vst v6  }
0x4c2: {  	p1 =	por $0x1, $0x1;
	v6 =	vld [tilespmem:s20+$0x20]  }
0x4c3: {  	_ =	sdelay $0x1  }
0x4c4: {  	v2 =	vld [tilespmem:s18+$0x0]  }
0x4c5: {  	v3 =	vld [tilespmem:s18+$0xFFFFFF80]  }
0x4c6: {  	[tilespmem:s11+$0xFFFFFF20] =	vst v5;
	v5 =	vld.idx.msk [tilespmem:v0+s26+$0x0], $0xffff  }
0x4c7: {  	v8 =	vld [tilespmem:s20+$0xFFFFFFA0]  }
0x4c8: {  	v4 =	vld.idx.msk [tilespmem:v4+s26+$0x0], $0xffff;
	[tilespmem:s10+$0xFFFFFF40] =	vst v7  }
0x4c9: {  	v7 =	vld [tilespmem:s17+$0xFFFFFFC0]  }
0x4ca: {  	[tilespmem:s9+$0xFFFFFF60] =	vst v1;
	v6 =	vld.idx.msk [tilespmem:v6+s26+$0x0], $0xffff  }
0x4cb: {  	v9 =	vld [tilespmem:s19+$0xFFFFFFE0];
	[tilespmem:s9+$0xFFFFFFF0] =	vst v5  }
0x4cc: {  	v5 =	vld [tilespmem:s19+$0x70]  }
0x4cd: {  	[tilespmem:s10+$0xFFFFFFD0] =	vst v4;
	v2 =	vld.idx.msk [tilespmem:v2+s26+$0x0], $0xffff  }
0x4ce: {  	v4 =	vld [tilespmem:s17+$0x50]  }
0x4cf: {  	v3 =	vld.idx.msk [tilespmem:v3+s26+$0x0], $0xffff  }
0x4d0: {  	v8 =	vld.idx.msk [tilespmem:v8+s26+$0x0], $0xffff;
	[tilespmem:s11+$0xFFFFFFB0] =	vst v6  }
0x4d1: {  	s15 =	simm.s32 $0x163F0;
	v6 =	vld [tilespmem:s20+$0x30]  }
0x4d2: {  	[tilespmem:s15+$0xFFFFFF90] =	vst v2;
	v2 =	vld.idx.msk [tilespmem:v7+s26+$0x0], $0xffff  }
0x4d3: {  	v7 =	vld [tilespmem:s18+$0x10]  }
0x4d4: {  	v9 =	vld.idx.msk [tilespmem:v9+s26+$0x0], $0xffff  }
0x4d5: {  	[tilespmem:s15+$0xFFFFFF10] =	vst v3;
	v10 =	vld.idx.msk [tilespmem:v5+s26+$0x0], $0xffff  }
0x4d6: {  	v5 =	vld [tilespmem:s18+$0xFFFFFF90]  }
0x4d7: {  	[tilespmem:s11+$0xFFFFFF30] =	vst v8;
	v3 =	vld.idx.msk [tilespmem:v4+s26+$0x0], $0xffff  }
0x4d8: {  	v8 =	vld [tilespmem:s20+$0xFFFFFFB0]  }
0x4d9: {  	[tilespmem:s10+$0xFFFFFF50] =	vst v2;
	v4 =	vld.idx.msk [tilespmem:v6+s26+$0x0], $0xffff  }
0x4da: {  	v11 =	vld [tilespmem:s17+$0xFFFFFFD0]  }
0x4db: {  	[tilespmem:s9+$0xFFFFFF70] =	vst v9;
	v6 =	vld.idx.msk [tilespmem:v7+s26+$0x0], $0xffff  }
0x4dc: {  	v2 =	vld [tilespmem:s19+$0xFFFFFFF0];
	[tilespmem:s10+$0xFFFFFFE0] =	vst v3  }
0x4dd: {  	p3 =	por $0x1, $0x1;
	v3 =	vld [tilespmem:s17+$0x60]  }
.Ltmp9:
0x4de: {  	v5 =	vld.idx.msk [tilespmem:v5+s26+$0x0], $0xffff;
	[tilespmem:s11+$0xFFFFFFC0] =	vst v4;
	(pc) =	sbr.rel @!p3 .LBB2_19-.Ltmp9, $4  }
0x4df: {  	v4 =	vld [tilespmem:s20+$0x40]  }
0x4e0: {  	v7 =	vld.idx.msk [tilespmem:v8+s26+$0x0], $0xffff;
	[tilespmem:s15+$0xFFFFFFA0] =	vst v6  }
0x4e1: {  	s16 =	simm.s32 $0x6;
	v6 =	vld [tilespmem:s18+$0x20]  }
0x4e2: {  	s23 =	sadd.s32 $0x100, s18;
	p2 =	por $0x1, $0x1;
	s12 =	simm.s32 $0x160F0;
	[tilespmem:s9+$0x0] =	vst v10;
	v8 =	vld.idx.msk [tilespmem:v11+s26+$0x0], $0xffff  }
.LBB2_20:
0x4e3: {  	v9 =	vld [tilespmem:s23+$0x0];
	s16 =	sadd.s32 $0x2, s16;
	s24 =	smov.u32 s11;
	s11 =	smov.u32 s15  }
0x4e4: {  	v10 =	vld [tilespmem:s23+$0xFFFFFF80];
	p3 =	slt.u32 s16, $0xE;
	[tilespmem:s15+$0xFFFFFF20] =	vst v5  }
0x4e5: {  	v3 =	vld.idx.msk [tilespmem:v3+s26+$0x0], $0xffff  }
0x4e6: {  	v5 =	vld [tilespmem:s18+$0xFFFFFFA0];
	[tilespmem:s24+$0xFFFFFF40] =	vst v7  }
0x4e7: {  	v4 =	vld.idx.msk [tilespmem:v4+s26+$0x0], $0xffff  }
0x4e8: {  	v7 =	vld [tilespmem:s20+$0xFFFFFFC0];
	[tilespmem:s10+$0xFFFFFF60] =	vst v8  }
0x4e9: {  	v6 =	vld.idx.msk [tilespmem:v6+s26+$0x0], $0xffff  }
0x4ea: {  	v8 =	vld [tilespmem:s17+$0xFFFFFFE0]  }
0x4eb: {  	v9 =	vld.idx.msk [tilespmem:v9+s26+$0x0], $0xffff;
	[tilespmem:s10+$0xFFFFFFF0] =	vst v3  }
0x4ec: {  	v3 =	vld [tilespmem:s17+$0x70]  }
0x4ed: {  	v10 =	vld.idx.msk [tilespmem:v10+s26+$0x0], $0xffff;
	[tilespmem:s24+$0xFFFFFFD0] =	vst v4  }
0x4ee: {  	v4 =	vld [tilespmem:s20+$0x50]  }
0x4ef: {  	v5 =	vld.idx.msk [tilespmem:v5+s26+$0x0], $0xffff;
	[tilespmem:s15+$0xFFFFFFB0] =	vst v6  }
0x4f0: {  	s15 =	sadd.s32 $0x100, s15;
	v6 =	vld [tilespmem:s18+$0x30]  }
0x4f1: {  	[tilespmem:s15+$0xFFFFFF90] =	vst v9;
	v7 =	vld.idx.msk [tilespmem:v7+s26+$0x0], $0xffff  }
0x4f2: {  	v9 =	vld [tilespmem:s23+$0x10]  }
0x4f3: {  	[tilespmem:s15+$0xFFFFFF10] =	vst v10;
	v8 =	vld.idx.msk [tilespmem:v8+s26+$0x0], $0xffff  }
0x4f4: {  	v3 =	vld.idx.msk [tilespmem:v3+s26+$0x0], $0xffff  }
0x4f5: {  	v10 =	vld [tilespmem:s23+$0xFFFFFF90];
	[tilespmem:s11+$0xFFFFFF30] =	vst v5  }
0x4f6: {  	v4 =	vld.idx.msk [tilespmem:v4+s26+$0x0], $0xffff  }
0x4f7: {  	v11 =	vld [tilespmem:s18+$0xFFFFFFB0];
	[tilespmem:s24+$0xFFFFFF50] =	vst v7  }
0x4f8: {  	v6 =	vld.idx.msk [tilespmem:v6+s26+$0x0], $0xffff  }
0x4f9: {  	v12 =	vld [tilespmem:s20+$0xFFFFFFD0];
	[tilespmem:s10+$0xFFFFFF70] =	vst v8  }
0x4fa: {  	v7 =	vld.idx.msk [tilespmem:v9+s26+$0x0], $0xffff;
	[tilespmem:s10+$0x0] =	vst v3  }
0x4fb: {  	v8 =	vld [tilespmem:s17+$0xFFFFFFF0];
	s17 =	smov.u32 s20;
	s20 =	smov.u32 s18;
	s18 =	smov.u32 s23  }
0x4fc: {  	[tilespmem:s24+$0xFFFFFFE0] =	vst v4;
	v9 =	vld.idx.msk [tilespmem:v2+s26+$0x0], $0xffff  }
0x4fd: {  	v3 =	vld [tilespmem:s17+$0x60]  }
.Ltmp10:
0x4fe: {  	v5 =	vld.idx.msk [tilespmem:v10+s26+$0x0], $0xffff;
	[tilespmem:s11+$0xFFFFFFC0] =	vst v6;
	(pc) =	sbr.rel @p3 .LBB2_20-.Ltmp10, $4  }
0x4ff: {  	v4 =	vld [tilespmem:s20+$0x40]  }
0x500: {  	[tilespmem:s15+$0xFFFFFFA0] =	vst v7;
	v7 =	vld.idx.msk [tilespmem:v11+s26+$0x0], $0xffff;
	v2 =	vmov v8  }
0x501: {  	v6 =	vld [tilespmem:s23+$0x20]  }
0x502: {  	s23 =	sadd.s32 $0x100, s23;
	v8 =	vld.idx.msk [tilespmem:v12+s26+$0x0], $0xffff;
	[tilespmem:s12+$0xFFFFFF80] =	vst v9;
	s12 =	smov.u32 s10;
	s10 =	smov.u32 s24  }
0x503: {  	s16 =	smov.u32 s11;
	s11 =	smov.u32 s15  }
.LBB2_22:
0x504: {  	_ = 	snop  }
0x505: {  	[tilespmem:s11+$0xFFFFFF20] =	vst v5  }
0x506: {  	v5 =	vld [tilespmem:s18+$0xFFFFFFA0];
	_ =	sdelay $0x3  }
0x507: {  	v6 =	vld.idx.msk [tilespmem:v6+s26+$0x0], $0xffff;
	_ =	sdelay $0x3  }
0x508: {  	v5 =	vld.idx.msk [tilespmem:v5+s26+$0x0], $0xffff  }
0x509: {  	[tilespmem:s11+$0xFFFFFFB0] =	vst v6  }
0x50a: {  	v6 =	vld [tilespmem:s18+$0x30];
	_ =	sdelay $0x2  }
0x50b: {  	[tilespmem:s11+$0xFFFFFF30] =	vst v5  }
0x50c: {  	v5 =	vld [tilespmem:s18+$0xFFFFFFB0];
	_ =	sdelay $0x2  }
0x50d: {  	s15 =	smov.u32 @p0 s16  }
0x50e: {  	[tilespmem:s15+$0xFFFFFF40] =	vst @p0 v7;
	v6 =	vld.idx.msk [tilespmem:v6+s26+$0x0], $0xffff  }
0x50f: {  	v7 =	vld @p0 [tilespmem:s20+$0xFFFFFFC0];
	_ =	sdelay $0x2  }
0x510: {  	v5 =	vld.idx.msk [tilespmem:v5+s26+$0x0], $0xffff  }
0x511: {  	[tilespmem:s11+$0xFFFFFFC0] =	vst v6  }
0x512: {  	v6 =	vld [tilespmem:s18+$0x40];
	_ =	sdelay $0x2  }
0x513: {  	v7 =	vld.idx.msk @p0 [tilespmem:v7+s26+$0x0], $0xffff;
	[tilespmem:s11+$0xFFFFFF40] =	vst v5  }
0x514: {  	v5 =	vld [tilespmem:s18+$0xFFFFFFC0]  }
0x515: {  	v4 =	vld.idx.msk @p0 [tilespmem:v4+s26+$0x0], $0xffff;
	_ =	sdelay $0x2  }
0x516: {  	v60 =	vld.idx.msk [tilespmem:v6+s26+$0x0], $0xffff  }
0x517: {  	[tilespmem:s15+$0xFFFFFF50] =	vst @p0 v7  }
0x518: {  	[tilespmem:s15+$0xFFFFFFD0] =	vst @p0 v4;
	v7 =	vld @p0 [tilespmem:s20+$0xFFFFFFD0]  }
0x519: {  	v6 =	vld @p0 [tilespmem:s20+$0x50]  }
0x51a: {  	v5 =	vld.idx.msk [tilespmem:v5+s26+$0x0], $0xffff  }
0x51b: {  	[tilespmem:s11+$0xFFFFFFD0] =	vst v60  }
0x51c: {  	v4 =	vld [tilespmem:s18+$0x50];
	_ =	sdelay $0x2  }
0x51d: {  	[tilespmem:s11+$0xFFFFFF50] =	vst v5  }
0x51e: {  	v5 =	vld [tilespmem:s18+$0xFFFFFFD0]  }
0x51f: {  	v6 =	vld.idx.msk @p0 [tilespmem:v6+s26+$0x0], $0xffff  }
0x520: {  	v7 =	vld.idx.msk @p0 [tilespmem:v7+s26+$0x0], $0xffff;
	_ =	sdelay $0x1  }
0x521: {  	v4 =	vld.idx.msk [tilespmem:v4+s26+$0x0], $0xffff  }
0x522: {  	[tilespmem:s10+$0xFFFFFF60] =	vst @p1 v8  }
0x523: {  	s16 =	smov.u32 @p0 s20;
	v8 =	vld @p1 [tilespmem:s17+$0xFFFFFFE0];
	[tilespmem:s15+$0xFFFFFFE0] =	vst @p0 v6  }
0x524: {  	s9 =	smov.u32 @p0 s15;
	v1 =	vpsel p0, v7, v1;
	s15 =	smov.u32 s19;
	v6 =	vld @p0 [tilespmem:s16+$0x60]  }
0x525: {  	[tilespmem:s9+$0xFFFFFF60] =	vst @p0 v1;
	s15 =	smov.u32 @p0 s16;
	v5 =	vld.idx.msk [tilespmem:v5+s26+$0x0], $0xffff  }
0x526: {  	v1 =	vld @p0 [tilespmem:s15+$0xFFFFFFE0];
	[tilespmem:s11+$0xFFFFFFE0] =	vst v4  }
0x527: {  	v4 =	vld [tilespmem:s18+$0x60];
	_ =	sdelay $0x2  }
0x528: {  	v3 =	vld.idx.msk @p1 [tilespmem:v3+s26+$0x0], $0xffff;
	[tilespmem:s11+$0xFFFFFF60] =	vst v5  }
0x529: {  	v0 =	vpsel p0, v6, v0;
	v5 =	vld [tilespmem:s18+$0xFFFFFFE0]  }
0x52a: {  	v6 =	vld.idx.msk @p1 [tilespmem:v8+s26+$0x0], $0xffff;
	_ =	sdelay $0x1  }
0x52b: {  	v1 =	vld.idx.msk @p0 [tilespmem:v1+s26+$0x0], $0xffff  }
0x52c: {  	v4 =	vld.idx.msk [tilespmem:v4+s26+$0x0], $0xffff  }
0x52d: {  	[tilespmem:s10+$0xFFFFFFF0] =	vst @p1 v3;
	v0 =	vld.idx.msk @p0 [tilespmem:v0+s26+$0x0], $0xffff  }
0x52e: {  	v3 =	vld @p1 [tilespmem:s17+$0x70];
	[tilespmem:s10+$0xFFFFFF70] =	vst @p1 v6  }
0x52f: {  	v6 =	vld @p1 [tilespmem:s17+$0xFFFFFFF0]  }
0x530: {  	[tilespmem:s9+$0xFFFFFF70] =	vst @p0 v1;
	v61 =	vld.idx.msk [tilespmem:v5+s26+$0x0], $0xffff  }
0x531: {  	v1 =	vld @p0 [tilespmem:s15+$0xFFFFFFF0];
	[tilespmem:s11+$0xFFFFFFF0] =	vst v4  }
0x532: {  	[tilespmem:s9+$0xFFFFFFF0] =	vst @p0 v0;
	v4 =	vld [tilespmem:s18+$0x70]  }
0x533: {  	v5 =	vld @p0 [tilespmem:s15+$0x70];
	_ =	sdelay $0x1  }
0x534: {  	[tilespmem:s11+$0xFFFFFF70] =	vst v61  }
0x535: {  	v62 =	vld [tilespmem:s18+$0xFFFFFFF0]  }
0x536: {  	v0 =	vpsel p1, v6, v61  }
0x537: {  	v2 =	vld.idx.msk @p2 [tilespmem:v2+s26+$0x0], $0xffff;
	v1 =	vpsel p0, v1, v0  }
0x538: {  	v3 =	vld.idx.msk @p1 [tilespmem:v3+s26+$0x0], $0xffff  }
0x539: {  	v4 =	vld.idx.msk [tilespmem:v4+s26+$0x0], $0xffff  }
0x53a: {  	v5 =	vld.idx.msk @p0 [tilespmem:v5+s26+$0x0], $0xffff  }
0x53b: {  	v0 =	vld.idx.msk @p1 [tilespmem:v0+s26+$0x0], $0xffff  }
0x53c: {  	[tilespmem:s12+$0xFFFFFF80] =	vst @p2 v2;
	v1 =	vld.idx.msk @p0 [tilespmem:v1+s26+$0x0], $0xffff  }
0x53d: {  	[tilespmem:s10+$0x0] =	vst @p1 v3;
	v63 =	vld.idx.msk [tilespmem:v62+s26+$0x0], $0xffff  }
0x53e: {  	[tilespmem:s11+$0x0] =	vst v4  }
0x53f: {  	s10 =	smov.u32 @p1 s10;
	[tilespmem:s9+$0x0] =	vst @p0 v5  }
0x540: {  	s9 =	smov.u32 @p0 s9;
	[tilespmem:s10+$0xFFFFFF80] =	vst @p1 v0  }
0x541: {  	[tilespmem:s9+$0xFFFFFF80] =	vst @p0 v1  }
0x542: {  	[tilespmem:s11+$0xFFFFFF80] =	vst v63  }
0x543: {  	s16 =	simm.s32 $0x15000;
	s9 =	rddreg [dreg:$0xc]  }
0x544: {  	[hbm4b:s9+s21] =	stream.strided.scatter [tilespmem:s16], [sflag:$0x9], $0x800, s22, s21, $0x38;
	[tilespmem:$0x16800] =	vst v63  }
0x545: {  	s18 =	simm.s32 $0x15800;
	s17 =	rddreg [dreg:$0xd]  }
0x546: {  	[hbm4b:s17+s21] =	stream.strided.scatter [tilespmem:s18], [sflag:$0x9], $0x800, s22, s21, $0x38;
	[tilespmem:$0x16800] =	vst v63  }
0x547: {  	s23 =	simm.s32 $0x16000;
	s24 =	simm.s32 $0x9;
	s20 =	rddreg [dreg:$0xe]  }
0x548: {  	[hbm4b:s20+s21] =	stream.strided.scatter [tilespmem:s23], [sflag:$0x9], $0x800, s22, s21, $0x38;
	[tilespmem:$0x16800] =	vst v63  }
0x549: {  	_ =	swait.ge [sflag:s24], $0x800  }
0x54a: {  	[sflag:s24] =	ssyncset.done $0x0  }
0x54b: {  	[sflag:s24] =	ssyncadd.s32 $0xFFFFF800  }
0x54c: {  	_ =	swait.ge [sflag:s24], $0x800  }
0x54d: {  	[sflag:s24] =	ssyncset.done $0x0  }
0x54e: {  	[sflag:s24] =	ssyncadd.s32 $0xFFFFF800  }
0x54f: {  	_ =	swait.ge [sflag:s24], $0x800  }
0x550: {  	s30 =	sadd.s32 $0x1, s30;
	s31 =	rddreg [dreg:$0xf]  }
0x551: {  	p0 =	sne.s32 s30, s31  }
.Ltmp11:
0x552: {  	_ = 	snop;
	(pc) =	sbr.rel @p0 .LBB2_1-.Ltmp11, $4  }
.Ltmp12:
0x553: {  	_ = 	snop;
	(pc) =	sbr.rel @!p0 .LBB2_23-.Ltmp12, $4  }
0x554: {  	_ = 	snop  }
0x555: {  	[sflag:s24] =	ssyncset.done $0x0  }
0x556: {  	[sflag:s24] =	ssyncadd.s32 $0xFFFFF800  }
0x557: {  	_ = 	snop  }
.LBB2_13:
.Ltmp13:
0x558: {  	(pc) =	sbr.rel .LBB2_22-.Ltmp13, $2  }
0x559: {  	_ =	sdelay $0x2  }
0x55a: {  	s11 =	simm.s32 $0x160F0;
	s18 =	smov.u32 s19;
	s30 =	rddreg [dreg:$0x10]  }
.LBB2_15:
.Ltmp14:
0x55b: {  	(pc) =	sbr.rel .LBB2_22-.Ltmp14, $3  }
0x55c: {  	_ =	sdelay $0x1  }
0x55d: {  	s18 =	smov.u32 s17  }
0x55e: {  	s16 =	simm.s32 $0x160F0;
	s11 =	simm.s32 $0x161F0;
	s20 =	smov.u32 s19  }
.LBB2_17:
.Ltmp15:
0x55f: {  	(pc) =	sbr.rel .LBB2_22-.Ltmp15, $3  }
0x560: {  	_ =	sdelay $0x1  }
0x561: {  	s18 =	smov.u32 s20;
	s20 =	smov.u32 s17  }
0x562: {  	s16 =	simm.s32 $0x161F0;
	v3 =	vmov v0;
	s10 =	simm.s32 $0x160F0;
	s17 =	smov.u32 s19;
	v8 =	vmov v1  }
.LBB2_19:
.Ltmp16:
0x563: {  	(pc) =	sbr.rel .LBB2_22-.Ltmp16, $2  }
0x564: {  	_ =	sdelay $0x2  }
0x565: {  	s16 =	simm.s32 $0x162F0;
	s11 =	simm.s32 $0x163F0;
	s12 =	simm.s32 $0x160F0  }
.LBB2_23:
0x566: {  	_ =	sfence.sel $0x180000  }
0x567: {  	[bflag:$0x0] =	sbarrier.arrive $0xFFFF  }
0x568: {  	_ =	strace $0x90000047  }
0x569: {  	s0 =	stileid.u32;
	[bflag:$0x2] =	sbarrier.arrive $0xFFFF  }
0x56a: {  	p0 =	sne.s32 s0, $0x0;
	s0 =	rddreg [dreg:$0x5]  }
0x56b: {  	s0 =	sadd.s32 @!p0 $0x100000, s0  }
0x56c: {  	[sflag:s0] =	ssyncadd.tile.s32 @!p0 $0x1;
	_ =	shalt  }
.Lfunc_end2:
_tile_overlayer_lowered:
.L_overlay_start_2:
0x56d: {  	(tag) =	ssettag $0x2  }
0x56e: {  	s0 =	rddreg [dreg:$0x0];
	s2 =	stileid.u32  }
0x56f: {  	s1 =	rddreg [dreg:$0x1];
	p0 =	sne.s32 s2, $0x0  }
0x570: {  	s3 =	rddreg [dreg:$0x2];
	[bflag:$0x3] =	sbarrier.arrive $0xFFFF;
	s2 =	simm.s32 @!p0 $0x1C0A  }
0x571: {  	[timem:s3], [sflag:s2] =	dma.local @!p0 [hbm:s0], s1  }
0x572: {  	s0 =	simm.s32 @!p0 $0xA  }
0x573: {  	_ =	swait.ge @!p0 [sflag:s0], s1  }
0x574: {  	s1 =	ssub.s32 @!p0 $0x0, s1;
	[sflag:s0] =	ssyncset.done @!p0 $0x0  }
0x575: {  	[sflag:s0] =	ssyncadd.s32 @!p0 s1  }
0x576: {  	[bflag:$0x3] =	sbarrier.arrive $0xFFFF  }
0x577: {  	_ =	shalt  }

</sc_bundles>
